<compile_context>
chip_gen: v7x
topology: tpu7x:2x2x1
jax: 0.10.2.dev20260603
libtpu: 0.0.44.dev20260713+nightly
codegen_flags: <defaults>
</compile_context>

<pallas_src>
import functools

import jax
import jax.numpy as jnp
from jax import lax
from jax.experimental import pallas as pl
from jax.experimental.pallas import tpu as pltpu
from jax.experimental.pallas import tpu_sc as plsc

NC = 2
NS = 16
CH = 128
PADR = 112


def _make_sc_agg(n, d, e_pad, with_deg):
  nw = NC * NS
  cpw = e_pad // (nw * CH)
  nsh = n + PADR
  slab = nsh // NS
  oslab = (n // NS) // 8 * 8
  otail = n - oslab * NS
  assert nsh % NS == 0 and slab % 8 == 0 and cpw % 8 == 0 and otail % 8 == 0

  mesh = plsc.VectorSubcoreMesh(core_axis_name="c", subcore_axis_name="s")
  if with_deg:
    assert nsh % 128 == 0
    out_type = [jax.ShapeDtypeStruct((NC, n, d), jnp.float32),
                jax.ShapeDtypeStruct((NC, nsh), jnp.float32)]
  else:
    out_type = jax.ShapeDtypeStruct((NC, n, d), jnp.float32)

  hb = cpw // 2
  assert cpw % 4 == 0

  scratch_types = [
      pltpu.VMEM((hb, CH), jnp.int32),
      pltpu.VMEM((hb, CH), jnp.int32),
      [pltpu.VMEM((CH, d), jnp.float32) for _ in range(2)],
      pltpu.VMEM((CH,), jnp.float32),
      pltpu.VMEM((640,), jnp.float32),
      pltpu.VMEM_SHARED((nsh, d), jnp.float32),
      pltpu.VMEM_SHARED((nsh,), jnp.float32),
      [pltpu.SemaphoreType.DMA for _ in range(2)],
      [pltpu.SemaphoreType.DMA for _ in range(2)],
      [pltpu.SemaphoreType.DMA for _ in range(2)],
  ]

  def body(x_hbm, src_hbm, dst_hbm, *refs):
    if with_deg:
      agg_out, deg_out = refs[0], refs[1]
      refs = refs[2:]
    else:
      agg_out = refs[0]
      refs = refs[1:]
    src_v, dst_v, rows, ones_v, zb_v, agg_sh, deg_sh, gsem, ssem, dsem = refs
    c = lax.axis_index("c")
    s = lax.axis_index("s")
    w = c * NS + s

    zeros16 = jnp.zeros((16,), jnp.float32)
    for k in range(d // 16):
      @pl.loop(0, CH, unroll=8)
      def _(r):
        rows[0][r, pl.ds(k * 16, 16)] = zeros16
    for k in range(CH // 16):
      ones_v[pl.ds(k * 16, 16)] = jnp.full((16,), 1.0, jnp.float32)
    for k in range(640 // 16):
      zb_v[pl.ds(k * 16, 16)] = zeros16

    nfull = slab // CH
    @pl.loop(0, nfull)
    def _(k):
      pltpu.sync_copy(rows[0], agg_sh.at[pl.ds(s * slab + k * CH, CH)])
    rem = slab - nfull * CH
    if rem:
      pltpu.sync_copy(rows[0].at[pl.ds(0, rem)],
                      agg_sh.at[pl.ds(s * slab + nfull * CH, rem)])
    pltpu.sync_copy(zb_v.at[pl.ds(0, slab)], deg_sh.at[pl.ds(s * slab, slab)])

    plsc.subcore_barrier()

    def wait_gather(i, p):
      pltpu.make_async_copy(x_hbm.at[src_v.at[i]], rows[p], gsem[p]).wait()

    def fire_gather(i, p):
      pltpu.async_copy(x_hbm.at[src_v.at[i]], rows[p], gsem[p])

    def fire_scatter(i, p):
      pltpu.async_copy(rows[p], agg_sh.at[dst_v.at[i]], ssem[p], add=True)
      if with_deg:
        pltpu.async_copy(ones_v, deg_sh.at[dst_v.at[i]], dsem[p], add=True)

    def wait_scatter(i, p):
      pltpu.make_async_copy(rows[p], agg_sh.at[dst_v.at[i]], ssem[p]).wait()
      if with_deg:
        pltpu.make_async_copy(ones_v, deg_sh.at[dst_v.at[i]],
                              dsem[p]).wait()

    for h in range(2):
      pltpu.sync_copy(src_hbm.at[pl.ds(w * cpw + h * hb, hb)], src_v)
      pltpu.sync_copy(dst_hbm.at[pl.ds(w * cpw + h * hb, hb)], dst_v)
      fire_gather(0, 0)
      wait_gather(0, 0)
      fire_scatter(0, 0)
      fire_gather(1, 1)

      @pl.loop(1, hb // 2)
      def _(t):
        j0 = 2 * t
        wait_gather(j0 - 1, 1)
        fire_scatter(j0 - 1, 1)
        wait_scatter(j0 - 2, 0)
        fire_gather(j0, 0)
        wait_gather(j0, 0)
        fire_scatter(j0, 0)
        wait_scatter(j0 - 1, 1)
        fire_gather(j0 + 1, 1)

      wait_gather(hb - 1, 1)
      fire_scatter(hb - 1, 1)
      wait_scatter(hb - 2, 0)
      wait_scatter(hb - 1, 1)

    plsc.subcore_barrier()

    pltpu.sync_copy(agg_sh.at[pl.ds(s * oslab, oslab)],
                    agg_out.at[c, pl.ds(s * oslab, oslab)])
    if otail:
      @pl.when(s == NS - 1)
      def _():
        pltpu.sync_copy(agg_sh.at[pl.ds(NS * oslab, otail)],
                        agg_out.at[c, pl.ds(NS * oslab, otail)])
    if with_deg:
      @pl.when(s == 0)
      def _():
        pltpu.sync_copy(deg_sh, deg_out.at[c])

  return pl.kernel(body, out_type=out_type, mesh=mesh,
                   scratch_types=scratch_types)


def _tc_layer1(agg, deg, x, w_l, b_l, w_r, bn):
  n, d = x.shape

  def body(agg_ref, deg_ref, x_ref, wl_ref, b_ref, wr_ref, h_ref):
    a = agg_ref[0] + agg_ref[1]
    dg = jnp.maximum(deg_ref[0] + deg_ref[1], 1.0)
    mean = a / dg
    h = (jnp.dot(mean, wl_ref[...], preferred_element_type=jnp.float32)
         + b_ref[...]
         + jnp.dot(x_ref[...], wr_ref[...],
                   preferred_element_type=jnp.float32))
    h_ref[...] = jnp.maximum(h, 0.0)

  return pl.pallas_call(
      body,
      grid=(n // bn,),
      in_specs=[
          pl.BlockSpec((NC, bn, d), lambda i: (0, i, 0)),
          pl.BlockSpec((NC, bn, 1), lambda i: (0, i, 0)),
          pl.BlockSpec((bn, d), lambda i: (i, 0)),
          pl.BlockSpec((d, d), lambda i: (0, 0)),
          pl.BlockSpec((1, d), lambda i: (0, 0)),
          pl.BlockSpec((d, d), lambda i: (0, 0)),
      ],
      out_specs=pl.BlockSpec((bn, d), lambda i: (i, 0)),
      out_shape=jax.ShapeDtypeStruct((n, d), jnp.float32),
  )(agg, deg, x, w_l, b_l, w_r)


def _tc_layer2(agg, deg, h, w_l, b_l, w_r, fc_w, fc_b, bn):
  n, d = h.shape

  def body(agg_ref, deg_ref, h_ref, wl_ref, b_ref, wr_ref, fw_ref, fb_ref,
           p_ref):
    a = agg_ref[0] + agg_ref[1]
    dg = jnp.maximum(deg_ref[0] + deg_ref[1], 1.0)
    mean = a / dg
    h2 = (jnp.dot(mean, wl_ref[...], preferred_element_type=jnp.float32)
          + b_ref[...]
          + jnp.dot(h_ref[...], wr_ref[...],
                    preferred_element_type=jnp.float32))
    h2 = jnp.maximum(h2, 0.0)
    p_ref[...] = (jnp.dot(h2, fw_ref[...],
                          preferred_element_type=jnp.float32) + fb_ref[0, 0])

  return pl.pallas_call(
      body,
      grid=(n // bn,),
      in_specs=[
          pl.BlockSpec((NC, bn, d), lambda i: (0, i, 0)),
          pl.BlockSpec((NC, bn, 1), lambda i: (0, i, 0)),
          pl.BlockSpec((bn, d), lambda i: (i, 0)),
          pl.BlockSpec((d, d), lambda i: (0, 0)),
          pl.BlockSpec((1, d), lambda i: (0, 0)),
          pl.BlockSpec((d, d), lambda i: (0, 0)),
          pl.BlockSpec((d, 1), lambda i: (0, 0)),
          pl.BlockSpec((1, 1), lambda i: (0, 0)),
      ],
      out_specs=pl.BlockSpec((bn, 1), lambda i: (i, 0)),
      out_shape=jax.ShapeDtypeStruct((n, 1), jnp.float32),
  )(agg, deg, h, w_l, b_l, w_r, fc_w, fc_b)


def kernel(x, edge_index, W_l1, b_l1, W_r1, W_l2, b_l2, W_r2, fc_w, fc_b):
  n, d = x.shape
  e = edge_index.shape[1]
  nw = NC * NS
  cpw = pl.cdiv(pl.cdiv(e, nw * CH), 8) * 8
  e_pad = nw * cpw * CH
  npad = e_pad - e


  pad_ids = jnp.arange(npad, dtype=jnp.int32)
  src = jnp.concatenate([edge_index[0], pad_ids % n])
  dst = jnp.concatenate([edge_index[1], n + pad_ids % PADR])
  src2 = src.reshape(e_pad // CH, CH)
  dst2 = dst.reshape(e_pad // CH, CH)

  sc_agg_deg = _make_sc_agg(n, d, e_pad, with_deg=True)
  sc_agg = _make_sc_agg(n, d, e_pad, with_deg=False)

  agg1, deg = sc_agg_deg(x, src2, dst2)
  deg3 = deg.reshape(NC, -1, 1)
  h = _tc_layer1(agg1, deg3, x, W_l1, b_l1.reshape(1, d), W_r1, bn=2000)
  agg2 = sc_agg(h, src2, dst2)
  pred = _tc_layer2(agg2, deg3, h, W_l2, b_l2.reshape(1, d), W_r2,
                    fc_w, fc_b.reshape(1, 1), bn=2000)
  return pred.reshape(n)

# --- scband reference (transcript-rebuilt; emitter-appended) ---
"""Pipeline reference for scband-gnnmodel-v2-79912161509826 (READ-ONLY COPY).

The authoritative reference and input builder live on the scoring server;
editing this copy changes nothing except your own understanding.
"""

import jax, jax.numpy as jnp
import numpy as np

N = 10000
E = 320000
D = 128
H = 128


def setup_inputs(seed: int = 0) -> dict:
    key = jax.random.key(seed)
    ks = jax.random.split(key, 12)
    inp = {}
    inp['x'] = jax.random.normal(ks[0], (N, D), dtype=jnp.float32)
    inp['edge_index'] = jax.random.randint(ks[1], (2, E), 0, N, dtype=jnp.int32)
    s1 = 1.0 / np.sqrt(D)
    s2 = 1.0 / np.sqrt(H)
    inp['W_l1'] = jax.random.uniform(ks[2], (D, H), jnp.float32, -s1, s1)
    inp['b_l1'] = jax.random.uniform(ks[3], (H,), jnp.float32, -s1, s1)
    inp['W_r1'] = jax.random.uniform(ks[4], (D, H), jnp.float32, -s1, s1)
    inp['W_l2'] = jax.random.uniform(ks[5], (H, H), jnp.float32, -s2, s2)
    inp['b_l2'] = jax.random.uniform(ks[6], (H,), jnp.float32, -s2, s2)
    inp['W_r2'] = jax.random.uniform(ks[7], (H, H), jnp.float32, -s2, s2)
    inp['fc_w'] = jax.random.uniform(ks[8], (H, 1), jnp.float32, -s2, s2)
    inp['fc_b'] = jax.random.uniform(ks[9], (1,), jnp.float32, -s2, s2)
    return inp


def sage_layer(x, src, dst, W_l, b_l, W_r):
    # PyG SAGEConv with mean aggregation, flow=source_to_target:
    # out = lin_l(mean_{j in N(i)} x_j) + lin_r(x_i)
    msg = x[src]
    agg = jax.ops.segment_sum(msg, dst, num_segments=N)
    deg = jax.ops.segment_sum(jnp.ones((src.shape[0],), x.dtype), dst, num_segments=N)
    mean = agg / jnp.clip(deg, 1.0, None)[:, None]
    return mean @ W_l + b_l + x @ W_r


def reference(x, edge_index, W_l1, b_l1, W_r1, W_l2, b_l2, W_r2, fc_w, fc_b):
    x = jnp.nan_to_num(x, nan=0.0)
    src = edge_index[0]
    dst = edge_index[1]
    h = jax.nn.relu(sage_layer(x, src, dst, W_l1, b_l1, W_r1))
    h = jax.nn.relu(sage_layer(h, src, dst, W_l2, b_l2, W_r2))
    pred = (h @ fc_w + fc_b).squeeze(-1)
    return pred

if __name__ == "__main__":
    import jax
    _d = setup_inputs()
    print(jax.jit(kernel)(*tuple(_d.values())))

</pallas_src>

<mosaic_0001>
#map = affine_map<(d0, d1) -> (0, 0)>
#map1 = affine_map<(d0, d1) -> (0, 0, 0)>
module attributes {stable_mosaic.version = 14 : i64} {
  func.func @body(%arg0: i32, %arg1: i32, %arg2: memref<10000x128xf32, #tpu.memory_space<hbm>>, %arg3: memref<2560x128xi32, #tpu.memory_space<hbm>>, %arg4: memref<2560x128xi32, #tpu.memory_space<hbm>>, %arg5: memref<2x10000x128xf32, #tpu.memory_space<hbm>>, %arg6: memref<2x10112xf32, #tpu.memory_space<hbm>>, %arg7: memref<40x128xi32, #tpu.memory_space<vmem>>, %arg8: memref<40x128xi32, #tpu.memory_space<vmem>>, %arg9: memref<128x128xf32, #tpu.memory_space<vmem>>, %arg10: memref<128x128xf32, #tpu.memory_space<vmem>>, %arg11: memref<128xf32, #tpu.memory_space<vmem>>, %arg12: memref<640xf32, #tpu.memory_space<vmem>>, %arg13: memref<10112x128xf32, #tpu.memory_space<vmem_shared>>, %arg14: memref<10112xf32, #tpu.memory_space<vmem_shared>>, %arg15: memref<!tpu.dma_semaphore, #tpu.memory_space<semaphore_mem>>, %arg16: memref<!tpu.dma_semaphore, #tpu.memory_space<semaphore_mem>>, %arg17: memref<!tpu.dma_semaphore, #tpu.memory_space<semaphore_mem>>, %arg18: memref<!tpu.dma_semaphore, #tpu.memory_space<semaphore_mem>>, %arg19: memref<!tpu.dma_semaphore, #tpu.memory_space<semaphore_mem>>, %arg20: memref<!tpu.dma_semaphore, #tpu.memory_space<semaphore_mem>>) attributes {dimension_semantics = [#tpu.dimension_semantics<core_parallel>, #tpu.dimension_semantics<subcore_parallel>], iteration_bounds = array<i64: 2, 16>, scalar_prefetch = 0 : i64, scratch_operands = 14 : i64, tpu.core_type = #tpu.core_type<sc_vector_subcore>, window_params = [{transform_indices = #map}, {transform_indices = #map}, {transform_indices = #map}, {transform_indices = #map1}, {transform_indices = #map}]} {
    %mul3A = arith.constant 16 : i32
    %mul3A_0 = arith.muli %arg0, %mul3A : i32
    %add3A = arith.addi %mul3A_0, %arg1 : i32
    %broadcast_in_dim3A = arith.constant 0.000000e+00 : f32
    %broadcast_in_dim3A_1 = vector.broadcast %broadcast_in_dim3A : f32 to vector<16xf32>
    %scan3A = arith.constant 0 : i32
    %scan3A_2 = arith.constant 128 : i32
    %scan3A_3 = arith.addi %scan3A, %scan3A_2 : i32
    %scan3A_4 = arith.constant 8 : i32
    scf.for %scan3A_455 = %scan3A to %scan3A_3 step %scan3A_4  : i32 {
      %mul3A_456 = arith.constant 1 : i32
      %mul3A_457 = arith.muli %scan3A_455, %mul3A_456 : i32
      %add3A_458 = arith.constant 0 : i32
      %add3A_459 = arith.addi %add3A_458, %mul3A_457 : i32
      %swap3A_460 = arith.index_cast %add3A_459 : i32 to index
      %swap3A_461 = arith.constant 0 : index
      %swap3A_462 = tpu.vector_load %arg9[%swap3A_460, %swap3A_461] {strides = array<i32>} : memref<128x128xf32, #tpu.memory_space<vmem>>, vector<1x16xf32>,
      %swap3A_463 = vector.shape_cast %swap3A_462 : vector<1x16xf32> to vector<16xf32>
      %swap3A_464 = vector.shape_cast %broadcast_in_dim3A_1 : vector<16xf32> to vector<1x16xf32>
      tpu.vector_store %arg9[%swap3A_460, %swap3A_461], %swap3A_464 {strides = array<i32>} : memref<128x128xf32, #tpu.memory_space<vmem>>, vector<1x16xf32>,
      %scan3A_465 = arith.constant 1 : i32
      %scan3A_466 = arith.addi %scan3A_455, %scan3A_465 : i32
      %mul3A_467 = arith.constant 1 : i32
      %mul3A_468 = arith.muli %scan3A_466, %mul3A_467 : i32
      %add3A_469 = arith.constant 0 : i32
      %add3A_470 = arith.addi %add3A_469, %mul3A_468 : i32
      %swap3A_471 = arith.index_cast %add3A_470 : i32 to index
      %swap3A_472 = arith.constant 0 : index
      %swap3A_473 = tpu.vector_load %arg9[%swap3A_471, %swap3A_472] {strides = array<i32>} : memref<128x128xf32, #tpu.memory_space<vmem>>, vector<1x16xf32>,
      %swap3A_474 = vector.shape_cast %swap3A_473 : vector<1x16xf32> to vector<16xf32>
      %swap3A_475 = vector.shape_cast %broadcast_in_dim3A_1 : vector<16xf32> to vector<1x16xf32>
      tpu.vector_store %arg9[%swap3A_471, %swap3A_472], %swap3A_475 {strides = array<i32>} : memref<128x128xf32, #tpu.memory_space<vmem>>, vector<1x16xf32>,
      %scan3A_476 = arith.constant 2 : i32
      %scan3A_477 = arith.addi %scan3A_455, %scan3A_476 : i32
      %mul3A_478 = arith.constant 1 : i32
      %mul3A_479 = arith.muli %scan3A_477, %mul3A_478 : i32
      %add3A_480 = arith.constant 0 : i32
      %add3A_481 = arith.addi %add3A_480, %mul3A_479 : i32
      %swap3A_482 = arith.index_cast %add3A_481 : i32 to index
      %swap3A_483 = arith.constant 0 : index
      %swap3A_484 = tpu.vector_load %arg9[%swap3A_482, %swap3A_483] {strides = array<i32>} : memref<128x128xf32, #tpu.memory_space<vmem>>, vector<1x16xf32>,
      %swap3A_485 = vector.shape_cast %swap3A_484 : vector<1x16xf32> to vector<16xf32>
      %swap3A_486 = vector.shape_cast %broadcast_in_dim3A_1 : vector<16xf32> to vector<1x16xf32>
      tpu.vector_store %arg9[%swap3A_482, %swap3A_483], %swap3A_486 {strides = array<i32>} : memref<128x128xf32, #tpu.memory_space<vmem>>, vector<1x16xf32>,
      %scan3A_487 = arith.constant 3 : i32
      %scan3A_488 = arith.addi %scan3A_455, %scan3A_487 : i32
      %mul3A_489 = arith.constant 1 : i32
      %mul3A_490 = arith.muli %scan3A_488, %mul3A_489 : i32
      %add3A_491 = arith.constant 0 : i32
      %add3A_492 = arith.addi %add3A_491, %mul3A_490 : i32
      %swap3A_493 = arith.index_cast %add3A_492 : i32 to index
      %swap3A_494 = arith.constant 0 : index
      %swap3A_495 = tpu.vector_load %arg9[%swap3A_493, %swap3A_494] {strides = array<i32>} : memref<128x128xf32, #tpu.memory_space<vmem>>, vector<1x16xf32>,
      %swap3A_496 = vector.shape_cast %swap3A_495 : vector<1x16xf32> to vector<16xf32>
      %swap3A_497 = vector.shape_cast %broadcast_in_dim3A_1 : vector<16xf32> to vector<1x16xf32>
      tpu.vector_store %arg9[%swap3A_493, %swap3A_494], %swap3A_497 {strides = array<i32>} : memref<128x128xf32, #tpu.memory_space<vmem>>, vector<1x16xf32>,
      %scan3A_498 = arith.constant 4 : i32
      %scan3A_499 = arith.addi %scan3A_455, %scan3A_498 : i32
      %mul3A_500 = arith.constant 1 : i32
      %mul3A_501 = arith.muli %scan3A_499, %mul3A_500 : i32
      %add3A_502 = arith.constant 0 : i32
      %add3A_503 = arith.addi %add3A_502, %mul3A_501 : i32
      %swap3A_504 = arith.index_cast %add3A_503 : i32 to index
      %swap3A_505 = arith.constant 0 : index
      %swap3A_506 = tpu.vector_load %arg9[%swap3A_504, %swap3A_505] {strides = array<i32>} : memref<128x128xf32, #tpu.memory_space<vmem>>, vector<1x16xf32>,
      %swap3A_507 = vector.shape_cast %swap3A_506 : vector<1x16xf32> to vector<16xf32>
      %swap3A_508 = vector.shape_cast %broadcast_in_dim3A_1 : vector<16xf32> to vector<1x16xf32>
      tpu.vector_store %arg9[%swap3A_504, %swap3A_505], %swap3A_508 {strides = array<i32>} : memref<128x128xf32, #tpu.memory_space<vmem>>, vector<1x16xf32>,
      %scan3A_509 = arith.constant 5 : i32
      %scan3A_510 = arith.addi %scan3A_455, %scan3A_509 : i32
      %mul3A_511 = arith.constant 1 : i32
      %mul3A_512 = arith.muli %scan3A_510, %mul3A_511 : i32
      %add3A_513 = arith.constant 0 : i32
      %add3A_514 = arith.addi %add3A_513, %mul3A_512 : i32
      %swap3A_515 = arith.index_cast %add3A_514 : i32 to index
      %swap3A_516 = arith.constant 0 : index
      %swap3A_517 = tpu.vector_load %arg9[%swap3A_515, %swap3A_516] {strides = array<i32>} : memref<128x128xf32, #tpu.memory_space<vmem>>, vector<1x16xf32>,
      %swap3A_518 = vector.shape_cast %swap3A_517 : vector<1x16xf32> to vector<16xf32>
      %swap3A_519 = vector.shape_cast %broadcast_in_dim3A_1 : vector<16xf32> to vector<1x16xf32>
      tpu.vector_store %arg9[%swap3A_515, %swap3A_516], %swap3A_519 {strides = array<i32>} : memref<128x128xf32, #tpu.memory_space<vmem>>, vector<1x16xf32>,
      %scan3A_520 = arith.constant 6 : i32
      %scan3A_521 = arith.addi %scan3A_455, %scan3A_520 : i32
      %mul3A_522 = arith.constant 1 : i32
      %mul3A_523 = arith.muli %scan3A_521, %mul3A_522 : i32
      %add3A_524 = arith.constant 0 : i32
      %add3A_525 = arith.addi %add3A_524, %mul3A_523 : i32
      %swap3A_526 = arith.index_cast %add3A_525 : i32 to index
      %swap3A_527 = arith.constant 0 : index
      %swap3A_528 = tpu.vector_load %arg9[%swap3A_526, %swap3A_527] {strides = array<i32>} : memref<128x128xf32, #tpu.memory_space<vmem>>, vector<1x16xf32>,
      %swap3A_529 = vector.shape_cast %swap3A_528 : vector<1x16xf32> to vector<16xf32>
      %swap3A_530 = vector.shape_cast %broadcast_in_dim3A_1 : vector<16xf32> to vector<1x16xf32>
      tpu.vector_store %arg9[%swap3A_526, %swap3A_527], %swap3A_530 {strides = array<i32>} : memref<128x128xf32, #tpu.memory_space<vmem>>, vector<1x16xf32>,
      %scan3A_531 = arith.constant 7 : i32
      %scan3A_532 = arith.addi %scan3A_455, %scan3A_531 : i32
      %mul3A_533 = arith.constant 1 : i32
      %mul3A_534 = arith.muli %scan3A_532, %mul3A_533 : i32
      %add3A_535 = arith.constant 0 : i32
      %add3A_536 = arith.addi %add3A_535, %mul3A_534 : i32
      %swap3A_537 = arith.index_cast %add3A_536 : i32 to index
      %swap3A_538 = arith.constant 0 : index
      %swap3A_539 = tpu.vector_load %arg9[%swap3A_537, %swap3A_538] {strides = array<i32>} : memref<128x128xf32, #tpu.memory_space<vmem>>, vector<1x16xf32>,
      %swap3A_540 = vector.shape_cast %swap3A_539 : vector<1x16xf32> to vector<16xf32>
      %swap3A_541 = vector.shape_cast %broadcast_in_dim3A_1 : vector<16xf32> to vector<1x16xf32>
      tpu.vector_store %arg9[%swap3A_537, %swap3A_538], %swap3A_541 {strides = array<i32>} : memref<128x128xf32, #tpu.memory_space<vmem>>, vector<1x16xf32>,
    }
    %scan3A_5 = arith.constant 128 : i32
    %scan3A_6 = arith.constant 0 : i32
    %scan3A_7 = arith.constant 128 : i32
    %scan3A_8 = arith.addi %scan3A_6, %scan3A_7 : i32
    %scan3A_9 = arith.constant 8 : i32
    scf.for %scan3A_455 = %scan3A_6 to %scan3A_8 step %scan3A_9  : i32 {
      %mul3A_456 = arith.constant 1 : i32
      %mul3A_457 = arith.muli %scan3A_455, %mul3A_456 : i32
      %add3A_458 = arith.constant 0 : i32
      %add3A_459 = arith.addi %add3A_458, %mul3A_457 : i32
      %swap3A_460 = arith.index_cast %add3A_459 : i32 to index
      %swap3A_461 = arith.constant 16 : index
      %swap3A_462 = tpu.vector_load %arg9[%swap3A_460, %swap3A_461] {strides = array<i32>} : memref<128x128xf32, #tpu.memory_space<vmem>>, vector<1x16xf32>,
      %swap3A_463 = vector.shape_cast %swap3A_462 : vector<1x16xf32> to vector<16xf32>
      %swap3A_464 = vector.shape_cast %broadcast_in_dim3A_1 : vector<16xf32> to vector<1x16xf32>
      tpu.vector_store %arg9[%swap3A_460, %swap3A_461], %swap3A_464 {strides = array<i32>} : memref<128x128xf32, #tpu.memory_space<vmem>>, vector<1x16xf32>,
      %scan3A_465 = arith.constant 1 : i32
      %scan3A_466 = arith.addi %scan3A_455, %scan3A_465 : i32
      %mul3A_467 = arith.constant 1 : i32
      %mul3A_468 = arith.muli %scan3A_466, %mul3A_467 : i32
      %add3A_469 = arith.constant 0 : i32
      %add3A_470 = arith.addi %add3A_469, %mul3A_468 : i32
      %swap3A_471 = arith.index_cast %add3A_470 : i32 to index
      %swap3A_472 = arith.constant 16 : index
      %swap3A_473 = tpu.vector_load %arg9[%swap3A_471, %swap3A_472] {strides = array<i32>} : memref<128x128xf32, #tpu.memory_space<vmem>>, vector<1x16xf32>,
      %swap3A_474 = vector.shape_cast %swap3A_473 : vector<1x16xf32> to vector<16xf32>
      %swap3A_475 = vector.shape_cast %broadcast_in_dim3A_1 : vector<16xf32> to vector<1x16xf32>
      tpu.vector_store %arg9[%swap3A_471, %swap3A_472], %swap3A_475 {strides = array<i32>} : memref<128x128xf32, #tpu.memory_space<vmem>>, vector<1x16xf32>,
      %scan3A_476 = arith.constant 2 : i32
      %scan3A_477 = arith.addi %scan3A_455, %scan3A_476 : i32
      %mul3A_478 = arith.constant 1 : i32
      %mul3A_479 = arith.muli %scan3A_477, %mul3A_478 : i32
      %add3A_480 = arith.constant 0 : i32
      %add3A_481 = arith.addi %add3A_480, %mul3A_479 : i32
      %swap3A_482 = arith.index_cast %add3A_481 : i32 to index
      %swap3A_483 = arith.constant 16 : index
      %swap3A_484 = tpu.vector_load %arg9[%swap3A_482, %swap3A_483] {strides = array<i32>} : memref<128x128xf32, #tpu.memory_space<vmem>>, vector<1x16xf32>,
      %swap3A_485 = vector.shape_cast %swap3A_484 : vector<1x16xf32> to vector<16xf32>
      %swap3A_486 = vector.shape_cast %broadcast_in_dim3A_1 : vector<16xf32> to vector<1x16xf32>
      tpu.vector_store %arg9[%swap3A_482, %swap3A_483], %swap3A_486 {strides = array<i32>} : memref<128x128xf32, #tpu.memory_space<vmem>>, vector<1x16xf32>,
      %scan3A_487 = arith.constant 3 : i32
      %scan3A_488 = arith.addi %scan3A_455, %scan3A_487 : i32
      %mul3A_489 = arith.constant 1 : i32
      %mul3A_490 = arith.muli %scan3A_488, %mul3A_489 : i32
      %add3A_491 = arith.constant 0 : i32
      %add3A_492 = arith.addi %add3A_491, %mul3A_490 : i32
      %swap3A_493 = arith.index_cast %add3A_492 : i32 to index
      %swap3A_494 = arith.constant 16 : index
      %swap3A_495 = tpu.vector_load %arg9[%swap3A_493, %swap3A_494] {strides = array<i32>} : memref<128x128xf32, #tpu.memory_space<vmem>>, vector<1x16xf32>,
      %swap3A_496 = vector.shape_cast %swap3A_495 : vector<1x16xf32> to vector<16xf32>
      %swap3A_497 = vector.shape_cast %broadcast_in_dim3A_1 : vector<16xf32> to vector<1x16xf32>
      tpu.vector_store %arg9[%swap3A_493, %swap3A_494], %swap3A_497 {strides = array<i32>} : memref<128x128xf32, #tpu.memory_space<vmem>>, vector<1x16xf32>,
      %scan3A_498 = arith.constant 4 : i32
      %scan3A_499 = arith.addi %scan3A_455, %scan3A_498 : i32
      %mul3A_500 = arith.constant 1 : i32
      %mul3A_501 = arith.muli %scan3A_499, %mul3A_500 : i32
      %add3A_502 = arith.constant 0 : i32
      %add3A_503 = arith.addi %add3A_502, %mul3A_501 : i32
      %swap3A_504 = arith.index_cast %add3A_503 : i32 to index
      %swap3A_505 = arith.constant 16 : index
      %swap3A_506 = tpu.vector_load %arg9[%swap3A_504, %swap3A_505] {strides = array<i32>} : memref<128x128xf32, #tpu.memory_space<vmem>>, vector<1x16xf32>,
      %swap3A_507 = vector.shape_cast %swap3A_506 : vector<1x16xf32> to vector<16xf32>
      %swap3A_508 = vector.shape_cast %broadcast_in_dim3A_1 : vector<16xf32> to vector<1x16xf32>
      tpu.vector_store %arg9[%swap3A_504, %swap3A_505], %swap3A_508 {strides = array<i32>} : memref<128x128xf32, #tpu.memory_space<vmem>>, vector<1x16xf32>,
      %scan3A_509 = arith.constant 5 : i32
      %scan3A_510 = arith.addi %scan3A_455, %scan3A_509 : i32
      %mul3A_511 = arith.constant 1 : i32
      %mul3A_512 = arith.muli %scan3A_510, %mul3A_511 : i32
      %add3A_513 = arith.constant 0 : i32
      %add3A_514 = arith.addi %add3A_513, %mul3A_512 : i32
      %swap3A_515 = arith.index_cast %add3A_514 : i32 to index
      %swap3A_516 = arith.constant 16 : index
      %swap3A_517 = tpu.vector_load %arg9[%swap3A_515, %swap3A_516] {strides = array<i32>} : memref<128x128xf32, #tpu.memory_space<vmem>>, vector<1x16xf32>,
      %swap3A_518 = vector.shape_cast %swap3A_517 : vector<1x16xf32> to vector<16xf32>
      %swap3A_519 = vector.shape_cast %broadcast_in_dim3A_1 : vector<16xf32> to vector<1x16xf32>
      tpu.vector_store %arg9[%swap3A_515, %swap3A_516], %swap3A_519 {strides = array<i32>} : memref<128x128xf32, #tpu.memory_space<vmem>>, vector<1x16xf32>,
      %scan3A_520 = arith.constant 6 : i32
      %scan3A_521 = arith.addi %scan3A_455, %scan3A_520 : i32
      %mul3A_522 = arith.constant 1 : i32
      %mul3A_523 = arith.muli %scan3A_521, %mul3A_522 : i32
      %add3A_524 = arith.constant 0 : i32
      %add3A_525 = arith.addi %add3A_524, %mul3A_523 : i32
      %swap3A_526 = arith.index_cast %add3A_525 : i32 to index
      %swap3A_527 = arith.constant 16 : index
      %swap3A_528 = tpu.vector_load %arg9[%swap3A_526, %swap3A_527] {strides = array<i32>} : memref<128x128xf32, #tpu.memory_space<vmem>>, vector<1x16xf32>,
      %swap3A_529 = vector.shape_cast %swap3A_528 : vector<1x16xf32> to vector<16xf32>
      %swap3A_530 = vector.shape_cast %broadcast_in_dim3A_1 : vector<16xf32> to vector<1x16xf32>
      tpu.vector_store %arg9[%swap3A_526, %swap3A_527], %swap3A_530 {strides = array<i32>} : memref<128x128xf32, #tpu.memory_space<vmem>>, vector<1x16xf32>,
      %scan3A_531 = arith.constant 7 : i32
      %scan3A_532 = arith.addi %scan3A_455, %scan3A_531 : i32
      %mul3A_533 = arith.constant 1 : i32
      %mul3A_534 = arith.muli %scan3A_532, %mul3A_533 : i32
      %add3A_535 = arith.constant 0 : i32
      %add3A_536 = arith.addi %add3A_535, %mul3A_534 : i32
      %swap3A_537 = arith.index_cast %add3A_536 : i32 to index
      %swap3A_538 = arith.constant 16 : index
      %swap3A_539 = tpu.vector_load %arg9[%swap3A_537, %swap3A_538] {strides = array<i32>} : memref<128x128xf32, #tpu.memory_space<vmem>>, vector<1x16xf32>,
      %swap3A_540 = vector.shape_cast %swap3A_539 : vector<1x16xf32> to vector<16xf32>
      %swap3A_541 = vector.shape_cast %broadcast_in_dim3A_1 : vector<16xf32> to vector<1x16xf32>
      tpu.vector_store %arg9[%swap3A_537, %swap3A_538], %swap3A_541 {strides = array<i32>} : memref<128x128xf32, #tpu.memory_space<vmem>>, vector<1x16xf32>,
    }
    %scan3A_10 = arith.constant 128 : i32
    %scan3A_11 = arith.constant 0 : i32
    %scan3A_12 = arith.constant 128 : i32
    %scan3A_13 = arith.addi %scan3A_11, %scan3A_12 : i32
    %scan3A_14 = arith.constant 8 : i32
    scf.for %scan3A_455 = %scan3A_11 to %scan3A_13 step %scan3A_14  : i32 {
      %mul3A_456 = arith.constant 1 : i32
      %mul3A_457 = arith.muli %scan3A_455, %mul3A_456 : i32
      %add3A_458 = arith.constant 0 : i32
      %add3A_459 = arith.addi %add3A_458, %mul3A_457 : i32
      %swap3A_460 = arith.index_cast %add3A_459 : i32 to index
      %swap3A_461 = arith.constant 32 : index
      %swap3A_462 = tpu.vector_load %arg9[%swap3A_460, %swap3A_461] {strides = array<i32>} : memref<128x128xf32, #tpu.memory_space<vmem>>, vector<1x16xf32>,
      %swap3A_463 = vector.shape_cast %swap3A_462 : vector<1x16xf32> to vector<16xf32>
      %swap3A_464 = vector.shape_cast %broadcast_in_dim3A_1 : vector<16xf32> to vector<1x16xf32>
      tpu.vector_store %arg9[%swap3A_460, %swap3A_461], %swap3A_464 {strides = array<i32>} : memref<128x128xf32, #tpu.memory_space<vmem>>, vector<1x16xf32>,
      %scan3A_465 = arith.constant 1 : i32
      %scan3A_466 = arith.addi %scan3A_455, %scan3A_465 : i32
      %mul3A_467 = arith.constant 1 : i32
      %mul3A_468 = arith.muli %scan3A_466, %mul3A_467 : i32
      %add3A_469 = arith.constant 0 : i32
      %add3A_470 = arith.addi %add3A_469, %mul3A_468 : i32
      %swap3A_471 = arith.index_cast %add3A_470 : i32 to index
      %swap3A_472 = arith.constant 32 : index
      %swap3A_473 = tpu.vector_load %arg9[%swap3A_471, %swap3A_472] {strides = array<i32>} : memref<128x128xf32, #tpu.memory_space<vmem>>, vector<1x16xf32>,
      %swap3A_474 = vector.shape_cast %swap3A_473 : vector<1x16xf32> to vector<16xf32>
      %swap3A_475 = vector.shape_cast %broadcast_in_dim3A_1 : vector<16xf32> to vector<1x16xf32>
      tpu.vector_store %arg9[%swap3A_471, %swap3A_472], %swap3A_475 {strides = array<i32>} : memref<128x128xf32, #tpu.memory_space<vmem>>, vector<1x16xf32>,
      %scan3A_476 = arith.constant 2 : i32
      %scan3A_477 = arith.addi %scan3A_455, %scan3A_476 : i32
      %mul3A_478 = arith.constant 1 : i32
      %mul3A_479 = arith.muli %scan3A_477, %mul3A_478 : i32
      %add3A_480 = arith.constant 0 : i32
      %add3A_481 = arith.addi %add3A_480, %mul3A_479 : i32
      %swap3A_482 = arith.index_cast %add3A_481 : i32 to index
      %swap3A_483 = arith.constant 32 : index
      %swap3A_484 = tpu.vector_load %arg9[%swap3A_482, %swap3A_483] {strides = array<i32>} : memref<128x128xf32, #tpu.memory_space<vmem>>, vector<1x16xf32>,
      %swap3A_485 = vector.shape_cast %swap3A_484 : vector<1x16xf32> to vector<16xf32>
      %swap3A_486 = vector.shape_cast %broadcast_in_dim3A_1 : vector<16xf32> to vector<1x16xf32>
      tpu.vector_store %arg9[%swap3A_482, %swap3A_483], %swap3A_486 {strides = array<i32>} : memref<128x128xf32, #tpu.memory_space<vmem>>, vector<1x16xf32>,
      %scan3A_487 = arith.constant 3 : i32
      %scan3A_488 = arith.addi %scan3A_455, %scan3A_487 : i32
      %mul3A_489 = arith.constant 1 : i32
      %mul3A_490 = arith.muli %scan3A_488, %mul3A_489 : i32
      %add3A_491 = arith.constant 0 : i32
      %add3A_492 = arith.addi %add3A_491, %mul3A_490 : i32
      %swap3A_493 = arith.index_cast %add3A_492 : i32 to index
      %swap3A_494 = arith.constant 32 : index
      %swap3A_495 = tpu.vector_load %arg9[%swap3A_493, %swap3A_494] {strides = array<i32>} : memref<128x128xf32, #tpu.memory_space<vmem>>, vector<1x16xf32>,
      %swap3A_496 = vector.shape_cast %swap3A_495 : vector<1x16xf32> to vector<16xf32>
      %swap3A_497 = vector.shape_cast %broadcast_in_dim3A_1 : vector<16xf32> to vector<1x16xf32>
      tpu.vector_store %arg9[%swap3A_493, %swap3A_494], %swap3A_497 {strides = array<i32>} : memref<128x128xf32, #tpu.memory_space<vmem>>, vector<1x16xf32>,
      %scan3A_498 = arith.constant 4 : i32
      %scan3A_499 = arith.addi %scan3A_455, %scan3A_498 : i32
      %mul3A_500 = arith.constant 1 : i32
      %mul3A_501 = arith.muli %scan3A_499, %mul3A_500 : i32
      %add3A_502 = arith.constant 0 : i32
      %add3A_503 = arith.addi %add3A_502, %mul3A_501 : i32
      %swap3A_504 = arith.index_cast %add3A_503 : i32 to index
      %swap3A_505 = arith.constant 32 : index
      %swap3A_506 = tpu.vector_load %arg9[%swap3A_504, %swap3A_505] {strides = array<i32>} : memref<128x128xf32, #tpu.memory_space<vmem>>, vector<1x16xf32>,
      %swap3A_507 = vector.shape_cast %swap3A_506 : vector<1x16xf32> to vector<16xf32>
      %swap3A_508 = vector.shape_cast %broadcast_in_dim3A_1 : vector<16xf32> to vector<1x16xf32>
      tpu.vector_store %arg9[%swap3A_504, %swap3A_505], %swap3A_508 {strides = array<i32>} : memref<128x128xf32, #tpu.memory_space<vmem>>, vector<1x16xf32>,
      %scan3A_509 = arith.constant 5 : i32
      %scan3A_510 = arith.addi %scan3A_455, %scan3A_509 : i32
      %mul3A_511 = arith.constant 1 : i32
      %mul3A_512 = arith.muli %scan3A_510, %mul3A_511 : i32
      %add3A_513 = arith.constant 0 : i32
      %add3A_514 = arith.addi %add3A_513, %mul3A_512 : i32
      %swap3A_515 = arith.index_cast %add3A_514 : i32 to index
      %swap3A_516 = arith.constant 32 : index
      %swap3A_517 = tpu.vector_load %arg9[%swap3A_515, %swap3A_516] {strides = array<i32>} : memref<128x128xf32, #tpu.memory_space<vmem>>, vector<1x16xf32>,
      %swap3A_518 = vector.shape_cast %swap3A_517 : vector<1x16xf32> to vector<16xf32>
      %swap3A_519 = vector.shape_cast %broadcast_in_dim3A_1 : vector<16xf32> to vector<1x16xf32>
      tpu.vector_store %arg9[%swap3A_515, %swap3A_516], %swap3A_519 {strides = array<i32>} : memref<128x128xf32, #tpu.memory_space<vmem>>, vector<1x16xf32>,
      %scan3A_520 = arith.constant 6 : i32
      %scan3A_521 = arith.addi %scan3A_455, %scan3A_520 : i32
      %mul3A_522 = arith.constant 1 : i32
      %mul3A_523 = arith.muli %scan3A_521, %mul3A_522 : i32
      %add3A_524 = arith.constant 0 : i32
      %add3A_525 = arith.addi %add3A_524, %mul3A_523 : i32
      %swap3A_526 = arith.index_cast %add3A_525 : i32 to index
      %swap3A_527 = arith.constant 32 : index
      %swap3A_528 = tpu.vector_load %arg9[%swap3A_526, %swap3A_527] {strides = array<i32>} : memref<128x128xf32, #tpu.memory_space<vmem>>, vector<1x16xf32>,
      %swap3A_529 = vector.shape_cast %swap3A_528 : vector<1x16xf32> to vector<16xf32>
      %swap3A_530 = vector.shape_cast %broadcast_in_dim3A_1 : vector<16xf32> to vector<1x16xf32>
      tpu.vector_store %arg9[%swap3A_526, %swap3A_527], %swap3A_530 {strides = array<i32>} : memref<128x128xf32, #tpu.memory_space<vmem>>, vector<1x16xf32>,
      %scan3A_531 = arith.constant 7 : i32
      %scan3A_532 = arith.addi %scan3A_455, %scan3A_531 : i32
      %mul3A_533 = arith.constant 1 : i32
      %mul3A_534 = arith.muli %scan3A_532, %mul3A_533 : i32
      %add3A_535 = arith.constant 0 : i32
      %add3A_536 = arith.addi %add3A_535, %mul3A_534 : i32
      %swap3A_537 = arith.index_cast %add3A_536 : i32 to index
      %swap3A_538 = arith.constant 32 : index
      %swap3A_539 = tpu.vector_load %arg9[%swap3A_537, %swap3A_538] {strides = array<i32>} : memref<128x128xf32, #tpu.memory_space<vmem>>, vector<1x16xf32>,
      %swap3A_540 = vector.shape_cast %swap3A_539 : vector<1x16xf32> to vector<16xf32>
      %swap3A_541 = vector.shape_cast %broadcast_in_dim3A_1 : vector<16xf32> to vector<1x16xf32>
      tpu.vector_store %arg9[%swap3A_537, %swap3A_538], %swap3A_541 {strides = array<i32>} : memref<128x128xf32, #tpu.memory_space<vmem>>, vector<1x16xf32>,
    }
    %scan3A_15 = arith.constant 128 : i32
    %scan3A_16 = arith.constant 0 : i32
    %scan3A_17 = arith.constant 128 : i32
    %scan3A_18 = arith.addi %scan3A_16, %scan3A_17 : i32
    %scan3A_19 = arith.constant 8 : i32
    scf.for %scan3A_455 = %scan3A_16 to %scan3A_18 step %scan3A_19  : i32 {
      %mul3A_456 = arith.constant 1 : i32
      %mul3A_457 = arith.muli %scan3A_455, %mul3A_456 : i32
      %add3A_458 = arith.constant 0 : i32
      %add3A_459 = arith.addi %add3A_458, %mul3A_457 : i32
      %swap3A_460 = arith.index_cast %add3A_459 : i32 to index
      %swap3A_461 = arith.constant 48 : index
      %swap3A_462 = tpu.vector_load %arg9[%swap3A_460, %swap3A_461] {strides = array<i32>} : memref<128x128xf32, #tpu.memory_space<vmem>>, vector<1x16xf32>,
      %swap3A_463 = vector.shape_cast %swap3A_462 : vector<1x16xf32> to vector<16xf32>
      %swap3A_464 = vector.shape_cast %broadcast_in_dim3A_1 : vector<16xf32> to vector<1x16xf32>
      tpu.vector_store %arg9[%swap3A_460, %swap3A_461], %swap3A_464 {strides = array<i32>} : memref<128x128xf32, #tpu.memory_space<vmem>>, vector<1x16xf32>,
      %scan3A_465 = arith.constant 1 : i32
      %scan3A_466 = arith.addi %scan3A_455, %scan3A_465 : i32
      %mul3A_467 = arith.constant 1 : i32
      %mul3A_468 = arith.muli %scan3A_466, %mul3A_467 : i32
      %add3A_469 = arith.constant 0 : i32
      %add3A_470 = arith.addi %add3A_469, %mul3A_468 : i32
      %swap3A_471 = arith.index_cast %add3A_470 : i32 to index
      %swap3A_472 = arith.constant 48 : index
      %swap3A_473 = tpu.vector_load %arg9[%swap3A_471, %swap3A_472] {strides = array<i32>} : memref<128x128xf32, #tpu.memory_space<vmem>>, vector<1x16xf32>,
      %swap3A_474 = vector.shape_cast %swap3A_473 : vector<1x16xf32> to vector<16xf32>
      %swap3A_475 = vector.shape_cast %broadcast_in_dim3A_1 : vector<16xf32> to vector<1x16xf32>
      tpu.vector_store %arg9[%swap3A_471, %swap3A_472], %swap3A_475 {strides = array<i32>} : memref<128x128xf32, #tpu.memory_space<vmem>>, vector<1x16xf32>,
      %scan3A_476 = arith.constant 2 : i32
      %scan3A_477 = arith.addi %scan3A_455, %scan3A_476 : i32
      %mul3A_478 = arith.constant 1 : i32
      %mul3A_479 = arith.muli %scan3A_477, %mul3A_478 : i32
      %add3A_480 = arith.constant 0 : i32
      %add3A_481 = arith.addi %add3A_480, %mul3A_479 : i32
      %swap3A_482 = arith.index_cast %add3A_481 : i32 to index
      %swap3A_483 = arith.constant 48 : index
      %swap3A_484 = tpu.vector_load %arg9[%swap3A_482, %swap3A_483] {strides = array<i32>} : memref<128x128xf32, #tpu.memory_space<vmem>>, vector<1x16xf32>,
      %swap3A_485 = vector.shape_cast %swap3A_484 : vector<1x16xf32> to vector<16xf32>
      %swap3A_486 = vector.shape_cast %broadcast_in_dim3A_1 : vector<16xf32> to vector<1x16xf32>
      tpu.vector_store %arg9[%swap3A_482, %swap3A_483], %swap3A_486 {strides = array<i32>} : memref<128x128xf32, #tpu.memory_space<vmem>>, vector<1x16xf32>,
      %scan3A_487 = arith.constant 3 : i32
      %scan3A_488 = arith.addi %scan3A_455, %scan3A_487 : i32
      %mul3A_489 = arith.constant 1 : i32
      %mul3A_490 = arith.muli %scan3A_488, %mul3A_489 : i32
      %add3A_491 = arith.constant 0 : i32
      %add3A_492 = arith.addi %add3A_491, %mul3A_490 : i32
      %swap3A_493 = arith.index_cast %add3A_492 : i32 to index
      %swap3A_494 = arith.constant 48 : index
      %swap3A_495 = tpu.vector_load %arg9[%swap3A_493, %swap3A_494] {strides = array<i32>} : memref<128x128xf32, #tpu.memory_space<vmem>>, vector<1x16xf32>,
      %swap3A_496 = vector.shape_cast %swap3A_495 : vector<1x16xf32> to vector<16xf32>
      %swap3A_497 = vector.shape_cast %broadcast_in_dim3A_1 : vector<16xf32> to vector<1x16xf32>
      tpu.vector_store %arg9[%swap3A_493, %swap3A_494], %swap3A_497 {strides = array<i32>} : memref<128x128xf32, #tpu.memory_space<vmem>>, vector<1x16xf32>,
      %scan3A_498 = arith.constant 4 : i32
      %scan3A_499 = arith.addi %scan3A_455, %scan3A_498 : i32
      %mul3A_500 = arith.constant 1 : i32
      %mul3A_501 = arith.muli %scan3A_499, %mul3A_500 : i32
      %add3A_502 = arith.constant 0 : i32
      %add3A_503 = arith.addi %add3A_502, %mul3A_501 : i32
      %swap3A_504 = arith.index_cast %add3A_503 : i32 to index
      %swap3A_505 = arith.constant 48 : index
      %swap3A_506 = tpu.vector_load %arg9[%swap3A_504, %swap3A_505] {strides = array<i32>} : memref<128x128xf32, #tpu.memory_space<vmem>>, vector<1x16xf32>,
      %swap3A_507 = vector.shape_cast %swap3A_506 : vector<1x16xf32> to vector<16xf32>
      %swap3A_508 = vector.shape_cast %broadcast_in_dim3A_1 : vector<16xf32> to vector<1x16xf32>
      tpu.vector_store %arg9[%swap3A_504, %swap3A_505], %swap3A_508 {strides = array<i32>} : memref<128x128xf32, #tpu.memory_space<vmem>>, vector<1x16xf32>,
      %scan3A_509 = arith.constant 5 : i32
      %scan3A_510 = arith.addi %scan3A_455, %scan3A_509 : i32
      %mul3A_511 = arith.constant 1 : i32
      %mul3A_512 = arith.muli %scan3A_510, %mul3A_511 : i32
      %add3A_513 = arith.constant 0 : i32
      %add3A_514 = arith.addi %add3A_513, %mul3A_512 : i32
      %swap3A_515 = arith.index_cast %add3A_514 : i32 to index
      %swap3A_516 = arith.constant 48 : index
      %swap3A_517 = tpu.vector_load %arg9[%swap3A_515, %swap3A_516] {strides = array<i32>} : memref<128x128xf32, #tpu.memory_space<vmem>>, vector<1x16xf32>,
      %swap3A_518 = vector.shape_cast %swap3A_517 : vector<1x16xf32> to vector<16xf32>
      %swap3A_519 = vector.shape_cast %broadcast_in_dim3A_1 : vector<16xf32> to vector<1x16xf32>
      tpu.vector_store %arg9[%swap3A_515, %swap3A_516], %swap3A_519 {strides = array<i32>} : memref<128x128xf32, #tpu.memory_space<vmem>>, vector<1x16xf32>,
      %scan3A_520 = arith.constant 6 : i32
      %scan3A_521 = arith.addi %scan3A_455, %scan3A_520 : i32
      %mul3A_522 = arith.constant 1 : i32
      %mul3A_523 = arith.muli %scan3A_521, %mul3A_522 : i32
      %add3A_524 = arith.constant 0 : i32
      %add3A_525 = arith.addi %add3A_524, %mul3A_523 : i32
      %swap3A_526 = arith.index_cast %add3A_525 : i32 to index
      %swap3A_527 = arith.constant 48 : index
      %swap3A_528 = tpu.vector_load %arg9[%swap3A_526, %swap3A_527] {strides = array<i32>} : memref<128x128xf32, #tpu.memory_space<vmem>>, vector<1x16xf32>,
      %swap3A_529 = vector.shape_cast %swap3A_528 : vector<1x16xf32> to vector<16xf32>
      %swap3A_530 = vector.shape_cast %broadcast_in_dim3A_1 : vector<16xf32> to vector<1x16xf32>
      tpu.vector_store %arg9[%swap3A_526, %swap3A_527], %swap3A_530 {strides = array<i32>} : memref<128x128xf32, #tpu.memory_space<vmem>>, vector<1x16xf32>,
      %scan3A_531 = arith.constant 7 : i32
      %scan3A_532 = arith.addi %scan3A_455, %scan3A_531 : i32
      %mul3A_533 = arith.constant 1 : i32
      %mul3A_534 = arith.muli %scan3A_532, %mul3A_533 : i32
      %add3A_535 = arith.constant 0 : i32
      %add3A_536 = arith.addi %add3A_535, %mul3A_534 : i32
      %swap3A_537 = arith.index_cast %add3A_536 : i32 to index
      %swap3A_538 = arith.constant 48 : index
      %swap3A_539 = tpu.vector_load %arg9[%swap3A_537, %swap3A_538] {strides = array<i32>} : memref<128x128xf32, #tpu.memory_space<vmem>>, vector<1x16xf32>,
      %swap3A_540 = vector.shape_cast %swap3A_539 : vector<1x16xf32> to vector<16xf32>
      %swap3A_541 = vector.shape_cast %broadcast_in_dim3A_1 : vector<16xf32> to vector<1x16xf32>
      tpu.vector_store %arg9[%swap3A_537, %swap3A_538], %swap3A_541 {strides = array<i32>} : memref<128x128xf32, #tpu.memory_space<vmem>>, vector<1x16xf32>,
    }
    %scan3A_20 = arith.constant 128 : i32
    %scan3A_21 = arith.constant 0 : i32
    %scan3A_22 = arith.constant 128 : i32
    %scan3A_23 = arith.addi %scan3A_21, %scan3A_22 : i32
    %scan3A_24 = arith.constant 8 : i32
    scf.for %scan3A_455 = %scan3A_21 to %scan3A_23 step %scan3A_24  : i32 {
      %mul3A_456 = arith.constant 1 : i32
      %mul3A_457 = arith.muli %scan3A_455, %mul3A_456 : i32
      %add3A_458 = arith.constant 0 : i32
      %add3A_459 = arith.addi %add3A_458, %mul3A_457 : i32
      %swap3A_460 = arith.index_cast %add3A_459 : i32 to index
      %swap3A_461 = arith.constant 64 : index
      %swap3A_462 = tpu.vector_load %arg9[%swap3A_460, %swap3A_461] {strides = array<i32>} : memref<128x128xf32, #tpu.memory_space<vmem>>, vector<1x16xf32>,
      %swap3A_463 = vector.shape_cast %swap3A_462 : vector<1x16xf32> to vector<16xf32>
      %swap3A_464 = vector.shape_cast %broadcast_in_dim3A_1 : vector<16xf32> to vector<1x16xf32>
      tpu.vector_store %arg9[%swap3A_460, %swap3A_461], %swap3A_464 {strides = array<i32>} : memref<128x128xf32, #tpu.memory_space<vmem>>, vector<1x16xf32>,
      %scan3A_465 = arith.constant 1 : i32
      %scan3A_466 = arith.addi %scan3A_455, %scan3A_465 : i32
      %mul3A_467 = arith.constant 1 : i32
      %mul3A_468 = arith.muli %scan3A_466, %mul3A_467 : i32
      %add3A_469 = arith.constant 0 : i32
      %add3A_470 = arith.addi %add3A_469, %mul3A_468 : i32
      %swap3A_471 = arith.index_cast %add3A_470 : i32 to index
      %swap3A_472 = arith.constant 64 : index
      %swap3A_473 = tpu.vector_load %arg9[%swap3A_471, %swap3A_472] {strides = array<i32>} : memref<128x128xf32, #tpu.memory_space<vmem>>, vector<1x16xf32>,
      %swap3A_474 = vector.shape_cast %swap3A_473 : vector<1x16xf32> to vector<16xf32>
      %swap3A_475 = vector.shape_cast %broadcast_in_dim3A_1 : vector<16xf32> to vector<1x16xf32>
      tpu.vector_store %arg9[%swap3A_471, %swap3A_472], %swap3A_475 {strides = array<i32>} : memref<128x128xf32, #tpu.memory_space<vmem>>, vector<1x16xf32>,
      %scan3A_476 = arith.constant 2 : i32
      %scan3A_477 = arith.addi %scan3A_455, %scan3A_476 : i32
      %mul3A_478 = arith.constant 1 : i32
      %mul3A_479 = arith.muli %scan3A_477, %mul3A_478 : i32
      %add3A_480 = arith.constant 0 : i32
      %add3A_481 = arith.addi %add3A_480, %mul3A_479 : i32
      %swap3A_482 = arith.index_cast %add3A_481 : i32 to index
      %swap3A_483 = arith.constant 64 : index
      %swap3A_484 = tpu.vector_load %arg9[%swap3A_482, %swap3A_483] {strides = array<i32>} : memref<128x128xf32, #tpu.memory_space<vmem>>, vector<1x16xf32>,
      %swap3A_485 = vector.shape_cast %swap3A_484 : vector<1x16xf32> to vector<16xf32>
      %swap3A_486 = vector.shape_cast %broadcast_in_dim3A_1 : vector<16xf32> to vector<1x16xf32>
      tpu.vector_store %arg9[%swap3A_482, %swap3A_483], %swap3A_486 {strides = array<i32>} : memref<128x128xf32, #tpu.memory_space<vmem>>, vector<1x16xf32>,
      %scan3A_487 = arith.constant 3 : i32
      %scan3A_488 = arith.addi %scan3A_455, %scan3A_487 : i32
      %mul3A_489 = arith.constant 1 : i32
      %mul3A_490 = arith.muli %scan3A_488, %mul3A_489 : i32
      %add3A_491 = arith.constant 0 : i32
      %add3A_492 = arith.addi %add3A_491, %mul3A_490 : i32
      %swap3A_493 = arith.index_cast %add3A_492 : i32 to index
      %swap3A_494 = arith.constant 64 : index
      %swap3A_495 = tpu.vector_load %arg9[%swap3A_493, %swap3A_494] {strides = array<i32>} : memref<128x128xf32, #tpu.memory_space<vmem>>, vector<1x16xf32>,
      %swap3A_496 = vector.shape_cast %swap3A_495 : vector<1x16xf32> to vector<16xf32>
      %swap3A_497 = vector.shape_cast %broadcast_in_dim3A_1 : vector<16xf32> to vector<1x16xf32>
      tpu.vector_store %arg9[%swap3A_493, %swap3A_494], %swap3A_497 {strides = array<i32>} : memref<128x128xf32, #tpu.memory_space<vmem>>, vector<1x16xf32>,
      %scan3A_498 = arith.constant 4 : i32
      %scan3A_499 = arith.addi %scan3A_455, %scan3A_498 : i32
      %mul3A_500 = arith.constant 1 : i32
      %mul3A_501 = arith.muli %scan3A_499, %mul3A_500 : i32
      %add3A_502 = arith.constant 0 : i32
      %add3A_503 = arith.addi %add3A_502, %mul3A_501 : i32
      %swap3A_504 = arith.index_cast %add3A_503 : i32 to index
      %swap3A_505 = arith.constant 64 : index
      %swap3A_506 = tpu.vector_load %arg9[%swap3A_504, %swap3A_505] {strides = array<i32>} : memref<128x128xf32, #tpu.memory_space<vmem>>, vector<1x16xf32>,
      %swap3A_507 = vector.shape_cast %swap3A_506 : vector<1x16xf32> to vector<16xf32>
      %swap3A_508 = vector.shape_cast %broadcast_in_dim3A_1 : vector<16xf32> to vector<1x16xf32>
      tpu.vector_store %arg9[%swap3A_504, %swap3A_505], %swap3A_508 {strides = array<i32>} : memref<128x128xf32, #tpu.memory_space<vmem>>, vector<1x16xf32>,
      %scan3A_509 = arith.constant 5 : i32
      %scan3A_510 = arith.addi %scan3A_455, %scan3A_509 : i32
      %mul3A_511 = arith.constant 1 : i32
      %mul3A_512 = arith.muli %scan3A_510, %mul3A_511 : i32
      %add3A_513 = arith.constant 0 : i32
      %add3A_514 = arith.addi %add3A_513, %mul3A_512 : i32
      %swap3A_515 = arith.index_cast %add3A_514 : i32 to index
      %swap3A_516 = arith.constant 64 : index
      %swap3A_517 = tpu.vector_load %arg9[%swap3A_515, %swap3A_516] {strides = array<i32>} : memref<128x128xf32, #tpu.memory_space<vmem>>, vector<1x16xf32>,
      %swap3A_518 = vector.shape_cast %swap3A_517 : vector<1x16xf32> to vector<16xf32>
      %swap3A_519 = vector.shape_cast %broadcast_in_dim3A_1 : vector<16xf32> to vector<1x16xf32>
      tpu.vector_store %arg9[%swap3A_515, %swap3A_516], %swap3A_519 {strides = array<i32>} : memref<128x128xf32, #tpu.memory_space<vmem>>, vector<1x16xf32>,
      %scan3A_520 = arith.constant 6 : i32
      %scan3A_521 = arith.addi %scan3A_455, %scan3A_520 : i32
      %mul3A_522 = arith.constant 1 : i32
      %mul3A_523 = arith.muli %scan3A_521, %mul3A_522 : i32
      %add3A_524 = arith.constant 0 : i32
      %add3A_525 = arith.addi %add3A_524, %mul3A_523 : i32
      %swap3A_526 = arith.index_cast %add3A_525 : i32 to index
      %swap3A_527 = arith.constant 64 : index
      %swap3A_528 = tpu.vector_load %arg9[%swap3A_526, %swap3A_527] {strides = array<i32>} : memref<128x128xf32, #tpu.memory_space<vmem>>, vector<1x16xf32>,
      %swap3A_529 = vector.shape_cast %swap3A_528 : vector<1x16xf32> to vector<16xf32>
      %swap3A_530 = vector.shape_cast %broadcast_in_dim3A_1 : vector<16xf32> to vector<1x16xf32>
      tpu.vector_store %arg9[%swap3A_526, %swap3A_527], %swap3A_530 {strides = array<i32>} : memref<128x128xf32, #tpu.memory_space<vmem>>, vector<1x16xf32>,
      %scan3A_531 = arith.constant 7 : i32
      %scan3A_532 = arith.addi %scan3A_455, %scan3A_531 : i32
      %mul3A_533 = arith.constant 1 : i32
      %mul3A_534 = arith.muli %scan3A_532, %mul3A_533 : i32
      %add3A_535 = arith.constant 0 : i32
      %add3A_536 = arith.addi %add3A_535, %mul3A_534 : i32
      %swap3A_537 = arith.index_cast %add3A_536 : i32 to index
      %swap3A_538 = arith.constant 64 : index
      %swap3A_539 = tpu.vector_load %arg9[%swap3A_537, %swap3A_538] {strides = array<i32>} : memref<128x128xf32, #tpu.memory_space<vmem>>, vector<1x16xf32>,
      %swap3A_540 = vector.shape_cast %swap3A_539 : vector<1x16xf32> to vector<16xf32>
      %swap3A_541 = vector.shape_cast %broadcast_in_dim3A_1 : vector<16xf32> to vector<1x16xf32>
      tpu.vector_store %arg9[%swap3A_537, %swap3A_538], %swap3A_541 {strides = array<i32>} : memref<128x128xf32, #tpu.memory_space<vmem>>, vector<1x16xf32>,
    }
    %scan3A_25 = arith.constant 128 : i32
    %scan3A_26 = arith.constant 0 : i32
    %scan3A_27 = arith.constant 128 : i32
    %scan3A_28 = arith.addi %scan3A_26, %scan3A_27 : i32
    %scan3A_29 = arith.constant 8 : i32
    scf.for %scan3A_455 = %scan3A_26 to %scan3A_28 step %scan3A_29  : i32 {
      %mul3A_456 = arith.constant 1 : i32
      %mul3A_457 = arith.muli %scan3A_455, %mul3A_456 : i32
      %add3A_458 = arith.constant 0 : i32
      %add3A_459 = arith.addi %add3A_458, %mul3A_457 : i32
      %swap3A_460 = arith.index_cast %add3A_459 : i32 to index
      %swap3A_461 = arith.constant 80 : index
      %swap3A_462 = tpu.vector_load %arg9[%swap3A_460, %swap3A_461] {strides = array<i32>} : memref<128x128xf32, #tpu.memory_space<vmem>>, vector<1x16xf32>,
      %swap3A_463 = vector.shape_cast %swap3A_462 : vector<1x16xf32> to vector<16xf32>
      %swap3A_464 = vector.shape_cast %broadcast_in_dim3A_1 : vector<16xf32> to vector<1x16xf32>
      tpu.vector_store %arg9[%swap3A_460, %swap3A_461], %swap3A_464 {strides = array<i32>} : memref<128x128xf32, #tpu.memory_space<vmem>>, vector<1x16xf32>,
      %scan3A_465 = arith.constant 1 : i32
      %scan3A_466 = arith.addi %scan3A_455, %scan3A_465 : i32
      %mul3A_467 = arith.constant 1 : i32
      %mul3A_468 = arith.muli %scan3A_466, %mul3A_467 : i32
      %add3A_469 = arith.constant 0 : i32
      %add3A_470 = arith.addi %add3A_469, %mul3A_468 : i32
      %swap3A_471 = arith.index_cast %add3A_470 : i32 to index
      %swap3A_472 = arith.constant 80 : index
      %swap3A_473 = tpu.vector_load %arg9[%swap3A_471, %swap3A_472] {strides = array<i32>} : memref<128x128xf32, #tpu.memory_space<vmem>>, vector<1x16xf32>,
      %swap3A_474 = vector.shape_cast %swap3A_473 : vector<1x16xf32> to vector<16xf32>
      %swap3A_475 = vector.shape_cast %broadcast_in_dim3A_1 : vector<16xf32> to vector<1x16xf32>
      tpu.vector_store %arg9[%swap3A_471, %swap3A_472], %swap3A_475 {strides = array<i32>} : memref<128x128xf32, #tpu.memory_space<vmem>>, vector<1x16xf32>,
      %scan3A_476 = arith.constant 2 : i32
      %scan3A_477 = arith.addi %scan3A_455, %scan3A_476 : i32
      %mul3A_478 = arith.constant 1 : i32
      %mul3A_479 = arith.muli %scan3A_477, %mul3A_478 : i32
      %add3A_480 = arith.constant 0 : i32
      %add3A_481 = arith.addi %add3A_480, %mul3A_479 : i32
      %swap3A_482 = arith.index_cast %add3A_481 : i32 to index
      %swap3A_483 = arith.constant 80 : index
      %swap3A_484 = tpu.vector_load %arg9[%swap3A_482, %swap3A_483] {strides = array<i32>} : memref<128x128xf32, #tpu.memory_space<vmem>>, vector<1x16xf32>,
      %swap3A_485 = vector.shape_cast %swap3A_484 : vector<1x16xf32> to vector<16xf32>
      %swap3A_486 = vector.shape_cast %broadcast_in_dim3A_1 : vector<16xf32> to vector<1x16xf32>
      tpu.vector_store %arg9[%swap3A_482, %swap3A_483], %swap3A_486 {strides = array<i32>} : memref<128x128xf32, #tpu.memory_space<vmem>>, vector<1x16xf32>,
      %scan3A_487 = arith.constant 3 : i32
      %scan3A_488 = arith.addi %scan3A_455, %scan3A_487 : i32
      %mul3A_489 = arith.constant 1 : i32
      %mul3A_490 = arith.muli %scan3A_488, %mul3A_489 : i32
      %add3A_491 = arith.constant 0 : i32
      %add3A_492 = arith.addi %add3A_491, %mul3A_490 : i32
      %swap3A_493 = arith.index_cast %add3A_492 : i32 to index
      %swap3A_494 = arith.constant 80 : index
      %swap3A_495 = tpu.vector_load %arg9[%swap3A_493, %swap3A_494] {strides = array<i32>} : memref<128x128xf32, #tpu.memory_space<vmem>>, vector<1x16xf32>,
      %swap3A_496 = vector.shape_cast %swap3A_495 : vector<1x16xf32> to vector<16xf32>
      %swap3A_497 = vector.shape_cast %broadcast_in_dim3A_1 : vector<16xf32> to vector<1x16xf32>
      tpu.vector_store %arg9[%swap3A_493, %swap3A_494], %swap3A_497 {strides = array<i32>} : memref<128x128xf32, #tpu.memory_space<vmem>>, vector<1x16xf32>,
      %scan3A_498 = arith.constant 4 : i32
      %scan3A_499 = arith.addi %scan3A_455, %scan3A_498 : i32
      %mul3A_500 = arith.constant 1 : i32
      %mul3A_501 = arith.muli %scan3A_499, %mul3A_500 : i32
      %add3A_502 = arith.constant 0 : i32
      %add3A_503 = arith.addi %add3A_502, %mul3A_501 : i32
      %swap3A_504 = arith.index_cast %add3A_503 : i32 to index
      %swap3A_505 = arith.constant 80 : index
      %swap3A_506 = tpu.vector_load %arg9[%swap3A_504, %swap3A_505] {strides = array<i32>} : memref<128x128xf32, #tpu.memory_space<vmem>>, vector<1x16xf32>,
      %swap3A_507 = vector.shape_cast %swap3A_506 : vector<1x16xf32> to vector<16xf32>
      %swap3A_508 = vector.shape_cast %broadcast_in_dim3A_1 : vector<16xf32> to vector<1x16xf32>
      tpu.vector_store %arg9[%swap3A_504, %swap3A_505], %swap3A_508 {strides = array<i32>} : memref<128x128xf32, #tpu.memory_space<vmem>>, vector<1x16xf32>,
      %scan3A_509 = arith.constant 5 : i32
      %scan3A_510 = arith.addi %scan3A_455, %scan3A_509 : i32
      %mul3A_511 = arith.constant 1 : i32
      %mul3A_512 = arith.muli %scan3A_510, %mul3A_511 : i32
      %add3A_513 = arith.constant 0 : i32
      %add3A_514 = arith.addi %add3A_513, %mul3A_512 : i32
      %swap3A_515 = arith.index_cast %add3A_514 : i32 to index
      %swap3A_516 = arith.constant 80 : index
      %swap3A_517 = tpu.vector_load %arg9[%swap3A_515, %swap3A_516] {strides = array<i32>} : memref<128x128xf32, #tpu.memory_space<vmem>>, vector<1x16xf32>,
      %swap3A_518 = vector.shape_cast %swap3A_517 : vector<1x16xf32> to vector<16xf32>
      %swap3A_519 = vector.shape_cast %broadcast_in_dim3A_1 : vector<16xf32> to vector<1x16xf32>
      tpu.vector_store %arg9[%swap3A_515, %swap3A_516], %swap3A_519 {strides = array<i32>} : memref<128x128xf32, #tpu.memory_space<vmem>>, vector<1x16xf32>,
      %scan3A_520 = arith.constant 6 : i32
      %scan3A_521 = arith.addi %scan3A_455, %scan3A_520 : i32
      %mul3A_522 = arith.constant 1 : i32
      %mul3A_523 = arith.muli %scan3A_521, %mul3A_522 : i32
      %add3A_524 = arith.constant 0 : i32
      %add3A_525 = arith.addi %add3A_524, %mul3A_523 : i32
      %swap3A_526 = arith.index_cast %add3A_525 : i32 to index
      %swap3A_527 = arith.constant 80 : index
      %swap3A_528 = tpu.vector_load %arg9[%swap3A_526, %swap3A_527] {strides = array<i32>} : memref<128x128xf32, #tpu.memory_space<vmem>>, vector<1x16xf32>,
      %swap3A_529 = vector.shape_cast %swap3A_528 : vector<1x16xf32> to vector<16xf32>
      %swap3A_530 = vector.shape_cast %broadcast_in_dim3A_1 : vector<16xf32> to vector<1x16xf32>
      tpu.vector_store %arg9[%swap3A_526, %swap3A_527], %swap3A_530 {strides = array<i32>} : memref<128x128xf32, #tpu.memory_space<vmem>>, vector<1x16xf32>,
      %scan3A_531 = arith.constant 7 : i32
      %scan3A_532 = arith.addi %scan3A_455, %scan3A_531 : i32
      %mul3A_533 = arith.constant 1 : i32
      %mul3A_534 = arith.muli %scan3A_532, %mul3A_533 : i32
      %add3A_535 = arith.constant 0 : i32
      %add3A_536 = arith.addi %add3A_535, %mul3A_534 : i32
      %swap3A_537 = arith.index_cast %add3A_536 : i32 to index
      %swap3A_538 = arith.constant 80 : index
      %swap3A_539 = tpu.vector_load %arg9[%swap3A_537, %swap3A_538] {strides = array<i32>} : memref<128x128xf32, #tpu.memory_space<vmem>>, vector<1x16xf32>,
      %swap3A_540 = vector.shape_cast %swap3A_539 : vector<1x16xf32> to vector<16xf32>
      %swap3A_541 = vector.shape_cast %broadcast_in_dim3A_1 : vector<16xf32> to vector<1x16xf32>
      tpu.vector_store %arg9[%swap3A_537, %swap3A_538], %swap3A_541 {strides = array<i32>} : memref<128x128xf32, #tpu.memory_space<vmem>>, vector<1x16xf32>,
    }
    %scan3A_30 = arith.constant 128 : i32
    %scan3A_31 = arith.constant 0 : i32
    %scan3A_32 = arith.constant 128 : i32
    %scan3A_33 = arith.addi %scan3A_31, %scan3A_32 : i32
    %scan3A_34 = arith.constant 8 : i32
    scf.for %scan3A_455 = %scan3A_31 to %scan3A_33 step %scan3A_34  : i32 {
      %mul3A_456 = arith.constant 1 : i32
      %mul3A_457 = arith.muli %scan3A_455, %mul3A_456 : i32
      %add3A_458 = arith.constant 0 : i32
      %add3A_459 = arith.addi %add3A_458, %mul3A_457 : i32
      %swap3A_460 = arith.index_cast %add3A_459 : i32 to index
      %swap3A_461 = arith.constant 96 : index
      %swap3A_462 = tpu.vector_load %arg9[%swap3A_460, %swap3A_461] {strides = array<i32>} : memref<128x128xf32, #tpu.memory_space<vmem>>, vector<1x16xf32>,
      %swap3A_463 = vector.shape_cast %swap3A_462 : vector<1x16xf32> to vector<16xf32>
      %swap3A_464 = vector.shape_cast %broadcast_in_dim3A_1 : vector<16xf32> to vector<1x16xf32>
      tpu.vector_store %arg9[%swap3A_460, %swap3A_461], %swap3A_464 {strides = array<i32>} : memref<128x128xf32, #tpu.memory_space<vmem>>, vector<1x16xf32>,
      %scan3A_465 = arith.constant 1 : i32
      %scan3A_466 = arith.addi %scan3A_455, %scan3A_465 : i32
      %mul3A_467 = arith.constant 1 : i32
      %mul3A_468 = arith.muli %scan3A_466, %mul3A_467 : i32
      %add3A_469 = arith.constant 0 : i32
      %add3A_470 = arith.addi %add3A_469, %mul3A_468 : i32
      %swap3A_471 = arith.index_cast %add3A_470 : i32 to index
      %swap3A_472 = arith.constant 96 : index
      %swap3A_473 = tpu.vector_load %arg9[%swap3A_471, %swap3A_472] {strides = array<i32>} : memref<128x128xf32, #tpu.memory_space<vmem>>, vector<1x16xf32>,
      %swap3A_474 = vector.shape_cast %swap3A_473 : vector<1x16xf32> to vector<16xf32>
      %swap3A_475 = vector.shape_cast %broadcast_in_dim3A_1 : vector<16xf32> to vector<1x16xf32>
      tpu.vector_store %arg9[%swap3A_471, %swap3A_472], %swap3A_475 {strides = array<i32>} : memref<128x128xf32, #tpu.memory_space<vmem>>, vector<1x16xf32>,
      %scan3A_476 = arith.constant 2 : i32
      %scan3A_477 = arith.addi %scan3A_455, %scan3A_476 : i32
      %mul3A_478 = arith.constant 1 : i32
      %mul3A_479 = arith.muli %scan3A_477, %mul3A_478 : i32
      %add3A_480 = arith.constant 0 : i32
      %add3A_481 = arith.addi %add3A_480, %mul3A_479 : i32
      %swap3A_482 = arith.index_cast %add3A_481 : i32 to index
      %swap3A_483 = arith.constant 96 : index
      %swap3A_484 = tpu.vector_load %arg9[%swap3A_482, %swap3A_483] {strides = array<i32>} : memref<128x128xf32, #tpu.memory_space<vmem>>, vector<1x16xf32>,
      %swap3A_485 = vector.shape_cast %swap3A_484 : vector<1x16xf32> to vector<16xf32>
      %swap3A_486 = vector.shape_cast %broadcast_in_dim3A_1 : vector<16xf32> to vector<1x16xf32>
      tpu.vector_store %arg9[%swap3A_482, %swap3A_483], %swap3A_486 {strides = array<i32>} : memref<128x128xf32, #tpu.memory_space<vmem>>, vector<1x16xf32>,
      %scan3A_487 = arith.constant 3 : i32
      %scan3A_488 = arith.addi %scan3A_455, %scan3A_487 : i32
      %mul3A_489 = arith.constant 1 : i32
      %mul3A_490 = arith.muli %scan3A_488, %mul3A_489 : i32
      %add3A_491 = arith.constant 0 : i32
      %add3A_492 = arith.addi %add3A_491, %mul3A_490 : i32
      %swap3A_493 = arith.index_cast %add3A_492 : i32 to index
      %swap3A_494 = arith.constant 96 : index
      %swap3A_495 = tpu.vector_load %arg9[%swap3A_493, %swap3A_494] {strides = array<i32>} : memref<128x128xf32, #tpu.memory_space<vmem>>, vector<1x16xf32>,
      %swap3A_496 = vector.shape_cast %swap3A_495 : vector<1x16xf32> to vector<16xf32>
      %swap3A_497 = vector.shape_cast %broadcast_in_dim3A_1 : vector<16xf32> to vector<1x16xf32>
      tpu.vector_store %arg9[%swap3A_493, %swap3A_494], %swap3A_497 {strides = array<i32>} : memref<128x128xf32, #tpu.memory_space<vmem>>, vector<1x16xf32>,
      %scan3A_498 = arith.constant 4 : i32
      %scan3A_499 = arith.addi %scan3A_455, %scan3A_498 : i32
      %mul3A_500 = arith.constant 1 : i32
      %mul3A_501 = arith.muli %scan3A_499, %mul3A_500 : i32
      %add3A_502 = arith.constant 0 : i32
      %add3A_503 = arith.addi %add3A_502, %mul3A_501 : i32
      %swap3A_504 = arith.index_cast %add3A_503 : i32 to index
      %swap3A_505 = arith.constant 96 : index
      %swap3A_506 = tpu.vector_load %arg9[%swap3A_504, %swap3A_505] {strides = array<i32>} : memref<128x128xf32, #tpu.memory_space<vmem>>, vector<1x16xf32>,
      %swap3A_507 = vector.shape_cast %swap3A_506 : vector<1x16xf32> to vector<16xf32>
      %swap3A_508 = vector.shape_cast %broadcast_in_dim3A_1 : vector<16xf32> to vector<1x16xf32>
      tpu.vector_store %arg9[%swap3A_504, %swap3A_505], %swap3A_508 {strides = array<i32>} : memref<128x128xf32, #tpu.memory_space<vmem>>, vector<1x16xf32>,
      %scan3A_509 = arith.constant 5 : i32
      %scan3A_510 = arith.addi %scan3A_455, %scan3A_509 : i32
      %mul3A_511 = arith.constant 1 : i32
      %mul3A_512 = arith.muli %scan3A_510, %mul3A_511 : i32
      %add3A_513 = arith.constant 0 : i32
      %add3A_514 = arith.addi %add3A_513, %mul3A_512 : i32
      %swap3A_515 = arith.index_cast %add3A_514 : i32 to index
      %swap3A_516 = arith.constant 96 : index
      %swap3A_517 = tpu.vector_load %arg9[%swap3A_515, %swap3A_516] {strides = array<i32>} : memref<128x128xf32, #tpu.memory_space<vmem>>, vector<1x16xf32>,
      %swap3A_518 = vector.shape_cast %swap3A_517 : vector<1x16xf32> to vector<16xf32>
      %swap3A_519 = vector.shape_cast %broadcast_in_dim3A_1 : vector<16xf32> to vector<1x16xf32>
      tpu.vector_store %arg9[%swap3A_515, %swap3A_516], %swap3A_519 {strides = array<i32>} : memref<128x128xf32, #tpu.memory_space<vmem>>, vector<1x16xf32>,
      %scan3A_520 = arith.constant 6 : i32
      %scan3A_521 = arith.addi %scan3A_455, %scan3A_520 : i32
      %mul3A_522 = arith.constant 1 : i32
      %mul3A_523 = arith.muli %scan3A_521, %mul3A_522 : i32
      %add3A_524 = arith.constant 0 : i32
      %add3A_525 = arith.addi %add3A_524, %mul3A_523 : i32
      %swap3A_526 = arith.index_cast %add3A_525 : i32 to index
      %swap3A_527 = arith.constant 96 : index
      %swap3A_528 = tpu.vector_load %arg9[%swap3A_526, %swap3A_527] {strides = array<i32>} : memref<128x128xf32, #tpu.memory_space<vmem>>, vector<1x16xf32>,
      %swap3A_529 = vector.shape_cast %swap3A_528 : vector<1x16xf32> to vector<16xf32>
      %swap3A_530 = vector.shape_cast %broadcast_in_dim3A_1 : vector<16xf32> to vector<1x16xf32>
      tpu.vector_store %arg9[%swap3A_526, %swap3A_527], %swap3A_530 {strides = array<i32>} : memref<128x128xf32, #tpu.memory_space<vmem>>, vector<1x16xf32>,
      %scan3A_531 = arith.constant 7 : i32
      %scan3A_532 = arith.addi %scan3A_455, %scan3A_531 : i32
      %mul3A_533 = arith.constant 1 : i32
      %mul3A_534 = arith.muli %scan3A_532, %mul3A_533 : i32
      %add3A_535 = arith.constant 0 : i32
      %add3A_536 = arith.addi %add3A_535, %mul3A_534 : i32
      %swap3A_537 = arith.index_cast %add3A_536 : i32 to index
      %swap3A_538 = arith.constant 96 : index
      %swap3A_539 = tpu.vector_load %arg9[%swap3A_537, %swap3A_538] {strides = array<i32>} : memref<128x128xf32, #tpu.memory_space<vmem>>, vector<1x16xf32>,
      %swap3A_540 = vector.shape_cast %swap3A_539 : vector<1x16xf32> to vector<16xf32>
      %swap3A_541 = vector.shape_cast %broadcast_in_dim3A_1 : vector<16xf32> to vector<1x16xf32>
      tpu.vector_store %arg9[%swap3A_537, %swap3A_538], %swap3A_541 {strides = array<i32>} : memref<128x128xf32, #tpu.memory_space<vmem>>, vector<1x16xf32>,
    }
    %scan3A_35 = arith.constant 128 : i32
    %scan3A_36 = arith.constant 0 : i32
    %scan3A_37 = arith.constant 128 : i32
    %scan3A_38 = arith.addi %scan3A_36, %scan3A_37 : i32
    %scan3A_39 = arith.constant 8 : i32
    scf.for %scan3A_455 = %scan3A_36 to %scan3A_38 step %scan3A_39  : i32 {
      %mul3A_456 = arith.constant 1 : i32
      %mul3A_457 = arith.muli %scan3A_455, %mul3A_456 : i32
      %add3A_458 = arith.constant 0 : i32
      %add3A_459 = arith.addi %add3A_458, %mul3A_457 : i32
      %swap3A_460 = arith.index_cast %add3A_459 : i32 to index
      %swap3A_461 = arith.constant 112 : index
      %swap3A_462 = tpu.vector_load %arg9[%swap3A_460, %swap3A_461] {strides = array<i32>} : memref<128x128xf32, #tpu.memory_space<vmem>>, vector<1x16xf32>,
      %swap3A_463 = vector.shape_cast %swap3A_462 : vector<1x16xf32> to vector<16xf32>
      %swap3A_464 = vector.shape_cast %broadcast_in_dim3A_1 : vector<16xf32> to vector<1x16xf32>
      tpu.vector_store %arg9[%swap3A_460, %swap3A_461], %swap3A_464 {strides = array<i32>} : memref<128x128xf32, #tpu.memory_space<vmem>>, vector<1x16xf32>,
      %scan3A_465 = arith.constant 1 : i32
      %scan3A_466 = arith.addi %scan3A_455, %scan3A_465 : i32
      %mul3A_467 = arith.constant 1 : i32
      %mul3A_468 = arith.muli %scan3A_466, %mul3A_467 : i32
      %add3A_469 = arith.constant 0 : i32
      %add3A_470 = arith.addi %add3A_469, %mul3A_468 : i32
      %swap3A_471 = arith.index_cast %add3A_470 : i32 to index
      %swap3A_472 = arith.constant 112 : index
      %swap3A_473 = tpu.vector_load %arg9[%swap3A_471, %swap3A_472] {strides = array<i32>} : memref<128x128xf32, #tpu.memory_space<vmem>>, vector<1x16xf32>,
      %swap3A_474 = vector.shape_cast %swap3A_473 : vector<1x16xf32> to vector<16xf32>
      %swap3A_475 = vector.shape_cast %broadcast_in_dim3A_1 : vector<16xf32> to vector<1x16xf32>
      tpu.vector_store %arg9[%swap3A_471, %swap3A_472], %swap3A_475 {strides = array<i32>} : memref<128x128xf32, #tpu.memory_space<vmem>>, vector<1x16xf32>,
      %scan3A_476 = arith.constant 2 : i32
      %scan3A_477 = arith.addi %scan3A_455, %scan3A_476 : i32
      %mul3A_478 = arith.constant 1 : i32
      %mul3A_479 = arith.muli %scan3A_477, %mul3A_478 : i32
      %add3A_480 = arith.constant 0 : i32
      %add3A_481 = arith.addi %add3A_480, %mul3A_479 : i32
      %swap3A_482 = arith.index_cast %add3A_481 : i32 to index
      %swap3A_483 = arith.constant 112 : index
      %swap3A_484 = tpu.vector_load %arg9[%swap3A_482, %swap3A_483] {strides = array<i32>} : memref<128x128xf32, #tpu.memory_space<vmem>>, vector<1x16xf32>,
      %swap3A_485 = vector.shape_cast %swap3A_484 : vector<1x16xf32> to vector<16xf32>
      %swap3A_486 = vector.shape_cast %broadcast_in_dim3A_1 : vector<16xf32> to vector<1x16xf32>
      tpu.vector_store %arg9[%swap3A_482, %swap3A_483], %swap3A_486 {strides = array<i32>} : memref<128x128xf32, #tpu.memory_space<vmem>>, vector<1x16xf32>,
      %scan3A_487 = arith.constant 3 : i32
      %scan3A_488 = arith.addi %scan3A_455, %scan3A_487 : i32
      %mul3A_489 = arith.constant 1 : i32
      %mul3A_490 = arith.muli %scan3A_488, %mul3A_489 : i32
      %add3A_491 = arith.constant 0 : i32
      %add3A_492 = arith.addi %add3A_491, %mul3A_490 : i32
      %swap3A_493 = arith.index_cast %add3A_492 : i32 to index
      %swap3A_494 = arith.constant 112 : index
      %swap3A_495 = tpu.vector_load %arg9[%swap3A_493, %swap3A_494] {strides = array<i32>} : memref<128x128xf32, #tpu.memory_space<vmem>>, vector<1x16xf32>,
      %swap3A_496 = vector.shape_cast %swap3A_495 : vector<1x16xf32> to vector<16xf32>
      %swap3A_497 = vector.shape_cast %broadcast_in_dim3A_1 : vector<16xf32> to vector<1x16xf32>
      tpu.vector_store %arg9[%swap3A_493, %swap3A_494], %swap3A_497 {strides = array<i32>} : memref<128x128xf32, #tpu.memory_space<vmem>>, vector<1x16xf32>,
      %scan3A_498 = arith.constant 4 : i32
      %scan3A_499 = arith.addi %scan3A_455, %scan3A_498 : i32
      %mul3A_500 = arith.constant 1 : i32
      %mul3A_501 = arith.muli %scan3A_499, %mul3A_500 : i32
      %add3A_502 = arith.constant 0 : i32
      %add3A_503 = arith.addi %add3A_502, %mul3A_501 : i32
      %swap3A_504 = arith.index_cast %add3A_503 : i32 to index
      %swap3A_505 = arith.constant 112 : index
      %swap3A_506 = tpu.vector_load %arg9[%swap3A_504, %swap3A_505] {strides = array<i32>} : memref<128x128xf32, #tpu.memory_space<vmem>>, vector<1x16xf32>,
      %swap3A_507 = vector.shape_cast %swap3A_506 : vector<1x16xf32> to vector<16xf32>
      %swap3A_508 = vector.shape_cast %broadcast_in_dim3A_1 : vector<16xf32> to vector<1x16xf32>
      tpu.vector_store %arg9[%swap3A_504, %swap3A_505], %swap3A_508 {strides = array<i32>} : memref<128x128xf32, #tpu.memory_space<vmem>>, vector<1x16xf32>,
      %scan3A_509 = arith.constant 5 : i32
      %scan3A_510 = arith.addi %scan3A_455, %scan3A_509 : i32
      %mul3A_511 = arith.constant 1 : i32
      %mul3A_512 = arith.muli %scan3A_510, %mul3A_511 : i32
      %add3A_513 = arith.constant 0 : i32
      %add3A_514 = arith.addi %add3A_513, %mul3A_512 : i32
      %swap3A_515 = arith.index_cast %add3A_514 : i32 to index
      %swap3A_516 = arith.constant 112 : index
      %swap3A_517 = tpu.vector_load %arg9[%swap3A_515, %swap3A_516] {strides = array<i32>} : memref<128x128xf32, #tpu.memory_space<vmem>>, vector<1x16xf32>,
      %swap3A_518 = vector.shape_cast %swap3A_517 : vector<1x16xf32> to vector<16xf32>
      %swap3A_519 = vector.shape_cast %broadcast_in_dim3A_1 : vector<16xf32> to vector<1x16xf32>
      tpu.vector_store %arg9[%swap3A_515, %swap3A_516], %swap3A_519 {strides = array<i32>} : memref<128x128xf32, #tpu.memory_space<vmem>>, vector<1x16xf32>,
      %scan3A_520 = arith.constant 6 : i32
      %scan3A_521 = arith.addi %scan3A_455, %scan3A_520 : i32
      %mul3A_522 = arith.constant 1 : i32
      %mul3A_523 = arith.muli %scan3A_521, %mul3A_522 : i32
      %add3A_524 = arith.constant 0 : i32
      %add3A_525 = arith.addi %add3A_524, %mul3A_523 : i32
      %swap3A_526 = arith.index_cast %add3A_525 : i32 to index
      %swap3A_527 = arith.constant 112 : index
      %swap3A_528 = tpu.vector_load %arg9[%swap3A_526, %swap3A_527] {strides = array<i32>} : memref<128x128xf32, #tpu.memory_space<vmem>>, vector<1x16xf32>,
      %swap3A_529 = vector.shape_cast %swap3A_528 : vector<1x16xf32> to vector<16xf32>
      %swap3A_530 = vector.shape_cast %broadcast_in_dim3A_1 : vector<16xf32> to vector<1x16xf32>
      tpu.vector_store %arg9[%swap3A_526, %swap3A_527], %swap3A_530 {strides = array<i32>} : memref<128x128xf32, #tpu.memory_space<vmem>>, vector<1x16xf32>,
      %scan3A_531 = arith.constant 7 : i32
      %scan3A_532 = arith.addi %scan3A_455, %scan3A_531 : i32
      %mul3A_533 = arith.constant 1 : i32
      %mul3A_534 = arith.muli %scan3A_532, %mul3A_533 : i32
      %add3A_535 = arith.constant 0 : i32
      %add3A_536 = arith.addi %add3A_535, %mul3A_534 : i32
      %swap3A_537 = arith.index_cast %add3A_536 : i32 to index
      %swap3A_538 = arith.constant 112 : index
      %swap3A_539 = tpu.vector_load %arg9[%swap3A_537, %swap3A_538] {strides = array<i32>} : memref<128x128xf32, #tpu.memory_space<vmem>>, vector<1x16xf32>,
      %swap3A_540 = vector.shape_cast %swap3A_539 : vector<1x16xf32> to vector<16xf32>
      %swap3A_541 = vector.shape_cast %broadcast_in_dim3A_1 : vector<16xf32> to vector<1x16xf32>
      tpu.vector_store %arg9[%swap3A_537, %swap3A_538], %swap3A_541 {strides = array<i32>} : memref<128x128xf32, #tpu.memory_space<vmem>>, vector<1x16xf32>,
    }
    %scan3A_40 = arith.constant 128 : i32
    %broadcast_in_dim3A_41 = arith.constant 1.000000e+00 : f32
    %broadcast_in_dim3A_42 = vector.broadcast %broadcast_in_dim3A_41 : f32 to vector<16xf32>
    %swap3A = arith.constant 0 : index
    %swap3A_43 = tpu.vector_load %arg11[%swap3A] {strides = array<i32>} : memref<128xf32, #tpu.memory_space<vmem>>, vector<16xf32>,
    %swap3A_44 = vector.shape_cast %swap3A_43 : vector<16xf32> to vector<16xf32>
    %swap3A_45 = vector.shape_cast %broadcast_in_dim3A_42 : vector<16xf32> to vector<16xf32>
    tpu.vector_store %arg11[%swap3A], %swap3A_45 {strides = array<i32>} : memref<128xf32, #tpu.memory_space<vmem>>, vector<16xf32>,
    %broadcast_in_dim3A_46 = arith.constant 1.000000e+00 : f32
    %broadcast_in_dim3A_47 = vector.broadcast %broadcast_in_dim3A_46 : f32 to vector<16xf32>
    %swap3A_48 = arith.constant 16 : index
    %swap3A_49 = tpu.vector_load %arg11[%swap3A_48] {strides = array<i32>} : memref<128xf32, #tpu.memory_space<vmem>>, vector<16xf32>,
    %swap3A_50 = vector.shape_cast %swap3A_49 : vector<16xf32> to vector<16xf32>
    %swap3A_51 = vector.shape_cast %broadcast_in_dim3A_47 : vector<16xf32> to vector<16xf32>
    tpu.vector_store %arg11[%swap3A_48], %swap3A_51 {strides = array<i32>} : memref<128xf32, #tpu.memory_space<vmem>>, vector<16xf32>,
    %broadcast_in_dim3A_52 = arith.constant 1.000000e+00 : f32
    %broadcast_in_dim3A_53 = vector.broadcast %broadcast_in_dim3A_52 : f32 to vector<16xf32>
    %swap3A_54 = arith.constant 32 : index
    %swap3A_55 = tpu.vector_load %arg11[%swap3A_54] {strides = array<i32>} : memref<128xf32, #tpu.memory_space<vmem>>, vector<16xf32>,
    %swap3A_56 = vector.shape_cast %swap3A_55 : vector<16xf32> to vector<16xf32>
    %swap3A_57 = vector.shape_cast %broadcast_in_dim3A_53 : vector<16xf32> to vector<16xf32>
    tpu.vector_store %arg11[%swap3A_54], %swap3A_57 {strides = array<i32>} : memref<128xf32, #tpu.memory_space<vmem>>, vector<16xf32>,
    %broadcast_in_dim3A_58 = arith.constant 1.000000e+00 : f32
    %broadcast_in_dim3A_59 = vector.broadcast %broadcast_in_dim3A_58 : f32 to vector<16xf32>
    %swap3A_60 = arith.constant 48 : index
    %swap3A_61 = tpu.vector_load %arg11[%swap3A_60] {strides = array<i32>} : memref<128xf32, #tpu.memory_space<vmem>>, vector<16xf32>,
    %swap3A_62 = vector.shape_cast %swap3A_61 : vector<16xf32> to vector<16xf32>
    %swap3A_63 = vector.shape_cast %broadcast_in_dim3A_59 : vector<16xf32> to vector<16xf32>
    tpu.vector_store %arg11[%swap3A_60], %swap3A_63 {strides = array<i32>} : memref<128xf32, #tpu.memory_space<vmem>>, vector<16xf32>,
    %broadcast_in_dim3A_64 = arith.constant 1.000000e+00 : f32
    %broadcast_in_dim3A_65 = vector.broadcast %broadcast_in_dim3A_64 : f32 to vector<16xf32>
    %swap3A_66 = arith.constant 64 : index
    %swap3A_67 = tpu.vector_load %arg11[%swap3A_66] {strides = array<i32>} : memref<128xf32, #tpu.memory_space<vmem>>, vector<16xf32>,
    %swap3A_68 = vector.shape_cast %swap3A_67 : vector<16xf32> to vector<16xf32>
    %swap3A_69 = vector.shape_cast %broadcast_in_dim3A_65 : vector<16xf32> to vector<16xf32>
    tpu.vector_store %arg11[%swap3A_66], %swap3A_69 {strides = array<i32>} : memref<128xf32, #tpu.memory_space<vmem>>, vector<16xf32>,
    %broadcast_in_dim3A_70 = arith.constant 1.000000e+00 : f32
    %broadcast_in_dim3A_71 = vector.broadcast %broadcast_in_dim3A_70 : f32 to vector<16xf32>
    %swap3A_72 = arith.constant 80 : index
    %swap3A_73 = tpu.vector_load %arg11[%swap3A_72] {strides = array<i32>} : memref<128xf32, #tpu.memory_space<vmem>>, vector<16xf32>,
    %swap3A_74 = vector.shape_cast %swap3A_73 : vector<16xf32> to vector<16xf32>
    %swap3A_75 = vector.shape_cast %broadcast_in_dim3A_71 : vector<16xf32> to vector<16xf32>
    tpu.vector_store %arg11[%swap3A_72], %swap3A_75 {strides = array<i32>} : memref<128xf32, #tpu.memory_space<vmem>>, vector<16xf32>,
    %broadcast_in_dim3A_76 = arith.constant 1.000000e+00 : f32
    %broadcast_in_dim3A_77 = vector.broadcast %broadcast_in_dim3A_76 : f32 to vector<16xf32>
    %swap3A_78 = arith.constant 96 : index
    %swap3A_79 = tpu.vector_load %arg11[%swap3A_78] {strides = array<i32>} : memref<128xf32, #tpu.memory_space<vmem>>, vector<16xf32>,
    %swap3A_80 = vector.shape_cast %swap3A_79 : vector<16xf32> to vector<16xf32>
    %swap3A_81 = vector.shape_cast %broadcast_in_dim3A_77 : vector<16xf32> to vector<16xf32>
    tpu.vector_store %arg11[%swap3A_78], %swap3A_81 {strides = array<i32>} : memref<128xf32, #tpu.memory_space<vmem>>, vector<16xf32>,
    %broadcast_in_dim3A_82 = arith.constant 1.000000e+00 : f32
    %broadcast_in_dim3A_83 = vector.broadcast %broadcast_in_dim3A_82 : f32 to vector<16xf32>
    %swap3A_84 = arith.constant 112 : index
    %swap3A_85 = tpu.vector_load %arg11[%swap3A_84] {strides = array<i32>} : memref<128xf32, #tpu.memory_space<vmem>>, vector<16xf32>,
    %swap3A_86 = vector.shape_cast %swap3A_85 : vector<16xf32> to vector<16xf32>
    %swap3A_87 = vector.shape_cast %broadcast_in_dim3A_83 : vector<16xf32> to vector<16xf32>
    tpu.vector_store %arg11[%swap3A_84], %swap3A_87 {strides = array<i32>} : memref<128xf32, #tpu.memory_space<vmem>>, vector<16xf32>,
    %swap3A_88 = arith.constant 0 : index
    %swap3A_89 = tpu.vector_load %arg12[%swap3A_88] {strides = array<i32>} : memref<640xf32, #tpu.memory_space<vmem>>, vector<16xf32>,
    %swap3A_90 = vector.shape_cast %swap3A_89 : vector<16xf32> to vector<16xf32>
    %swap3A_91 = vector.shape_cast %broadcast_in_dim3A_1 : vector<16xf32> to vector<16xf32>
    tpu.vector_store %arg12[%swap3A_88], %swap3A_91 {strides = array<i32>} : memref<640xf32, #tpu.memory_space<vmem>>, vector<16xf32>,
    %swap3A_92 = arith.constant 16 : index
    %swap3A_93 = tpu.vector_load %arg12[%swap3A_92] {strides = array<i32>} : memref<640xf32, #tpu.memory_space<vmem>>, vector<16xf32>,
    %swap3A_94 = vector.shape_cast %swap3A_93 : vector<16xf32> to vector<16xf32>
    %swap3A_95 = vector.shape_cast %broadcast_in_dim3A_1 : vector<16xf32> to vector<16xf32>
    tpu.vector_store %arg12[%swap3A_92], %swap3A_95 {strides = array<i32>} : memref<640xf32, #tpu.memory_space<vmem>>, vector<16xf32>,
    %swap3A_96 = arith.constant 32 : index
    %swap3A_97 = tpu.vector_load %arg12[%swap3A_96] {strides = array<i32>} : memref<640xf32, #tpu.memory_space<vmem>>, vector<16xf32>,
    %swap3A_98 = vector.shape_cast %swap3A_97 : vector<16xf32> to vector<16xf32>
    %swap3A_99 = vector.shape_cast %broadcast_in_dim3A_1 : vector<16xf32> to vector<16xf32>
    tpu.vector_store %arg12[%swap3A_96], %swap3A_99 {strides = array<i32>} : memref<640xf32, #tpu.memory_space<vmem>>, vector<16xf32>,
    %swap3A_100 = arith.constant 48 : index
    %swap3A_101 = tpu.vector_load %arg12[%swap3A_100] {strides = array<i32>} : memref<640xf32, #tpu.memory_space<vmem>>, vector<16xf32>,
    %swap3A_102 = vector.shape_cast %swap3A_101 : vector<16xf32> to vector<16xf32>
    %swap3A_103 = vector.shape_cast %broadcast_in_dim3A_1 : vector<16xf32> to vector<16xf32>
    tpu.vector_store %arg12[%swap3A_100], %swap3A_103 {strides = array<i32>} : memref<640xf32, #tpu.memory_space<vmem>>, vector<16xf32>,
    %swap3A_104 = arith.constant 64 : index
    %swap3A_105 = tpu.vector_load %arg12[%swap3A_104] {strides = array<i32>} : memref<640xf32, #tpu.memory_space<vmem>>, vector<16xf32>,
    %swap3A_106 = vector.shape_cast %swap3A_105 : vector<16xf32> to vector<16xf32>
    %swap3A_107 = vector.shape_cast %broadcast_in_dim3A_1 : vector<16xf32> to vector<16xf32>
    tpu.vector_store %arg12[%swap3A_104], %swap3A_107 {strides = array<i32>} : memref<640xf32, #tpu.memory_space<vmem>>, vector<16xf32>,
    %swap3A_108 = arith.constant 80 : index
    %swap3A_109 = tpu.vector_load %arg12[%swap3A_108] {strides = array<i32>} : memref<640xf32, #tpu.memory_space<vmem>>, vector<16xf32>,
    %swap3A_110 = vector.shape_cast %swap3A_109 : vector<16xf32> to vector<16xf32>
    %swap3A_111 = vector.shape_cast %broadcast_in_dim3A_1 : vector<16xf32> to vector<16xf32>
    tpu.vector_store %arg12[%swap3A_108], %swap3A_111 {strides = array<i32>} : memref<640xf32, #tpu.memory_space<vmem>>, vector<16xf32>,
    %swap3A_112 = arith.constant 96 : index
    %swap3A_113 = tpu.vector_load %arg12[%swap3A_112] {strides = array<i32>} : memref<640xf32, #tpu.memory_space<vmem>>, vector<16xf32>,
    %swap3A_114 = vector.shape_cast %swap3A_113 : vector<16xf32> to vector<16xf32>
    %swap3A_115 = vector.shape_cast %broadcast_in_dim3A_1 : vector<16xf32> to vector<16xf32>
    tpu.vector_store %arg12[%swap3A_112], %swap3A_115 {strides = array<i32>} : memref<640xf32, #tpu.memory_space<vmem>>, vector<16xf32>,
    %swap3A_116 = arith.constant 112 : index
    %swap3A_117 = tpu.vector_load %arg12[%swap3A_116] {strides = array<i32>} : memref<640xf32, #tpu.memory_space<vmem>>, vector<16xf32>,
    %swap3A_118 = vector.shape_cast %swap3A_117 : vector<16xf32> to vector<16xf32>
    %swap3A_119 = vector.shape_cast %broadcast_in_dim3A_1 : vector<16xf32> to vector<16xf32>
    tpu.vector_store %arg12[%swap3A_116], %swap3A_119 {strides = array<i32>} : memref<640xf32, #tpu.memory_space<vmem>>, vector<16xf32>,
    %swap3A_120 = arith.constant 128 : index
    %swap3A_121 = tpu.vector_load %arg12[%swap3A_120] {strides = array<i32>} : memref<640xf32, #tpu.memory_space<vmem>>, vector<16xf32>,
    %swap3A_122 = vector.shape_cast %swap3A_121 : vector<16xf32> to vector<16xf32>
    %swap3A_123 = vector.shape_cast %broadcast_in_dim3A_1 : vector<16xf32> to vector<16xf32>
    tpu.vector_store %arg12[%swap3A_120], %swap3A_123 {strides = array<i32>} : memref<640xf32, #tpu.memory_space<vmem>>, vector<16xf32>,
    %swap3A_124 = arith.constant 144 : index
    %swap3A_125 = tpu.vector_load %arg12[%swap3A_124] {strides = array<i32>} : memref<640xf32, #tpu.memory_space<vmem>>, vector<16xf32>,
    %swap3A_126 = vector.shape_cast %swap3A_125 : vector<16xf32> to vector<16xf32>
    %swap3A_127 = vector.shape_cast %broadcast_in_dim3A_1 : vector<16xf32> to vector<16xf32>
    tpu.vector_store %arg12[%swap3A_124], %swap3A_127 {strides = array<i32>} : memref<640xf32, #tpu.memory_space<vmem>>, vector<16xf32>,
    %swap3A_128 = arith.constant 160 : index
    %swap3A_129 = tpu.vector_load %arg12[%swap3A_128] {strides = array<i32>} : memref<640xf32, #tpu.memory_space<vmem>>, vector<16xf32>,
    %swap3A_130 = vector.shape_cast %swap3A_129 : vector<16xf32> to vector<16xf32>
    %swap3A_131 = vector.shape_cast %broadcast_in_dim3A_1 : vector<16xf32> to vector<16xf32>
    tpu.vector_store %arg12[%swap3A_128], %swap3A_131 {strides = array<i32>} : memref<640xf32, #tpu.memory_space<vmem>>, vector<16xf32>,
    %swap3A_132 = arith.constant 176 : index
    %swap3A_133 = tpu.vector_load %arg12[%swap3A_132] {strides = array<i32>} : memref<640xf32, #tpu.memory_space<vmem>>, vector<16xf32>,
    %swap3A_134 = vector.shape_cast %swap3A_133 : vector<16xf32> to vector<16xf32>
    %swap3A_135 = vector.shape_cast %broadcast_in_dim3A_1 : vector<16xf32> to vector<16xf32>
    tpu.vector_store %arg12[%swap3A_132], %swap3A_135 {strides = array<i32>} : memref<640xf32, #tpu.memory_space<vmem>>, vector<16xf32>,
    %swap3A_136 = arith.constant 192 : index
    %swap3A_137 = tpu.vector_load %arg12[%swap3A_136] {strides = array<i32>} : memref<640xf32, #tpu.memory_space<vmem>>, vector<16xf32>,
    %swap3A_138 = vector.shape_cast %swap3A_137 : vector<16xf32> to vector<16xf32>
    %swap3A_139 = vector.shape_cast %broadcast_in_dim3A_1 : vector<16xf32> to vector<16xf32>
    tpu.vector_store %arg12[%swap3A_136], %swap3A_139 {strides = array<i32>} : memref<640xf32, #tpu.memory_space<vmem>>, vector<16xf32>,
    %swap3A_140 = arith.constant 208 : index
    %swap3A_141 = tpu.vector_load %arg12[%swap3A_140] {strides = array<i32>} : memref<640xf32, #tpu.memory_space<vmem>>, vector<16xf32>,
    %swap3A_142 = vector.shape_cast %swap3A_141 : vector<16xf32> to vector<16xf32>
    %swap3A_143 = vector.shape_cast %broadcast_in_dim3A_1 : vector<16xf32> to vector<16xf32>
    tpu.vector_store %arg12[%swap3A_140], %swap3A_143 {strides = array<i32>} : memref<640xf32, #tpu.memory_space<vmem>>, vector<16xf32>,
    %swap3A_144 = arith.constant 224 : index
    %swap3A_145 = tpu.vector_load %arg12[%swap3A_144] {strides = array<i32>} : memref<640xf32, #tpu.memory_space<vmem>>, vector<16xf32>,
    %swap3A_146 = vector.shape_cast %swap3A_145 : vector<16xf32> to vector<16xf32>
    %swap3A_147 = vector.shape_cast %broadcast_in_dim3A_1 : vector<16xf32> to vector<16xf32>
    tpu.vector_store %arg12[%swap3A_144], %swap3A_147 {strides = array<i32>} : memref<640xf32, #tpu.memory_space<vmem>>, vector<16xf32>,
    %swap3A_148 = arith.constant 240 : index
    %swap3A_149 = tpu.vector_load %arg12[%swap3A_148] {strides = array<i32>} : memref<640xf32, #tpu.memory_space<vmem>>, vector<16xf32>,
    %swap3A_150 = vector.shape_cast %swap3A_149 : vector<16xf32> to vector<16xf32>
    %swap3A_151 = vector.shape_cast %broadcast_in_dim3A_1 : vector<16xf32> to vector<16xf32>
    tpu.vector_store %arg12[%swap3A_148], %swap3A_151 {strides = array<i32>} : memref<640xf32, #tpu.memory_space<vmem>>, vector<16xf32>,
    %swap3A_152 = arith.constant 256 : index
    %swap3A_153 = tpu.vector_load %arg12[%swap3A_152] {strides = array<i32>} : memref<640xf32, #tpu.memory_space<vmem>>, vector<16xf32>,
    %swap3A_154 = vector.shape_cast %swap3A_153 : vector<16xf32> to vector<16xf32>
    %swap3A_155 = vector.shape_cast %broadcast_in_dim3A_1 : vector<16xf32> to vector<16xf32>
    tpu.vector_store %arg12[%swap3A_152], %swap3A_155 {strides = array<i32>} : memref<640xf32, #tpu.memory_space<vmem>>, vector<16xf32>,
    %swap3A_156 = arith.constant 272 : index
    %swap3A_157 = tpu.vector_load %arg12[%swap3A_156] {strides = array<i32>} : memref<640xf32, #tpu.memory_space<vmem>>, vector<16xf32>,
    %swap3A_158 = vector.shape_cast %swap3A_157 : vector<16xf32> to vector<16xf32>
    %swap3A_159 = vector.shape_cast %broadcast_in_dim3A_1 : vector<16xf32> to vector<16xf32>
    tpu.vector_store %arg12[%swap3A_156], %swap3A_159 {strides = array<i32>} : memref<640xf32, #tpu.memory_space<vmem>>, vector<16xf32>,
    %swap3A_160 = arith.constant 288 : index
    %swap3A_161 = tpu.vector_load %arg12[%swap3A_160] {strides = array<i32>} : memref<640xf32, #tpu.memory_space<vmem>>, vector<16xf32>,
    %swap3A_162 = vector.shape_cast %swap3A_161 : vector<16xf32> to vector<16xf32>
    %swap3A_163 = vector.shape_cast %broadcast_in_dim3A_1 : vector<16xf32> to vector<16xf32>
    tpu.vector_store %arg12[%swap3A_160], %swap3A_163 {strides = array<i32>} : memref<640xf32, #tpu.memory_space<vmem>>, vector<16xf32>,
    %swap3A_164 = arith.constant 304 : index
    %swap3A_165 = tpu.vector_load %arg12[%swap3A_164] {strides = array<i32>} : memref<640xf32, #tpu.memory_space<vmem>>, vector<16xf32>,
    %swap3A_166 = vector.shape_cast %swap3A_165 : vector<16xf32> to vector<16xf32>
    %swap3A_167 = vector.shape_cast %broadcast_in_dim3A_1 : vector<16xf32> to vector<16xf32>
    tpu.vector_store %arg12[%swap3A_164], %swap3A_167 {strides = array<i32>} : memref<640xf32, #tpu.memory_space<vmem>>, vector<16xf32>,
    %swap3A_168 = arith.constant 320 : index
    %swap3A_169 = tpu.vector_load %arg12[%swap3A_168] {strides = array<i32>} : memref<640xf32, #tpu.memory_space<vmem>>, vector<16xf32>,
    %swap3A_170 = vector.shape_cast %swap3A_169 : vector<16xf32> to vector<16xf32>
    %swap3A_171 = vector.shape_cast %broadcast_in_dim3A_1 : vector<16xf32> to vector<16xf32>
    tpu.vector_store %arg12[%swap3A_168], %swap3A_171 {strides = array<i32>} : memref<640xf32, #tpu.memory_space<vmem>>, vector<16xf32>,
    %swap3A_172 = arith.constant 336 : index
    %swap3A_173 = tpu.vector_load %arg12[%swap3A_172] {strides = array<i32>} : memref<640xf32, #tpu.memory_space<vmem>>, vector<16xf32>,
    %swap3A_174 = vector.shape_cast %swap3A_173 : vector<16xf32> to vector<16xf32>
    %swap3A_175 = vector.shape_cast %broadcast_in_dim3A_1 : vector<16xf32> to vector<16xf32>
    tpu.vector_store %arg12[%swap3A_172], %swap3A_175 {strides = array<i32>} : memref<640xf32, #tpu.memory_space<vmem>>, vector<16xf32>,
    %swap3A_176 = arith.constant 352 : index
    %swap3A_177 = tpu.vector_load %arg12[%swap3A_176] {strides = array<i32>} : memref<640xf32, #tpu.memory_space<vmem>>, vector<16xf32>,
    %swap3A_178 = vector.shape_cast %swap3A_177 : vector<16xf32> to vector<16xf32>
    %swap3A_179 = vector.shape_cast %broadcast_in_dim3A_1 : vector<16xf32> to vector<16xf32>
    tpu.vector_store %arg12[%swap3A_176], %swap3A_179 {strides = array<i32>} : memref<640xf32, #tpu.memory_space<vmem>>, vector<16xf32>,
    %swap3A_180 = arith.constant 368 : index
    %swap3A_181 = tpu.vector_load %arg12[%swap3A_180] {strides = array<i32>} : memref<640xf32, #tpu.memory_space<vmem>>, vector<16xf32>,
    %swap3A_182 = vector.shape_cast %swap3A_181 : vector<16xf32> to vector<16xf32>
    %swap3A_183 = vector.shape_cast %broadcast_in_dim3A_1 : vector<16xf32> to vector<16xf32>
    tpu.vector_store %arg12[%swap3A_180], %swap3A_183 {strides = array<i32>} : memref<640xf32, #tpu.memory_space<vmem>>, vector<16xf32>,
    %swap3A_184 = arith.constant 384 : index
    %swap3A_185 = tpu.vector_load %arg12[%swap3A_184] {strides = array<i32>} : memref<640xf32, #tpu.memory_space<vmem>>, vector<16xf32>,
    %swap3A_186 = vector.shape_cast %swap3A_185 : vector<16xf32> to vector<16xf32>
    %swap3A_187 = vector.shape_cast %broadcast_in_dim3A_1 : vector<16xf32> to vector<16xf32>
    tpu.vector_store %arg12[%swap3A_184], %swap3A_187 {strides = array<i32>} : memref<640xf32, #tpu.memory_space<vmem>>, vector<16xf32>,
    %swap3A_188 = arith.constant 400 : index
    %swap3A_189 = tpu.vector_load %arg12[%swap3A_188] {strides = array<i32>} : memref<640xf32, #tpu.memory_space<vmem>>, vector<16xf32>,
    %swap3A_190 = vector.shape_cast %swap3A_189 : vector<16xf32> to vector<16xf32>
    %swap3A_191 = vector.shape_cast %broadcast_in_dim3A_1 : vector<16xf32> to vector<16xf32>
    tpu.vector_store %arg12[%swap3A_188], %swap3A_191 {strides = array<i32>} : memref<640xf32, #tpu.memory_space<vmem>>, vector<16xf32>,
    %swap3A_192 = arith.constant 416 : index
    %swap3A_193 = tpu.vector_load %arg12[%swap3A_192] {strides = array<i32>} : memref<640xf32, #tpu.memory_space<vmem>>, vector<16xf32>,
    %swap3A_194 = vector.shape_cast %swap3A_193 : vector<16xf32> to vector<16xf32>
    %swap3A_195 = vector.shape_cast %broadcast_in_dim3A_1 : vector<16xf32> to vector<16xf32>
    tpu.vector_store %arg12[%swap3A_192], %swap3A_195 {strides = array<i32>} : memref<640xf32, #tpu.memory_space<vmem>>, vector<16xf32>,
    %swap3A_196 = arith.constant 432 : index
    %swap3A_197 = tpu.vector_load %arg12[%swap3A_196] {strides = array<i32>} : memref<640xf32, #tpu.memory_space<vmem>>, vector<16xf32>,
    %swap3A_198 = vector.shape_cast %swap3A_197 : vector<16xf32> to vector<16xf32>
    %swap3A_199 = vector.shape_cast %broadcast_in_dim3A_1 : vector<16xf32> to vector<16xf32>
    tpu.vector_store %arg12[%swap3A_196], %swap3A_199 {strides = array<i32>} : memref<640xf32, #tpu.memory_space<vmem>>, vector<16xf32>,
    %swap3A_200 = arith.constant 448 : index
    %swap3A_201 = tpu.vector_load %arg12[%swap3A_200] {strides = array<i32>} : memref<640xf32, #tpu.memory_space<vmem>>, vector<16xf32>,
    %swap3A_202 = vector.shape_cast %swap3A_201 : vector<16xf32> to vector<16xf32>
    %swap3A_203 = vector.shape_cast %broadcast_in_dim3A_1 : vector<16xf32> to vector<16xf32>
    tpu.vector_store %arg12[%swap3A_200], %swap3A_203 {strides = array<i32>} : memref<640xf32, #tpu.memory_space<vmem>>, vector<16xf32>,
    %swap3A_204 = arith.constant 464 : index
    %swap3A_205 = tpu.vector_load %arg12[%swap3A_204] {strides = array<i32>} : memref<640xf32, #tpu.memory_space<vmem>>, vector<16xf32>,
    %swap3A_206 = vector.shape_cast %swap3A_205 : vector<16xf32> to vector<16xf32>
    %swap3A_207 = vector.shape_cast %broadcast_in_dim3A_1 : vector<16xf32> to vector<16xf32>
    tpu.vector_store %arg12[%swap3A_204], %swap3A_207 {strides = array<i32>} : memref<640xf32, #tpu.memory_space<vmem>>, vector<16xf32>,
    %swap3A_208 = arith.constant 480 : index
    %swap3A_209 = tpu.vector_load %arg12[%swap3A_208] {strides = array<i32>} : memref<640xf32, #tpu.memory_space<vmem>>, vector<16xf32>,
    %swap3A_210 = vector.shape_cast %swap3A_209 : vector<16xf32> to vector<16xf32>
    %swap3A_211 = vector.shape_cast %broadcast_in_dim3A_1 : vector<16xf32> to vector<16xf32>
    tpu.vector_store %arg12[%swap3A_208], %swap3A_211 {strides = array<i32>} : memref<640xf32, #tpu.memory_space<vmem>>, vector<16xf32>,
    %swap3A_212 = arith.constant 496 : index
    %swap3A_213 = tpu.vector_load %arg12[%swap3A_212] {strides = array<i32>} : memref<640xf32, #tpu.memory_space<vmem>>, vector<16xf32>,
    %swap3A_214 = vector.shape_cast %swap3A_213 : vector<16xf32> to vector<16xf32>
    %swap3A_215 = vector.shape_cast %broadcast_in_dim3A_1 : vector<16xf32> to vector<16xf32>
    tpu.vector_store %arg12[%swap3A_212], %swap3A_215 {strides = array<i32>} : memref<640xf32, #tpu.memory_space<vmem>>, vector<16xf32>,
    %swap3A_216 = arith.constant 512 : index
    %swap3A_217 = tpu.vector_load %arg12[%swap3A_216] {strides = array<i32>} : memref<640xf32, #tpu.memory_space<vmem>>, vector<16xf32>,
    %swap3A_218 = vector.shape_cast %swap3A_217 : vector<16xf32> to vector<16xf32>
    %swap3A_219 = vector.shape_cast %broadcast_in_dim3A_1 : vector<16xf32> to vector<16xf32>
    tpu.vector_store %arg12[%swap3A_216], %swap3A_219 {strides = array<i32>} : memref<640xf32, #tpu.memory_space<vmem>>, vector<16xf32>,
    %swap3A_220 = arith.constant 528 : index
    %swap3A_221 = tpu.vector_load %arg12[%swap3A_220] {strides = array<i32>} : memref<640xf32, #tpu.memory_space<vmem>>, vector<16xf32>,
    %swap3A_222 = vector.shape_cast %swap3A_221 : vector<16xf32> to vector<16xf32>
    %swap3A_223 = vector.shape_cast %broadcast_in_dim3A_1 : vector<16xf32> to vector<16xf32>
    tpu.vector_store %arg12[%swap3A_220], %swap3A_223 {strides = array<i32>} : memref<640xf32, #tpu.memory_space<vmem>>, vector<16xf32>,
    %swap3A_224 = arith.constant 544 : index
    %swap3A_225 = tpu.vector_load %arg12[%swap3A_224] {strides = array<i32>} : memref<640xf32, #tpu.memory_space<vmem>>, vector<16xf32>,
    %swap3A_226 = vector.shape_cast %swap3A_225 : vector<16xf32> to vector<16xf32>
    %swap3A_227 = vector.shape_cast %broadcast_in_dim3A_1 : vector<16xf32> to vector<16xf32>
    tpu.vector_store %arg12[%swap3A_224], %swap3A_227 {strides = array<i32>} : memref<640xf32, #tpu.memory_space<vmem>>, vector<16xf32>,
    %swap3A_228 = arith.constant 560 : index
    %swap3A_229 = tpu.vector_load %arg12[%swap3A_228] {strides = array<i32>} : memref<640xf32, #tpu.memory_space<vmem>>, vector<16xf32>,
    %swap3A_230 = vector.shape_cast %swap3A_229 : vector<16xf32> to vector<16xf32>
    %swap3A_231 = vector.shape_cast %broadcast_in_dim3A_1 : vector<16xf32> to vector<16xf32>
    tpu.vector_store %arg12[%swap3A_228], %swap3A_231 {strides = array<i32>} : memref<640xf32, #tpu.memory_space<vmem>>, vector<16xf32>,
    %swap3A_232 = arith.constant 576 : index
    %swap3A_233 = tpu.vector_load %arg12[%swap3A_232] {strides = array<i32>} : memref<640xf32, #tpu.memory_space<vmem>>, vector<16xf32>,
    %swap3A_234 = vector.shape_cast %swap3A_233 : vector<16xf32> to vector<16xf32>
    %swap3A_235 = vector.shape_cast %broadcast_in_dim3A_1 : vector<16xf32> to vector<16xf32>
    tpu.vector_store %arg12[%swap3A_232], %swap3A_235 {strides = array<i32>} : memref<640xf32, #tpu.memory_space<vmem>>, vector<16xf32>,
    %swap3A_236 = arith.constant 592 : index
    %swap3A_237 = tpu.vector_load %arg12[%swap3A_236] {strides = array<i32>} : memref<640xf32, #tpu.memory_space<vmem>>, vector<16xf32>,
    %swap3A_238 = vector.shape_cast %swap3A_237 : vector<16xf32> to vector<16xf32>
    %swap3A_239 = vector.shape_cast %broadcast_in_dim3A_1 : vector<16xf32> to vector<16xf32>
    tpu.vector_store %arg12[%swap3A_236], %swap3A_239 {strides = array<i32>} : memref<640xf32, #tpu.memory_space<vmem>>, vector<16xf32>,
    %swap3A_240 = arith.constant 608 : index
    %swap3A_241 = tpu.vector_load %arg12[%swap3A_240] {strides = array<i32>} : memref<640xf32, #tpu.memory_space<vmem>>, vector<16xf32>,
    %swap3A_242 = vector.shape_cast %swap3A_241 : vector<16xf32> to vector<16xf32>
    %swap3A_243 = vector.shape_cast %broadcast_in_dim3A_1 : vector<16xf32> to vector<16xf32>
    tpu.vector_store %arg12[%swap3A_240], %swap3A_243 {strides = array<i32>} : memref<640xf32, #tpu.memory_space<vmem>>, vector<16xf32>,
    %swap3A_244 = arith.constant 624 : index
    %swap3A_245 = tpu.vector_load %arg12[%swap3A_244] {strides = array<i32>} : memref<640xf32, #tpu.memory_space<vmem>>, vector<16xf32>,
    %swap3A_246 = vector.shape_cast %swap3A_245 : vector<16xf32> to vector<16xf32>
    %swap3A_247 = vector.shape_cast %broadcast_in_dim3A_1 : vector<16xf32> to vector<16xf32>
    tpu.vector_store %arg12[%swap3A_244], %swap3A_247 {strides = array<i32>} : memref<640xf32, #tpu.memory_space<vmem>>, vector<16xf32>,
    %scan3A_248 = arith.constant 0 : i32
    %scan3A_249 = arith.constant 4 : i32
    %scan3A_250 = arith.addi %scan3A_248, %scan3A_249 : i32
    %scan3A_251 = arith.constant 1 : i32
    scf.for %scan3A_455 = %scan3A_248 to %scan3A_250 step %scan3A_251  : i32 {
      %mul3A_456 = arith.constant 1 : i32
      %mul3A_457 = arith.muli %scan3A_455, %mul3A_456 : i32
      %add3A_458 = arith.constant 0 : i32
      %add3A_459 = arith.addi %add3A_458, %mul3A_457 : i32
      %mul3A_460 = arith.constant 632 : i32
      %mul3A_461 = arith.muli %arg1, %mul3A_460 : i32
      %mul3A_462 = arith.constant 128 : i32
      %mul3A_463 = arith.muli %add3A_459, %mul3A_462 : i32
      %add3A_464 = arith.addi %mul3A_461, %mul3A_463 : i32
      "tpu.region"() ({
        %run_scoped3A = tpu.sem_alloc : memref<!tpu.dma_semaphore, #tpu.memory_space<semaphore_mem>>
        %dma_start3A_465 = arith.constant 0 : i32
        %dma_start3A_466 = tpu.memref_slice %arg13[%add3A_464, %dma_start3A_465] : memref<10112x128xf32, #tpu.memory_space<vmem_shared>> -> memref<128x128xf32, #tpu.memory_space<vmem_shared>>
        %dma_start3A_467 = arith.constant 0 : i32
        %dma_start3A_468 = tpu.memref_slice %arg13[%add3A_464, %dma_start3A_467] : memref<10112x128xf32, #tpu.memory_space<vmem_shared>> -> memref<128x128xf32, #tpu.memory_space<vmem_shared>>
        tpu.enqueue_dma source(%arg9 : memref<128x128xf32, #tpu.memory_space<vmem>>) target(%dma_start3A_468 : memref<128x128xf32, #tpu.memory_space<vmem_shared>>) target_semaphore(%run_scoped3A : memref<!tpu.dma_semaphore, #tpu.memory_space<semaphore_mem>>)
        %dma_wait3A_469 = arith.constant 0 : i32
        %dma_wait3A_470 = tpu.memref_slice %arg13[%add3A_464, %dma_wait3A_469] : memref<10112x128xf32, #tpu.memory_space<vmem_shared>> -> memref<128x128xf32, #tpu.memory_space<vmem_shared>>
        %dma_wait3A_471 = arith.constant 0 : i32
        %dma_wait3A_472 = tpu.memref_slice %arg13[%add3A_464, %dma_wait3A_471] : memref<10112x128xf32, #tpu.memory_space<vmem_shared>> -> memref<128x128xf32, #tpu.memory_space<vmem_shared>>
        tpu.wait_dma2 semaphore(%run_scoped3A : memref<!tpu.dma_semaphore, #tpu.memory_space<semaphore_mem>>) src(%arg9 : memref<128x128xf32, #tpu.memory_space<vmem>>) dst(%dma_wait3A_472 : memref<128x128xf32, #tpu.memory_space<vmem_shared>>)
        tpu.yield
      }) : () -> ()
    }
    %scan3A_252 = arith.constant 4 : i32
    %mul3A_253 = arith.constant 632 : i32
    %mul3A_254 = arith.muli %arg1, %mul3A_253 : i32
    %add3A_255 = arith.constant 512 : i32
    %add3A_256 = arith.addi %mul3A_254, %add3A_255 : i32
    "tpu.region"() ({
      %run_scoped3A = tpu.sem_alloc : memref<!tpu.dma_semaphore, #tpu.memory_space<semaphore_mem>>
      %dma_start3A_455 = arith.constant 0 : i32
      %dma_start3A_456 = arith.constant 0 : i32
      %dma_start3A_457 = tpu.memref_slice %arg9[%dma_start3A_455, %dma_start3A_456] : memref<128x128xf32, #tpu.memory_space<vmem>> -> memref<120x128xf32, #tpu.memory_space<vmem>>
      %dma_start3A_458 = arith.constant 0 : i32
      %dma_start3A_459 = tpu.memref_slice %arg13[%add3A_256, %dma_start3A_458] : memref<10112x128xf32, #tpu.memory_space<vmem_shared>> -> memref<120x128xf32, #tpu.memory_space<vmem_shared>>
      %dma_start3A_460 = arith.constant 0 : i32
      %dma_start3A_461 = tpu.memref_slice %arg13[%add3A_256, %dma_start3A_460] : memref<10112x128xf32, #tpu.memory_space<vmem_shared>> -> memref<120x128xf32, #tpu.memory_space<vmem_shared>>
      %dma_start3A_462 = arith.constant 0 : i32
      %dma_start3A_463 = arith.constant 0 : i32
      %dma_start3A_464 = tpu.memref_slice %arg9[%dma_start3A_462, %dma_start3A_463] : memref<128x128xf32, #tpu.memory_space<vmem>> -> memref<120x128xf32, #tpu.memory_space<vmem>>
      tpu.enqueue_dma source(%dma_start3A_464 : memref<120x128xf32, #tpu.memory_space<vmem>>) target(%dma_start3A_461 : memref<120x128xf32, #tpu.memory_space<vmem_shared>>) target_semaphore(%run_scoped3A : memref<!tpu.dma_semaphore, #tpu.memory_space<semaphore_mem>>)
      %dma_wait3A_465 = arith.constant 0 : i32
      %dma_wait3A_466 = arith.constant 0 : i32
      %dma_wait3A_467 = tpu.memref_slice %arg9[%dma_wait3A_465, %dma_wait3A_466] : memref<128x128xf32, #tpu.memory_space<vmem>> -> memref<120x128xf32, #tpu.memory_space<vmem>>
      %dma_wait3A_468 = arith.constant 0 : i32
      %dma_wait3A_469 = tpu.memref_slice %arg13[%add3A_256, %dma_wait3A_468] : memref<10112x128xf32, #tpu.memory_space<vmem_shared>> -> memref<120x128xf32, #tpu.memory_space<vmem_shared>>
      %dma_wait3A_470 = arith.constant 0 : i32
      %dma_wait3A_471 = tpu.memref_slice %arg13[%add3A_256, %dma_wait3A_470] : memref<10112x128xf32, #tpu.memory_space<vmem_shared>> -> memref<120x128xf32, #tpu.memory_space<vmem_shared>>
      %dma_wait3A_472 = arith.constant 0 : i32
      %dma_wait3A_473 = arith.constant 0 : i32
      %dma_wait3A_474 = tpu.memref_slice %arg9[%dma_wait3A_472, %dma_wait3A_473] : memref<128x128xf32, #tpu.memory_space<vmem>> -> memref<120x128xf32, #tpu.memory_space<vmem>>
      tpu.wait_dma2 semaphore(%run_scoped3A : memref<!tpu.dma_semaphore, #tpu.memory_space<semaphore_mem>>) src(%dma_wait3A_474 : memref<120x128xf32, #tpu.memory_space<vmem>>) dst(%dma_wait3A_471 : memref<120x128xf32, #tpu.memory_space<vmem_shared>>)
      tpu.yield
    }) : () -> ()
    %mul3A_257 = arith.constant 632 : i32
    %mul3A_258 = arith.muli %arg1, %mul3A_257 : i32
    "tpu.region"() ({
      %run_scoped3A = tpu.sem_alloc : memref<!tpu.dma_semaphore, #tpu.memory_space<semaphore_mem>>
      %dma_start3A_455 = arith.constant 0 : i32
      %dma_start3A_456 = tpu.memref_slice %arg12[%dma_start3A_455] : memref<640xf32, #tpu.memory_space<vmem>> -> memref<632xf32, #tpu.memory_space<vmem>>
      %dma_start3A_457 = tpu.memref_slice %arg14[%mul3A_258] : memref<10112xf32, #tpu.memory_space<vmem_shared>> -> memref<632xf32, #tpu.memory_space<vmem_shared>>
      %dma_start3A_458 = tpu.memref_slice %arg14[%mul3A_258] : memref<10112xf32, #tpu.memory_space<vmem_shared>> -> memref<632xf32, #tpu.memory_space<vmem_shared>>
      %dma_start3A_459 = arith.constant 0 : i32
      %dma_start3A_460 = tpu.memref_slice %arg12[%dma_start3A_459] : memref<640xf32, #tpu.memory_space<vmem>> -> memref<632xf32, #tpu.memory_space<vmem>>
      tpu.enqueue_dma source(%dma_start3A_460 : memref<632xf32, #tpu.memory_space<vmem>>) target(%dma_start3A_458 : memref<632xf32, #tpu.memory_space<vmem_shared>>) target_semaphore(%run_scoped3A : memref<!tpu.dma_semaphore, #tpu.memory_space<semaphore_mem>>)
      %dma_wait3A_461 = arith.constant 0 : i32
      %dma_wait3A_462 = tpu.memref_slice %arg12[%dma_wait3A_461] : memref<640xf32, #tpu.memory_space<vmem>> -> memref<632xf32, #tpu.memory_space<vmem>>
      %dma_wait3A_463 = tpu.memref_slice %arg14[%mul3A_258] : memref<10112xf32, #tpu.memory_space<vmem_shared>> -> memref<632xf32, #tpu.memory_space<vmem_shared>>
      %dma_wait3A_464 = tpu.memref_slice %arg14[%mul3A_258] : memref<10112xf32, #tpu.memory_space<vmem_shared>> -> memref<632xf32, #tpu.memory_space<vmem_shared>>
      %dma_wait3A_465 = arith.constant 0 : i32
      %dma_wait3A_466 = tpu.memref_slice %arg12[%dma_wait3A_465] : memref<640xf32, #tpu.memory_space<vmem>> -> memref<632xf32, #tpu.memory_space<vmem>>
      tpu.wait_dma2 semaphore(%run_scoped3A : memref<!tpu.dma_semaphore, #tpu.memory_space<semaphore_mem>>) src(%dma_wait3A_466 : memref<632xf32, #tpu.memory_space<vmem>>) dst(%dma_wait3A_464 : memref<632xf32, #tpu.memory_space<vmem_shared>>)
      tpu.yield
    }) : () -> ()
    %barrier3A = arith.constant 0 : index
    tpu.barrier barrier_id(%barrier3A)
    %mul3A_259 = arith.constant 80 : i32
    %mul3A_260 = arith.muli %add3A, %mul3A_259 : i32
    %add3A_261 = arith.constant 0 : i32
    %add3A_262 = arith.addi %mul3A_260, %add3A_261 : i32
    "tpu.region"() ({
      %run_scoped3A = tpu.sem_alloc : memref<!tpu.dma_semaphore, #tpu.memory_space<semaphore_mem>>
      %dma_start3A_455 = arith.constant 0 : i32
      %dma_start3A_456 = tpu.memref_slice %arg3[%add3A_262, %dma_start3A_455] : memref<2560x128xi32, #tpu.memory_space<hbm>> -> memref<40x128xi32, #tpu.memory_space<hbm>>
      %dma_start3A_457 = arith.constant 0 : i32
      %dma_start3A_458 = tpu.memref_slice %arg3[%add3A_262, %dma_start3A_457] : memref<2560x128xi32, #tpu.memory_space<hbm>> -> memref<40x128xi32, #tpu.memory_space<hbm>>
      tpu.enqueue_dma source(%dma_start3A_458 : memref<40x128xi32, #tpu.memory_space<hbm>>) target(%arg7 : memref<40x128xi32, #tpu.memory_space<vmem>>) target_semaphore(%run_scoped3A : memref<!tpu.dma_semaphore, #tpu.memory_space<semaphore_mem>>)
      %dma_wait3A_459 = arith.constant 0 : i32
      %dma_wait3A_460 = tpu.memref_slice %arg3[%add3A_262, %dma_wait3A_459] : memref<2560x128xi32, #tpu.memory_space<hbm>> -> memref<40x128xi32, #tpu.memory_space<hbm>>
      %dma_wait3A_461 = arith.constant 0 : i32
      %dma_wait3A_462 = tpu.memref_slice %arg3[%add3A_262, %dma_wait3A_461] : memref<2560x128xi32, #tpu.memory_space<hbm>> -> memref<40x128xi32, #tpu.memory_space<hbm>>
      tpu.wait_dma2 semaphore(%run_scoped3A : memref<!tpu.dma_semaphore, #tpu.memory_space<semaphore_mem>>) src(%dma_wait3A_462 : memref<40x128xi32, #tpu.memory_space<hbm>>) dst(%arg7 : memref<40x128xi32, #tpu.memory_space<vmem>>)
      tpu.yield
    }) : () -> ()
    %mul3A_263 = arith.constant 80 : i32
    %mul3A_264 = arith.muli %add3A, %mul3A_263 : i32
    %add3A_265 = arith.constant 0 : i32
    %add3A_266 = arith.addi %mul3A_264, %add3A_265 : i32
    "tpu.region"() ({
      %run_scoped3A = tpu.sem_alloc : memref<!tpu.dma_semaphore, #tpu.memory_space<semaphore_mem>>
      %dma_start3A_455 = arith.constant 0 : i32
      %dma_start3A_456 = tpu.memref_slice %arg4[%add3A_266, %dma_start3A_455] : memref<2560x128xi32, #tpu.memory_space<hbm>> -> memref<40x128xi32, #tpu.memory_space<hbm>>
      %dma_start3A_457 = arith.constant 0 : i32
      %dma_start3A_458 = tpu.memref_slice %arg4[%add3A_266, %dma_start3A_457] : memref<2560x128xi32, #tpu.memory_space<hbm>> -> memref<40x128xi32, #tpu.memory_space<hbm>>
      tpu.enqueue_dma source(%dma_start3A_458 : memref<40x128xi32, #tpu.memory_space<hbm>>) target(%arg8 : memref<40x128xi32, #tpu.memory_space<vmem>>) target_semaphore(%run_scoped3A : memref<!tpu.dma_semaphore, #tpu.memory_space<semaphore_mem>>)
      %dma_wait3A_459 = arith.constant 0 : i32
      %dma_wait3A_460 = tpu.memref_slice %arg4[%add3A_266, %dma_wait3A_459] : memref<2560x128xi32, #tpu.memory_space<hbm>> -> memref<40x128xi32, #tpu.memory_space<hbm>>
      %dma_wait3A_461 = arith.constant 0 : i32
      %dma_wait3A_462 = tpu.memref_slice %arg4[%add3A_266, %dma_wait3A_461] : memref<2560x128xi32, #tpu.memory_space<hbm>> -> memref<40x128xi32, #tpu.memory_space<hbm>>
      tpu.wait_dma2 semaphore(%run_scoped3A : memref<!tpu.dma_semaphore, #tpu.memory_space<semaphore_mem>>) src(%dma_wait3A_462 : memref<40x128xi32, #tpu.memory_space<hbm>>) dst(%arg8 : memref<40x128xi32, #tpu.memory_space<vmem>>)
      tpu.yield
    }) : () -> ()
    %dma_start3A = arith.constant 0 : i32
    %dma_start3A_267 = arith.constant 0 : i32
    %dma_start3A_268 = tpu.memref_slice %arg7[%dma_start3A, %dma_start3A_267] : memref<40x128xi32, #tpu.memory_space<vmem>> -> memref<1x128xi32, #tpu.memory_space<vmem>>
    %dma_start3A_269 = tpu.memref_squeeze %dma_start3A_268 : memref<1x128xi32, #tpu.memory_space<vmem>> -> memref<128xi32, #tpu.memory_space<vmem>>
    %dma_start3A_270 = arith.constant 0 : i32
    %dma_start3A_271 = arith.constant 0 : i32
    %dma_start3A_272 = tpu.memref_slice %arg2[%dma_start3A_270, %dma_start3A_271] : memref<10000x128xf32, #tpu.memory_space<hbm>> -> memref<10000x128xf32, #tpu.memory_space<hbm>>
    tpu.enqueue_indirect_dma source(%dma_start3A_272 : memref<10000x128xf32, #tpu.memory_space<hbm>>) target(%arg9 : memref<128x128xf32, #tpu.memory_space<vmem>>) offsets(%dma_start3A_269 : memref<128xi32, #tpu.memory_space<vmem>>) semaphore(%arg15 : memref<!tpu.dma_semaphore, #tpu.memory_space<semaphore_mem>>)
    %dma_wait3A = arith.constant 0 : i32
    %dma_wait3A_273 = arith.constant 0 : i32
    %dma_wait3A_274 = tpu.memref_slice %arg7[%dma_wait3A, %dma_wait3A_273] : memref<40x128xi32, #tpu.memory_space<vmem>> -> memref<1x128xi32, #tpu.memory_space<vmem>>
    %dma_wait3A_275 = tpu.memref_squeeze %dma_wait3A_274 : memref<1x128xi32, #tpu.memory_space<vmem>> -> memref<128xi32, #tpu.memory_space<vmem>>
    %dma_wait3A_276 = arith.constant 0 : i32
    %dma_wait3A_277 = arith.constant 0 : i32
    %dma_wait3A_278 = tpu.memref_slice %arg2[%dma_wait3A_276, %dma_wait3A_277] : memref<10000x128xf32, #tpu.memory_space<hbm>> -> memref<10000x128xf32, #tpu.memory_space<hbm>>
    tpu.wait_indirect_dma semaphore(%arg15 : memref<!tpu.dma_semaphore, #tpu.memory_space<semaphore_mem>>) src(%dma_wait3A_278 : memref<10000x128xf32, #tpu.memory_space<hbm>>) dst(%arg9 : memref<128x128xf32, #tpu.memory_space<vmem>>)
    %dma_start3A_279 = arith.constant 0 : i32
    %dma_start3A_280 = arith.constant 0 : i32
    %dma_start3A_281 = tpu.memref_slice %arg8[%dma_start3A_279, %dma_start3A_280] : memref<40x128xi32, #tpu.memory_space<vmem>> -> memref<1x128xi32, #tpu.memory_space<vmem>>
    %dma_start3A_282 = tpu.memref_squeeze %dma_start3A_281 : memref<1x128xi32, #tpu.memory_space<vmem>> -> memref<128xi32, #tpu.memory_space<vmem>>
    %dma_start3A_283 = arith.constant 0 : i32
    %dma_start3A_284 = arith.constant 0 : i32
    %dma_start3A_285 = tpu.memref_slice %arg13[%dma_start3A_283, %dma_start3A_284] : memref<10112x128xf32, #tpu.memory_space<vmem_shared>> -> memref<10112x128xf32, #tpu.memory_space<vmem_shared>>
    tpu.enqueue_indirect_dma source(%arg9 : memref<128x128xf32, #tpu.memory_space<vmem>>) target(%dma_start3A_285 : memref<10112x128xf32, #tpu.memory_space<vmem_shared>>) offsets(%dma_start3A_282 : memref<128xi32, #tpu.memory_space<vmem>>) semaphore(%arg17 : memref<!tpu.dma_semaphore, #tpu.memory_space<semaphore_mem>>) {add = true}
    %dma_start3A_286 = arith.constant 0 : i32
    %dma_start3A_287 = arith.constant 0 : i32
    %dma_start3A_288 = tpu.memref_slice %arg8[%dma_start3A_286, %dma_start3A_287] : memref<40x128xi32, #tpu.memory_space<vmem>> -> memref<1x128xi32, #tpu.memory_space<vmem>>
    %dma_start3A_289 = tpu.memref_squeeze %dma_start3A_288 : memref<1x128xi32, #tpu.memory_space<vmem>> -> memref<128xi32, #tpu.memory_space<vmem>>
    %dma_start3A_290 = arith.constant 0 : i32
    %dma_start3A_291 = tpu.memref_slice %arg14[%dma_start3A_290] : memref<10112xf32, #tpu.memory_space<vmem_shared>> -> memref<10112xf32, #tpu.memory_space<vmem_shared>>
    tpu.enqueue_indirect_dma source(%arg11 : memref<128xf32, #tpu.memory_space<vmem>>) target(%dma_start3A_291 : memref<10112xf32, #tpu.memory_space<vmem_shared>>) offsets(%dma_start3A_289 : memref<128xi32, #tpu.memory_space<vmem>>) semaphore(%arg19 : memref<!tpu.dma_semaphore, #tpu.memory_space<semaphore_mem>>) {add = true}
    %dma_start3A_292 = arith.constant 1 : i32
    %dma_start3A_293 = arith.constant 0 : i32
    %dma_start3A_294 = tpu.memref_slice %arg7[%dma_start3A_292, %dma_start3A_293] : memref<40x128xi32, #tpu.memory_space<vmem>> -> memref<1x128xi32, #tpu.memory_space<vmem>>
    %dma_start3A_295 = tpu.memref_squeeze %dma_start3A_294 : memref<1x128xi32, #tpu.memory_space<vmem>> -> memref<128xi32, #tpu.memory_space<vmem>>
    %dma_start3A_296 = arith.constant 0 : i32
    %dma_start3A_297 = arith.constant 0 : i32
    %dma_start3A_298 = tpu.memref_slice %arg2[%dma_start3A_296, %dma_start3A_297] : memref<10000x128xf32, #tpu.memory_space<hbm>> -> memref<10000x128xf32, #tpu.memory_space<hbm>>
    tpu.enqueue_indirect_dma source(%dma_start3A_298 : memref<10000x128xf32, #tpu.memory_space<hbm>>) target(%arg10 : memref<128x128xf32, #tpu.memory_space<vmem>>) offsets(%dma_start3A_295 : memref<128xi32, #tpu.memory_space<vmem>>) semaphore(%arg16 : memref<!tpu.dma_semaphore, #tpu.memory_space<semaphore_mem>>)
    %scan3A_299 = arith.constant 0 : i32
    %scan3A_300 = arith.constant 19 : i32
    %scan3A_301 = arith.addi %scan3A_299, %scan3A_300 : i32
    %scan3A_302 = arith.constant 1 : i32
    scf.for %scan3A_455 = %scan3A_299 to %scan3A_301 step %scan3A_302  : i32 {
      %mul3A_456 = arith.constant 1 : i32
      %mul3A_457 = arith.muli %scan3A_455, %mul3A_456 : i32
      %add3A_458 = arith.constant 1 : i32
      %add3A_459 = arith.addi %add3A_458, %mul3A_457 : i32
      %mul3A_460 = arith.constant 2 : i32
      %mul3A_461 = arith.muli %mul3A_460, %add3A_459 : i32
      %sub3A = arith.constant 1 : i32
      %sub3A_462 = arith.subi %mul3A_461, %sub3A : i32
      %dma_wait3A_463 = arith.constant 0 : i32
      %dma_wait3A_464 = tpu.memref_slice %arg7[%sub3A_462, %dma_wait3A_463] : memref<40x128xi32, #tpu.memory_space<vmem>> -> memref<1x128xi32, #tpu.memory_space<vmem>>
      %dma_wait3A_465 = tpu.memref_squeeze %dma_wait3A_464 : memref<1x128xi32, #tpu.memory_space<vmem>> -> memref<128xi32, #tpu.memory_space<vmem>>
      %dma_wait3A_466 = arith.constant 0 : i32
      %dma_wait3A_467 = arith.constant 0 : i32
      %dma_wait3A_468 = tpu.memref_slice %arg2[%dma_wait3A_466, %dma_wait3A_467] : memref<10000x128xf32, #tpu.memory_space<hbm>> -> memref<10000x128xf32, #tpu.memory_space<hbm>>
      tpu.wait_indirect_dma semaphore(%arg16 : memref<!tpu.dma_semaphore, #tpu.memory_space<semaphore_mem>>) src(%dma_wait3A_468 : memref<10000x128xf32, #tpu.memory_space<hbm>>) dst(%arg10 : memref<128x128xf32, #tpu.memory_space<vmem>>)
      %sub3A_469 = arith.constant 1 : i32
      %sub3A_470 = arith.subi %mul3A_461, %sub3A_469 : i32
      %dma_start3A_471 = arith.constant 0 : i32
      %dma_start3A_472 = tpu.memref_slice %arg8[%sub3A_470, %dma_start3A_471] : memref<40x128xi32, #tpu.memory_space<vmem>> -> memref<1x128xi32, #tpu.memory_space<vmem>>
      %dma_start3A_473 = tpu.memref_squeeze %dma_start3A_472 : memref<1x128xi32, #tpu.memory_space<vmem>> -> memref<128xi32, #tpu.memory_space<vmem>>
      %dma_start3A_474 = arith.constant 0 : i32
      %dma_start3A_475 = arith.constant 0 : i32
      %dma_start3A_476 = tpu.memref_slice %arg13[%dma_start3A_474, %dma_start3A_475] : memref<10112x128xf32, #tpu.memory_space<vmem_shared>> -> memref<10112x128xf32, #tpu.memory_space<vmem_shared>>
      tpu.enqueue_indirect_dma source(%arg10 : memref<128x128xf32, #tpu.memory_space<vmem>>) target(%dma_start3A_476 : memref<10112x128xf32, #tpu.memory_space<vmem_shared>>) offsets(%dma_start3A_473 : memref<128xi32, #tpu.memory_space<vmem>>) semaphore(%arg18 : memref<!tpu.dma_semaphore, #tpu.memory_space<semaphore_mem>>) {add = true}
      %dma_start3A_477 = arith.constant 0 : i32
      %dma_start3A_478 = tpu.memref_slice %arg8[%sub3A_470, %dma_start3A_477] : memref<40x128xi32, #tpu.memory_space<vmem>> -> memref<1x128xi32, #tpu.memory_space<vmem>>
      %dma_start3A_479 = tpu.memref_squeeze %dma_start3A_478 : memref<1x128xi32, #tpu.memory_space<vmem>> -> memref<128xi32, #tpu.memory_space<vmem>>
      %dma_start3A_480 = arith.constant 0 : i32
      %dma_start3A_481 = tpu.memref_slice %arg14[%dma_start3A_480] : memref<10112xf32, #tpu.memory_space<vmem_shared>> -> memref<10112xf32, #tpu.memory_space<vmem_shared>>
      tpu.enqueue_indirect_dma source(%arg11 : memref<128xf32, #tpu.memory_space<vmem>>) target(%dma_start3A_481 : memref<10112xf32, #tpu.memory_space<vmem_shared>>) offsets(%dma_start3A_479 : memref<128xi32, #tpu.memory_space<vmem>>) semaphore(%arg20 : memref<!tpu.dma_semaphore, #tpu.memory_space<semaphore_mem>>) {add = true}
      %sub3A_482 = arith.constant 2 : i32
      %sub3A_483 = arith.subi %mul3A_461, %sub3A_482 : i32
      %dma_wait3A_484 = arith.constant 0 : i32
      %dma_wait3A_485 = tpu.memref_slice %arg8[%sub3A_483, %dma_wait3A_484] : memref<40x128xi32, #tpu.memory_space<vmem>> -> memref<1x128xi32, #tpu.memory_space<vmem>>
      %dma_wait3A_486 = tpu.memref_squeeze %dma_wait3A_485 : memref<1x128xi32, #tpu.memory_space<vmem>> -> memref<128xi32, #tpu.memory_space<vmem>>
      %dma_wait3A_487 = arith.constant 0 : i32
      %dma_wait3A_488 = arith.constant 0 : i32
      %dma_wait3A_489 = tpu.memref_slice %arg13[%dma_wait3A_487, %dma_wait3A_488] : memref<10112x128xf32, #tpu.memory_space<vmem_shared>> -> memref<10112x128xf32, #tpu.memory_space<vmem_shared>>
      tpu.wait_indirect_dma semaphore(%arg17 : memref<!tpu.dma_semaphore, #tpu.memory_space<semaphore_mem>>) src(%arg9 : memref<128x128xf32, #tpu.memory_space<vmem>>) dst(%dma_wait3A_489 : memref<10112x128xf32, #tpu.memory_space<vmem_shared>>)
      %dma_wait3A_490 = arith.constant 0 : i32
      %dma_wait3A_491 = tpu.memref_slice %arg8[%sub3A_483, %dma_wait3A_490] : memref<40x128xi32, #tpu.memory_space<vmem>> -> memref<1x128xi32, #tpu.memory_space<vmem>>
      %dma_wait3A_492 = tpu.memref_squeeze %dma_wait3A_491 : memref<1x128xi32, #tpu.memory_space<vmem>> -> memref<128xi32, #tpu.memory_space<vmem>>
      %dma_wait3A_493 = arith.constant 0 : i32
      %dma_wait3A_494 = tpu.memref_slice %arg14[%dma_wait3A_493] : memref<10112xf32, #tpu.memory_space<vmem_shared>> -> memref<10112xf32, #tpu.memory_space<vmem_shared>>
      tpu.wait_indirect_dma semaphore(%arg19 : memref<!tpu.dma_semaphore, #tpu.memory_space<semaphore_mem>>) src(%arg11 : memref<128xf32, #tpu.memory_space<vmem>>) dst(%dma_wait3A_494 : memref<10112xf32, #tpu.memory_space<vmem_shared>>)
      %dma_start3A_495 = arith.constant 0 : i32
      %dma_start3A_496 = tpu.memref_slice %arg7[%mul3A_461, %dma_start3A_495] : memref<40x128xi32, #tpu.memory_space<vmem>> -> memref<1x128xi32, #tpu.memory_space<vmem>>
      %dma_start3A_497 = tpu.memref_squeeze %dma_start3A_496 : memref<1x128xi32, #tpu.memory_space<vmem>> -> memref<128xi32, #tpu.memory_space<vmem>>
      %dma_start3A_498 = arith.constant 0 : i32
      %dma_start3A_499 = arith.constant 0 : i32
      %dma_start3A_500 = tpu.memref_slice %arg2[%dma_start3A_498, %dma_start3A_499] : memref<10000x128xf32, #tpu.memory_space<hbm>> -> memref<10000x128xf32, #tpu.memory_space<hbm>>
      tpu.enqueue_indirect_dma source(%dma_start3A_500 : memref<10000x128xf32, #tpu.memory_space<hbm>>) target(%arg9 : memref<128x128xf32, #tpu.memory_space<vmem>>) offsets(%dma_start3A_497 : memref<128xi32, #tpu.memory_space<vmem>>) semaphore(%arg15 : memref<!tpu.dma_semaphore, #tpu.memory_space<semaphore_mem>>)
      %dma_wait3A_501 = arith.constant 0 : i32
      %dma_wait3A_502 = tpu.memref_slice %arg7[%mul3A_461, %dma_wait3A_501] : memref<40x128xi32, #tpu.memory_space<vmem>> -> memref<1x128xi32, #tpu.memory_space<vmem>>
      %dma_wait3A_503 = tpu.memref_squeeze %dma_wait3A_502 : memref<1x128xi32, #tpu.memory_space<vmem>> -> memref<128xi32, #tpu.memory_space<vmem>>
      %dma_wait3A_504 = arith.constant 0 : i32
      %dma_wait3A_505 = arith.constant 0 : i32
      %dma_wait3A_506 = tpu.memref_slice %arg2[%dma_wait3A_504, %dma_wait3A_505] : memref<10000x128xf32, #tpu.memory_space<hbm>> -> memref<10000x128xf32, #tpu.memory_space<hbm>>
      tpu.wait_indirect_dma semaphore(%arg15 : memref<!tpu.dma_semaphore, #tpu.memory_space<semaphore_mem>>) src(%dma_wait3A_506 : memref<10000x128xf32, #tpu.memory_space<hbm>>) dst(%arg9 : memref<128x128xf32, #tpu.memory_space<vmem>>)
      %dma_start3A_507 = arith.constant 0 : i32
      %dma_start3A_508 = tpu.memref_slice %arg8[%mul3A_461, %dma_start3A_507] : memref<40x128xi32, #tpu.memory_space<vmem>> -> memref<1x128xi32, #tpu.memory_space<vmem>>
      %dma_start3A_509 = tpu.memref_squeeze %dma_start3A_508 : memref<1x128xi32, #tpu.memory_space<vmem>> -> memref<128xi32, #tpu.memory_space<vmem>>
      %dma_start3A_510 = arith.constant 0 : i32
      %dma_start3A_511 = arith.constant 0 : i32
      %dma_start3A_512 = tpu.memref_slice %arg13[%dma_start3A_510, %dma_start3A_511] : memref<10112x128xf32, #tpu.memory_space<vmem_shared>> -> memref<10112x128xf32, #tpu.memory_space<vmem_shared>>
      tpu.enqueue_indirect_dma source(%arg9 : memref<128x128xf32, #tpu.memory_space<vmem>>) target(%dma_start3A_512 : memref<10112x128xf32, #tpu.memory_space<vmem_shared>>) offsets(%dma_start3A_509 : memref<128xi32, #tpu.memory_space<vmem>>) semaphore(%arg17 : memref<!tpu.dma_semaphore, #tpu.memory_space<semaphore_mem>>) {add = true}
      %dma_start3A_513 = arith.constant 0 : i32
      %dma_start3A_514 = tpu.memref_slice %arg8[%mul3A_461, %dma_start3A_513] : memref<40x128xi32, #tpu.memory_space<vmem>> -> memref<1x128xi32, #tpu.memory_space<vmem>>
      %dma_start3A_515 = tpu.memref_squeeze %dma_start3A_514 : memref<1x128xi32, #tpu.memory_space<vmem>> -> memref<128xi32, #tpu.memory_space<vmem>>
      %dma_start3A_516 = arith.constant 0 : i32
      %dma_start3A_517 = tpu.memref_slice %arg14[%dma_start3A_516] : memref<10112xf32, #tpu.memory_space<vmem_shared>> -> memref<10112xf32, #tpu.memory_space<vmem_shared>>
      tpu.enqueue_indirect_dma source(%arg11 : memref<128xf32, #tpu.memory_space<vmem>>) target(%dma_start3A_517 : memref<10112xf32, #tpu.memory_space<vmem_shared>>) offsets(%dma_start3A_515 : memref<128xi32, #tpu.memory_space<vmem>>) semaphore(%arg19 : memref<!tpu.dma_semaphore, #tpu.memory_space<semaphore_mem>>) {add = true}
      %sub3A_518 = arith.constant 1 : i32
      %sub3A_519 = arith.subi %mul3A_461, %sub3A_518 : i32
      %dma_wait3A_520 = arith.constant 0 : i32
      %dma_wait3A_521 = tpu.memref_slice %arg8[%sub3A_519, %dma_wait3A_520] : memref<40x128xi32, #tpu.memory_space<vmem>> -> memref<1x128xi32, #tpu.memory_space<vmem>>
      %dma_wait3A_522 = tpu.memref_squeeze %dma_wait3A_521 : memref<1x128xi32, #tpu.memory_space<vmem>> -> memref<128xi32, #tpu.memory_space<vmem>>
      %dma_wait3A_523 = arith.constant 0 : i32
      %dma_wait3A_524 = arith.constant 0 : i32
      %dma_wait3A_525 = tpu.memref_slice %arg13[%dma_wait3A_523, %dma_wait3A_524] : memref<10112x128xf32, #tpu.memory_space<vmem_shared>> -> memref<10112x128xf32, #tpu.memory_space<vmem_shared>>
      tpu.wait_indirect_dma semaphore(%arg18 : memref<!tpu.dma_semaphore, #tpu.memory_space<semaphore_mem>>) src(%arg10 : memref<128x128xf32, #tpu.memory_space<vmem>>) dst(%dma_wait3A_525 : memref<10112x128xf32, #tpu.memory_space<vmem_shared>>)
      %dma_wait3A_526 = arith.constant 0 : i32
      %dma_wait3A_527 = tpu.memref_slice %arg8[%sub3A_519, %dma_wait3A_526] : memref<40x128xi32, #tpu.memory_space<vmem>> -> memref<1x128xi32, #tpu.memory_space<vmem>>
      %dma_wait3A_528 = tpu.memref_squeeze %dma_wait3A_527 : memref<1x128xi32, #tpu.memory_space<vmem>> -> memref<128xi32, #tpu.memory_space<vmem>>
      %dma_wait3A_529 = arith.constant 0 : i32
      %dma_wait3A_530 = tpu.memref_slice %arg14[%dma_wait3A_529] : memref<10112xf32, #tpu.memory_space<vmem_shared>> -> memref<10112xf32, #tpu.memory_space<vmem_shared>>
      tpu.wait_indirect_dma semaphore(%arg20 : memref<!tpu.dma_semaphore, #tpu.memory_space<semaphore_mem>>) src(%arg11 : memref<128xf32, #tpu.memory_space<vmem>>) dst(%dma_wait3A_530 : memref<10112xf32, #tpu.memory_space<vmem_shared>>)
      %add3A_531 = arith.constant 1 : i32
      %add3A_532 = arith.addi %mul3A_461, %add3A_531 : i32
      %dma_start3A_533 = arith.constant 0 : i32
      %dma_start3A_534 = tpu.memref_slice %arg7[%add3A_532, %dma_start3A_533] : memref<40x128xi32, #tpu.memory_space<vmem>> -> memref<1x128xi32, #tpu.memory_space<vmem>>
      %dma_start3A_535 = tpu.memref_squeeze %dma_start3A_534 : memref<1x128xi32, #tpu.memory_space<vmem>> -> memref<128xi32, #tpu.memory_space<vmem>>
      %dma_start3A_536 = arith.constant 0 : i32
      %dma_start3A_537 = arith.constant 0 : i32
      %dma_start3A_538 = tpu.memref_slice %arg2[%dma_start3A_536, %dma_start3A_537] : memref<10000x128xf32, #tpu.memory_space<hbm>> -> memref<10000x128xf32, #tpu.memory_space<hbm>>
      tpu.enqueue_indirect_dma source(%dma_start3A_538 : memref<10000x128xf32, #tpu.memory_space<hbm>>) target(%arg10 : memref<128x128xf32, #tpu.memory_space<vmem>>) offsets(%dma_start3A_535 : memref<128xi32, #tpu.memory_space<vmem>>) semaphore(%arg16 : memref<!tpu.dma_semaphore, #tpu.memory_space<semaphore_mem>>)
    }
    %scan3A_303 = arith.constant 19 : i32
    %dma_wait3A_304 = arith.constant 39 : i32
    %dma_wait3A_305 = arith.constant 0 : i32
    %dma_wait3A_306 = tpu.memref_slice %arg7[%dma_wait3A_304, %dma_wait3A_305] : memref<40x128xi32, #tpu.memory_space<vmem>> -> memref<1x128xi32, #tpu.memory_space<vmem>>
    %dma_wait3A_307 = tpu.memref_squeeze %dma_wait3A_306 : memref<1x128xi32, #tpu.memory_space<vmem>> -> memref<128xi32, #tpu.memory_space<vmem>>
    %dma_wait3A_308 = arith.constant 0 : i32
    %dma_wait3A_309 = arith.constant 0 : i32
    %dma_wait3A_310 = tpu.memref_slice %arg2[%dma_wait3A_308, %dma_wait3A_309] : memref<10000x128xf32, #tpu.memory_space<hbm>> -> memref<10000x128xf32, #tpu.memory_space<hbm>>
    tpu.wait_indirect_dma semaphore(%arg16 : memref<!tpu.dma_semaphore, #tpu.memory_space<semaphore_mem>>) src(%dma_wait3A_310 : memref<10000x128xf32, #tpu.memory_space<hbm>>) dst(%arg10 : memref<128x128xf32, #tpu.memory_space<vmem>>)
    %dma_start3A_311 = arith.constant 39 : i32
    %dma_start3A_312 = arith.constant 0 : i32
    %dma_start3A_313 = tpu.memref_slice %arg8[%dma_start3A_311, %dma_start3A_312] : memref<40x128xi32, #tpu.memory_space<vmem>> -> memref<1x128xi32, #tpu.memory_space<vmem>>
    %dma_start3A_314 = tpu.memref_squeeze %dma_start3A_313 : memref<1x128xi32, #tpu.memory_space<vmem>> -> memref<128xi32, #tpu.memory_space<vmem>>
    %dma_start3A_315 = arith.constant 0 : i32
    %dma_start3A_316 = arith.constant 0 : i32
    %dma_start3A_317 = tpu.memref_slice %arg13[%dma_start3A_315, %dma_start3A_316] : memref<10112x128xf32, #tpu.memory_space<vmem_shared>> -> memref<10112x128xf32, #tpu.memory_space<vmem_shared>>
    tpu.enqueue_indirect_dma source(%arg10 : memref<128x128xf32, #tpu.memory_space<vmem>>) target(%dma_start3A_317 : memref<10112x128xf32, #tpu.memory_space<vmem_shared>>) offsets(%dma_start3A_314 : memref<128xi32, #tpu.memory_space<vmem>>) semaphore(%arg18 : memref<!tpu.dma_semaphore, #tpu.memory_space<semaphore_mem>>) {add = true}
    %dma_start3A_318 = arith.constant 39 : i32
    %dma_start3A_319 = arith.constant 0 : i32
    %dma_start3A_320 = tpu.memref_slice %arg8[%dma_start3A_318, %dma_start3A_319] : memref<40x128xi32, #tpu.memory_space<vmem>> -> memref<1x128xi32, #tpu.memory_space<vmem>>
    %dma_start3A_321 = tpu.memref_squeeze %dma_start3A_320 : memref<1x128xi32, #tpu.memory_space<vmem>> -> memref<128xi32, #tpu.memory_space<vmem>>
    %dma_start3A_322 = arith.constant 0 : i32
    %dma_start3A_323 = tpu.memref_slice %arg14[%dma_start3A_322] : memref<10112xf32, #tpu.memory_space<vmem_shared>> -> memref<10112xf32, #tpu.memory_space<vmem_shared>>
    tpu.enqueue_indirect_dma source(%arg11 : memref<128xf32, #tpu.memory_space<vmem>>) target(%dma_start3A_323 : memref<10112xf32, #tpu.memory_space<vmem_shared>>) offsets(%dma_start3A_321 : memref<128xi32, #tpu.memory_space<vmem>>) semaphore(%arg20 : memref<!tpu.dma_semaphore, #tpu.memory_space<semaphore_mem>>) {add = true}
    %dma_wait3A_324 = arith.constant 38 : i32
    %dma_wait3A_325 = arith.constant 0 : i32
    %dma_wait3A_326 = tpu.memref_slice %arg8[%dma_wait3A_324, %dma_wait3A_325] : memref<40x128xi32, #tpu.memory_space<vmem>> -> memref<1x128xi32, #tpu.memory_space<vmem>>
    %dma_wait3A_327 = tpu.memref_squeeze %dma_wait3A_326 : memref<1x128xi32, #tpu.memory_space<vmem>> -> memref<128xi32, #tpu.memory_space<vmem>>
    %dma_wait3A_328 = arith.constant 0 : i32
    %dma_wait3A_329 = arith.constant 0 : i32
    %dma_wait3A_330 = tpu.memref_slice %arg13[%dma_wait3A_328, %dma_wait3A_329] : memref<10112x128xf32, #tpu.memory_space<vmem_shared>> -> memref<10112x128xf32, #tpu.memory_space<vmem_shared>>
    tpu.wait_indirect_dma semaphore(%arg17 : memref<!tpu.dma_semaphore, #tpu.memory_space<semaphore_mem>>) src(%arg9 : memref<128x128xf32, #tpu.memory_space<vmem>>) dst(%dma_wait3A_330 : memref<10112x128xf32, #tpu.memory_space<vmem_shared>>)
    %dma_wait3A_331 = arith.constant 38 : i32
    %dma_wait3A_332 = arith.constant 0 : i32
    %dma_wait3A_333 = tpu.memref_slice %arg8[%dma_wait3A_331, %dma_wait3A_332] : memref<40x128xi32, #tpu.memory_space<vmem>> -> memref<1x128xi32, #tpu.memory_space<vmem>>
    %dma_wait3A_334 = tpu.memref_squeeze %dma_wait3A_333 : memref<1x128xi32, #tpu.memory_space<vmem>> -> memref<128xi32, #tpu.memory_space<vmem>>
    %dma_wait3A_335 = arith.constant 0 : i32
    %dma_wait3A_336 = tpu.memref_slice %arg14[%dma_wait3A_335] : memref<10112xf32, #tpu.memory_space<vmem_shared>> -> memref<10112xf32, #tpu.memory_space<vmem_shared>>
    tpu.wait_indirect_dma semaphore(%arg19 : memref<!tpu.dma_semaphore, #tpu.memory_space<semaphore_mem>>) src(%arg11 : memref<128xf32, #tpu.memory_space<vmem>>) dst(%dma_wait3A_336 : memref<10112xf32, #tpu.memory_space<vmem_shared>>)
    %dma_wait3A_337 = arith.constant 39 : i32
    %dma_wait3A_338 = arith.constant 0 : i32
    %dma_wait3A_339 = tpu.memref_slice %arg8[%dma_wait3A_337, %dma_wait3A_338] : memref<40x128xi32, #tpu.memory_space<vmem>> -> memref<1x128xi32, #tpu.memory_space<vmem>>
    %dma_wait3A_340 = tpu.memref_squeeze %dma_wait3A_339 : memref<1x128xi32, #tpu.memory_space<vmem>> -> memref<128xi32, #tpu.memory_space<vmem>>
    %dma_wait3A_341 = arith.constant 0 : i32
    %dma_wait3A_342 = arith.constant 0 : i32
    %dma_wait3A_343 = tpu.memref_slice %arg13[%dma_wait3A_341, %dma_wait3A_342] : memref<10112x128xf32, #tpu.memory_space<vmem_shared>> -> memref<10112x128xf32, #tpu.memory_space<vmem_shared>>
    tpu.wait_indirect_dma semaphore(%arg18 : memref<!tpu.dma_semaphore, #tpu.memory_space<semaphore_mem>>) src(%arg10 : memref<128x128xf32, #tpu.memory_space<vmem>>) dst(%dma_wait3A_343 : memref<10112x128xf32, #tpu.memory_space<vmem_shared>>)
    %dma_wait3A_344 = arith.constant 39 : i32
    %dma_wait3A_345 = arith.constant 0 : i32
    %dma_wait3A_346 = tpu.memref_slice %arg8[%dma_wait3A_344, %dma_wait3A_345] : memref<40x128xi32, #tpu.memory_space<vmem>> -> memref<1x128xi32, #tpu.memory_space<vmem>>
    %dma_wait3A_347 = tpu.memref_squeeze %dma_wait3A_346 : memref<1x128xi32, #tpu.memory_space<vmem>> -> memref<128xi32, #tpu.memory_space<vmem>>
    %dma_wait3A_348 = arith.constant 0 : i32
    %dma_wait3A_349 = tpu.memref_slice %arg14[%dma_wait3A_348] : memref<10112xf32, #tpu.memory_space<vmem_shared>> -> memref<10112xf32, #tpu.memory_space<vmem_shared>>
    tpu.wait_indirect_dma semaphore(%arg20 : memref<!tpu.dma_semaphore, #tpu.memory_space<semaphore_mem>>) src(%arg11 : memref<128xf32, #tpu.memory_space<vmem>>) dst(%dma_wait3A_349 : memref<10112xf32, #tpu.memory_space<vmem_shared>>)
    %mul3A_350 = arith.constant 80 : i32
    %mul3A_351 = arith.muli %add3A, %mul3A_350 : i32
    %add3A_352 = arith.constant 40 : i32
    %add3A_353 = arith.addi %mul3A_351, %add3A_352 : i32
    "tpu.region"() ({
      %run_scoped3A = tpu.sem_alloc : memref<!tpu.dma_semaphore, #tpu.memory_space<semaphore_mem>>
      %dma_start3A_455 = arith.constant 0 : i32
      %dma_start3A_456 = tpu.memref_slice %arg3[%add3A_353, %dma_start3A_455] : memref<2560x128xi32, #tpu.memory_space<hbm>> -> memref<40x128xi32, #tpu.memory_space<hbm>>
      %dma_start3A_457 = arith.constant 0 : i32
      %dma_start3A_458 = tpu.memref_slice %arg3[%add3A_353, %dma_start3A_457] : memref<2560x128xi32, #tpu.memory_space<hbm>> -> memref<40x128xi32, #tpu.memory_space<hbm>>
      tpu.enqueue_dma source(%dma_start3A_458 : memref<40x128xi32, #tpu.memory_space<hbm>>) target(%arg7 : memref<40x128xi32, #tpu.memory_space<vmem>>) target_semaphore(%run_scoped3A : memref<!tpu.dma_semaphore, #tpu.memory_space<semaphore_mem>>)
      %dma_wait3A_459 = arith.constant 0 : i32
      %dma_wait3A_460 = tpu.memref_slice %arg3[%add3A_353, %dma_wait3A_459] : memref<2560x128xi32, #tpu.memory_space<hbm>> -> memref<40x128xi32, #tpu.memory_space<hbm>>
      %dma_wait3A_461 = arith.constant 0 : i32
      %dma_wait3A_462 = tpu.memref_slice %arg3[%add3A_353, %dma_wait3A_461] : memref<2560x128xi32, #tpu.memory_space<hbm>> -> memref<40x128xi32, #tpu.memory_space<hbm>>
      tpu.wait_dma2 semaphore(%run_scoped3A : memref<!tpu.dma_semaphore, #tpu.memory_space<semaphore_mem>>) src(%dma_wait3A_462 : memref<40x128xi32, #tpu.memory_space<hbm>>) dst(%arg7 : memref<40x128xi32, #tpu.memory_space<vmem>>)
      tpu.yield
    }) : () -> ()
    %mul3A_354 = arith.constant 80 : i32
    %mul3A_355 = arith.muli %add3A, %mul3A_354 : i32
    %add3A_356 = arith.constant 40 : i32
    %add3A_357 = arith.addi %mul3A_355, %add3A_356 : i32
    "tpu.region"() ({
      %run_scoped3A = tpu.sem_alloc : memref<!tpu.dma_semaphore, #tpu.memory_space<semaphore_mem>>
      %dma_start3A_455 = arith.constant 0 : i32
      %dma_start3A_456 = tpu.memref_slice %arg4[%add3A_357, %dma_start3A_455] : memref<2560x128xi32, #tpu.memory_space<hbm>> -> memref<40x128xi32, #tpu.memory_space<hbm>>
      %dma_start3A_457 = arith.constant 0 : i32
      %dma_start3A_458 = tpu.memref_slice %arg4[%add3A_357, %dma_start3A_457] : memref<2560x128xi32, #tpu.memory_space<hbm>> -> memref<40x128xi32, #tpu.memory_space<hbm>>
      tpu.enqueue_dma source(%dma_start3A_458 : memref<40x128xi32, #tpu.memory_space<hbm>>) target(%arg8 : memref<40x128xi32, #tpu.memory_space<vmem>>) target_semaphore(%run_scoped3A : memref<!tpu.dma_semaphore, #tpu.memory_space<semaphore_mem>>)
      %dma_wait3A_459 = arith.constant 0 : i32
      %dma_wait3A_460 = tpu.memref_slice %arg4[%add3A_357, %dma_wait3A_459] : memref<2560x128xi32, #tpu.memory_space<hbm>> -> memref<40x128xi32, #tpu.memory_space<hbm>>
      %dma_wait3A_461 = arith.constant 0 : i32
      %dma_wait3A_462 = tpu.memref_slice %arg4[%add3A_357, %dma_wait3A_461] : memref<2560x128xi32, #tpu.memory_space<hbm>> -> memref<40x128xi32, #tpu.memory_space<hbm>>
      tpu.wait_dma2 semaphore(%run_scoped3A : memref<!tpu.dma_semaphore, #tpu.memory_space<semaphore_mem>>) src(%dma_wait3A_462 : memref<40x128xi32, #tpu.memory_space<hbm>>) dst(%arg8 : memref<40x128xi32, #tpu.memory_space<vmem>>)
      tpu.yield
    }) : () -> ()
    %dma_start3A_358 = arith.constant 0 : i32
    %dma_start3A_359 = arith.constant 0 : i32
    %dma_start3A_360 = tpu.memref_slice %arg7[%dma_start3A_358, %dma_start3A_359] : memref<40x128xi32, #tpu.memory_space<vmem>> -> memref<1x128xi32, #tpu.memory_space<vmem>>
    %dma_start3A_361 = tpu.memref_squeeze %dma_start3A_360 : memref<1x128xi32, #tpu.memory_space<vmem>> -> memref<128xi32, #tpu.memory_space<vmem>>
    %dma_start3A_362 = arith.constant 0 : i32
    %dma_start3A_363 = arith.constant 0 : i32
    %dma_start3A_364 = tpu.memref_slice %arg2[%dma_start3A_362, %dma_start3A_363] : memref<10000x128xf32, #tpu.memory_space<hbm>> -> memref<10000x128xf32, #tpu.memory_space<hbm>>
    tpu.enqueue_indirect_dma source(%dma_start3A_364 : memref<10000x128xf32, #tpu.memory_space<hbm>>) target(%arg9 : memref<128x128xf32, #tpu.memory_space<vmem>>) offsets(%dma_start3A_361 : memref<128xi32, #tpu.memory_space<vmem>>) semaphore(%arg15 : memref<!tpu.dma_semaphore, #tpu.memory_space<semaphore_mem>>)
    %dma_wait3A_365 = arith.constant 0 : i32
    %dma_wait3A_366 = arith.constant 0 : i32
    %dma_wait3A_367 = tpu.memref_slice %arg7[%dma_wait3A_365, %dma_wait3A_366] : memref<40x128xi32, #tpu.memory_space<vmem>> -> memref<1x128xi32, #tpu.memory_space<vmem>>
    %dma_wait3A_368 = tpu.memref_squeeze %dma_wait3A_367 : memref<1x128xi32, #tpu.memory_space<vmem>> -> memref<128xi32, #tpu.memory_space<vmem>>
    %dma_wait3A_369 = arith.constant 0 : i32
    %dma_wait3A_370 = arith.constant 0 : i32
    %dma_wait3A_371 = tpu.memref_slice %arg2[%dma_wait3A_369, %dma_wait3A_370] : memref<10000x128xf32, #tpu.memory_space<hbm>> -> memref<10000x128xf32, #tpu.memory_space<hbm>>
    tpu.wait_indirect_dma semaphore(%arg15 : memref<!tpu.dma_semaphore, #tpu.memory_space<semaphore_mem>>) src(%dma_wait3A_371 : memref<10000x128xf32, #tpu.memory_space<hbm>>) dst(%arg9 : memref<128x128xf32, #tpu.memory_space<vmem>>)
    %dma_start3A_372 = arith.constant 0 : i32
    %dma_start3A_373 = arith.constant 0 : i32
    %dma_start3A_374 = tpu.memref_slice %arg8[%dma_start3A_372, %dma_start3A_373] : memref<40x128xi32, #tpu.memory_space<vmem>> -> memref<1x128xi32, #tpu.memory_space<vmem>>
    %dma_start3A_375 = tpu.memref_squeeze %dma_start3A_374 : memref<1x128xi32, #tpu.memory_space<vmem>> -> memref<128xi32, #tpu.memory_space<vmem>>
    %dma_start3A_376 = arith.constant 0 : i32
    %dma_start3A_377 = arith.constant 0 : i32
    %dma_start3A_378 = tpu.memref_slice %arg13[%dma_start3A_376, %dma_start3A_377] : memref<10112x128xf32, #tpu.memory_space<vmem_shared>> -> memref<10112x128xf32, #tpu.memory_space<vmem_shared>>
    tpu.enqueue_indirect_dma source(%arg9 : memref<128x128xf32, #tpu.memory_space<vmem>>) target(%dma_start3A_378 : memref<10112x128xf32, #tpu.memory_space<vmem_shared>>) offsets(%dma_start3A_375 : memref<128xi32, #tpu.memory_space<vmem>>) semaphore(%arg17 : memref<!tpu.dma_semaphore, #tpu.memory_space<semaphore_mem>>) {add = true}
    %dma_start3A_379 = arith.constant 0 : i32
    %dma_start3A_380 = arith.constant 0 : i32
    %dma_start3A_381 = tpu.memref_slice %arg8[%dma_start3A_379, %dma_start3A_380] : memref<40x128xi32, #tpu.memory_space<vmem>> -> memref<1x128xi32, #tpu.memory_space<vmem>>
    %dma_start3A_382 = tpu.memref_squeeze %dma_start3A_381 : memref<1x128xi32, #tpu.memory_space<vmem>> -> memref<128xi32, #tpu.memory_space<vmem>>
    %dma_start3A_383 = arith.constant 0 : i32
    %dma_start3A_384 = tpu.memref_slice %arg14[%dma_start3A_383] : memref<10112xf32, #tpu.memory_space<vmem_shared>> -> memref<10112xf32, #tpu.memory_space<vmem_shared>>
    tpu.enqueue_indirect_dma source(%arg11 : memref<128xf32, #tpu.memory_space<vmem>>) target(%dma_start3A_384 : memref<10112xf32, #tpu.memory_space<vmem_shared>>) offsets(%dma_start3A_382 : memref<128xi32, #tpu.memory_space<vmem>>) semaphore(%arg19 : memref<!tpu.dma_semaphore, #tpu.memory_space<semaphore_mem>>) {add = true}
    %dma_start3A_385 = arith.constant 1 : i32
    %dma_start3A_386 = arith.constant 0 : i32
    %dma_start3A_387 = tpu.memref_slice %arg7[%dma_start3A_385, %dma_start3A_386] : memref<40x128xi32, #tpu.memory_space<vmem>> -> memref<1x128xi32, #tpu.memory_space<vmem>>
    %dma_start3A_388 = tpu.memref_squeeze %dma_start3A_387 : memref<1x128xi32, #tpu.memory_space<vmem>> -> memref<128xi32, #tpu.memory_space<vmem>>
    %dma_start3A_389 = arith.constant 0 : i32
    %dma_start3A_390 = arith.constant 0 : i32
    %dma_start3A_391 = tpu.memref_slice %arg2[%dma_start3A_389, %dma_start3A_390] : memref<10000x128xf32, #tpu.memory_space<hbm>> -> memref<10000x128xf32, #tpu.memory_space<hbm>>
    tpu.enqueue_indirect_dma source(%dma_start3A_391 : memref<10000x128xf32, #tpu.memory_space<hbm>>) target(%arg10 : memref<128x128xf32, #tpu.memory_space<vmem>>) offsets(%dma_start3A_388 : memref<128xi32, #tpu.memory_space<vmem>>) semaphore(%arg16 : memref<!tpu.dma_semaphore, #tpu.memory_space<semaphore_mem>>)
    %scan3A_392 = arith.constant 0 : i32
    %scan3A_393 = arith.constant 19 : i32
    %scan3A_394 = arith.addi %scan3A_392, %scan3A_393 : i32
    %scan3A_395 = arith.constant 1 : i32
    scf.for %scan3A_455 = %scan3A_392 to %scan3A_394 step %scan3A_395  : i32 {
      %mul3A_456 = arith.constant 1 : i32
      %mul3A_457 = arith.muli %scan3A_455, %mul3A_456 : i32
      %add3A_458 = arith.constant 1 : i32
      %add3A_459 = arith.addi %add3A_458, %mul3A_457 : i32
      %mul3A_460 = arith.constant 2 : i32
      %mul3A_461 = arith.muli %mul3A_460, %add3A_459 : i32
      %sub3A = arith.constant 1 : i32
      %sub3A_462 = arith.subi %mul3A_461, %sub3A : i32
      %dma_wait3A_463 = arith.constant 0 : i32
      %dma_wait3A_464 = tpu.memref_slice %arg7[%sub3A_462, %dma_wait3A_463] : memref<40x128xi32, #tpu.memory_space<vmem>> -> memref<1x128xi32, #tpu.memory_space<vmem>>
      %dma_wait3A_465 = tpu.memref_squeeze %dma_wait3A_464 : memref<1x128xi32, #tpu.memory_space<vmem>> -> memref<128xi32, #tpu.memory_space<vmem>>
      %dma_wait3A_466 = arith.constant 0 : i32
      %dma_wait3A_467 = arith.constant 0 : i32
      %dma_wait3A_468 = tpu.memref_slice %arg2[%dma_wait3A_466, %dma_wait3A_467] : memref<10000x128xf32, #tpu.memory_space<hbm>> -> memref<10000x128xf32, #tpu.memory_space<hbm>>
      tpu.wait_indirect_dma semaphore(%arg16 : memref<!tpu.dma_semaphore, #tpu.memory_space<semaphore_mem>>) src(%dma_wait3A_468 : memref<10000x128xf32, #tpu.memory_space<hbm>>) dst(%arg10 : memref<128x128xf32, #tpu.memory_space<vmem>>)
      %sub3A_469 = arith.constant 1 : i32
      %sub3A_470 = arith.subi %mul3A_461, %sub3A_469 : i32
      %dma_start3A_471 = arith.constant 0 : i32
      %dma_start3A_472 = tpu.memref_slice %arg8[%sub3A_470, %dma_start3A_471] : memref<40x128xi32, #tpu.memory_space<vmem>> -> memref<1x128xi32, #tpu.memory_space<vmem>>
      %dma_start3A_473 = tpu.memref_squeeze %dma_start3A_472 : memref<1x128xi32, #tpu.memory_space<vmem>> -> memref<128xi32, #tpu.memory_space<vmem>>
      %dma_start3A_474 = arith.constant 0 : i32
      %dma_start3A_475 = arith.constant 0 : i32
      %dma_start3A_476 = tpu.memref_slice %arg13[%dma_start3A_474, %dma_start3A_475] : memref<10112x128xf32, #tpu.memory_space<vmem_shared>> -> memref<10112x128xf32, #tpu.memory_space<vmem_shared>>
      tpu.enqueue_indirect_dma source(%arg10 : memref<128x128xf32, #tpu.memory_space<vmem>>) target(%dma_start3A_476 : memref<10112x128xf32, #tpu.memory_space<vmem_shared>>) offsets(%dma_start3A_473 : memref<128xi32, #tpu.memory_space<vmem>>) semaphore(%arg18 : memref<!tpu.dma_semaphore, #tpu.memory_space<semaphore_mem>>) {add = true}
      %dma_start3A_477 = arith.constant 0 : i32
      %dma_start3A_478 = tpu.memref_slice %arg8[%sub3A_470, %dma_start3A_477] : memref<40x128xi32, #tpu.memory_space<vmem>> -> memref<1x128xi32, #tpu.memory_space<vmem>>
      %dma_start3A_479 = tpu.memref_squeeze %dma_start3A_478 : memref<1x128xi32, #tpu.memory_space<vmem>> -> memref<128xi32, #tpu.memory_space<vmem>>
      %dma_start3A_480 = arith.constant 0 : i32
      %dma_start3A_481 = tpu.memref_slice %arg14[%dma_start3A_480] : memref<10112xf32, #tpu.memory_space<vmem_shared>> -> memref<10112xf32, #tpu.memory_space<vmem_shared>>
      tpu.enqueue_indirect_dma source(%arg11 : memref<128xf32, #tpu.memory_space<vmem>>) target(%dma_start3A_481 : memref<10112xf32, #tpu.memory_space<vmem_shared>>) offsets(%dma_start3A_479 : memref<128xi32, #tpu.memory_space<vmem>>) semaphore(%arg20 : memref<!tpu.dma_semaphore, #tpu.memory_space<semaphore_mem>>) {add = true}
      %sub3A_482 = arith.constant 2 : i32
      %sub3A_483 = arith.subi %mul3A_461, %sub3A_482 : i32
      %dma_wait3A_484 = arith.constant 0 : i32
      %dma_wait3A_485 = tpu.memref_slice %arg8[%sub3A_483, %dma_wait3A_484] : memref<40x128xi32, #tpu.memory_space<vmem>> -> memref<1x128xi32, #tpu.memory_space<vmem>>
      %dma_wait3A_486 = tpu.memref_squeeze %dma_wait3A_485 : memref<1x128xi32, #tpu.memory_space<vmem>> -> memref<128xi32, #tpu.memory_space<vmem>>
      %dma_wait3A_487 = arith.constant 0 : i32
      %dma_wait3A_488 = arith.constant 0 : i32
      %dma_wait3A_489 = tpu.memref_slice %arg13[%dma_wait3A_487, %dma_wait3A_488] : memref<10112x128xf32, #tpu.memory_space<vmem_shared>> -> memref<10112x128xf32, #tpu.memory_space<vmem_shared>>
      tpu.wait_indirect_dma semaphore(%arg17 : memref<!tpu.dma_semaphore, #tpu.memory_space<semaphore_mem>>) src(%arg9 : memref<128x128xf32, #tpu.memory_space<vmem>>) dst(%dma_wait3A_489 : memref<10112x128xf32, #tpu.memory_space<vmem_shared>>)
      %dma_wait3A_490 = arith.constant 0 : i32
      %dma_wait3A_491 = tpu.memref_slice %arg8[%sub3A_483, %dma_wait3A_490] : memref<40x128xi32, #tpu.memory_space<vmem>> -> memref<1x128xi32, #tpu.memory_space<vmem>>
      %dma_wait3A_492 = tpu.memref_squeeze %dma_wait3A_491 : memref<1x128xi32, #tpu.memory_space<vmem>> -> memref<128xi32, #tpu.memory_space<vmem>>
      %dma_wait3A_493 = arith.constant 0 : i32
      %dma_wait3A_494 = tpu.memref_slice %arg14[%dma_wait3A_493] : memref<10112xf32, #tpu.memory_space<vmem_shared>> -> memref<10112xf32, #tpu.memory_space<vmem_shared>>
      tpu.wait_indirect_dma semaphore(%arg19 : memref<!tpu.dma_semaphore, #tpu.memory_space<semaphore_mem>>) src(%arg11 : memref<128xf32, #tpu.memory_space<vmem>>) dst(%dma_wait3A_494 : memref<10112xf32, #tpu.memory_space<vmem_shared>>)
      %dma_start3A_495 = arith.constant 0 : i32
      %dma_start3A_496 = tpu.memref_slice %arg7[%mul3A_461, %dma_start3A_495] : memref<40x128xi32, #tpu.memory_space<vmem>> -> memref<1x128xi32, #tpu.memory_space<vmem>>
      %dma_start3A_497 = tpu.memref_squeeze %dma_start3A_496 : memref<1x128xi32, #tpu.memory_space<vmem>> -> memref<128xi32, #tpu.memory_space<vmem>>
      %dma_start3A_498 = arith.constant 0 : i32
      %dma_start3A_499 = arith.constant 0 : i32
      %dma_start3A_500 = tpu.memref_slice %arg2[%dma_start3A_498, %dma_start3A_499] : memref<10000x128xf32, #tpu.memory_space<hbm>> -> memref<10000x128xf32, #tpu.memory_space<hbm>>
      tpu.enqueue_indirect_dma source(%dma_start3A_500 : memref<10000x128xf32, #tpu.memory_space<hbm>>) target(%arg9 : memref<128x128xf32, #tpu.memory_space<vmem>>) offsets(%dma_start3A_497 : memref<128xi32, #tpu.memory_space<vmem>>) semaphore(%arg15 : memref<!tpu.dma_semaphore, #tpu.memory_space<semaphore_mem>>)
      %dma_wait3A_501 = arith.constant 0 : i32
      %dma_wait3A_502 = tpu.memref_slice %arg7[%mul3A_461, %dma_wait3A_501] : memref<40x128xi32, #tpu.memory_space<vmem>> -> memref<1x128xi32, #tpu.memory_space<vmem>>
      %dma_wait3A_503 = tpu.memref_squeeze %dma_wait3A_502 : memref<1x128xi32, #tpu.memory_space<vmem>> -> memref<128xi32, #tpu.memory_space<vmem>>
      %dma_wait3A_504 = arith.constant 0 : i32
      %dma_wait3A_505 = arith.constant 0 : i32
      %dma_wait3A_506 = tpu.memref_slice %arg2[%dma_wait3A_504, %dma_wait3A_505] : memref<10000x128xf32, #tpu.memory_space<hbm>> -> memref<10000x128xf32, #tpu.memory_space<hbm>>
      tpu.wait_indirect_dma semaphore(%arg15 : memref<!tpu.dma_semaphore, #tpu.memory_space<semaphore_mem>>) src(%dma_wait3A_506 : memref<10000x128xf32, #tpu.memory_space<hbm>>) dst(%arg9 : memref<128x128xf32, #tpu.memory_space<vmem>>)
      %dma_start3A_507 = arith.constant 0 : i32
      %dma_start3A_508 = tpu.memref_slice %arg8[%mul3A_461, %dma_start3A_507] : memref<40x128xi32, #tpu.memory_space<vmem>> -> memref<1x128xi32, #tpu.memory_space<vmem>>
      %dma_start3A_509 = tpu.memref_squeeze %dma_start3A_508 : memref<1x128xi32, #tpu.memory_space<vmem>> -> memref<128xi32, #tpu.memory_space<vmem>>
      %dma_start3A_510 = arith.constant 0 : i32
      %dma_start3A_511 = arith.constant 0 : i32
      %dma_start3A_512 = tpu.memref_slice %arg13[%dma_start3A_510, %dma_start3A_511] : memref<10112x128xf32, #tpu.memory_space<vmem_shared>> -> memref<10112x128xf32, #tpu.memory_space<vmem_shared>>
      tpu.enqueue_indirect_dma source(%arg9 : memref<128x128xf32, #tpu.memory_space<vmem>>) target(%dma_start3A_512 : memref<10112x128xf32, #tpu.memory_space<vmem_shared>>) offsets(%dma_start3A_509 : memref<128xi32, #tpu.memory_space<vmem>>) semaphore(%arg17 : memref<!tpu.dma_semaphore, #tpu.memory_space<semaphore_mem>>) {add = true}
      %dma_start3A_513 = arith.constant 0 : i32
      %dma_start3A_514 = tpu.memref_slice %arg8[%mul3A_461, %dma_start3A_513] : memref<40x128xi32, #tpu.memory_space<vmem>> -> memref<1x128xi32, #tpu.memory_space<vmem>>
      %dma_start3A_515 = tpu.memref_squeeze %dma_start3A_514 : memref<1x128xi32, #tpu.memory_space<vmem>> -> memref<128xi32, #tpu.memory_space<vmem>>
      %dma_start3A_516 = arith.constant 0 : i32
      %dma_start3A_517 = tpu.memref_slice %arg14[%dma_start3A_516] : memref<10112xf32, #tpu.memory_space<vmem_shared>> -> memref<10112xf32, #tpu.memory_space<vmem_shared>>
      tpu.enqueue_indirect_dma source(%arg11 : memref<128xf32, #tpu.memory_space<vmem>>) target(%dma_start3A_517 : memref<10112xf32, #tpu.memory_space<vmem_shared>>) offsets(%dma_start3A_515 : memref<128xi32, #tpu.memory_space<vmem>>) semaphore(%arg19 : memref<!tpu.dma_semaphore, #tpu.memory_space<semaphore_mem>>) {add = true}
      %sub3A_518 = arith.constant 1 : i32
      %sub3A_519 = arith.subi %mul3A_461, %sub3A_518 : i32
      %dma_wait3A_520 = arith.constant 0 : i32
      %dma_wait3A_521 = tpu.memref_slice %arg8[%sub3A_519, %dma_wait3A_520] : memref<40x128xi32, #tpu.memory_space<vmem>> -> memref<1x128xi32, #tpu.memory_space<vmem>>
      %dma_wait3A_522 = tpu.memref_squeeze %dma_wait3A_521 : memref<1x128xi32, #tpu.memory_space<vmem>> -> memref<128xi32, #tpu.memory_space<vmem>>
      %dma_wait3A_523 = arith.constant 0 : i32
      %dma_wait3A_524 = arith.constant 0 : i32
      %dma_wait3A_525 = tpu.memref_slice %arg13[%dma_wait3A_523, %dma_wait3A_524] : memref<10112x128xf32, #tpu.memory_space<vmem_shared>> -> memref<10112x128xf32, #tpu.memory_space<vmem_shared>>
      tpu.wait_indirect_dma semaphore(%arg18 : memref<!tpu.dma_semaphore, #tpu.memory_space<semaphore_mem>>) src(%arg10 : memref<128x128xf32, #tpu.memory_space<vmem>>) dst(%dma_wait3A_525 : memref<10112x128xf32, #tpu.memory_space<vmem_shared>>)
      %dma_wait3A_526 = arith.constant 0 : i32
      %dma_wait3A_527 = tpu.memref_slice %arg8[%sub3A_519, %dma_wait3A_526] : memref<40x128xi32, #tpu.memory_space<vmem>> -> memref<1x128xi32, #tpu.memory_space<vmem>>
      %dma_wait3A_528 = tpu.memref_squeeze %dma_wait3A_527 : memref<1x128xi32, #tpu.memory_space<vmem>> -> memref<128xi32, #tpu.memory_space<vmem>>
      %dma_wait3A_529 = arith.constant 0 : i32
      %dma_wait3A_530 = tpu.memref_slice %arg14[%dma_wait3A_529] : memref<10112xf32, #tpu.memory_space<vmem_shared>> -> memref<10112xf32, #tpu.memory_space<vmem_shared>>
      tpu.wait_indirect_dma semaphore(%arg20 : memref<!tpu.dma_semaphore, #tpu.memory_space<semaphore_mem>>) src(%arg11 : memref<128xf32, #tpu.memory_space<vmem>>) dst(%dma_wait3A_530 : memref<10112xf32, #tpu.memory_space<vmem_shared>>)
      %add3A_531 = arith.constant 1 : i32
      %add3A_532 = arith.addi %mul3A_461, %add3A_531 : i32
      %dma_start3A_533 = arith.constant 0 : i32
      %dma_start3A_534 = tpu.memref_slice %arg7[%add3A_532, %dma_start3A_533] : memref<40x128xi32, #tpu.memory_space<vmem>> -> memref<1x128xi32, #tpu.memory_space<vmem>>
      %dma_start3A_535 = tpu.memref_squeeze %dma_start3A_534 : memref<1x128xi32, #tpu.memory_space<vmem>> -> memref<128xi32, #tpu.memory_space<vmem>>
      %dma_start3A_536 = arith.constant 0 : i32
      %dma_start3A_537 = arith.constant 0 : i32
      %dma_start3A_538 = tpu.memref_slice %arg2[%dma_start3A_536, %dma_start3A_537] : memref<10000x128xf32, #tpu.memory_space<hbm>> -> memref<10000x128xf32, #tpu.memory_space<hbm>>
      tpu.enqueue_indirect_dma source(%dma_start3A_538 : memref<10000x128xf32, #tpu.memory_space<hbm>>) target(%arg10 : memref<128x128xf32, #tpu.memory_space<vmem>>) offsets(%dma_start3A_535 : memref<128xi32, #tpu.memory_space<vmem>>) semaphore(%arg16 : memref<!tpu.dma_semaphore, #tpu.memory_space<semaphore_mem>>)
    }
    %scan3A_396 = arith.constant 19 : i32
    %dma_wait3A_397 = arith.constant 39 : i32
    %dma_wait3A_398 = arith.constant 0 : i32
    %dma_wait3A_399 = tpu.memref_slice %arg7[%dma_wait3A_397, %dma_wait3A_398] : memref<40x128xi32, #tpu.memory_space<vmem>> -> memref<1x128xi32, #tpu.memory_space<vmem>>
    %dma_wait3A_400 = tpu.memref_squeeze %dma_wait3A_399 : memref<1x128xi32, #tpu.memory_space<vmem>> -> memref<128xi32, #tpu.memory_space<vmem>>
    %dma_wait3A_401 = arith.constant 0 : i32
    %dma_wait3A_402 = arith.constant 0 : i32
    %dma_wait3A_403 = tpu.memref_slice %arg2[%dma_wait3A_401, %dma_wait3A_402] : memref<10000x128xf32, #tpu.memory_space<hbm>> -> memref<10000x128xf32, #tpu.memory_space<hbm>>
    tpu.wait_indirect_dma semaphore(%arg16 : memref<!tpu.dma_semaphore, #tpu.memory_space<semaphore_mem>>) src(%dma_wait3A_403 : memref<10000x128xf32, #tpu.memory_space<hbm>>) dst(%arg10 : memref<128x128xf32, #tpu.memory_space<vmem>>)
    %dma_start3A_404 = arith.constant 39 : i32
    %dma_start3A_405 = arith.constant 0 : i32
    %dma_start3A_406 = tpu.memref_slice %arg8[%dma_start3A_404, %dma_start3A_405] : memref<40x128xi32, #tpu.memory_space<vmem>> -> memref<1x128xi32, #tpu.memory_space<vmem>>
    %dma_start3A_407 = tpu.memref_squeeze %dma_start3A_406 : memref<1x128xi32, #tpu.memory_space<vmem>> -> memref<128xi32, #tpu.memory_space<vmem>>
    %dma_start3A_408 = arith.constant 0 : i32
    %dma_start3A_409 = arith.constant 0 : i32
    %dma_start3A_410 = tpu.memref_slice %arg13[%dma_start3A_408, %dma_start3A_409] : memref<10112x128xf32, #tpu.memory_space<vmem_shared>> -> memref<10112x128xf32, #tpu.memory_space<vmem_shared>>
    tpu.enqueue_indirect_dma source(%arg10 : memref<128x128xf32, #tpu.memory_space<vmem>>) target(%dma_start3A_410 : memref<10112x128xf32, #tpu.memory_space<vmem_shared>>) offsets(%dma_start3A_407 : memref<128xi32, #tpu.memory_space<vmem>>) semaphore(%arg18 : memref<!tpu.dma_semaphore, #tpu.memory_space<semaphore_mem>>) {add = true}
    %dma_start3A_411 = arith.constant 39 : i32
    %dma_start3A_412 = arith.constant 0 : i32
    %dma_start3A_413 = tpu.memref_slice %arg8[%dma_start3A_411, %dma_start3A_412] : memref<40x128xi32, #tpu.memory_space<vmem>> -> memref<1x128xi32, #tpu.memory_space<vmem>>
    %dma_start3A_414 = tpu.memref_squeeze %dma_start3A_413 : memref<1x128xi32, #tpu.memory_space<vmem>> -> memref<128xi32, #tpu.memory_space<vmem>>
    %dma_start3A_415 = arith.constant 0 : i32
    %dma_start3A_416 = tpu.memref_slice %arg14[%dma_start3A_415] : memref<10112xf32, #tpu.memory_space<vmem_shared>> -> memref<10112xf32, #tpu.memory_space<vmem_shared>>
    tpu.enqueue_indirect_dma source(%arg11 : memref<128xf32, #tpu.memory_space<vmem>>) target(%dma_start3A_416 : memref<10112xf32, #tpu.memory_space<vmem_shared>>) offsets(%dma_start3A_414 : memref<128xi32, #tpu.memory_space<vmem>>) semaphore(%arg20 : memref<!tpu.dma_semaphore, #tpu.memory_space<semaphore_mem>>) {add = true}
    %dma_wait3A_417 = arith.constant 38 : i32
    %dma_wait3A_418 = arith.constant 0 : i32
    %dma_wait3A_419 = tpu.memref_slice %arg8[%dma_wait3A_417, %dma_wait3A_418] : memref<40x128xi32, #tpu.memory_space<vmem>> -> memref<1x128xi32, #tpu.memory_space<vmem>>
    %dma_wait3A_420 = tpu.memref_squeeze %dma_wait3A_419 : memref<1x128xi32, #tpu.memory_space<vmem>> -> memref<128xi32, #tpu.memory_space<vmem>>
    %dma_wait3A_421 = arith.constant 0 : i32
    %dma_wait3A_422 = arith.constant 0 : i32
    %dma_wait3A_423 = tpu.memref_slice %arg13[%dma_wait3A_421, %dma_wait3A_422] : memref<10112x128xf32, #tpu.memory_space<vmem_shared>> -> memref<10112x128xf32, #tpu.memory_space<vmem_shared>>
    tpu.wait_indirect_dma semaphore(%arg17 : memref<!tpu.dma_semaphore, #tpu.memory_space<semaphore_mem>>) src(%arg9 : memref<128x128xf32, #tpu.memory_space<vmem>>) dst(%dma_wait3A_423 : memref<10112x128xf32, #tpu.memory_space<vmem_shared>>)
    %dma_wait3A_424 = arith.constant 38 : i32
    %dma_wait3A_425 = arith.constant 0 : i32
    %dma_wait3A_426 = tpu.memref_slice %arg8[%dma_wait3A_424, %dma_wait3A_425] : memref<40x128xi32, #tpu.memory_space<vmem>> -> memref<1x128xi32, #tpu.memory_space<vmem>>
    %dma_wait3A_427 = tpu.memref_squeeze %dma_wait3A_426 : memref<1x128xi32, #tpu.memory_space<vmem>> -> memref<128xi32, #tpu.memory_space<vmem>>
    %dma_wait3A_428 = arith.constant 0 : i32
    %dma_wait3A_429 = tpu.memref_slice %arg14[%dma_wait3A_428] : memref<10112xf32, #tpu.memory_space<vmem_shared>> -> memref<10112xf32, #tpu.memory_space<vmem_shared>>
    tpu.wait_indirect_dma semaphore(%arg19 : memref<!tpu.dma_semaphore, #tpu.memory_space<semaphore_mem>>) src(%arg11 : memref<128xf32, #tpu.memory_space<vmem>>) dst(%dma_wait3A_429 : memref<10112xf32, #tpu.memory_space<vmem_shared>>)
    %dma_wait3A_430 = arith.constant 39 : i32
    %dma_wait3A_431 = arith.constant 0 : i32
    %dma_wait3A_432 = tpu.memref_slice %arg8[%dma_wait3A_430, %dma_wait3A_431] : memref<40x128xi32, #tpu.memory_space<vmem>> -> memref<1x128xi32, #tpu.memory_space<vmem>>
    %dma_wait3A_433 = tpu.memref_squeeze %dma_wait3A_432 : memref<1x128xi32, #tpu.memory_space<vmem>> -> memref<128xi32, #tpu.memory_space<vmem>>
    %dma_wait3A_434 = arith.constant 0 : i32
    %dma_wait3A_435 = arith.constant 0 : i32
    %dma_wait3A_436 = tpu.memref_slice %arg13[%dma_wait3A_434, %dma_wait3A_435] : memref<10112x128xf32, #tpu.memory_space<vmem_shared>> -> memref<10112x128xf32, #tpu.memory_space<vmem_shared>>
    tpu.wait_indirect_dma semaphore(%arg18 : memref<!tpu.dma_semaphore, #tpu.memory_space<semaphore_mem>>) src(%arg10 : memref<128x128xf32, #tpu.memory_space<vmem>>) dst(%dma_wait3A_436 : memref<10112x128xf32, #tpu.memory_space<vmem_shared>>)
    %dma_wait3A_437 = arith.constant 39 : i32
    %dma_wait3A_438 = arith.constant 0 : i32
    %dma_wait3A_439 = tpu.memref_slice %arg8[%dma_wait3A_437, %dma_wait3A_438] : memref<40x128xi32, #tpu.memory_space<vmem>> -> memref<1x128xi32, #tpu.memory_space<vmem>>
    %dma_wait3A_440 = tpu.memref_squeeze %dma_wait3A_439 : memref<1x128xi32, #tpu.memory_space<vmem>> -> memref<128xi32, #tpu.memory_space<vmem>>
    %dma_wait3A_441 = arith.constant 0 : i32
    %dma_wait3A_442 = tpu.memref_slice %arg14[%dma_wait3A_441] : memref<10112xf32, #tpu.memory_space<vmem_shared>> -> memref<10112xf32, #tpu.memory_space<vmem_shared>>
    tpu.wait_indirect_dma semaphore(%arg20 : memref<!tpu.dma_semaphore, #tpu.memory_space<semaphore_mem>>) src(%arg11 : memref<128xf32, #tpu.memory_space<vmem>>) dst(%dma_wait3A_442 : memref<10112xf32, #tpu.memory_space<vmem_shared>>)
    %barrier3A_443 = arith.constant 0 : index
    tpu.barrier barrier_id(%barrier3A_443)
    %mul3A_444 = arith.constant 624 : i32
    %mul3A_445 = arith.muli %arg1, %mul3A_444 : i32
    %mul3A_446 = arith.constant 624 : i32
    %mul3A_447 = arith.muli %arg1, %mul3A_446 : i32
    "tpu.region"() ({
      %run_scoped3A = tpu.sem_alloc : memref<!tpu.dma_semaphore, #tpu.memory_space<semaphore_mem>>
      %dma_start3A_455 = arith.constant 0 : i32
      %dma_start3A_456 = tpu.memref_slice %arg5[%arg0, %mul3A_447, %dma_start3A_455] : memref<2x10000x128xf32, #tpu.memory_space<hbm>> -> memref<1x624x128xf32, #tpu.memory_space<hbm>>
      %dma_start3A_457 = tpu.memref_squeeze %dma_start3A_456 : memref<1x624x128xf32, #tpu.memory_space<hbm>> -> memref<624x128xf32, #tpu.memory_space<hbm>>
      %dma_start3A_458 = arith.constant 0 : i32
      %dma_start3A_459 = tpu.memref_slice %arg13[%mul3A_445, %dma_start3A_458] : memref<10112x128xf32, #tpu.memory_space<vmem_shared>> -> memref<624x128xf32, #tpu.memory_space<vmem_shared>>
      tpu.enqueue_dma source(%dma_start3A_459 : memref<624x128xf32, #tpu.memory_space<vmem_shared>>) target(%dma_start3A_457 : memref<624x128xf32, #tpu.memory_space<hbm>>) target_semaphore(%run_scoped3A : memref<!tpu.dma_semaphore, #tpu.memory_space<semaphore_mem>>)
      %dma_wait3A_460 = arith.constant 0 : i32
      %dma_wait3A_461 = tpu.memref_slice %arg5[%arg0, %mul3A_447, %dma_wait3A_460] : memref<2x10000x128xf32, #tpu.memory_space<hbm>> -> memref<1x624x128xf32, #tpu.memory_space<hbm>>
      %dma_wait3A_462 = tpu.memref_squeeze %dma_wait3A_461 : memref<1x624x128xf32, #tpu.memory_space<hbm>> -> memref<624x128xf32, #tpu.memory_space<hbm>>
      %dma_wait3A_463 = arith.constant 0 : i32
      %dma_wait3A_464 = tpu.memref_slice %arg13[%mul3A_445, %dma_wait3A_463] : memref<10112x128xf32, #tpu.memory_space<vmem_shared>> -> memref<624x128xf32, #tpu.memory_space<vmem_shared>>
      tpu.wait_dma2 semaphore(%run_scoped3A : memref<!tpu.dma_semaphore, #tpu.memory_space<semaphore_mem>>) src(%dma_wait3A_464 : memref<624x128xf32, #tpu.memory_space<vmem_shared>>) dst(%dma_wait3A_462 : memref<624x128xf32, #tpu.memory_space<hbm>>)
      tpu.yield
    }) : () -> ()
    %eq3A = arith.constant 15 : i32
    %eq3A_448 = arith.cmpi eq, %arg1, %eq3A : i32
    %convert_element_type3A = arith.extui %eq3A_448 : i1 to i32
    %cond3A = arith.constant 0 : i32
    %cond3A_449 = arith.cmpi ne, %convert_element_type3A, %cond3A : i32
    scf.if %cond3A_449 {
      "tpu.region"() ({
        %run_scoped3A = tpu.sem_alloc : memref<!tpu.dma_semaphore, #tpu.memory_space<semaphore_mem>>
        %dma_start3A_455 = arith.constant 9984 : i32
        %dma_start3A_456 = arith.constant 0 : i32
        %dma_start3A_457 = tpu.memref_slice %arg5[%arg0, %dma_start3A_455, %dma_start3A_456] : memref<2x10000x128xf32, #tpu.memory_space<hbm>> -> memref<1x16x128xf32, #tpu.memory_space<hbm>>
        %dma_start3A_458 = tpu.memref_squeeze %dma_start3A_457 : memref<1x16x128xf32, #tpu.memory_space<hbm>> -> memref<16x128xf32, #tpu.memory_space<hbm>>
        %dma_start3A_459 = arith.constant 9984 : i32
        %dma_start3A_460 = arith.constant 0 : i32
        %dma_start3A_461 = tpu.memref_slice %arg13[%dma_start3A_459, %dma_start3A_460] : memref<10112x128xf32, #tpu.memory_space<vmem_shared>> -> memref<16x128xf32, #tpu.memory_space<vmem_shared>>
        tpu.enqueue_dma source(%dma_start3A_461 : memref<16x128xf32, #tpu.memory_space<vmem_shared>>) target(%dma_start3A_458 : memref<16x128xf32, #tpu.memory_space<hbm>>) target_semaphore(%run_scoped3A : memref<!tpu.dma_semaphore, #tpu.memory_space<semaphore_mem>>)
        %dma_wait3A_462 = arith.constant 9984 : i32
        %dma_wait3A_463 = arith.constant 0 : i32
        %dma_wait3A_464 = tpu.memref_slice %arg5[%arg0, %dma_wait3A_462, %dma_wait3A_463] : memref<2x10000x128xf32, #tpu.memory_space<hbm>> -> memref<1x16x128xf32, #tpu.memory_space<hbm>>
        %dma_wait3A_465 = tpu.memref_squeeze %dma_wait3A_464 : memref<1x16x128xf32, #tpu.memory_space<hbm>> -> memref<16x128xf32, #tpu.memory_space<hbm>>
        %dma_wait3A_466 = arith.constant 9984 : i32
        %dma_wait3A_467 = arith.constant 0 : i32
        %dma_wait3A_468 = tpu.memref_slice %arg13[%dma_wait3A_466, %dma_wait3A_467] : memref<10112x128xf32, #tpu.memory_space<vmem_shared>> -> memref<16x128xf32, #tpu.memory_space<vmem_shared>>
        tpu.wait_dma2 semaphore(%run_scoped3A : memref<!tpu.dma_semaphore, #tpu.memory_space<semaphore_mem>>) src(%dma_wait3A_468 : memref<16x128xf32, #tpu.memory_space<vmem_shared>>) dst(%dma_wait3A_465 : memref<16x128xf32, #tpu.memory_space<hbm>>)
        tpu.yield
      }) : () -> ()
    } else {
    }
    %eq3A_450 = arith.constant 0 : i32
    %eq3A_451 = arith.cmpi eq, %arg1, %eq3A_450 : i32
    %convert_element_type3A_452 = arith.extui %eq3A_451 : i1 to i32
    %cond3A_453 = arith.constant 0 : i32
    %cond3A_454 = arith.cmpi ne, %convert_element_type3A_452, %cond3A_453 : i32
    scf.if %cond3A_454 {
      "tpu.region"() ({
        %run_scoped3A = tpu.sem_alloc : memref<!tpu.dma_semaphore, #tpu.memory_space<semaphore_mem>>
        %dma_start3A_455 = arith.constant 0 : i32
        %dma_start3A_456 = tpu.memref_slice %arg6[%arg0, %dma_start3A_455] : memref<2x10112xf32, #tpu.memory_space<hbm>> -> memref<1x10112xf32, #tpu.memory_space<hbm>>
        %dma_start3A_457 = tpu.memref_squeeze %dma_start3A_456 : memref<1x10112xf32, #tpu.memory_space<hbm>> -> memref<10112xf32, #tpu.memory_space<hbm>>
        tpu.enqueue_dma source(%arg14 : memref<10112xf32, #tpu.memory_space<vmem_shared>>) target(%dma_start3A_457 : memref<10112xf32, #tpu.memory_space<hbm>>) target_semaphore(%run_scoped3A : memref<!tpu.dma_semaphore, #tpu.memory_space<semaphore_mem>>)
        %dma_wait3A_458 = arith.constant 0 : i32
        %dma_wait3A_459 = tpu.memref_slice %arg6[%arg0, %dma_wait3A_458] : memref<2x10112xf32, #tpu.memory_space<hbm>> -> memref<1x10112xf32, #tpu.memory_space<hbm>>
        %dma_wait3A_460 = tpu.memref_squeeze %dma_wait3A_459 : memref<1x10112xf32, #tpu.memory_space<hbm>> -> memref<10112xf32, #tpu.memory_space<hbm>>
        tpu.wait_dma2 semaphore(%run_scoped3A : memref<!tpu.dma_semaphore, #tpu.memory_space<semaphore_mem>>) src(%arg14 : memref<10112xf32, #tpu.memory_space<vmem_shared>>) dst(%dma_wait3A_460 : memref<10112xf32, #tpu.memory_space<hbm>>)
        tpu.yield
      }) : () -> ()
    } else {
    }
    return
  }
}

#map = affine_map<(d0, d1) -> (0, 0)>
#map1 = affine_map<(d0, d1) -> (0, 0, 0)>
module attributes {stable_mosaic.version = 14 : i64} {
  func.func @body(%arg0: i32, %arg1: i32, %arg2: memref<10000x128xf32, #tpu.memory_space<hbm>>, %arg3: memref<2560x128xi32, #tpu.memory_space<hbm>>, %arg4: memref<2560x128xi32, #tpu.memory_space<hbm>>, %arg5: memref<2x10000x128xf32, #tpu.memory_space<hbm>>, %arg6: memref<40x128xi32, #tpu.memory_space<vmem>>, %arg7: memref<40x128xi32, #tpu.memory_space<vmem>>, %arg8: memref<128x128xf32, #tpu.memory_space<vmem>>, %arg9: memref<128x128xf32, #tpu.memory_space<vmem>>, %arg10: memref<128xf32, #tpu.memory_space<vmem>>, %arg11: memref<640xf32, #tpu.memory_space<vmem>>, %arg12: memref<10112x128xf32, #tpu.memory_space<vmem_shared>>, %arg13: memref<10112xf32, #tpu.memory_space<vmem_shared>>, %arg14: memref<!tpu.dma_semaphore, #tpu.memory_space<semaphore_mem>>, %arg15: memref<!tpu.dma_semaphore, #tpu.memory_space<semaphore_mem>>, %arg16: memref<!tpu.dma_semaphore, #tpu.memory_space<semaphore_mem>>, %arg17: memref<!tpu.dma_semaphore, #tpu.memory_space<semaphore_mem>>, %arg18: memref<!tpu.dma_semaphore, #tpu.memory_space<semaphore_mem>>, %arg19: memref<!tpu.dma_semaphore, #tpu.memory_space<semaphore_mem>>) attributes {dimension_semantics = [#tpu.dimension_semantics<core_parallel>, #tpu.dimension_semantics<subcore_parallel>], iteration_bounds = array<i64: 2, 16>, scalar_prefetch = 0 : i64, scratch_operands = 14 : i64, tpu.core_type = #tpu.core_type<sc_vector_subcore>, window_params = [{transform_indices = #map}, {transform_indices = #map}, {transform_indices = #map}, {transform_indices = #map1}]} {
    %mul3A = arith.constant 16 : i32
    %mul3A_0 = arith.muli %arg0, %mul3A : i32
    %add3A = arith.addi %mul3A_0, %arg1 : i32
    %broadcast_in_dim3A = arith.constant 0.000000e+00 : f32
    %broadcast_in_dim3A_1 = vector.broadcast %broadcast_in_dim3A : f32 to vector<16xf32>
    %scan3A = arith.constant 0 : i32
    %scan3A_2 = arith.constant 128 : i32
    %scan3A_3 = arith.addi %scan3A, %scan3A_2 : i32
    %scan3A_4 = arith.constant 8 : i32
    scf.for %scan3A_402 = %scan3A to %scan3A_3 step %scan3A_4  : i32 {
      %mul3A_403 = arith.constant 1 : i32
      %mul3A_404 = arith.muli %scan3A_402, %mul3A_403 : i32
      %add3A_405 = arith.constant 0 : i32
      %add3A_406 = arith.addi %add3A_405, %mul3A_404 : i32
      %swap3A_407 = arith.index_cast %add3A_406 : i32 to index
      %swap3A_408 = arith.constant 0 : index
      %swap3A_409 = tpu.vector_load %arg8[%swap3A_407, %swap3A_408] {strides = array<i32>} : memref<128x128xf32, #tpu.memory_space<vmem>>, vector<1x16xf32>,
      %swap3A_410 = vector.shape_cast %swap3A_409 : vector<1x16xf32> to vector<16xf32>
      %swap3A_411 = vector.shape_cast %broadcast_in_dim3A_1 : vector<16xf32> to vector<1x16xf32>
      tpu.vector_store %arg8[%swap3A_407, %swap3A_408], %swap3A_411 {strides = array<i32>} : memref<128x128xf32, #tpu.memory_space<vmem>>, vector<1x16xf32>,
      %scan3A_412 = arith.constant 1 : i32
      %scan3A_413 = arith.addi %scan3A_402, %scan3A_412 : i32
      %mul3A_414 = arith.constant 1 : i32
      %mul3A_415 = arith.muli %scan3A_413, %mul3A_414 : i32
      %add3A_416 = arith.constant 0 : i32
      %add3A_417 = arith.addi %add3A_416, %mul3A_415 : i32
      %swap3A_418 = arith.index_cast %add3A_417 : i32 to index
      %swap3A_419 = arith.constant 0 : index
      %swap3A_420 = tpu.vector_load %arg8[%swap3A_418, %swap3A_419] {strides = array<i32>} : memref<128x128xf32, #tpu.memory_space<vmem>>, vector<1x16xf32>,
      %swap3A_421 = vector.shape_cast %swap3A_420 : vector<1x16xf32> to vector<16xf32>
      %swap3A_422 = vector.shape_cast %broadcast_in_dim3A_1 : vector<16xf32> to vector<1x16xf32>
      tpu.vector_store %arg8[%swap3A_418, %swap3A_419], %swap3A_422 {strides = array<i32>} : memref<128x128xf32, #tpu.memory_space<vmem>>, vector<1x16xf32>,
      %scan3A_423 = arith.constant 2 : i32
      %scan3A_424 = arith.addi %scan3A_402, %scan3A_423 : i32
      %mul3A_425 = arith.constant 1 : i32
      %mul3A_426 = arith.muli %scan3A_424, %mul3A_425 : i32
      %add3A_427 = arith.constant 0 : i32
      %add3A_428 = arith.addi %add3A_427, %mul3A_426 : i32
      %swap3A_429 = arith.index_cast %add3A_428 : i32 to index
      %swap3A_430 = arith.constant 0 : index
      %swap3A_431 = tpu.vector_load %arg8[%swap3A_429, %swap3A_430] {strides = array<i32>} : memref<128x128xf32, #tpu.memory_space<vmem>>, vector<1x16xf32>,
      %swap3A_432 = vector.shape_cast %swap3A_431 : vector<1x16xf32> to vector<16xf32>
      %swap3A_433 = vector.shape_cast %broadcast_in_dim3A_1 : vector<16xf32> to vector<1x16xf32>
      tpu.vector_store %arg8[%swap3A_429, %swap3A_430], %swap3A_433 {strides = array<i32>} : memref<128x128xf32, #tpu.memory_space<vmem>>, vector<1x16xf32>,
      %scan3A_434 = arith.constant 3 : i32
      %scan3A_435 = arith.addi %scan3A_402, %scan3A_434 : i32
      %mul3A_436 = arith.constant 1 : i32
      %mul3A_437 = arith.muli %scan3A_435, %mul3A_436 : i32
      %add3A_438 = arith.constant 0 : i32
      %add3A_439 = arith.addi %add3A_438, %mul3A_437 : i32
      %swap3A_440 = arith.index_cast %add3A_439 : i32 to index
      %swap3A_441 = arith.constant 0 : index
      %swap3A_442 = tpu.vector_load %arg8[%swap3A_440, %swap3A_441] {strides = array<i32>} : memref<128x128xf32, #tpu.memory_space<vmem>>, vector<1x16xf32>,
      %swap3A_443 = vector.shape_cast %swap3A_442 : vector<1x16xf32> to vector<16xf32>
      %swap3A_444 = vector.shape_cast %broadcast_in_dim3A_1 : vector<16xf32> to vector<1x16xf32>
      tpu.vector_store %arg8[%swap3A_440, %swap3A_441], %swap3A_444 {strides = array<i32>} : memref<128x128xf32, #tpu.memory_space<vmem>>, vector<1x16xf32>,
      %scan3A_445 = arith.constant 4 : i32
      %scan3A_446 = arith.addi %scan3A_402, %scan3A_445 : i32
      %mul3A_447 = arith.constant 1 : i32
      %mul3A_448 = arith.muli %scan3A_446, %mul3A_447 : i32
      %add3A_449 = arith.constant 0 : i32
      %add3A_450 = arith.addi %add3A_449, %mul3A_448 : i32
      %swap3A_451 = arith.index_cast %add3A_450 : i32 to index
      %swap3A_452 = arith.constant 0 : index
      %swap3A_453 = tpu.vector_load %arg8[%swap3A_451, %swap3A_452] {strides = array<i32>} : memref<128x128xf32, #tpu.memory_space<vmem>>, vector<1x16xf32>,
      %swap3A_454 = vector.shape_cast %swap3A_453 : vector<1x16xf32> to vector<16xf32>
      %swap3A_455 = vector.shape_cast %broadcast_in_dim3A_1 : vector<16xf32> to vector<1x16xf32>
      tpu.vector_store %arg8[%swap3A_451, %swap3A_452], %swap3A_455 {strides = array<i32>} : memref<128x128xf32, #tpu.memory_space<vmem>>, vector<1x16xf32>,
      %scan3A_456 = arith.constant 5 : i32
      %scan3A_457 = arith.addi %scan3A_402, %scan3A_456 : i32
      %mul3A_458 = arith.constant 1 : i32
      %mul3A_459 = arith.muli %scan3A_457, %mul3A_458 : i32
      %add3A_460 = arith.constant 0 : i32
      %add3A_461 = arith.addi %add3A_460, %mul3A_459 : i32
      %swap3A_462 = arith.index_cast %add3A_461 : i32 to index
      %swap3A_463 = arith.constant 0 : index
      %swap3A_464 = tpu.vector_load %arg8[%swap3A_462, %swap3A_463] {strides = array<i32>} : memref<128x128xf32, #tpu.memory_space<vmem>>, vector<1x16xf32>,
      %swap3A_465 = vector.shape_cast %swap3A_464 : vector<1x16xf32> to vector<16xf32>
      %swap3A_466 = vector.shape_cast %broadcast_in_dim3A_1 : vector<16xf32> to vector<1x16xf32>
      tpu.vector_store %arg8[%swap3A_462, %swap3A_463], %swap3A_466 {strides = array<i32>} : memref<128x128xf32, #tpu.memory_space<vmem>>, vector<1x16xf32>,
      %scan3A_467 = arith.constant 6 : i32
      %scan3A_468 = arith.addi %scan3A_402, %scan3A_467 : i32
      %mul3A_469 = arith.constant 1 : i32
      %mul3A_470 = arith.muli %scan3A_468, %mul3A_469 : i32
      %add3A_471 = arith.constant 0 : i32
      %add3A_472 = arith.addi %add3A_471, %mul3A_470 : i32
      %swap3A_473 = arith.index_cast %add3A_472 : i32 to index
      %swap3A_474 = arith.constant 0 : index
      %swap3A_475 = tpu.vector_load %arg8[%swap3A_473, %swap3A_474] {strides = array<i32>} : memref<128x128xf32, #tpu.memory_space<vmem>>, vector<1x16xf32>,
      %swap3A_476 = vector.shape_cast %swap3A_475 : vector<1x16xf32> to vector<16xf32>
      %swap3A_477 = vector.shape_cast %broadcast_in_dim3A_1 : vector<16xf32> to vector<1x16xf32>
      tpu.vector_store %arg8[%swap3A_473, %swap3A_474], %swap3A_477 {strides = array<i32>} : memref<128x128xf32, #tpu.memory_space<vmem>>, vector<1x16xf32>,
      %scan3A_478 = arith.constant 7 : i32
      %scan3A_479 = arith.addi %scan3A_402, %scan3A_478 : i32
      %mul3A_480 = arith.constant 1 : i32
      %mul3A_481 = arith.muli %scan3A_479, %mul3A_480 : i32
      %add3A_482 = arith.constant 0 : i32
      %add3A_483 = arith.addi %add3A_482, %mul3A_481 : i32
      %swap3A_484 = arith.index_cast %add3A_483 : i32 to index
      %swap3A_485 = arith.constant 0 : index
      %swap3A_486 = tpu.vector_load %arg8[%swap3A_484, %swap3A_485] {strides = array<i32>} : memref<128x128xf32, #tpu.memory_space<vmem>>, vector<1x16xf32>,
      %swap3A_487 = vector.shape_cast %swap3A_486 : vector<1x16xf32> to vector<16xf32>
      %swap3A_488 = vector.shape_cast %broadcast_in_dim3A_1 : vector<16xf32> to vector<1x16xf32>
      tpu.vector_store %arg8[%swap3A_484, %swap3A_485], %swap3A_488 {strides = array<i32>} : memref<128x128xf32, #tpu.memory_space<vmem>>, vector<1x16xf32>,
    }
    %scan3A_5 = arith.constant 128 : i32
    %scan3A_6 = arith.constant 0 : i32
    %scan3A_7 = arith.constant 128 : i32
    %scan3A_8 = arith.addi %scan3A_6, %scan3A_7 : i32
    %scan3A_9 = arith.constant 8 : i32
    scf.for %scan3A_402 = %scan3A_6 to %scan3A_8 step %scan3A_9  : i32 {
      %mul3A_403 = arith.constant 1 : i32
      %mul3A_404 = arith.muli %scan3A_402, %mul3A_403 : i32
      %add3A_405 = arith.constant 0 : i32
      %add3A_406 = arith.addi %add3A_405, %mul3A_404 : i32
      %swap3A_407 = arith.index_cast %add3A_406 : i32 to index
      %swap3A_408 = arith.constant 16 : index
      %swap3A_409 = tpu.vector_load %arg8[%swap3A_407, %swap3A_408] {strides = array<i32>} : memref<128x128xf32, #tpu.memory_space<vmem>>, vector<1x16xf32>,
      %swap3A_410 = vector.shape_cast %swap3A_409 : vector<1x16xf32> to vector<16xf32>
      %swap3A_411 = vector.shape_cast %broadcast_in_dim3A_1 : vector<16xf32> to vector<1x16xf32>
      tpu.vector_store %arg8[%swap3A_407, %swap3A_408], %swap3A_411 {strides = array<i32>} : memref<128x128xf32, #tpu.memory_space<vmem>>, vector<1x16xf32>,
      %scan3A_412 = arith.constant 1 : i32
      %scan3A_413 = arith.addi %scan3A_402, %scan3A_412 : i32
      %mul3A_414 = arith.constant 1 : i32
      %mul3A_415 = arith.muli %scan3A_413, %mul3A_414 : i32
      %add3A_416 = arith.constant 0 : i32
      %add3A_417 = arith.addi %add3A_416, %mul3A_415 : i32
      %swap3A_418 = arith.index_cast %add3A_417 : i32 to index
      %swap3A_419 = arith.constant 16 : index
      %swap3A_420 = tpu.vector_load %arg8[%swap3A_418, %swap3A_419] {strides = array<i32>} : memref<128x128xf32, #tpu.memory_space<vmem>>, vector<1x16xf32>,
      %swap3A_421 = vector.shape_cast %swap3A_420 : vector<1x16xf32> to vector<16xf32>
      %swap3A_422 = vector.shape_cast %broadcast_in_dim3A_1 : vector<16xf32> to vector<1x16xf32>
      tpu.vector_store %arg8[%swap3A_418, %swap3A_419], %swap3A_422 {strides = array<i32>} : memref<128x128xf32, #tpu.memory_space<vmem>>, vector<1x16xf32>,
      %scan3A_423 = arith.constant 2 : i32
      %scan3A_424 = arith.addi %scan3A_402, %scan3A_423 : i32
      %mul3A_425 = arith.constant 1 : i32
      %mul3A_426 = arith.muli %scan3A_424, %mul3A_425 : i32
      %add3A_427 = arith.constant 0 : i32
      %add3A_428 = arith.addi %add3A_427, %mul3A_426 : i32
      %swap3A_429 = arith.index_cast %add3A_428 : i32 to index
      %swap3A_430 = arith.constant 16 : index
      %swap3A_431 = tpu.vector_load %arg8[%swap3A_429, %swap3A_430] {strides = array<i32>} : memref<128x128xf32, #tpu.memory_space<vmem>>, vector<1x16xf32>,
      %swap3A_432 = vector.shape_cast %swap3A_431 : vector<1x16xf32> to vector<16xf32>
      %swap3A_433 = vector.shape_cast %broadcast_in_dim3A_1 : vector<16xf32> to vector<1x16xf32>
      tpu.vector_store %arg8[%swap3A_429, %swap3A_430], %swap3A_433 {strides = array<i32>} : memref<128x128xf32, #tpu.memory_space<vmem>>, vector<1x16xf32>,
      %scan3A_434 = arith.constant 3 : i32
      %scan3A_435 = arith.addi %scan3A_402, %scan3A_434 : i32
      %mul3A_436 = arith.constant 1 : i32
      %mul3A_437 = arith.muli %scan3A_435, %mul3A_436 : i32
      %add3A_438 = arith.constant 0 : i32
      %add3A_439 = arith.addi %add3A_438, %mul3A_437 : i32
      %swap3A_440 = arith.index_cast %add3A_439 : i32 to index
      %swap3A_441 = arith.constant 16 : index
      %swap3A_442 = tpu.vector_load %arg8[%swap3A_440, %swap3A_441] {strides = array<i32>} : memref<128x128xf32, #tpu.memory_space<vmem>>, vector<1x16xf32>,
      %swap3A_443 = vector.shape_cast %swap3A_442 : vector<1x16xf32> to vector<16xf32>
      %swap3A_444 = vector.shape_cast %broadcast_in_dim3A_1 : vector<16xf32> to vector<1x16xf32>
      tpu.vector_store %arg8[%swap3A_440, %swap3A_441], %swap3A_444 {strides = array<i32>} : memref<128x128xf32, #tpu.memory_space<vmem>>, vector<1x16xf32>,
      %scan3A_445 = arith.constant 4 : i32
      %scan3A_446 = arith.addi %scan3A_402, %scan3A_445 : i32
      %mul3A_447 = arith.constant 1 : i32
      %mul3A_448 = arith.muli %scan3A_446, %mul3A_447 : i32
      %add3A_449 = arith.constant 0 : i32
      %add3A_450 = arith.addi %add3A_449, %mul3A_448 : i32
      %swap3A_451 = arith.index_cast %add3A_450 : i32 to index
      %swap3A_452 = arith.constant 16 : index
      %swap3A_453 = tpu.vector_load %arg8[%swap3A_451, %swap3A_452] {strides = array<i32>} : memref<128x128xf32, #tpu.memory_space<vmem>>, vector<1x16xf32>,
      %swap3A_454 = vector.shape_cast %swap3A_453 : vector<1x16xf32> to vector<16xf32>
      %swap3A_455 = vector.shape_cast %broadcast_in_dim3A_1 : vector<16xf32> to vector<1x16xf32>
      tpu.vector_store %arg8[%swap3A_451, %swap3A_452], %swap3A_455 {strides = array<i32>} : memref<128x128xf32, #tpu.memory_space<vmem>>, vector<1x16xf32>,
      %scan3A_456 = arith.constant 5 : i32
      %scan3A_457 = arith.addi %scan3A_402, %scan3A_456 : i32
      %mul3A_458 = arith.constant 1 : i32
      %mul3A_459 = arith.muli %scan3A_457, %mul3A_458 : i32
      %add3A_460 = arith.constant 0 : i32
      %add3A_461 = arith.addi %add3A_460, %mul3A_459 : i32
      %swap3A_462 = arith.index_cast %add3A_461 : i32 to index
      %swap3A_463 = arith.constant 16 : index
      %swap3A_464 = tpu.vector_load %arg8[%swap3A_462, %swap3A_463] {strides = array<i32>} : memref<128x128xf32, #tpu.memory_space<vmem>>, vector<1x16xf32>,
      %swap3A_465 = vector.shape_cast %swap3A_464 : vector<1x16xf32> to vector<16xf32>
      %swap3A_466 = vector.shape_cast %broadcast_in_dim3A_1 : vector<16xf32> to vector<1x16xf32>
      tpu.vector_store %arg8[%swap3A_462, %swap3A_463], %swap3A_466 {strides = array<i32>} : memref<128x128xf32, #tpu.memory_space<vmem>>, vector<1x16xf32>,
      %scan3A_467 = arith.constant 6 : i32
      %scan3A_468 = arith.addi %scan3A_402, %scan3A_467 : i32
      %mul3A_469 = arith.constant 1 : i32
      %mul3A_470 = arith.muli %scan3A_468, %mul3A_469 : i32
      %add3A_471 = arith.constant 0 : i32
      %add3A_472 = arith.addi %add3A_471, %mul3A_470 : i32
      %swap3A_473 = arith.index_cast %add3A_472 : i32 to index
      %swap3A_474 = arith.constant 16 : index
      %swap3A_475 = tpu.vector_load %arg8[%swap3A_473, %swap3A_474] {strides = array<i32>} : memref<128x128xf32, #tpu.memory_space<vmem>>, vector<1x16xf32>,
      %swap3A_476 = vector.shape_cast %swap3A_475 : vector<1x16xf32> to vector<16xf32>
      %swap3A_477 = vector.shape_cast %broadcast_in_dim3A_1 : vector<16xf32> to vector<1x16xf32>
      tpu.vector_store %arg8[%swap3A_473, %swap3A_474], %swap3A_477 {strides = array<i32>} : memref<128x128xf32, #tpu.memory_space<vmem>>, vector<1x16xf32>,
      %scan3A_478 = arith.constant 7 : i32
      %scan3A_479 = arith.addi %scan3A_402, %scan3A_478 : i32
      %mul3A_480 = arith.constant 1 : i32
      %mul3A_481 = arith.muli %scan3A_479, %mul3A_480 : i32
      %add3A_482 = arith.constant 0 : i32
      %add3A_483 = arith.addi %add3A_482, %mul3A_481 : i32
      %swap3A_484 = arith.index_cast %add3A_483 : i32 to index
      %swap3A_485 = arith.constant 16 : index
      %swap3A_486 = tpu.vector_load %arg8[%swap3A_484, %swap3A_485] {strides = array<i32>} : memref<128x128xf32, #tpu.memory_space<vmem>>, vector<1x16xf32>,
      %swap3A_487 = vector.shape_cast %swap3A_486 : vector<1x16xf32> to vector<16xf32>
      %swap3A_488 = vector.shape_cast %broadcast_in_dim3A_1 : vector<16xf32> to vector<1x16xf32>
      tpu.vector_store %arg8[%swap3A_484, %swap3A_485], %swap3A_488 {strides = array<i32>} : memref<128x128xf32, #tpu.memory_space<vmem>>, vector<1x16xf32>,
    }
    %scan3A_10 = arith.constant 128 : i32
    %scan3A_11 = arith.constant 0 : i32
    %scan3A_12 = arith.constant 128 : i32
    %scan3A_13 = arith.addi %scan3A_11, %scan3A_12 : i32
    %scan3A_14 = arith.constant 8 : i32
    scf.for %scan3A_402 = %scan3A_11 to %scan3A_13 step %scan3A_14  : i32 {
      %mul3A_403 = arith.constant 1 : i32
      %mul3A_404 = arith.muli %scan3A_402, %mul3A_403 : i32
      %add3A_405 = arith.constant 0 : i32
      %add3A_406 = arith.addi %add3A_405, %mul3A_404 : i32
      %swap3A_407 = arith.index_cast %add3A_406 : i32 to index
      %swap3A_408 = arith.constant 32 : index
      %swap3A_409 = tpu.vector_load %arg8[%swap3A_407, %swap3A_408] {strides = array<i32>} : memref<128x128xf32, #tpu.memory_space<vmem>>, vector<1x16xf32>,
      %swap3A_410 = vector.shape_cast %swap3A_409 : vector<1x16xf32> to vector<16xf32>
      %swap3A_411 = vector.shape_cast %broadcast_in_dim3A_1 : vector<16xf32> to vector<1x16xf32>
      tpu.vector_store %arg8[%swap3A_407, %swap3A_408], %swap3A_411 {strides = array<i32>} : memref<128x128xf32, #tpu.memory_space<vmem>>, vector<1x16xf32>,
      %scan3A_412 = arith.constant 1 : i32
      %scan3A_413 = arith.addi %scan3A_402, %scan3A_412 : i32
      %mul3A_414 = arith.constant 1 : i32
      %mul3A_415 = arith.muli %scan3A_413, %mul3A_414 : i32
      %add3A_416 = arith.constant 0 : i32
      %add3A_417 = arith.addi %add3A_416, %mul3A_415 : i32
      %swap3A_418 = arith.index_cast %add3A_417 : i32 to index
      %swap3A_419 = arith.constant 32 : index
      %swap3A_420 = tpu.vector_load %arg8[%swap3A_418, %swap3A_419] {strides = array<i32>} : memref<128x128xf32, #tpu.memory_space<vmem>>, vector<1x16xf32>,
      %swap3A_421 = vector.shape_cast %swap3A_420 : vector<1x16xf32> to vector<16xf32>
      %swap3A_422 = vector.shape_cast %broadcast_in_dim3A_1 : vector<16xf32> to vector<1x16xf32>
      tpu.vector_store %arg8[%swap3A_418, %swap3A_419], %swap3A_422 {strides = array<i32>} : memref<128x128xf32, #tpu.memory_space<vmem>>, vector<1x16xf32>,
      %scan3A_423 = arith.constant 2 : i32
      %scan3A_424 = arith.addi %scan3A_402, %scan3A_423 : i32
      %mul3A_425 = arith.constant 1 : i32
      %mul3A_426 = arith.muli %scan3A_424, %mul3A_425 : i32
      %add3A_427 = arith.constant 0 : i32
      %add3A_428 = arith.addi %add3A_427, %mul3A_426 : i32
      %swap3A_429 = arith.index_cast %add3A_428 : i32 to index
      %swap3A_430 = arith.constant 32 : index
      %swap3A_431 = tpu.vector_load %arg8[%swap3A_429, %swap3A_430] {strides = array<i32>} : memref<128x128xf32, #tpu.memory_space<vmem>>, vector<1x16xf32>,
      %swap3A_432 = vector.shape_cast %swap3A_431 : vector<1x16xf32> to vector<16xf32>
      %swap3A_433 = vector.shape_cast %broadcast_in_dim3A_1 : vector<16xf32> to vector<1x16xf32>
      tpu.vector_store %arg8[%swap3A_429, %swap3A_430], %swap3A_433 {strides = array<i32>} : memref<128x128xf32, #tpu.memory_space<vmem>>, vector<1x16xf32>,
      %scan3A_434 = arith.constant 3 : i32
      %scan3A_435 = arith.addi %scan3A_402, %scan3A_434 : i32
      %mul3A_436 = arith.constant 1 : i32
      %mul3A_437 = arith.muli %scan3A_435, %mul3A_436 : i32
      %add3A_438 = arith.constant 0 : i32
      %add3A_439 = arith.addi %add3A_438, %mul3A_437 : i32
      %swap3A_440 = arith.index_cast %add3A_439 : i32 to index
      %swap3A_441 = arith.constant 32 : index
      %swap3A_442 = tpu.vector_load %arg8[%swap3A_440, %swap3A_441] {strides = array<i32>} : memref<128x128xf32, #tpu.memory_space<vmem>>, vector<1x16xf32>,
      %swap3A_443 = vector.shape_cast %swap3A_442 : vector<1x16xf32> to vector<16xf32>
      %swap3A_444 = vector.shape_cast %broadcast_in_dim3A_1 : vector<16xf32> to vector<1x16xf32>
      tpu.vector_store %arg8[%swap3A_440, %swap3A_441], %swap3A_444 {strides = array<i32>} : memref<128x128xf32, #tpu.memory_space<vmem>>, vector<1x16xf32>,
      %scan3A_445 = arith.constant 4 : i32
      %scan3A_446 = arith.addi %scan3A_402, %scan3A_445 : i32
      %mul3A_447 = arith.constant 1 : i32
      %mul3A_448 = arith.muli %scan3A_446, %mul3A_447 : i32
      %add3A_449 = arith.constant 0 : i32
      %add3A_450 = arith.addi %add3A_449, %mul3A_448 : i32
      %swap3A_451 = arith.index_cast %add3A_450 : i32 to index
      %swap3A_452 = arith.constant 32 : index
      %swap3A_453 = tpu.vector_load %arg8[%swap3A_451, %swap3A_452] {strides = array<i32>} : memref<128x128xf32, #tpu.memory_space<vmem>>, vector<1x16xf32>,
      %swap3A_454 = vector.shape_cast %swap3A_453 : vector<1x16xf32> to vector<16xf32>
      %swap3A_455 = vector.shape_cast %broadcast_in_dim3A_1 : vector<16xf32> to vector<1x16xf32>
      tpu.vector_store %arg8[%swap3A_451, %swap3A_452], %swap3A_455 {strides = array<i32>} : memref<128x128xf32, #tpu.memory_space<vmem>>, vector<1x16xf32>,
      %scan3A_456 = arith.constant 5 : i32
      %scan3A_457 = arith.addi %scan3A_402, %scan3A_456 : i32
      %mul3A_458 = arith.constant 1 : i32
      %mul3A_459 = arith.muli %scan3A_457, %mul3A_458 : i32
      %add3A_460 = arith.constant 0 : i32
      %add3A_461 = arith.addi %add3A_460, %mul3A_459 : i32
      %swap3A_462 = arith.index_cast %add3A_461 : i32 to index
      %swap3A_463 = arith.constant 32 : index
      %swap3A_464 = tpu.vector_load %arg8[%swap3A_462, %swap3A_463] {strides = array<i32>} : memref<128x128xf32, #tpu.memory_space<vmem>>, vector<1x16xf32>,
      %swap3A_465 = vector.shape_cast %swap3A_464 : vector<1x16xf32> to vector<16xf32>
      %swap3A_466 = vector.shape_cast %broadcast_in_dim3A_1 : vector<16xf32> to vector<1x16xf32>
      tpu.vector_store %arg8[%swap3A_462, %swap3A_463], %swap3A_466 {strides = array<i32>} : memref<128x128xf32, #tpu.memory_space<vmem>>, vector<1x16xf32>,
      %scan3A_467 = arith.constant 6 : i32
      %scan3A_468 = arith.addi %scan3A_402, %scan3A_467 : i32
      %mul3A_469 = arith.constant 1 : i32
      %mul3A_470 = arith.muli %scan3A_468, %mul3A_469 : i32
      %add3A_471 = arith.constant 0 : i32
      %add3A_472 = arith.addi %add3A_471, %mul3A_470 : i32
      %swap3A_473 = arith.index_cast %add3A_472 : i32 to index
      %swap3A_474 = arith.constant 32 : index
      %swap3A_475 = tpu.vector_load %arg8[%swap3A_473, %swap3A_474] {strides = array<i32>} : memref<128x128xf32, #tpu.memory_space<vmem>>, vector<1x16xf32>,
      %swap3A_476 = vector.shape_cast %swap3A_475 : vector<1x16xf32> to vector<16xf32>
      %swap3A_477 = vector.shape_cast %broadcast_in_dim3A_1 : vector<16xf32> to vector<1x16xf32>
      tpu.vector_store %arg8[%swap3A_473, %swap3A_474], %swap3A_477 {strides = array<i32>} : memref<128x128xf32, #tpu.memory_space<vmem>>, vector<1x16xf32>,
      %scan3A_478 = arith.constant 7 : i32
      %scan3A_479 = arith.addi %scan3A_402, %scan3A_478 : i32
      %mul3A_480 = arith.constant 1 : i32
      %mul3A_481 = arith.muli %scan3A_479, %mul3A_480 : i32
      %add3A_482 = arith.constant 0 : i32
      %add3A_483 = arith.addi %add3A_482, %mul3A_481 : i32
      %swap3A_484 = arith.index_cast %add3A_483 : i32 to index
      %swap3A_485 = arith.constant 32 : index
      %swap3A_486 = tpu.vector_load %arg8[%swap3A_484, %swap3A_485] {strides = array<i32>} : memref<128x128xf32, #tpu.memory_space<vmem>>, vector<1x16xf32>,
      %swap3A_487 = vector.shape_cast %swap3A_486 : vector<1x16xf32> to vector<16xf32>
      %swap3A_488 = vector.shape_cast %broadcast_in_dim3A_1 : vector<16xf32> to vector<1x16xf32>
      tpu.vector_store %arg8[%swap3A_484, %swap3A_485], %swap3A_488 {strides = array<i32>} : memref<128x128xf32, #tpu.memory_space<vmem>>, vector<1x16xf32>,
    }
    %scan3A_15 = arith.constant 128 : i32
    %scan3A_16 = arith.constant 0 : i32
    %scan3A_17 = arith.constant 128 : i32
    %scan3A_18 = arith.addi %scan3A_16, %scan3A_17 : i32
    %scan3A_19 = arith.constant 8 : i32
    scf.for %scan3A_402 = %scan3A_16 to %scan3A_18 step %scan3A_19  : i32 {
      %mul3A_403 = arith.constant 1 : i32
      %mul3A_404 = arith.muli %scan3A_402, %mul3A_403 : i32
      %add3A_405 = arith.constant 0 : i32
      %add3A_406 = arith.addi %add3A_405, %mul3A_404 : i32
      %swap3A_407 = arith.index_cast %add3A_406 : i32 to index
      %swap3A_408 = arith.constant 48 : index
      %swap3A_409 = tpu.vector_load %arg8[%swap3A_407, %swap3A_408] {strides = array<i32>} : memref<128x128xf32, #tpu.memory_space<vmem>>, vector<1x16xf32>,
      %swap3A_410 = vector.shape_cast %swap3A_409 : vector<1x16xf32> to vector<16xf32>
      %swap3A_411 = vector.shape_cast %broadcast_in_dim3A_1 : vector<16xf32> to vector<1x16xf32>
      tpu.vector_store %arg8[%swap3A_407, %swap3A_408], %swap3A_411 {strides = array<i32>} : memref<128x128xf32, #tpu.memory_space<vmem>>, vector<1x16xf32>,
      %scan3A_412 = arith.constant 1 : i32
      %scan3A_413 = arith.addi %scan3A_402, %scan3A_412 : i32
      %mul3A_414 = arith.constant 1 : i32
      %mul3A_415 = arith.muli %scan3A_413, %mul3A_414 : i32
      %add3A_416 = arith.constant 0 : i32
      %add3A_417 = arith.addi %add3A_416, %mul3A_415 : i32
      %swap3A_418 = arith.index_cast %add3A_417 : i32 to index
      %swap3A_419 = arith.constant 48 : index
      %swap3A_420 = tpu.vector_load %arg8[%swap3A_418, %swap3A_419] {strides = array<i32>} : memref<128x128xf32, #tpu.memory_space<vmem>>, vector<1x16xf32>,
      %swap3A_421 = vector.shape_cast %swap3A_420 : vector<1x16xf32> to vector<16xf32>
      %swap3A_422 = vector.shape_cast %broadcast_in_dim3A_1 : vector<16xf32> to vector<1x16xf32>
      tpu.vector_store %arg8[%swap3A_418, %swap3A_419], %swap3A_422 {strides = array<i32>} : memref<128x128xf32, #tpu.memory_space<vmem>>, vector<1x16xf32>,
      %scan3A_423 = arith.constant 2 : i32
      %scan3A_424 = arith.addi %scan3A_402, %scan3A_423 : i32
      %mul3A_425 = arith.constant 1 : i32
      %mul3A_426 = arith.muli %scan3A_424, %mul3A_425 : i32
      %add3A_427 = arith.constant 0 : i32
      %add3A_428 = arith.addi %add3A_427, %mul3A_426 : i32
      %swap3A_429 = arith.index_cast %add3A_428 : i32 to index
      %swap3A_430 = arith.constant 48 : index
      %swap3A_431 = tpu.vector_load %arg8[%swap3A_429, %swap3A_430] {strides = array<i32>} : memref<128x128xf32, #tpu.memory_space<vmem>>, vector<1x16xf32>,
      %swap3A_432 = vector.shape_cast %swap3A_431 : vector<1x16xf32> to vector<16xf32>
      %swap3A_433 = vector.shape_cast %broadcast_in_dim3A_1 : vector<16xf32> to vector<1x16xf32>
      tpu.vector_store %arg8[%swap3A_429, %swap3A_430], %swap3A_433 {strides = array<i32>} : memref<128x128xf32, #tpu.memory_space<vmem>>, vector<1x16xf32>,
      %scan3A_434 = arith.constant 3 : i32
      %scan3A_435 = arith.addi %scan3A_402, %scan3A_434 : i32
      %mul3A_436 = arith.constant 1 : i32
      %mul3A_437 = arith.muli %scan3A_435, %mul3A_436 : i32
      %add3A_438 = arith.constant 0 : i32
      %add3A_439 = arith.addi %add3A_438, %mul3A_437 : i32
      %swap3A_440 = arith.index_cast %add3A_439 : i32 to index
      %swap3A_441 = arith.constant 48 : index
      %swap3A_442 = tpu.vector_load %arg8[%swap3A_440, %swap3A_441] {strides = array<i32>} : memref<128x128xf32, #tpu.memory_space<vmem>>, vector<1x16xf32>,
      %swap3A_443 = vector.shape_cast %swap3A_442 : vector<1x16xf32> to vector<16xf32>
      %swap3A_444 = vector.shape_cast %broadcast_in_dim3A_1 : vector<16xf32> to vector<1x16xf32>
      tpu.vector_store %arg8[%swap3A_440, %swap3A_441], %swap3A_444 {strides = array<i32>} : memref<128x128xf32, #tpu.memory_space<vmem>>, vector<1x16xf32>,
      %scan3A_445 = arith.constant 4 : i32
      %scan3A_446 = arith.addi %scan3A_402, %scan3A_445 : i32
      %mul3A_447 = arith.constant 1 : i32
      %mul3A_448 = arith.muli %scan3A_446, %mul3A_447 : i32
      %add3A_449 = arith.constant 0 : i32
      %add3A_450 = arith.addi %add3A_449, %mul3A_448 : i32
      %swap3A_451 = arith.index_cast %add3A_450 : i32 to index
      %swap3A_452 = arith.constant 48 : index
      %swap3A_453 = tpu.vector_load %arg8[%swap3A_451, %swap3A_452] {strides = array<i32>} : memref<128x128xf32, #tpu.memory_space<vmem>>, vector<1x16xf32>,
      %swap3A_454 = vector.shape_cast %swap3A_453 : vector<1x16xf32> to vector<16xf32>
      %swap3A_455 = vector.shape_cast %broadcast_in_dim3A_1 : vector<16xf32> to vector<1x16xf32>
      tpu.vector_store %arg8[%swap3A_451, %swap3A_452], %swap3A_455 {strides = array<i32>} : memref<128x128xf32, #tpu.memory_space<vmem>>, vector<1x16xf32>,
      %scan3A_456 = arith.constant 5 : i32
      %scan3A_457 = arith.addi %scan3A_402, %scan3A_456 : i32
      %mul3A_458 = arith.constant 1 : i32
      %mul3A_459 = arith.muli %scan3A_457, %mul3A_458 : i32
      %add3A_460 = arith.constant 0 : i32
      %add3A_461 = arith.addi %add3A_460, %mul3A_459 : i32
      %swap3A_462 = arith.index_cast %add3A_461 : i32 to index
      %swap3A_463 = arith.constant 48 : index
      %swap3A_464 = tpu.vector_load %arg8[%swap3A_462, %swap3A_463] {strides = array<i32>} : memref<128x128xf32, #tpu.memory_space<vmem>>, vector<1x16xf32>,
      %swap3A_465 = vector.shape_cast %swap3A_464 : vector<1x16xf32> to vector<16xf32>
      %swap3A_466 = vector.shape_cast %broadcast_in_dim3A_1 : vector<16xf32> to vector<1x16xf32>
      tpu.vector_store %arg8[%swap3A_462, %swap3A_463], %swap3A_466 {strides = array<i32>} : memref<128x128xf32, #tpu.memory_space<vmem>>, vector<1x16xf32>,
      %scan3A_467 = arith.constant 6 : i32
      %scan3A_468 = arith.addi %scan3A_402, %scan3A_467 : i32
      %mul3A_469 = arith.constant 1 : i32
      %mul3A_470 = arith.muli %scan3A_468, %mul3A_469 : i32
      %add3A_471 = arith.constant 0 : i32
      %add3A_472 = arith.addi %add3A_471, %mul3A_470 : i32
      %swap3A_473 = arith.index_cast %add3A_472 : i32 to index
      %swap3A_474 = arith.constant 48 : index
      %swap3A_475 = tpu.vector_load %arg8[%swap3A_473, %swap3A_474] {strides = array<i32>} : memref<128x128xf32, #tpu.memory_space<vmem>>, vector<1x16xf32>,
      %swap3A_476 = vector.shape_cast %swap3A_475 : vector<1x16xf32> to vector<16xf32>
      %swap3A_477 = vector.shape_cast %broadcast_in_dim3A_1 : vector<16xf32> to vector<1x16xf32>
      tpu.vector_store %arg8[%swap3A_473, %swap3A_474], %swap3A_477 {strides = array<i32>} : memref<128x128xf32, #tpu.memory_space<vmem>>, vector<1x16xf32>,
      %scan3A_478 = arith.constant 7 : i32
      %scan3A_479 = arith.addi %scan3A_402, %scan3A_478 : i32
      %mul3A_480 = arith.constant 1 : i32
      %mul3A_481 = arith.muli %scan3A_479, %mul3A_480 : i32
      %add3A_482 = arith.constant 0 : i32
      %add3A_483 = arith.addi %add3A_482, %mul3A_481 : i32
      %swap3A_484 = arith.index_cast %add3A_483 : i32 to index
      %swap3A_485 = arith.constant 48 : index
      %swap3A_486 = tpu.vector_load %arg8[%swap3A_484, %swap3A_485] {strides = array<i32>} : memref<128x128xf32, #tpu.memory_space<vmem>>, vector<1x16xf32>,
      %swap3A_487 = vector.shape_cast %swap3A_486 : vector<1x16xf32> to vector<16xf32>
      %swap3A_488 = vector.shape_cast %broadcast_in_dim3A_1 : vector<16xf32> to vector<1x16xf32>
      tpu.vector_store %arg8[%swap3A_484, %swap3A_485], %swap3A_488 {strides = array<i32>} : memref<128x128xf32, #tpu.memory_space<vmem>>, vector<1x16xf32>,
    }
    %scan3A_20 = arith.constant 128 : i32
    %scan3A_21 = arith.constant 0 : i32
    %scan3A_22 = arith.constant 128 : i32
    %scan3A_23 = arith.addi %scan3A_21, %scan3A_22 : i32
    %scan3A_24 = arith.constant 8 : i32
    scf.for %scan3A_402 = %scan3A_21 to %scan3A_23 step %scan3A_24  : i32 {
      %mul3A_403 = arith.constant 1 : i32
      %mul3A_404 = arith.muli %scan3A_402, %mul3A_403 : i32
      %add3A_405 = arith.constant 0 : i32
      %add3A_406 = arith.addi %add3A_405, %mul3A_404 : i32
      %swap3A_407 = arith.index_cast %add3A_406 : i32 to index
      %swap3A_408 = arith.constant 64 : index
      %swap3A_409 = tpu.vector_load %arg8[%swap3A_407, %swap3A_408] {strides = array<i32>} : memref<128x128xf32, #tpu.memory_space<vmem>>, vector<1x16xf32>,
      %swap3A_410 = vector.shape_cast %swap3A_409 : vector<1x16xf32> to vector<16xf32>
      %swap3A_411 = vector.shape_cast %broadcast_in_dim3A_1 : vector<16xf32> to vector<1x16xf32>
      tpu.vector_store %arg8[%swap3A_407, %swap3A_408], %swap3A_411 {strides = array<i32>} : memref<128x128xf32, #tpu.memory_space<vmem>>, vector<1x16xf32>,
      %scan3A_412 = arith.constant 1 : i32
      %scan3A_413 = arith.addi %scan3A_402, %scan3A_412 : i32
      %mul3A_414 = arith.constant 1 : i32
      %mul3A_415 = arith.muli %scan3A_413, %mul3A_414 : i32
      %add3A_416 = arith.constant 0 : i32
      %add3A_417 = arith.addi %add3A_416, %mul3A_415 : i32
      %swap3A_418 = arith.index_cast %add3A_417 : i32 to index
      %swap3A_419 = arith.constant 64 : index
      %swap3A_420 = tpu.vector_load %arg8[%swap3A_418, %swap3A_419] {strides = array<i32>} : memref<128x128xf32, #tpu.memory_space<vmem>>, vector<1x16xf32>,
      %swap3A_421 = vector.shape_cast %swap3A_420 : vector<1x16xf32> to vector<16xf32>
      %swap3A_422 = vector.shape_cast %broadcast_in_dim3A_1 : vector<16xf32> to vector<1x16xf32>
      tpu.vector_store %arg8[%swap3A_418, %swap3A_419], %swap3A_422 {strides = array<i32>} : memref<128x128xf32, #tpu.memory_space<vmem>>, vector<1x16xf32>,
      %scan3A_423 = arith.constant 2 : i32
      %scan3A_424 = arith.addi %scan3A_402, %scan3A_423 : i32
      %mul3A_425 = arith.constant 1 : i32
      %mul3A_426 = arith.muli %scan3A_424, %mul3A_425 : i32
      %add3A_427 = arith.constant 0 : i32
      %add3A_428 = arith.addi %add3A_427, %mul3A_426 : i32
      %swap3A_429 = arith.index_cast %add3A_428 : i32 to index
      %swap3A_430 = arith.constant 64 : index
      %swap3A_431 = tpu.vector_load %arg8[%swap3A_429, %swap3A_430] {strides = array<i32>} : memref<128x128xf32, #tpu.memory_space<vmem>>, vector<1x16xf32>,
      %swap3A_432 = vector.shape_cast %swap3A_431 : vector<1x16xf32> to vector<16xf32>
      %swap3A_433 = vector.shape_cast %broadcast_in_dim3A_1 : vector<16xf32> to vector<1x16xf32>
      tpu.vector_store %arg8[%swap3A_429, %swap3A_430], %swap3A_433 {strides = array<i32>} : memref<128x128xf32, #tpu.memory_space<vmem>>, vector<1x16xf32>,
      %scan3A_434 = arith.constant 3 : i32
      %scan3A_435 = arith.addi %scan3A_402, %scan3A_434 : i32
      %mul3A_436 = arith.constant 1 : i32
      %mul3A_437 = arith.muli %scan3A_435, %mul3A_436 : i32
      %add3A_438 = arith.constant 0 : i32
      %add3A_439 = arith.addi %add3A_438, %mul3A_437 : i32
      %swap3A_440 = arith.index_cast %add3A_439 : i32 to index
      %swap3A_441 = arith.constant 64 : index
      %swap3A_442 = tpu.vector_load %arg8[%swap3A_440, %swap3A_441] {strides = array<i32>} : memref<128x128xf32, #tpu.memory_space<vmem>>, vector<1x16xf32>,
      %swap3A_443 = vector.shape_cast %swap3A_442 : vector<1x16xf32> to vector<16xf32>
      %swap3A_444 = vector.shape_cast %broadcast_in_dim3A_1 : vector<16xf32> to vector<1x16xf32>
      tpu.vector_store %arg8[%swap3A_440, %swap3A_441], %swap3A_444 {strides = array<i32>} : memref<128x128xf32, #tpu.memory_space<vmem>>, vector<1x16xf32>,
      %scan3A_445 = arith.constant 4 : i32
      %scan3A_446 = arith.addi %scan3A_402, %scan3A_445 : i32
      %mul3A_447 = arith.constant 1 : i32
      %mul3A_448 = arith.muli %scan3A_446, %mul3A_447 : i32
      %add3A_449 = arith.constant 0 : i32
      %add3A_450 = arith.addi %add3A_449, %mul3A_448 : i32
      %swap3A_451 = arith.index_cast %add3A_450 : i32 to index
      %swap3A_452 = arith.constant 64 : index
      %swap3A_453 = tpu.vector_load %arg8[%swap3A_451, %swap3A_452] {strides = array<i32>} : memref<128x128xf32, #tpu.memory_space<vmem>>, vector<1x16xf32>,
      %swap3A_454 = vector.shape_cast %swap3A_453 : vector<1x16xf32> to vector<16xf32>
      %swap3A_455 = vector.shape_cast %broadcast_in_dim3A_1 : vector<16xf32> to vector<1x16xf32>
      tpu.vector_store %arg8[%swap3A_451, %swap3A_452], %swap3A_455 {strides = array<i32>} : memref<128x128xf32, #tpu.memory_space<vmem>>, vector<1x16xf32>,
      %scan3A_456 = arith.constant 5 : i32
      %scan3A_457 = arith.addi %scan3A_402, %scan3A_456 : i32
      %mul3A_458 = arith.constant 1 : i32
      %mul3A_459 = arith.muli %scan3A_457, %mul3A_458 : i32
      %add3A_460 = arith.constant 0 : i32
      %add3A_461 = arith.addi %add3A_460, %mul3A_459 : i32
      %swap3A_462 = arith.index_cast %add3A_461 : i32 to index
      %swap3A_463 = arith.constant 64 : index
      %swap3A_464 = tpu.vector_load %arg8[%swap3A_462, %swap3A_463] {strides = array<i32>} : memref<128x128xf32, #tpu.memory_space<vmem>>, vector<1x16xf32>,
      %swap3A_465 = vector.shape_cast %swap3A_464 : vector<1x16xf32> to vector<16xf32>
      %swap3A_466 = vector.shape_cast %broadcast_in_dim3A_1 : vector<16xf32> to vector<1x16xf32>
      tpu.vector_store %arg8[%swap3A_462, %swap3A_463], %swap3A_466 {strides = array<i32>} : memref<128x128xf32, #tpu.memory_space<vmem>>, vector<1x16xf32>,
      %scan3A_467 = arith.constant 6 : i32
      %scan3A_468 = arith.addi %scan3A_402, %scan3A_467 : i32
      %mul3A_469 = arith.constant 1 : i32
      %mul3A_470 = arith.muli %scan3A_468, %mul3A_469 : i32
      %add3A_471 = arith.constant 0 : i32
      %add3A_472 = arith.addi %add3A_471, %mul3A_470 : i32
      %swap3A_473 = arith.index_cast %add3A_472 : i32 to index
      %swap3A_474 = arith.constant 64 : index
      %swap3A_475 = tpu.vector_load %arg8[%swap3A_473, %swap3A_474] {strides = array<i32>} : memref<128x128xf32, #tpu.memory_space<vmem>>, vector<1x16xf32>,
      %swap3A_476 = vector.shape_cast %swap3A_475 : vector<1x16xf32> to vector<16xf32>
      %swap3A_477 = vector.shape_cast %broadcast_in_dim3A_1 : vector<16xf32> to vector<1x16xf32>
      tpu.vector_store %arg8[%swap3A_473, %swap3A_474], %swap3A_477 {strides = array<i32>} : memref<128x128xf32, #tpu.memory_space<vmem>>, vector<1x16xf32>,
      %scan3A_478 = arith.constant 7 : i32
      %scan3A_479 = arith.addi %scan3A_402, %scan3A_478 : i32
      %mul3A_480 = arith.constant 1 : i32
      %mul3A_481 = arith.muli %scan3A_479, %mul3A_480 : i32
      %add3A_482 = arith.constant 0 : i32
      %add3A_483 = arith.addi %add3A_482, %mul3A_481 : i32
      %swap3A_484 = arith.index_cast %add3A_483 : i32 to index
      %swap3A_485 = arith.constant 64 : index
      %swap3A_486 = tpu.vector_load %arg8[%swap3A_484, %swap3A_485] {strides = array<i32>} : memref<128x128xf32, #tpu.memory_space<vmem>>, vector<1x16xf32>,
      %swap3A_487 = vector.shape_cast %swap3A_486 : vector<1x16xf32> to vector<16xf32>
      %swap3A_488 = vector.shape_cast %broadcast_in_dim3A_1 : vector<16xf32> to vector<1x16xf32>
      tpu.vector_store %arg8[%swap3A_484, %swap3A_485], %swap3A_488 {strides = array<i32>} : memref<128x128xf32, #tpu.memory_space<vmem>>, vector<1x16xf32>,
    }
    %scan3A_25 = arith.constant 128 : i32
    %scan3A_26 = arith.constant 0 : i32
    %scan3A_27 = arith.constant 128 : i32
    %scan3A_28 = arith.addi %scan3A_26, %scan3A_27 : i32
    %scan3A_29 = arith.constant 8 : i32
    scf.for %scan3A_402 = %scan3A_26 to %scan3A_28 step %scan3A_29  : i32 {
      %mul3A_403 = arith.constant 1 : i32
      %mul3A_404 = arith.muli %scan3A_402, %mul3A_403 : i32
      %add3A_405 = arith.constant 0 : i32
      %add3A_406 = arith.addi %add3A_405, %mul3A_404 : i32
      %swap3A_407 = arith.index_cast %add3A_406 : i32 to index
      %swap3A_408 = arith.constant 80 : index
      %swap3A_409 = tpu.vector_load %arg8[%swap3A_407, %swap3A_408] {strides = array<i32>} : memref<128x128xf32, #tpu.memory_space<vmem>>, vector<1x16xf32>,
      %swap3A_410 = vector.shape_cast %swap3A_409 : vector<1x16xf32> to vector<16xf32>
      %swap3A_411 = vector.shape_cast %broadcast_in_dim3A_1 : vector<16xf32> to vector<1x16xf32>
      tpu.vector_store %arg8[%swap3A_407, %swap3A_408], %swap3A_411 {strides = array<i32>} : memref<128x128xf32, #tpu.memory_space<vmem>>, vector<1x16xf32>,
      %scan3A_412 = arith.constant 1 : i32
      %scan3A_413 = arith.addi %scan3A_402, %scan3A_412 : i32
      %mul3A_414 = arith.constant 1 : i32
      %mul3A_415 = arith.muli %scan3A_413, %mul3A_414 : i32
      %add3A_416 = arith.constant 0 : i32
      %add3A_417 = arith.addi %add3A_416, %mul3A_415 : i32
      %swap3A_418 = arith.index_cast %add3A_417 : i32 to index
      %swap3A_419 = arith.constant 80 : index
      %swap3A_420 = tpu.vector_load %arg8[%swap3A_418, %swap3A_419] {strides = array<i32>} : memref<128x128xf32, #tpu.memory_space<vmem>>, vector<1x16xf32>,
      %swap3A_421 = vector.shape_cast %swap3A_420 : vector<1x16xf32> to vector<16xf32>
      %swap3A_422 = vector.shape_cast %broadcast_in_dim3A_1 : vector<16xf32> to vector<1x16xf32>
      tpu.vector_store %arg8[%swap3A_418, %swap3A_419], %swap3A_422 {strides = array<i32>} : memref<128x128xf32, #tpu.memory_space<vmem>>, vector<1x16xf32>,
      %scan3A_423 = arith.constant 2 : i32
      %scan3A_424 = arith.addi %scan3A_402, %scan3A_423 : i32
      %mul3A_425 = arith.constant 1 : i32
      %mul3A_426 = arith.muli %scan3A_424, %mul3A_425 : i32
      %add3A_427 = arith.constant 0 : i32
      %add3A_428 = arith.addi %add3A_427, %mul3A_426 : i32
      %swap3A_429 = arith.index_cast %add3A_428 : i32 to index
      %swap3A_430 = arith.constant 80 : index
      %swap3A_431 = tpu.vector_load %arg8[%swap3A_429, %swap3A_430] {strides = array<i32>} : memref<128x128xf32, #tpu.memory_space<vmem>>, vector<1x16xf32>,
      %swap3A_432 = vector.shape_cast %swap3A_431 : vector<1x16xf32> to vector<16xf32>
      %swap3A_433 = vector.shape_cast %broadcast_in_dim3A_1 : vector<16xf32> to vector<1x16xf32>
      tpu.vector_store %arg8[%swap3A_429, %swap3A_430], %swap3A_433 {strides = array<i32>} : memref<128x128xf32, #tpu.memory_space<vmem>>, vector<1x16xf32>,
      %scan3A_434 = arith.constant 3 : i32
      %scan3A_435 = arith.addi %scan3A_402, %scan3A_434 : i32
      %mul3A_436 = arith.constant 1 : i32
      %mul3A_437 = arith.muli %scan3A_435, %mul3A_436 : i32
      %add3A_438 = arith.constant 0 : i32
      %add3A_439 = arith.addi %add3A_438, %mul3A_437 : i32
      %swap3A_440 = arith.index_cast %add3A_439 : i32 to index
      %swap3A_441 = arith.constant 80 : index
      %swap3A_442 = tpu.vector_load %arg8[%swap3A_440, %swap3A_441] {strides = array<i32>} : memref<128x128xf32, #tpu.memory_space<vmem>>, vector<1x16xf32>,
      %swap3A_443 = vector.shape_cast %swap3A_442 : vector<1x16xf32> to vector<16xf32>
      %swap3A_444 = vector.shape_cast %broadcast_in_dim3A_1 : vector<16xf32> to vector<1x16xf32>
      tpu.vector_store %arg8[%swap3A_440, %swap3A_441], %swap3A_444 {strides = array<i32>} : memref<128x128xf32, #tpu.memory_space<vmem>>, vector<1x16xf32>,
      %scan3A_445 = arith.constant 4 : i32
      %scan3A_446 = arith.addi %scan3A_402, %scan3A_445 : i32
      %mul3A_447 = arith.constant 1 : i32
      %mul3A_448 = arith.muli %scan3A_446, %mul3A_447 : i32
      %add3A_449 = arith.constant 0 : i32
      %add3A_450 = arith.addi %add3A_449, %mul3A_448 : i32
      %swap3A_451 = arith.index_cast %add3A_450 : i32 to index
      %swap3A_452 = arith.constant 80 : index
      %swap3A_453 = tpu.vector_load %arg8[%swap3A_451, %swap3A_452] {strides = array<i32>} : memref<128x128xf32, #tpu.memory_space<vmem>>, vector<1x16xf32>,
      %swap3A_454 = vector.shape_cast %swap3A_453 : vector<1x16xf32> to vector<16xf32>
      %swap3A_455 = vector.shape_cast %broadcast_in_dim3A_1 : vector<16xf32> to vector<1x16xf32>
      tpu.vector_store %arg8[%swap3A_451, %swap3A_452], %swap3A_455 {strides = array<i32>} : memref<128x128xf32, #tpu.memory_space<vmem>>, vector<1x16xf32>,
      %scan3A_456 = arith.constant 5 : i32
      %scan3A_457 = arith.addi %scan3A_402, %scan3A_456 : i32
      %mul3A_458 = arith.constant 1 : i32
      %mul3A_459 = arith.muli %scan3A_457, %mul3A_458 : i32
      %add3A_460 = arith.constant 0 : i32
      %add3A_461 = arith.addi %add3A_460, %mul3A_459 : i32
      %swap3A_462 = arith.index_cast %add3A_461 : i32 to index
      %swap3A_463 = arith.constant 80 : index
      %swap3A_464 = tpu.vector_load %arg8[%swap3A_462, %swap3A_463] {strides = array<i32>} : memref<128x128xf32, #tpu.memory_space<vmem>>, vector<1x16xf32>,
      %swap3A_465 = vector.shape_cast %swap3A_464 : vector<1x16xf32> to vector<16xf32>
      %swap3A_466 = vector.shape_cast %broadcast_in_dim3A_1 : vector<16xf32> to vector<1x16xf32>
      tpu.vector_store %arg8[%swap3A_462, %swap3A_463], %swap3A_466 {strides = array<i32>} : memref<128x128xf32, #tpu.memory_space<vmem>>, vector<1x16xf32>,
      %scan3A_467 = arith.constant 6 : i32
      %scan3A_468 = arith.addi %scan3A_402, %scan3A_467 : i32
      %mul3A_469 = arith.constant 1 : i32
      %mul3A_470 = arith.muli %scan3A_468, %mul3A_469 : i32
      %add3A_471 = arith.constant 0 : i32
      %add3A_472 = arith.addi %add3A_471, %mul3A_470 : i32
      %swap3A_473 = arith.index_cast %add3A_472 : i32 to index
      %swap3A_474 = arith.constant 80 : index
      %swap3A_475 = tpu.vector_load %arg8[%swap3A_473, %swap3A_474] {strides = array<i32>} : memref<128x128xf32, #tpu.memory_space<vmem>>, vector<1x16xf32>,
      %swap3A_476 = vector.shape_cast %swap3A_475 : vector<1x16xf32> to vector<16xf32>
      %swap3A_477 = vector.shape_cast %broadcast_in_dim3A_1 : vector<16xf32> to vector<1x16xf32>
      tpu.vector_store %arg8[%swap3A_473, %swap3A_474], %swap3A_477 {strides = array<i32>} : memref<128x128xf32, #tpu.memory_space<vmem>>, vector<1x16xf32>,
      %scan3A_478 = arith.constant 7 : i32
      %scan3A_479 = arith.addi %scan3A_402, %scan3A_478 : i32
      %mul3A_480 = arith.constant 1 : i32
      %mul3A_481 = arith.muli %scan3A_479, %mul3A_480 : i32
      %add3A_482 = arith.constant 0 : i32
      %add3A_483 = arith.addi %add3A_482, %mul3A_481 : i32
      %swap3A_484 = arith.index_cast %add3A_483 : i32 to index
      %swap3A_485 = arith.constant 80 : index
      %swap3A_486 = tpu.vector_load %arg8[%swap3A_484, %swap3A_485] {strides = array<i32>} : memref<128x128xf32, #tpu.memory_space<vmem>>, vector<1x16xf32>,
      %swap3A_487 = vector.shape_cast %swap3A_486 : vector<1x16xf32> to vector<16xf32>
      %swap3A_488 = vector.shape_cast %broadcast_in_dim3A_1 : vector<16xf32> to vector<1x16xf32>
      tpu.vector_store %arg8[%swap3A_484, %swap3A_485], %swap3A_488 {strides = array<i32>} : memref<128x128xf32, #tpu.memory_space<vmem>>, vector<1x16xf32>,
    }
    %scan3A_30 = arith.constant 128 : i32
    %scan3A_31 = arith.constant 0 : i32
    %scan3A_32 = arith.constant 128 : i32
    %scan3A_33 = arith.addi %scan3A_31, %scan3A_32 : i32
    %scan3A_34 = arith.constant 8 : i32
    scf.for %scan3A_402 = %scan3A_31 to %scan3A_33 step %scan3A_34  : i32 {
      %mul3A_403 = arith.constant 1 : i32
      %mul3A_404 = arith.muli %scan3A_402, %mul3A_403 : i32
      %add3A_405 = arith.constant 0 : i32
      %add3A_406 = arith.addi %add3A_405, %mul3A_404 : i32
      %swap3A_407 = arith.index_cast %add3A_406 : i32 to index
      %swap3A_408 = arith.constant 96 : index
      %swap3A_409 = tpu.vector_load %arg8[%swap3A_407, %swap3A_408] {strides = array<i32>} : memref<128x128xf32, #tpu.memory_space<vmem>>, vector<1x16xf32>,
      %swap3A_410 = vector.shape_cast %swap3A_409 : vector<1x16xf32> to vector<16xf32>
      %swap3A_411 = vector.shape_cast %broadcast_in_dim3A_1 : vector<16xf32> to vector<1x16xf32>
      tpu.vector_store %arg8[%swap3A_407, %swap3A_408], %swap3A_411 {strides = array<i32>} : memref<128x128xf32, #tpu.memory_space<vmem>>, vector<1x16xf32>,
      %scan3A_412 = arith.constant 1 : i32
      %scan3A_413 = arith.addi %scan3A_402, %scan3A_412 : i32
      %mul3A_414 = arith.constant 1 : i32
      %mul3A_415 = arith.muli %scan3A_413, %mul3A_414 : i32
      %add3A_416 = arith.constant 0 : i32
      %add3A_417 = arith.addi %add3A_416, %mul3A_415 : i32
      %swap3A_418 = arith.index_cast %add3A_417 : i32 to index
      %swap3A_419 = arith.constant 96 : index
      %swap3A_420 = tpu.vector_load %arg8[%swap3A_418, %swap3A_419] {strides = array<i32>} : memref<128x128xf32, #tpu.memory_space<vmem>>, vector<1x16xf32>,
      %swap3A_421 = vector.shape_cast %swap3A_420 : vector<1x16xf32> to vector<16xf32>
      %swap3A_422 = vector.shape_cast %broadcast_in_dim3A_1 : vector<16xf32> to vector<1x16xf32>
      tpu.vector_store %arg8[%swap3A_418, %swap3A_419], %swap3A_422 {strides = array<i32>} : memref<128x128xf32, #tpu.memory_space<vmem>>, vector<1x16xf32>,
      %scan3A_423 = arith.constant 2 : i32
      %scan3A_424 = arith.addi %scan3A_402, %scan3A_423 : i32
      %mul3A_425 = arith.constant 1 : i32
      %mul3A_426 = arith.muli %scan3A_424, %mul3A_425 : i32
      %add3A_427 = arith.constant 0 : i32
      %add3A_428 = arith.addi %add3A_427, %mul3A_426 : i32
      %swap3A_429 = arith.index_cast %add3A_428 : i32 to index
      %swap3A_430 = arith.constant 96 : index
      %swap3A_431 = tpu.vector_load %arg8[%swap3A_429, %swap3A_430] {strides = array<i32>} : memref<128x128xf32, #tpu.memory_space<vmem>>, vector<1x16xf32>,
      %swap3A_432 = vector.shape_cast %swap3A_431 : vector<1x16xf32> to vector<16xf32>
      %swap3A_433 = vector.shape_cast %broadcast_in_dim3A_1 : vector<16xf32> to vector<1x16xf32>
      tpu.vector_store %arg8[%swap3A_429, %swap3A_430], %swap3A_433 {strides = array<i32>} : memref<128x128xf32, #tpu.memory_space<vmem>>, vector<1x16xf32>,
      %scan3A_434 = arith.constant 3 : i32
      %scan3A_435 = arith.addi %scan3A_402, %scan3A_434 : i32
      %mul3A_436 = arith.constant 1 : i32
      %mul3A_437 = arith.muli %scan3A_435, %mul3A_436 : i32
      %add3A_438 = arith.constant 0 : i32
      %add3A_439 = arith.addi %add3A_438, %mul3A_437 : i32
      %swap3A_440 = arith.index_cast %add3A_439 : i32 to index
      %swap3A_441 = arith.constant 96 : index
      %swap3A_442 = tpu.vector_load %arg8[%swap3A_440, %swap3A_441] {strides = array<i32>} : memref<128x128xf32, #tpu.memory_space<vmem>>, vector<1x16xf32>,
      %swap3A_443 = vector.shape_cast %swap3A_442 : vector<1x16xf32> to vector<16xf32>
      %swap3A_444 = vector.shape_cast %broadcast_in_dim3A_1 : vector<16xf32> to vector<1x16xf32>
      tpu.vector_store %arg8[%swap3A_440, %swap3A_441], %swap3A_444 {strides = array<i32>} : memref<128x128xf32, #tpu.memory_space<vmem>>, vector<1x16xf32>,
      %scan3A_445 = arith.constant 4 : i32
      %scan3A_446 = arith.addi %scan3A_402, %scan3A_445 : i32
      %mul3A_447 = arith.constant 1 : i32
      %mul3A_448 = arith.muli %scan3A_446, %mul3A_447 : i32
      %add3A_449 = arith.constant 0 : i32
      %add3A_450 = arith.addi %add3A_449, %mul3A_448 : i32
      %swap3A_451 = arith.index_cast %add3A_450 : i32 to index
      %swap3A_452 = arith.constant 96 : index
      %swap3A_453 = tpu.vector_load %arg8[%swap3A_451, %swap3A_452] {strides = array<i32>} : memref<128x128xf32, #tpu.memory_space<vmem>>, vector<1x16xf32>,
      %swap3A_454 = vector.shape_cast %swap3A_453 : vector<1x16xf32> to vector<16xf32>
      %swap3A_455 = vector.shape_cast %broadcast_in_dim3A_1 : vector<16xf32> to vector<1x16xf32>
      tpu.vector_store %arg8[%swap3A_451, %swap3A_452], %swap3A_455 {strides = array<i32>} : memref<128x128xf32, #tpu.memory_space<vmem>>, vector<1x16xf32>,
      %scan3A_456 = arith.constant 5 : i32
      %scan3A_457 = arith.addi %scan3A_402, %scan3A_456 : i32
      %mul3A_458 = arith.constant 1 : i32
      %mul3A_459 = arith.muli %scan3A_457, %mul3A_458 : i32
      %add3A_460 = arith.constant 0 : i32
      %add3A_461 = arith.addi %add3A_460, %mul3A_459 : i32
      %swap3A_462 = arith.index_cast %add3A_461 : i32 to index
      %swap3A_463 = arith.constant 96 : index
      %swap3A_464 = tpu.vector_load %arg8[%swap3A_462, %swap3A_463] {strides = array<i32>} : memref<128x128xf32, #tpu.memory_space<vmem>>, vector<1x16xf32>,
      %swap3A_465 = vector.shape_cast %swap3A_464 : vector<1x16xf32> to vector<16xf32>
      %swap3A_466 = vector.shape_cast %broadcast_in_dim3A_1 : vector<16xf32> to vector<1x16xf32>
      tpu.vector_store %arg8[%swap3A_462, %swap3A_463], %swap3A_466 {strides = array<i32>} : memref<128x128xf32, #tpu.memory_space<vmem>>, vector<1x16xf32>,
      %scan3A_467 = arith.constant 6 : i32
      %scan3A_468 = arith.addi %scan3A_402, %scan3A_467 : i32
      %mul3A_469 = arith.constant 1 : i32
      %mul3A_470 = arith.muli %scan3A_468, %mul3A_469 : i32
      %add3A_471 = arith.constant 0 : i32
      %add3A_472 = arith.addi %add3A_471, %mul3A_470 : i32
      %swap3A_473 = arith.index_cast %add3A_472 : i32 to index
      %swap3A_474 = arith.constant 96 : index
      %swap3A_475 = tpu.vector_load %arg8[%swap3A_473, %swap3A_474] {strides = array<i32>} : memref<128x128xf32, #tpu.memory_space<vmem>>, vector<1x16xf32>,
      %swap3A_476 = vector.shape_cast %swap3A_475 : vector<1x16xf32> to vector<16xf32>
      %swap3A_477 = vector.shape_cast %broadcast_in_dim3A_1 : vector<16xf32> to vector<1x16xf32>
      tpu.vector_store %arg8[%swap3A_473, %swap3A_474], %swap3A_477 {strides = array<i32>} : memref<128x128xf32, #tpu.memory_space<vmem>>, vector<1x16xf32>,
      %scan3A_478 = arith.constant 7 : i32
      %scan3A_479 = arith.addi %scan3A_402, %scan3A_478 : i32
      %mul3A_480 = arith.constant 1 : i32
      %mul3A_481 = arith.muli %scan3A_479, %mul3A_480 : i32
      %add3A_482 = arith.constant 0 : i32
      %add3A_483 = arith.addi %add3A_482, %mul3A_481 : i32
      %swap3A_484 = arith.index_cast %add3A_483 : i32 to index
      %swap3A_485 = arith.constant 96 : index
      %swap3A_486 = tpu.vector_load %arg8[%swap3A_484, %swap3A_485] {strides = array<i32>} : memref<128x128xf32, #tpu.memory_space<vmem>>, vector<1x16xf32>,
      %swap3A_487 = vector.shape_cast %swap3A_486 : vector<1x16xf32> to vector<16xf32>
      %swap3A_488 = vector.shape_cast %broadcast_in_dim3A_1 : vector<16xf32> to vector<1x16xf32>
      tpu.vector_store %arg8[%swap3A_484, %swap3A_485], %swap3A_488 {strides = array<i32>} : memref<128x128xf32, #tpu.memory_space<vmem>>, vector<1x16xf32>,
    }
    %scan3A_35 = arith.constant 128 : i32
    %scan3A_36 = arith.constant 0 : i32
    %scan3A_37 = arith.constant 128 : i32
    %scan3A_38 = arith.addi %scan3A_36, %scan3A_37 : i32
    %scan3A_39 = arith.constant 8 : i32
    scf.for %scan3A_402 = %scan3A_36 to %scan3A_38 step %scan3A_39  : i32 {
      %mul3A_403 = arith.constant 1 : i32
      %mul3A_404 = arith.muli %scan3A_402, %mul3A_403 : i32
      %add3A_405 = arith.constant 0 : i32
      %add3A_406 = arith.addi %add3A_405, %mul3A_404 : i32
      %swap3A_407 = arith.index_cast %add3A_406 : i32 to index
      %swap3A_408 = arith.constant 112 : index
      %swap3A_409 = tpu.vector_load %arg8[%swap3A_407, %swap3A_408] {strides = array<i32>} : memref<128x128xf32, #tpu.memory_space<vmem>>, vector<1x16xf32>,
      %swap3A_410 = vector.shape_cast %swap3A_409 : vector<1x16xf32> to vector<16xf32>
      %swap3A_411 = vector.shape_cast %broadcast_in_dim3A_1 : vector<16xf32> to vector<1x16xf32>
      tpu.vector_store %arg8[%swap3A_407, %swap3A_408], %swap3A_411 {strides = array<i32>} : memref<128x128xf32, #tpu.memory_space<vmem>>, vector<1x16xf32>,
      %scan3A_412 = arith.constant 1 : i32
      %scan3A_413 = arith.addi %scan3A_402, %scan3A_412 : i32
      %mul3A_414 = arith.constant 1 : i32
      %mul3A_415 = arith.muli %scan3A_413, %mul3A_414 : i32
      %add3A_416 = arith.constant 0 : i32
      %add3A_417 = arith.addi %add3A_416, %mul3A_415 : i32
      %swap3A_418 = arith.index_cast %add3A_417 : i32 to index
      %swap3A_419 = arith.constant 112 : index
      %swap3A_420 = tpu.vector_load %arg8[%swap3A_418, %swap3A_419] {strides = array<i32>} : memref<128x128xf32, #tpu.memory_space<vmem>>, vector<1x16xf32>,
      %swap3A_421 = vector.shape_cast %swap3A_420 : vector<1x16xf32> to vector<16xf32>
      %swap3A_422 = vector.shape_cast %broadcast_in_dim3A_1 : vector<16xf32> to vector<1x16xf32>
      tpu.vector_store %arg8[%swap3A_418, %swap3A_419], %swap3A_422 {strides = array<i32>} : memref<128x128xf32, #tpu.memory_space<vmem>>, vector<1x16xf32>,
      %scan3A_423 = arith.constant 2 : i32
      %scan3A_424 = arith.addi %scan3A_402, %scan3A_423 : i32
      %mul3A_425 = arith.constant 1 : i32
      %mul3A_426 = arith.muli %scan3A_424, %mul3A_425 : i32
      %add3A_427 = arith.constant 0 : i32
      %add3A_428 = arith.addi %add3A_427, %mul3A_426 : i32
      %swap3A_429 = arith.index_cast %add3A_428 : i32 to index
      %swap3A_430 = arith.constant 112 : index
      %swap3A_431 = tpu.vector_load %arg8[%swap3A_429, %swap3A_430] {strides = array<i32>} : memref<128x128xf32, #tpu.memory_space<vmem>>, vector<1x16xf32>,
      %swap3A_432 = vector.shape_cast %swap3A_431 : vector<1x16xf32> to vector<16xf32>
      %swap3A_433 = vector.shape_cast %broadcast_in_dim3A_1 : vector<16xf32> to vector<1x16xf32>
      tpu.vector_store %arg8[%swap3A_429, %swap3A_430], %swap3A_433 {strides = array<i32>} : memref<128x128xf32, #tpu.memory_space<vmem>>, vector<1x16xf32>,
      %scan3A_434 = arith.constant 3 : i32
      %scan3A_435 = arith.addi %scan3A_402, %scan3A_434 : i32
      %mul3A_436 = arith.constant 1 : i32
      %mul3A_437 = arith.muli %scan3A_435, %mul3A_436 : i32
      %add3A_438 = arith.constant 0 : i32
      %add3A_439 = arith.addi %add3A_438, %mul3A_437 : i32
      %swap3A_440 = arith.index_cast %add3A_439 : i32 to index
      %swap3A_441 = arith.constant 112 : index
      %swap3A_442 = tpu.vector_load %arg8[%swap3A_440, %swap3A_441] {strides = array<i32>} : memref<128x128xf32, #tpu.memory_space<vmem>>, vector<1x16xf32>,
      %swap3A_443 = vector.shape_cast %swap3A_442 : vector<1x16xf32> to vector<16xf32>
      %swap3A_444 = vector.shape_cast %broadcast_in_dim3A_1 : vector<16xf32> to vector<1x16xf32>
      tpu.vector_store %arg8[%swap3A_440, %swap3A_441], %swap3A_444 {strides = array<i32>} : memref<128x128xf32, #tpu.memory_space<vmem>>, vector<1x16xf32>,
      %scan3A_445 = arith.constant 4 : i32
      %scan3A_446 = arith.addi %scan3A_402, %scan3A_445 : i32
      %mul3A_447 = arith.constant 1 : i32
      %mul3A_448 = arith.muli %scan3A_446, %mul3A_447 : i32
      %add3A_449 = arith.constant 0 : i32
      %add3A_450 = arith.addi %add3A_449, %mul3A_448 : i32
      %swap3A_451 = arith.index_cast %add3A_450 : i32 to index
      %swap3A_452 = arith.constant 112 : index
      %swap3A_453 = tpu.vector_load %arg8[%swap3A_451, %swap3A_452] {strides = array<i32>} : memref<128x128xf32, #tpu.memory_space<vmem>>, vector<1x16xf32>,
      %swap3A_454 = vector.shape_cast %swap3A_453 : vector<1x16xf32> to vector<16xf32>
      %swap3A_455 = vector.shape_cast %broadcast_in_dim3A_1 : vector<16xf32> to vector<1x16xf32>
      tpu.vector_store %arg8[%swap3A_451, %swap3A_452], %swap3A_455 {strides = array<i32>} : memref<128x128xf32, #tpu.memory_space<vmem>>, vector<1x16xf32>,
      %scan3A_456 = arith.constant 5 : i32
      %scan3A_457 = arith.addi %scan3A_402, %scan3A_456 : i32
      %mul3A_458 = arith.constant 1 : i32
      %mul3A_459 = arith.muli %scan3A_457, %mul3A_458 : i32
      %add3A_460 = arith.constant 0 : i32
      %add3A_461 = arith.addi %add3A_460, %mul3A_459 : i32
      %swap3A_462 = arith.index_cast %add3A_461 : i32 to index
      %swap3A_463 = arith.constant 112 : index
      %swap3A_464 = tpu.vector_load %arg8[%swap3A_462, %swap3A_463] {strides = array<i32>} : memref<128x128xf32, #tpu.memory_space<vmem>>, vector<1x16xf32>,
      %swap3A_465 = vector.shape_cast %swap3A_464 : vector<1x16xf32> to vector<16xf32>
      %swap3A_466 = vector.shape_cast %broadcast_in_dim3A_1 : vector<16xf32> to vector<1x16xf32>
      tpu.vector_store %arg8[%swap3A_462, %swap3A_463], %swap3A_466 {strides = array<i32>} : memref<128x128xf32, #tpu.memory_space<vmem>>, vector<1x16xf32>,
      %scan3A_467 = arith.constant 6 : i32
      %scan3A_468 = arith.addi %scan3A_402, %scan3A_467 : i32
      %mul3A_469 = arith.constant 1 : i32
      %mul3A_470 = arith.muli %scan3A_468, %mul3A_469 : i32
      %add3A_471 = arith.constant 0 : i32
      %add3A_472 = arith.addi %add3A_471, %mul3A_470 : i32
      %swap3A_473 = arith.index_cast %add3A_472 : i32 to index
      %swap3A_474 = arith.constant 112 : index
      %swap3A_475 = tpu.vector_load %arg8[%swap3A_473, %swap3A_474] {strides = array<i32>} : memref<128x128xf32, #tpu.memory_space<vmem>>, vector<1x16xf32>,
      %swap3A_476 = vector.shape_cast %swap3A_475 : vector<1x16xf32> to vector<16xf32>
      %swap3A_477 = vector.shape_cast %broadcast_in_dim3A_1 : vector<16xf32> to vector<1x16xf32>
      tpu.vector_store %arg8[%swap3A_473, %swap3A_474], %swap3A_477 {strides = array<i32>} : memref<128x128xf32, #tpu.memory_space<vmem>>, vector<1x16xf32>,
      %scan3A_478 = arith.constant 7 : i32
      %scan3A_479 = arith.addi %scan3A_402, %scan3A_478 : i32
      %mul3A_480 = arith.constant 1 : i32
      %mul3A_481 = arith.muli %scan3A_479, %mul3A_480 : i32
      %add3A_482 = arith.constant 0 : i32
      %add3A_483 = arith.addi %add3A_482, %mul3A_481 : i32
      %swap3A_484 = arith.index_cast %add3A_483 : i32 to index
      %swap3A_485 = arith.constant 112 : index
      %swap3A_486 = tpu.vector_load %arg8[%swap3A_484, %swap3A_485] {strides = array<i32>} : memref<128x128xf32, #tpu.memory_space<vmem>>, vector<1x16xf32>,
      %swap3A_487 = vector.shape_cast %swap3A_486 : vector<1x16xf32> to vector<16xf32>
      %swap3A_488 = vector.shape_cast %broadcast_in_dim3A_1 : vector<16xf32> to vector<1x16xf32>
      tpu.vector_store %arg8[%swap3A_484, %swap3A_485], %swap3A_488 {strides = array<i32>} : memref<128x128xf32, #tpu.memory_space<vmem>>, vector<1x16xf32>,
    }
    %scan3A_40 = arith.constant 128 : i32
    %broadcast_in_dim3A_41 = arith.constant 1.000000e+00 : f32
    %broadcast_in_dim3A_42 = vector.broadcast %broadcast_in_dim3A_41 : f32 to vector<16xf32>
    %swap3A = arith.constant 0 : index
    %swap3A_43 = tpu.vector_load %arg10[%swap3A] {strides = array<i32>} : memref<128xf32, #tpu.memory_space<vmem>>, vector<16xf32>,
    %swap3A_44 = vector.shape_cast %swap3A_43 : vector<16xf32> to vector<16xf32>
    %swap3A_45 = vector.shape_cast %broadcast_in_dim3A_42 : vector<16xf32> to vector<16xf32>
    tpu.vector_store %arg10[%swap3A], %swap3A_45 {strides = array<i32>} : memref<128xf32, #tpu.memory_space<vmem>>, vector<16xf32>,
    %broadcast_in_dim3A_46 = arith.constant 1.000000e+00 : f32
    %broadcast_in_dim3A_47 = vector.broadcast %broadcast_in_dim3A_46 : f32 to vector<16xf32>
    %swap3A_48 = arith.constant 16 : index
    %swap3A_49 = tpu.vector_load %arg10[%swap3A_48] {strides = array<i32>} : memref<128xf32, #tpu.memory_space<vmem>>, vector<16xf32>,
    %swap3A_50 = vector.shape_cast %swap3A_49 : vector<16xf32> to vector<16xf32>
    %swap3A_51 = vector.shape_cast %broadcast_in_dim3A_47 : vector<16xf32> to vector<16xf32>
    tpu.vector_store %arg10[%swap3A_48], %swap3A_51 {strides = array<i32>} : memref<128xf32, #tpu.memory_space<vmem>>, vector<16xf32>,
    %broadcast_in_dim3A_52 = arith.constant 1.000000e+00 : f32
    %broadcast_in_dim3A_53 = vector.broadcast %broadcast_in_dim3A_52 : f32 to vector<16xf32>
    %swap3A_54 = arith.constant 32 : index
    %swap3A_55 = tpu.vector_load %arg10[%swap3A_54] {strides = array<i32>} : memref<128xf32, #tpu.memory_space<vmem>>, vector<16xf32>,
    %swap3A_56 = vector.shape_cast %swap3A_55 : vector<16xf32> to vector<16xf32>
    %swap3A_57 = vector.shape_cast %broadcast_in_dim3A_53 : vector<16xf32> to vector<16xf32>
    tpu.vector_store %arg10[%swap3A_54], %swap3A_57 {strides = array<i32>} : memref<128xf32, #tpu.memory_space<vmem>>, vector<16xf32>,
    %broadcast_in_dim3A_58 = arith.constant 1.000000e+00 : f32
    %broadcast_in_dim3A_59 = vector.broadcast %broadcast_in_dim3A_58 : f32 to vector<16xf32>
    %swap3A_60 = arith.constant 48 : index
    %swap3A_61 = tpu.vector_load %arg10[%swap3A_60] {strides = array<i32>} : memref<128xf32, #tpu.memory_space<vmem>>, vector<16xf32>,
    %swap3A_62 = vector.shape_cast %swap3A_61 : vector<16xf32> to vector<16xf32>
    %swap3A_63 = vector.shape_cast %broadcast_in_dim3A_59 : vector<16xf32> to vector<16xf32>
    tpu.vector_store %arg10[%swap3A_60], %swap3A_63 {strides = array<i32>} : memref<128xf32, #tpu.memory_space<vmem>>, vector<16xf32>,
    %broadcast_in_dim3A_64 = arith.constant 1.000000e+00 : f32
    %broadcast_in_dim3A_65 = vector.broadcast %broadcast_in_dim3A_64 : f32 to vector<16xf32>
    %swap3A_66 = arith.constant 64 : index
    %swap3A_67 = tpu.vector_load %arg10[%swap3A_66] {strides = array<i32>} : memref<128xf32, #tpu.memory_space<vmem>>, vector<16xf32>,
    %swap3A_68 = vector.shape_cast %swap3A_67 : vector<16xf32> to vector<16xf32>
    %swap3A_69 = vector.shape_cast %broadcast_in_dim3A_65 : vector<16xf32> to vector<16xf32>
    tpu.vector_store %arg10[%swap3A_66], %swap3A_69 {strides = array<i32>} : memref<128xf32, #tpu.memory_space<vmem>>, vector<16xf32>,
    %broadcast_in_dim3A_70 = arith.constant 1.000000e+00 : f32
    %broadcast_in_dim3A_71 = vector.broadcast %broadcast_in_dim3A_70 : f32 to vector<16xf32>
    %swap3A_72 = arith.constant 80 : index
    %swap3A_73 = tpu.vector_load %arg10[%swap3A_72] {strides = array<i32>} : memref<128xf32, #tpu.memory_space<vmem>>, vector<16xf32>,
    %swap3A_74 = vector.shape_cast %swap3A_73 : vector<16xf32> to vector<16xf32>
    %swap3A_75 = vector.shape_cast %broadcast_in_dim3A_71 : vector<16xf32> to vector<16xf32>
    tpu.vector_store %arg10[%swap3A_72], %swap3A_75 {strides = array<i32>} : memref<128xf32, #tpu.memory_space<vmem>>, vector<16xf32>,
    %broadcast_in_dim3A_76 = arith.constant 1.000000e+00 : f32
    %broadcast_in_dim3A_77 = vector.broadcast %broadcast_in_dim3A_76 : f32 to vector<16xf32>
    %swap3A_78 = arith.constant 96 : index
    %swap3A_79 = tpu.vector_load %arg10[%swap3A_78] {strides = array<i32>} : memref<128xf32, #tpu.memory_space<vmem>>, vector<16xf32>,
    %swap3A_80 = vector.shape_cast %swap3A_79 : vector<16xf32> to vector<16xf32>
    %swap3A_81 = vector.shape_cast %broadcast_in_dim3A_77 : vector<16xf32> to vector<16xf32>
    tpu.vector_store %arg10[%swap3A_78], %swap3A_81 {strides = array<i32>} : memref<128xf32, #tpu.memory_space<vmem>>, vector<16xf32>,
    %broadcast_in_dim3A_82 = arith.constant 1.000000e+00 : f32
    %broadcast_in_dim3A_83 = vector.broadcast %broadcast_in_dim3A_82 : f32 to vector<16xf32>
    %swap3A_84 = arith.constant 112 : index
    %swap3A_85 = tpu.vector_load %arg10[%swap3A_84] {strides = array<i32>} : memref<128xf32, #tpu.memory_space<vmem>>, vector<16xf32>,
    %swap3A_86 = vector.shape_cast %swap3A_85 : vector<16xf32> to vector<16xf32>
    %swap3A_87 = vector.shape_cast %broadcast_in_dim3A_83 : vector<16xf32> to vector<16xf32>
    tpu.vector_store %arg10[%swap3A_84], %swap3A_87 {strides = array<i32>} : memref<128xf32, #tpu.memory_space<vmem>>, vector<16xf32>,
    %swap3A_88 = arith.constant 0 : index
    %swap3A_89 = tpu.vector_load %arg11[%swap3A_88] {strides = array<i32>} : memref<640xf32, #tpu.memory_space<vmem>>, vector<16xf32>,
    %swap3A_90 = vector.shape_cast %swap3A_89 : vector<16xf32> to vector<16xf32>
    %swap3A_91 = vector.shape_cast %broadcast_in_dim3A_1 : vector<16xf32> to vector<16xf32>
    tpu.vector_store %arg11[%swap3A_88], %swap3A_91 {strides = array<i32>} : memref<640xf32, #tpu.memory_space<vmem>>, vector<16xf32>,
    %swap3A_92 = arith.constant 16 : index
    %swap3A_93 = tpu.vector_load %arg11[%swap3A_92] {strides = array<i32>} : memref<640xf32, #tpu.memory_space<vmem>>, vector<16xf32>,
    %swap3A_94 = vector.shape_cast %swap3A_93 : vector<16xf32> to vector<16xf32>
    %swap3A_95 = vector.shape_cast %broadcast_in_dim3A_1 : vector<16xf32> to vector<16xf32>
    tpu.vector_store %arg11[%swap3A_92], %swap3A_95 {strides = array<i32>} : memref<640xf32, #tpu.memory_space<vmem>>, vector<16xf32>,
    %swap3A_96 = arith.constant 32 : index
    %swap3A_97 = tpu.vector_load %arg11[%swap3A_96] {strides = array<i32>} : memref<640xf32, #tpu.memory_space<vmem>>, vector<16xf32>,
    %swap3A_98 = vector.shape_cast %swap3A_97 : vector<16xf32> to vector<16xf32>
    %swap3A_99 = vector.shape_cast %broadcast_in_dim3A_1 : vector<16xf32> to vector<16xf32>
    tpu.vector_store %arg11[%swap3A_96], %swap3A_99 {strides = array<i32>} : memref<640xf32, #tpu.memory_space<vmem>>, vector<16xf32>,
    %swap3A_100 = arith.constant 48 : index
    %swap3A_101 = tpu.vector_load %arg11[%swap3A_100] {strides = array<i32>} : memref<640xf32, #tpu.memory_space<vmem>>, vector<16xf32>,
    %swap3A_102 = vector.shape_cast %swap3A_101 : vector<16xf32> to vector<16xf32>
    %swap3A_103 = vector.shape_cast %broadcast_in_dim3A_1 : vector<16xf32> to vector<16xf32>
    tpu.vector_store %arg11[%swap3A_100], %swap3A_103 {strides = array<i32>} : memref<640xf32, #tpu.memory_space<vmem>>, vector<16xf32>,
    %swap3A_104 = arith.constant 64 : index
    %swap3A_105 = tpu.vector_load %arg11[%swap3A_104] {strides = array<i32>} : memref<640xf32, #tpu.memory_space<vmem>>, vector<16xf32>,
    %swap3A_106 = vector.shape_cast %swap3A_105 : vector<16xf32> to vector<16xf32>
    %swap3A_107 = vector.shape_cast %broadcast_in_dim3A_1 : vector<16xf32> to vector<16xf32>
    tpu.vector_store %arg11[%swap3A_104], %swap3A_107 {strides = array<i32>} : memref<640xf32, #tpu.memory_space<vmem>>, vector<16xf32>,
    %swap3A_108 = arith.constant 80 : index
    %swap3A_109 = tpu.vector_load %arg11[%swap3A_108] {strides = array<i32>} : memref<640xf32, #tpu.memory_space<vmem>>, vector<16xf32>,
    %swap3A_110 = vector.shape_cast %swap3A_109 : vector<16xf32> to vector<16xf32>
    %swap3A_111 = vector.shape_cast %broadcast_in_dim3A_1 : vector<16xf32> to vector<16xf32>
    tpu.vector_store %arg11[%swap3A_108], %swap3A_111 {strides = array<i32>} : memref<640xf32, #tpu.memory_space<vmem>>, vector<16xf32>,
    %swap3A_112 = arith.constant 96 : index
    %swap3A_113 = tpu.vector_load %arg11[%swap3A_112] {strides = array<i32>} : memref<640xf32, #tpu.memory_space<vmem>>, vector<16xf32>,
    %swap3A_114 = vector.shape_cast %swap3A_113 : vector<16xf32> to vector<16xf32>
    %swap3A_115 = vector.shape_cast %broadcast_in_dim3A_1 : vector<16xf32> to vector<16xf32>
    tpu.vector_store %arg11[%swap3A_112], %swap3A_115 {strides = array<i32>} : memref<640xf32, #tpu.memory_space<vmem>>, vector<16xf32>,
    %swap3A_116 = arith.constant 112 : index
    %swap3A_117 = tpu.vector_load %arg11[%swap3A_116] {strides = array<i32>} : memref<640xf32, #tpu.memory_space<vmem>>, vector<16xf32>,
    %swap3A_118 = vector.shape_cast %swap3A_117 : vector<16xf32> to vector<16xf32>
    %swap3A_119 = vector.shape_cast %broadcast_in_dim3A_1 : vector<16xf32> to vector<16xf32>
    tpu.vector_store %arg11[%swap3A_116], %swap3A_119 {strides = array<i32>} : memref<640xf32, #tpu.memory_space<vmem>>, vector<16xf32>,
    %swap3A_120 = arith.constant 128 : index
    %swap3A_121 = tpu.vector_load %arg11[%swap3A_120] {strides = array<i32>} : memref<640xf32, #tpu.memory_space<vmem>>, vector<16xf32>,
    %swap3A_122 = vector.shape_cast %swap3A_121 : vector<16xf32> to vector<16xf32>
    %swap3A_123 = vector.shape_cast %broadcast_in_dim3A_1 : vector<16xf32> to vector<16xf32>
    tpu.vector_store %arg11[%swap3A_120], %swap3A_123 {strides = array<i32>} : memref<640xf32, #tpu.memory_space<vmem>>, vector<16xf32>,
    %swap3A_124 = arith.constant 144 : index
    %swap3A_125 = tpu.vector_load %arg11[%swap3A_124] {strides = array<i32>} : memref<640xf32, #tpu.memory_space<vmem>>, vector<16xf32>,
    %swap3A_126 = vector.shape_cast %swap3A_125 : vector<16xf32> to vector<16xf32>
    %swap3A_127 = vector.shape_cast %broadcast_in_dim3A_1 : vector<16xf32> to vector<16xf32>
    tpu.vector_store %arg11[%swap3A_124], %swap3A_127 {strides = array<i32>} : memref<640xf32, #tpu.memory_space<vmem>>, vector<16xf32>,
    %swap3A_128 = arith.constant 160 : index
    %swap3A_129 = tpu.vector_load %arg11[%swap3A_128] {strides = array<i32>} : memref<640xf32, #tpu.memory_space<vmem>>, vector<16xf32>,
    %swap3A_130 = vector.shape_cast %swap3A_129 : vector<16xf32> to vector<16xf32>
    %swap3A_131 = vector.shape_cast %broadcast_in_dim3A_1 : vector<16xf32> to vector<16xf32>
    tpu.vector_store %arg11[%swap3A_128], %swap3A_131 {strides = array<i32>} : memref<640xf32, #tpu.memory_space<vmem>>, vector<16xf32>,
    %swap3A_132 = arith.constant 176 : index
    %swap3A_133 = tpu.vector_load %arg11[%swap3A_132] {strides = array<i32>} : memref<640xf32, #tpu.memory_space<vmem>>, vector<16xf32>,
    %swap3A_134 = vector.shape_cast %swap3A_133 : vector<16xf32> to vector<16xf32>
    %swap3A_135 = vector.shape_cast %broadcast_in_dim3A_1 : vector<16xf32> to vector<16xf32>
    tpu.vector_store %arg11[%swap3A_132], %swap3A_135 {strides = array<i32>} : memref<640xf32, #tpu.memory_space<vmem>>, vector<16xf32>,
    %swap3A_136 = arith.constant 192 : index
    %swap3A_137 = tpu.vector_load %arg11[%swap3A_136] {strides = array<i32>} : memref<640xf32, #tpu.memory_space<vmem>>, vector<16xf32>,
    %swap3A_138 = vector.shape_cast %swap3A_137 : vector<16xf32> to vector<16xf32>
    %swap3A_139 = vector.shape_cast %broadcast_in_dim3A_1 : vector<16xf32> to vector<16xf32>
    tpu.vector_store %arg11[%swap3A_136], %swap3A_139 {strides = array<i32>} : memref<640xf32, #tpu.memory_space<vmem>>, vector<16xf32>,
    %swap3A_140 = arith.constant 208 : index
    %swap3A_141 = tpu.vector_load %arg11[%swap3A_140] {strides = array<i32>} : memref<640xf32, #tpu.memory_space<vmem>>, vector<16xf32>,
    %swap3A_142 = vector.shape_cast %swap3A_141 : vector<16xf32> to vector<16xf32>
    %swap3A_143 = vector.shape_cast %broadcast_in_dim3A_1 : vector<16xf32> to vector<16xf32>
    tpu.vector_store %arg11[%swap3A_140], %swap3A_143 {strides = array<i32>} : memref<640xf32, #tpu.memory_space<vmem>>, vector<16xf32>,
    %swap3A_144 = arith.constant 224 : index
    %swap3A_145 = tpu.vector_load %arg11[%swap3A_144] {strides = array<i32>} : memref<640xf32, #tpu.memory_space<vmem>>, vector<16xf32>,
    %swap3A_146 = vector.shape_cast %swap3A_145 : vector<16xf32> to vector<16xf32>
    %swap3A_147 = vector.shape_cast %broadcast_in_dim3A_1 : vector<16xf32> to vector<16xf32>
    tpu.vector_store %arg11[%swap3A_144], %swap3A_147 {strides = array<i32>} : memref<640xf32, #tpu.memory_space<vmem>>, vector<16xf32>,
    %swap3A_148 = arith.constant 240 : index
    %swap3A_149 = tpu.vector_load %arg11[%swap3A_148] {strides = array<i32>} : memref<640xf32, #tpu.memory_space<vmem>>, vector<16xf32>,
    %swap3A_150 = vector.shape_cast %swap3A_149 : vector<16xf32> to vector<16xf32>
    %swap3A_151 = vector.shape_cast %broadcast_in_dim3A_1 : vector<16xf32> to vector<16xf32>
    tpu.vector_store %arg11[%swap3A_148], %swap3A_151 {strides = array<i32>} : memref<640xf32, #tpu.memory_space<vmem>>, vector<16xf32>,
    %swap3A_152 = arith.constant 256 : index
    %swap3A_153 = tpu.vector_load %arg11[%swap3A_152] {strides = array<i32>} : memref<640xf32, #tpu.memory_space<vmem>>, vector<16xf32>,
    %swap3A_154 = vector.shape_cast %swap3A_153 : vector<16xf32> to vector<16xf32>
    %swap3A_155 = vector.shape_cast %broadcast_in_dim3A_1 : vector<16xf32> to vector<16xf32>
    tpu.vector_store %arg11[%swap3A_152], %swap3A_155 {strides = array<i32>} : memref<640xf32, #tpu.memory_space<vmem>>, vector<16xf32>,
    %swap3A_156 = arith.constant 272 : index
    %swap3A_157 = tpu.vector_load %arg11[%swap3A_156] {strides = array<i32>} : memref<640xf32, #tpu.memory_space<vmem>>, vector<16xf32>,
    %swap3A_158 = vector.shape_cast %swap3A_157 : vector<16xf32> to vector<16xf32>
    %swap3A_159 = vector.shape_cast %broadcast_in_dim3A_1 : vector<16xf32> to vector<16xf32>
    tpu.vector_store %arg11[%swap3A_156], %swap3A_159 {strides = array<i32>} : memref<640xf32, #tpu.memory_space<vmem>>, vector<16xf32>,
    %swap3A_160 = arith.constant 288 : index
    %swap3A_161 = tpu.vector_load %arg11[%swap3A_160] {strides = array<i32>} : memref<640xf32, #tpu.memory_space<vmem>>, vector<16xf32>,
    %swap3A_162 = vector.shape_cast %swap3A_161 : vector<16xf32> to vector<16xf32>
    %swap3A_163 = vector.shape_cast %broadcast_in_dim3A_1 : vector<16xf32> to vector<16xf32>
    tpu.vector_store %arg11[%swap3A_160], %swap3A_163 {strides = array<i32>} : memref<640xf32, #tpu.memory_space<vmem>>, vector<16xf32>,
    %swap3A_164 = arith.constant 304 : index
    %swap3A_165 = tpu.vector_load %arg11[%swap3A_164] {strides = array<i32>} : memref<640xf32, #tpu.memory_space<vmem>>, vector<16xf32>,
    %swap3A_166 = vector.shape_cast %swap3A_165 : vector<16xf32> to vector<16xf32>
    %swap3A_167 = vector.shape_cast %broadcast_in_dim3A_1 : vector<16xf32> to vector<16xf32>
    tpu.vector_store %arg11[%swap3A_164], %swap3A_167 {strides = array<i32>} : memref<640xf32, #tpu.memory_space<vmem>>, vector<16xf32>,
    %swap3A_168 = arith.constant 320 : index
    %swap3A_169 = tpu.vector_load %arg11[%swap3A_168] {strides = array<i32>} : memref<640xf32, #tpu.memory_space<vmem>>, vector<16xf32>,
    %swap3A_170 = vector.shape_cast %swap3A_169 : vector<16xf32> to vector<16xf32>
    %swap3A_171 = vector.shape_cast %broadcast_in_dim3A_1 : vector<16xf32> to vector<16xf32>
    tpu.vector_store %arg11[%swap3A_168], %swap3A_171 {strides = array<i32>} : memref<640xf32, #tpu.memory_space<vmem>>, vector<16xf32>,
    %swap3A_172 = arith.constant 336 : index
    %swap3A_173 = tpu.vector_load %arg11[%swap3A_172] {strides = array<i32>} : memref<640xf32, #tpu.memory_space<vmem>>, vector<16xf32>,
    %swap3A_174 = vector.shape_cast %swap3A_173 : vector<16xf32> to vector<16xf32>
    %swap3A_175 = vector.shape_cast %broadcast_in_dim3A_1 : vector<16xf32> to vector<16xf32>
    tpu.vector_store %arg11[%swap3A_172], %swap3A_175 {strides = array<i32>} : memref<640xf32, #tpu.memory_space<vmem>>, vector<16xf32>,
    %swap3A_176 = arith.constant 352 : index
    %swap3A_177 = tpu.vector_load %arg11[%swap3A_176] {strides = array<i32>} : memref<640xf32, #tpu.memory_space<vmem>>, vector<16xf32>,
    %swap3A_178 = vector.shape_cast %swap3A_177 : vector<16xf32> to vector<16xf32>
    %swap3A_179 = vector.shape_cast %broadcast_in_dim3A_1 : vector<16xf32> to vector<16xf32>
    tpu.vector_store %arg11[%swap3A_176], %swap3A_179 {strides = array<i32>} : memref<640xf32, #tpu.memory_space<vmem>>, vector<16xf32>,
    %swap3A_180 = arith.constant 368 : index
    %swap3A_181 = tpu.vector_load %arg11[%swap3A_180] {strides = array<i32>} : memref<640xf32, #tpu.memory_space<vmem>>, vector<16xf32>,
    %swap3A_182 = vector.shape_cast %swap3A_181 : vector<16xf32> to vector<16xf32>
    %swap3A_183 = vector.shape_cast %broadcast_in_dim3A_1 : vector<16xf32> to vector<16xf32>
    tpu.vector_store %arg11[%swap3A_180], %swap3A_183 {strides = array<i32>} : memref<640xf32, #tpu.memory_space<vmem>>, vector<16xf32>,
    %swap3A_184 = arith.constant 384 : index
    %swap3A_185 = tpu.vector_load %arg11[%swap3A_184] {strides = array<i32>} : memref<640xf32, #tpu.memory_space<vmem>>, vector<16xf32>,
    %swap3A_186 = vector.shape_cast %swap3A_185 : vector<16xf32> to vector<16xf32>
    %swap3A_187 = vector.shape_cast %broadcast_in_dim3A_1 : vector<16xf32> to vector<16xf32>
    tpu.vector_store %arg11[%swap3A_184], %swap3A_187 {strides = array<i32>} : memref<640xf32, #tpu.memory_space<vmem>>, vector<16xf32>,
    %swap3A_188 = arith.constant 400 : index
    %swap3A_189 = tpu.vector_load %arg11[%swap3A_188] {strides = array<i32>} : memref<640xf32, #tpu.memory_space<vmem>>, vector<16xf32>,
    %swap3A_190 = vector.shape_cast %swap3A_189 : vector<16xf32> to vector<16xf32>
    %swap3A_191 = vector.shape_cast %broadcast_in_dim3A_1 : vector<16xf32> to vector<16xf32>
    tpu.vector_store %arg11[%swap3A_188], %swap3A_191 {strides = array<i32>} : memref<640xf32, #tpu.memory_space<vmem>>, vector<16xf32>,
    %swap3A_192 = arith.constant 416 : index
    %swap3A_193 = tpu.vector_load %arg11[%swap3A_192] {strides = array<i32>} : memref<640xf32, #tpu.memory_space<vmem>>, vector<16xf32>,
    %swap3A_194 = vector.shape_cast %swap3A_193 : vector<16xf32> to vector<16xf32>
    %swap3A_195 = vector.shape_cast %broadcast_in_dim3A_1 : vector<16xf32> to vector<16xf32>
    tpu.vector_store %arg11[%swap3A_192], %swap3A_195 {strides = array<i32>} : memref<640xf32, #tpu.memory_space<vmem>>, vector<16xf32>,
    %swap3A_196 = arith.constant 432 : index
    %swap3A_197 = tpu.vector_load %arg11[%swap3A_196] {strides = array<i32>} : memref<640xf32, #tpu.memory_space<vmem>>, vector<16xf32>,
    %swap3A_198 = vector.shape_cast %swap3A_197 : vector<16xf32> to vector<16xf32>
    %swap3A_199 = vector.shape_cast %broadcast_in_dim3A_1 : vector<16xf32> to vector<16xf32>
    tpu.vector_store %arg11[%swap3A_196], %swap3A_199 {strides = array<i32>} : memref<640xf32, #tpu.memory_space<vmem>>, vector<16xf32>,
    %swap3A_200 = arith.constant 448 : index
    %swap3A_201 = tpu.vector_load %arg11[%swap3A_200] {strides = array<i32>} : memref<640xf32, #tpu.memory_space<vmem>>, vector<16xf32>,
    %swap3A_202 = vector.shape_cast %swap3A_201 : vector<16xf32> to vector<16xf32>
    %swap3A_203 = vector.shape_cast %broadcast_in_dim3A_1 : vector<16xf32> to vector<16xf32>
    tpu.vector_store %arg11[%swap3A_200], %swap3A_203 {strides = array<i32>} : memref<640xf32, #tpu.memory_space<vmem>>, vector<16xf32>,
    %swap3A_204 = arith.constant 464 : index
    %swap3A_205 = tpu.vector_load %arg11[%swap3A_204] {strides = array<i32>} : memref<640xf32, #tpu.memory_space<vmem>>, vector<16xf32>,
    %swap3A_206 = vector.shape_cast %swap3A_205 : vector<16xf32> to vector<16xf32>
    %swap3A_207 = vector.shape_cast %broadcast_in_dim3A_1 : vector<16xf32> to vector<16xf32>
    tpu.vector_store %arg11[%swap3A_204], %swap3A_207 {strides = array<i32>} : memref<640xf32, #tpu.memory_space<vmem>>, vector<16xf32>,
    %swap3A_208 = arith.constant 480 : index
    %swap3A_209 = tpu.vector_load %arg11[%swap3A_208] {strides = array<i32>} : memref<640xf32, #tpu.memory_space<vmem>>, vector<16xf32>,
    %swap3A_210 = vector.shape_cast %swap3A_209 : vector<16xf32> to vector<16xf32>
    %swap3A_211 = vector.shape_cast %broadcast_in_dim3A_1 : vector<16xf32> to vector<16xf32>
    tpu.vector_store %arg11[%swap3A_208], %swap3A_211 {strides = array<i32>} : memref<640xf32, #tpu.memory_space<vmem>>, vector<16xf32>,
    %swap3A_212 = arith.constant 496 : index
    %swap3A_213 = tpu.vector_load %arg11[%swap3A_212] {strides = array<i32>} : memref<640xf32, #tpu.memory_space<vmem>>, vector<16xf32>,
    %swap3A_214 = vector.shape_cast %swap3A_213 : vector<16xf32> to vector<16xf32>
    %swap3A_215 = vector.shape_cast %broadcast_in_dim3A_1 : vector<16xf32> to vector<16xf32>
    tpu.vector_store %arg11[%swap3A_212], %swap3A_215 {strides = array<i32>} : memref<640xf32, #tpu.memory_space<vmem>>, vector<16xf32>,
    %swap3A_216 = arith.constant 512 : index
    %swap3A_217 = tpu.vector_load %arg11[%swap3A_216] {strides = array<i32>} : memref<640xf32, #tpu.memory_space<vmem>>, vector<16xf32>,
    %swap3A_218 = vector.shape_cast %swap3A_217 : vector<16xf32> to vector<16xf32>
    %swap3A_219 = vector.shape_cast %broadcast_in_dim3A_1 : vector<16xf32> to vector<16xf32>
    tpu.vector_store %arg11[%swap3A_216], %swap3A_219 {strides = array<i32>} : memref<640xf32, #tpu.memory_space<vmem>>, vector<16xf32>,
    %swap3A_220 = arith.constant 528 : index
    %swap3A_221 = tpu.vector_load %arg11[%swap3A_220] {strides = array<i32>} : memref<640xf32, #tpu.memory_space<vmem>>, vector<16xf32>,
    %swap3A_222 = vector.shape_cast %swap3A_221 : vector<16xf32> to vector<16xf32>
    %swap3A_223 = vector.shape_cast %broadcast_in_dim3A_1 : vector<16xf32> to vector<16xf32>
    tpu.vector_store %arg11[%swap3A_220], %swap3A_223 {strides = array<i32>} : memref<640xf32, #tpu.memory_space<vmem>>, vector<16xf32>,
    %swap3A_224 = arith.constant 544 : index
    %swap3A_225 = tpu.vector_load %arg11[%swap3A_224] {strides = array<i32>} : memref<640xf32, #tpu.memory_space<vmem>>, vector<16xf32>,
    %swap3A_226 = vector.shape_cast %swap3A_225 : vector<16xf32> to vector<16xf32>
    %swap3A_227 = vector.shape_cast %broadcast_in_dim3A_1 : vector<16xf32> to vector<16xf32>
    tpu.vector_store %arg11[%swap3A_224], %swap3A_227 {strides = array<i32>} : memref<640xf32, #tpu.memory_space<vmem>>, vector<16xf32>,
    %swap3A_228 = arith.constant 560 : index
    %swap3A_229 = tpu.vector_load %arg11[%swap3A_228] {strides = array<i32>} : memref<640xf32, #tpu.memory_space<vmem>>, vector<16xf32>,
    %swap3A_230 = vector.shape_cast %swap3A_229 : vector<16xf32> to vector<16xf32>
    %swap3A_231 = vector.shape_cast %broadcast_in_dim3A_1 : vector<16xf32> to vector<16xf32>
    tpu.vector_store %arg11[%swap3A_228], %swap3A_231 {strides = array<i32>} : memref<640xf32, #tpu.memory_space<vmem>>, vector<16xf32>,
    %swap3A_232 = arith.constant 576 : index
    %swap3A_233 = tpu.vector_load %arg11[%swap3A_232] {strides = array<i32>} : memref<640xf32, #tpu.memory_space<vmem>>, vector<16xf32>,
    %swap3A_234 = vector.shape_cast %swap3A_233 : vector<16xf32> to vector<16xf32>
    %swap3A_235 = vector.shape_cast %broadcast_in_dim3A_1 : vector<16xf32> to vector<16xf32>
    tpu.vector_store %arg11[%swap3A_232], %swap3A_235 {strides = array<i32>} : memref<640xf32, #tpu.memory_space<vmem>>, vector<16xf32>,
    %swap3A_236 = arith.constant 592 : index
    %swap3A_237 = tpu.vector_load %arg11[%swap3A_236] {strides = array<i32>} : memref<640xf32, #tpu.memory_space<vmem>>, vector<16xf32>,
    %swap3A_238 = vector.shape_cast %swap3A_237 : vector<16xf32> to vector<16xf32>
    %swap3A_239 = vector.shape_cast %broadcast_in_dim3A_1 : vector<16xf32> to vector<16xf32>
    tpu.vector_store %arg11[%swap3A_236], %swap3A_239 {strides = array<i32>} : memref<640xf32, #tpu.memory_space<vmem>>, vector<16xf32>,
    %swap3A_240 = arith.constant 608 : index
    %swap3A_241 = tpu.vector_load %arg11[%swap3A_240] {strides = array<i32>} : memref<640xf32, #tpu.memory_space<vmem>>, vector<16xf32>,
    %swap3A_242 = vector.shape_cast %swap3A_241 : vector<16xf32> to vector<16xf32>
    %swap3A_243 = vector.shape_cast %broadcast_in_dim3A_1 : vector<16xf32> to vector<16xf32>
    tpu.vector_store %arg11[%swap3A_240], %swap3A_243 {strides = array<i32>} : memref<640xf32, #tpu.memory_space<vmem>>, vector<16xf32>,
    %swap3A_244 = arith.constant 624 : index
    %swap3A_245 = tpu.vector_load %arg11[%swap3A_244] {strides = array<i32>} : memref<640xf32, #tpu.memory_space<vmem>>, vector<16xf32>,
    %swap3A_246 = vector.shape_cast %swap3A_245 : vector<16xf32> to vector<16xf32>
    %swap3A_247 = vector.shape_cast %broadcast_in_dim3A_1 : vector<16xf32> to vector<16xf32>
    tpu.vector_store %arg11[%swap3A_244], %swap3A_247 {strides = array<i32>} : memref<640xf32, #tpu.memory_space<vmem>>, vector<16xf32>,
    %scan3A_248 = arith.constant 0 : i32
    %scan3A_249 = arith.constant 4 : i32
    %scan3A_250 = arith.addi %scan3A_248, %scan3A_249 : i32
    %scan3A_251 = arith.constant 1 : i32
    scf.for %scan3A_402 = %scan3A_248 to %scan3A_250 step %scan3A_251  : i32 {
      %mul3A_403 = arith.constant 1 : i32
      %mul3A_404 = arith.muli %scan3A_402, %mul3A_403 : i32
      %add3A_405 = arith.constant 0 : i32
      %add3A_406 = arith.addi %add3A_405, %mul3A_404 : i32
      %mul3A_407 = arith.constant 632 : i32
      %mul3A_408 = arith.muli %arg1, %mul3A_407 : i32
      %mul3A_409 = arith.constant 128 : i32
      %mul3A_410 = arith.muli %add3A_406, %mul3A_409 : i32
      %add3A_411 = arith.addi %mul3A_408, %mul3A_410 : i32
      "tpu.region"() ({
        %run_scoped3A = tpu.sem_alloc : memref<!tpu.dma_semaphore, #tpu.memory_space<semaphore_mem>>
        %dma_start3A_412 = arith.constant 0 : i32
        %dma_start3A_413 = tpu.memref_slice %arg12[%add3A_411, %dma_start3A_412] : memref<10112x128xf32, #tpu.memory_space<vmem_shared>> -> memref<128x128xf32, #tpu.memory_space<vmem_shared>>
        %dma_start3A_414 = arith.constant 0 : i32
        %dma_start3A_415 = tpu.memref_slice %arg12[%add3A_411, %dma_start3A_414] : memref<10112x128xf32, #tpu.memory_space<vmem_shared>> -> memref<128x128xf32, #tpu.memory_space<vmem_shared>>
        tpu.enqueue_dma source(%arg8 : memref<128x128xf32, #tpu.memory_space<vmem>>) target(%dma_start3A_415 : memref<128x128xf32, #tpu.memory_space<vmem_shared>>) target_semaphore(%run_scoped3A : memref<!tpu.dma_semaphore, #tpu.memory_space<semaphore_mem>>)
        %dma_wait3A_416 = arith.constant 0 : i32
        %dma_wait3A_417 = tpu.memref_slice %arg12[%add3A_411, %dma_wait3A_416] : memref<10112x128xf32, #tpu.memory_space<vmem_shared>> -> memref<128x128xf32, #tpu.memory_space<vmem_shared>>
        %dma_wait3A_418 = arith.constant 0 : i32
        %dma_wait3A_419 = tpu.memref_slice %arg12[%add3A_411, %dma_wait3A_418] : memref<10112x128xf32, #tpu.memory_space<vmem_shared>> -> memref<128x128xf32, #tpu.memory_space<vmem_shared>>
        tpu.wait_dma2 semaphore(%run_scoped3A : memref<!tpu.dma_semaphore, #tpu.memory_space<semaphore_mem>>) src(%arg8 : memref<128x128xf32, #tpu.memory_space<vmem>>) dst(%dma_wait3A_419 : memref<128x128xf32, #tpu.memory_space<vmem_shared>>)
        tpu.yield
      }) : () -> ()
    }
    %scan3A_252 = arith.constant 4 : i32
    %mul3A_253 = arith.constant 632 : i32
    %mul3A_254 = arith.muli %arg1, %mul3A_253 : i32
    %add3A_255 = arith.constant 512 : i32
    %add3A_256 = arith.addi %mul3A_254, %add3A_255 : i32
    "tpu.region"() ({
      %run_scoped3A = tpu.sem_alloc : memref<!tpu.dma_semaphore, #tpu.memory_space<semaphore_mem>>
      %dma_start3A_402 = arith.constant 0 : i32
      %dma_start3A_403 = arith.constant 0 : i32
      %dma_start3A_404 = tpu.memref_slice %arg8[%dma_start3A_402, %dma_start3A_403] : memref<128x128xf32, #tpu.memory_space<vmem>> -> memref<120x128xf32, #tpu.memory_space<vmem>>
      %dma_start3A_405 = arith.constant 0 : i32
      %dma_start3A_406 = tpu.memref_slice %arg12[%add3A_256, %dma_start3A_405] : memref<10112x128xf32, #tpu.memory_space<vmem_shared>> -> memref<120x128xf32, #tpu.memory_space<vmem_shared>>
      %dma_start3A_407 = arith.constant 0 : i32
      %dma_start3A_408 = tpu.memref_slice %arg12[%add3A_256, %dma_start3A_407] : memref<10112x128xf32, #tpu.memory_space<vmem_shared>> -> memref<120x128xf32, #tpu.memory_space<vmem_shared>>
      %dma_start3A_409 = arith.constant 0 : i32
      %dma_start3A_410 = arith.constant 0 : i32
      %dma_start3A_411 = tpu.memref_slice %arg8[%dma_start3A_409, %dma_start3A_410] : memref<128x128xf32, #tpu.memory_space<vmem>> -> memref<120x128xf32, #tpu.memory_space<vmem>>
      tpu.enqueue_dma source(%dma_start3A_411 : memref<120x128xf32, #tpu.memory_space<vmem>>) target(%dma_start3A_408 : memref<120x128xf32, #tpu.memory_space<vmem_shared>>) target_semaphore(%run_scoped3A : memref<!tpu.dma_semaphore, #tpu.memory_space<semaphore_mem>>)
      %dma_wait3A_412 = arith.constant 0 : i32
      %dma_wait3A_413 = arith.constant 0 : i32
      %dma_wait3A_414 = tpu.memref_slice %arg8[%dma_wait3A_412, %dma_wait3A_413] : memref<128x128xf32, #tpu.memory_space<vmem>> -> memref<120x128xf32, #tpu.memory_space<vmem>>
      %dma_wait3A_415 = arith.constant 0 : i32
      %dma_wait3A_416 = tpu.memref_slice %arg12[%add3A_256, %dma_wait3A_415] : memref<10112x128xf32, #tpu.memory_space<vmem_shared>> -> memref<120x128xf32, #tpu.memory_space<vmem_shared>>
      %dma_wait3A_417 = arith.constant 0 : i32
      %dma_wait3A_418 = tpu.memref_slice %arg12[%add3A_256, %dma_wait3A_417] : memref<10112x128xf32, #tpu.memory_space<vmem_shared>> -> memref<120x128xf32, #tpu.memory_space<vmem_shared>>
      %dma_wait3A_419 = arith.constant 0 : i32
      %dma_wait3A_420 = arith.constant 0 : i32
      %dma_wait3A_421 = tpu.memref_slice %arg8[%dma_wait3A_419, %dma_wait3A_420] : memref<128x128xf32, #tpu.memory_space<vmem>> -> memref<120x128xf32, #tpu.memory_space<vmem>>
      tpu.wait_dma2 semaphore(%run_scoped3A : memref<!tpu.dma_semaphore, #tpu.memory_space<semaphore_mem>>) src(%dma_wait3A_421 : memref<120x128xf32, #tpu.memory_space<vmem>>) dst(%dma_wait3A_418 : memref<120x128xf32, #tpu.memory_space<vmem_shared>>)
      tpu.yield
    }) : () -> ()
    %mul3A_257 = arith.constant 632 : i32
    %mul3A_258 = arith.muli %arg1, %mul3A_257 : i32
    "tpu.region"() ({
      %run_scoped3A = tpu.sem_alloc : memref<!tpu.dma_semaphore, #tpu.memory_space<semaphore_mem>>
      %dma_start3A_402 = arith.constant 0 : i32
      %dma_start3A_403 = tpu.memref_slice %arg11[%dma_start3A_402] : memref<640xf32, #tpu.memory_space<vmem>> -> memref<632xf32, #tpu.memory_space<vmem>>
      %dma_start3A_404 = tpu.memref_slice %arg13[%mul3A_258] : memref<10112xf32, #tpu.memory_space<vmem_shared>> -> memref<632xf32, #tpu.memory_space<vmem_shared>>
      %dma_start3A_405 = tpu.memref_slice %arg13[%mul3A_258] : memref<10112xf32, #tpu.memory_space<vmem_shared>> -> memref<632xf32, #tpu.memory_space<vmem_shared>>
      %dma_start3A_406 = arith.constant 0 : i32
      %dma_start3A_407 = tpu.memref_slice %arg11[%dma_start3A_406] : memref<640xf32, #tpu.memory_space<vmem>> -> memref<632xf32, #tpu.memory_space<vmem>>
      tpu.enqueue_dma source(%dma_start3A_407 : memref<632xf32, #tpu.memory_space<vmem>>) target(%dma_start3A_405 : memref<632xf32, #tpu.memory_space<vmem_shared>>) target_semaphore(%run_scoped3A : memref<!tpu.dma_semaphore, #tpu.memory_space<semaphore_mem>>)
      %dma_wait3A_408 = arith.constant 0 : i32
      %dma_wait3A_409 = tpu.memref_slice %arg11[%dma_wait3A_408] : memref<640xf32, #tpu.memory_space<vmem>> -> memref<632xf32, #tpu.memory_space<vmem>>
      %dma_wait3A_410 = tpu.memref_slice %arg13[%mul3A_258] : memref<10112xf32, #tpu.memory_space<vmem_shared>> -> memref<632xf32, #tpu.memory_space<vmem_shared>>
      %dma_wait3A_411 = tpu.memref_slice %arg13[%mul3A_258] : memref<10112xf32, #tpu.memory_space<vmem_shared>> -> memref<632xf32, #tpu.memory_space<vmem_shared>>
      %dma_wait3A_412 = arith.constant 0 : i32
      %dma_wait3A_413 = tpu.memref_slice %arg11[%dma_wait3A_412] : memref<640xf32, #tpu.memory_space<vmem>> -> memref<632xf32, #tpu.memory_space<vmem>>
      tpu.wait_dma2 semaphore(%run_scoped3A : memref<!tpu.dma_semaphore, #tpu.memory_space<semaphore_mem>>) src(%dma_wait3A_413 : memref<632xf32, #tpu.memory_space<vmem>>) dst(%dma_wait3A_411 : memref<632xf32, #tpu.memory_space<vmem_shared>>)
      tpu.yield
    }) : () -> ()
    %barrier3A = arith.constant 0 : index
    tpu.barrier barrier_id(%barrier3A)
    %mul3A_259 = arith.constant 80 : i32
    %mul3A_260 = arith.muli %add3A, %mul3A_259 : i32
    %add3A_261 = arith.constant 0 : i32
    %add3A_262 = arith.addi %mul3A_260, %add3A_261 : i32
    "tpu.region"() ({
      %run_scoped3A = tpu.sem_alloc : memref<!tpu.dma_semaphore, #tpu.memory_space<semaphore_mem>>
      %dma_start3A_402 = arith.constant 0 : i32
      %dma_start3A_403 = tpu.memref_slice %arg3[%add3A_262, %dma_start3A_402] : memref<2560x128xi32, #tpu.memory_space<hbm>> -> memref<40x128xi32, #tpu.memory_space<hbm>>
      %dma_start3A_404 = arith.constant 0 : i32
      %dma_start3A_405 = tpu.memref_slice %arg3[%add3A_262, %dma_start3A_404] : memref<2560x128xi32, #tpu.memory_space<hbm>> -> memref<40x128xi32, #tpu.memory_space<hbm>>
      tpu.enqueue_dma source(%dma_start3A_405 : memref<40x128xi32, #tpu.memory_space<hbm>>) target(%arg6 : memref<40x128xi32, #tpu.memory_space<vmem>>) target_semaphore(%run_scoped3A : memref<!tpu.dma_semaphore, #tpu.memory_space<semaphore_mem>>)
      %dma_wait3A_406 = arith.constant 0 : i32
      %dma_wait3A_407 = tpu.memref_slice %arg3[%add3A_262, %dma_wait3A_406] : memref<2560x128xi32, #tpu.memory_space<hbm>> -> memref<40x128xi32, #tpu.memory_space<hbm>>
      %dma_wait3A_408 = arith.constant 0 : i32
      %dma_wait3A_409 = tpu.memref_slice %arg3[%add3A_262, %dma_wait3A_408] : memref<2560x128xi32, #tpu.memory_space<hbm>> -> memref<40x128xi32, #tpu.memory_space<hbm>>
      tpu.wait_dma2 semaphore(%run_scoped3A : memref<!tpu.dma_semaphore, #tpu.memory_space<semaphore_mem>>) src(%dma_wait3A_409 : memref<40x128xi32, #tpu.memory_space<hbm>>) dst(%arg6 : memref<40x128xi32, #tpu.memory_space<vmem>>)
      tpu.yield
    }) : () -> ()
    %mul3A_263 = arith.constant 80 : i32
    %mul3A_264 = arith.muli %add3A, %mul3A_263 : i32
    %add3A_265 = arith.constant 0 : i32
    %add3A_266 = arith.addi %mul3A_264, %add3A_265 : i32
    "tpu.region"() ({
      %run_scoped3A = tpu.sem_alloc : memref<!tpu.dma_semaphore, #tpu.memory_space<semaphore_mem>>
      %dma_start3A_402 = arith.constant 0 : i32
      %dma_start3A_403 = tpu.memref_slice %arg4[%add3A_266, %dma_start3A_402] : memref<2560x128xi32, #tpu.memory_space<hbm>> -> memref<40x128xi32, #tpu.memory_space<hbm>>
      %dma_start3A_404 = arith.constant 0 : i32
      %dma_start3A_405 = tpu.memref_slice %arg4[%add3A_266, %dma_start3A_404] : memref<2560x128xi32, #tpu.memory_space<hbm>> -> memref<40x128xi32, #tpu.memory_space<hbm>>
      tpu.enqueue_dma source(%dma_start3A_405 : memref<40x128xi32, #tpu.memory_space<hbm>>) target(%arg7 : memref<40x128xi32, #tpu.memory_space<vmem>>) target_semaphore(%run_scoped3A : memref<!tpu.dma_semaphore, #tpu.memory_space<semaphore_mem>>)
      %dma_wait3A_406 = arith.constant 0 : i32
      %dma_wait3A_407 = tpu.memref_slice %arg4[%add3A_266, %dma_wait3A_406] : memref<2560x128xi32, #tpu.memory_space<hbm>> -> memref<40x128xi32, #tpu.memory_space<hbm>>
      %dma_wait3A_408 = arith.constant 0 : i32
      %dma_wait3A_409 = tpu.memref_slice %arg4[%add3A_266, %dma_wait3A_408] : memref<2560x128xi32, #tpu.memory_space<hbm>> -> memref<40x128xi32, #tpu.memory_space<hbm>>
      tpu.wait_dma2 semaphore(%run_scoped3A : memref<!tpu.dma_semaphore, #tpu.memory_space<semaphore_mem>>) src(%dma_wait3A_409 : memref<40x128xi32, #tpu.memory_space<hbm>>) dst(%arg7 : memref<40x128xi32, #tpu.memory_space<vmem>>)
      tpu.yield
    }) : () -> ()
    %dma_start3A = arith.constant 0 : i32
    %dma_start3A_267 = arith.constant 0 : i32
    %dma_start3A_268 = tpu.memref_slice %arg6[%dma_start3A, %dma_start3A_267] : memref<40x128xi32, #tpu.memory_space<vmem>> -> memref<1x128xi32, #tpu.memory_space<vmem>>
    %dma_start3A_269 = tpu.memref_squeeze %dma_start3A_268 : memref<1x128xi32, #tpu.memory_space<vmem>> -> memref<128xi32, #tpu.memory_space<vmem>>
    %dma_start3A_270 = arith.constant 0 : i32
    %dma_start3A_271 = arith.constant 0 : i32
    %dma_start3A_272 = tpu.memref_slice %arg2[%dma_start3A_270, %dma_start3A_271] : memref<10000x128xf32, #tpu.memory_space<hbm>> -> memref<10000x128xf32, #tpu.memory_space<hbm>>
    tpu.enqueue_indirect_dma source(%dma_start3A_272 : memref<10000x128xf32, #tpu.memory_space<hbm>>) target(%arg8 : memref<128x128xf32, #tpu.memory_space<vmem>>) offsets(%dma_start3A_269 : memref<128xi32, #tpu.memory_space<vmem>>) semaphore(%arg14 : memref<!tpu.dma_semaphore, #tpu.memory_space<semaphore_mem>>)
    %dma_wait3A = arith.constant 0 : i32
    %dma_wait3A_273 = arith.constant 0 : i32
    %dma_wait3A_274 = tpu.memref_slice %arg6[%dma_wait3A, %dma_wait3A_273] : memref<40x128xi32, #tpu.memory_space<vmem>> -> memref<1x128xi32, #tpu.memory_space<vmem>>
    %dma_wait3A_275 = tpu.memref_squeeze %dma_wait3A_274 : memref<1x128xi32, #tpu.memory_space<vmem>> -> memref<128xi32, #tpu.memory_space<vmem>>
    %dma_wait3A_276 = arith.constant 0 : i32
    %dma_wait3A_277 = arith.constant 0 : i32
    %dma_wait3A_278 = tpu.memref_slice %arg2[%dma_wait3A_276, %dma_wait3A_277] : memref<10000x128xf32, #tpu.memory_space<hbm>> -> memref<10000x128xf32, #tpu.memory_space<hbm>>
    tpu.wait_indirect_dma semaphore(%arg14 : memref<!tpu.dma_semaphore, #tpu.memory_space<semaphore_mem>>) src(%dma_wait3A_278 : memref<10000x128xf32, #tpu.memory_space<hbm>>) dst(%arg8 : memref<128x128xf32, #tpu.memory_space<vmem>>)
    %dma_start3A_279 = arith.constant 0 : i32
    %dma_start3A_280 = arith.constant 0 : i32
    %dma_start3A_281 = tpu.memref_slice %arg7[%dma_start3A_279, %dma_start3A_280] : memref<40x128xi32, #tpu.memory_space<vmem>> -> memref<1x128xi32, #tpu.memory_space<vmem>>
    %dma_start3A_282 = tpu.memref_squeeze %dma_start3A_281 : memref<1x128xi32, #tpu.memory_space<vmem>> -> memref<128xi32, #tpu.memory_space<vmem>>
    %dma_start3A_283 = arith.constant 0 : i32
    %dma_start3A_284 = arith.constant 0 : i32
    %dma_start3A_285 = tpu.memref_slice %arg12[%dma_start3A_283, %dma_start3A_284] : memref<10112x128xf32, #tpu.memory_space<vmem_shared>> -> memref<10112x128xf32, #tpu.memory_space<vmem_shared>>
    tpu.enqueue_indirect_dma source(%arg8 : memref<128x128xf32, #tpu.memory_space<vmem>>) target(%dma_start3A_285 : memref<10112x128xf32, #tpu.memory_space<vmem_shared>>) offsets(%dma_start3A_282 : memref<128xi32, #tpu.memory_space<vmem>>) semaphore(%arg16 : memref<!tpu.dma_semaphore, #tpu.memory_space<semaphore_mem>>) {add = true}
    %dma_start3A_286 = arith.constant 1 : i32
    %dma_start3A_287 = arith.constant 0 : i32
    %dma_start3A_288 = tpu.memref_slice %arg6[%dma_start3A_286, %dma_start3A_287] : memref<40x128xi32, #tpu.memory_space<vmem>> -> memref<1x128xi32, #tpu.memory_space<vmem>>
    %dma_start3A_289 = tpu.memref_squeeze %dma_start3A_288 : memref<1x128xi32, #tpu.memory_space<vmem>> -> memref<128xi32, #tpu.memory_space<vmem>>
    %dma_start3A_290 = arith.constant 0 : i32
    %dma_start3A_291 = arith.constant 0 : i32
    %dma_start3A_292 = tpu.memref_slice %arg2[%dma_start3A_290, %dma_start3A_291] : memref<10000x128xf32, #tpu.memory_space<hbm>> -> memref<10000x128xf32, #tpu.memory_space<hbm>>
    tpu.enqueue_indirect_dma source(%dma_start3A_292 : memref<10000x128xf32, #tpu.memory_space<hbm>>) target(%arg9 : memref<128x128xf32, #tpu.memory_space<vmem>>) offsets(%dma_start3A_289 : memref<128xi32, #tpu.memory_space<vmem>>) semaphore(%arg15 : memref<!tpu.dma_semaphore, #tpu.memory_space<semaphore_mem>>)
    %scan3A_293 = arith.constant 0 : i32
    %scan3A_294 = arith.constant 19 : i32
    %scan3A_295 = arith.addi %scan3A_293, %scan3A_294 : i32
    %scan3A_296 = arith.constant 1 : i32
    scf.for %scan3A_402 = %scan3A_293 to %scan3A_295 step %scan3A_296  : i32 {
      %mul3A_403 = arith.constant 1 : i32
      %mul3A_404 = arith.muli %scan3A_402, %mul3A_403 : i32
      %add3A_405 = arith.constant 1 : i32
      %add3A_406 = arith.addi %add3A_405, %mul3A_404 : i32
      %mul3A_407 = arith.constant 2 : i32
      %mul3A_408 = arith.muli %mul3A_407, %add3A_406 : i32
      %sub3A = arith.constant 1 : i32
      %sub3A_409 = arith.subi %mul3A_408, %sub3A : i32
      %dma_wait3A_410 = arith.constant 0 : i32
      %dma_wait3A_411 = tpu.memref_slice %arg6[%sub3A_409, %dma_wait3A_410] : memref<40x128xi32, #tpu.memory_space<vmem>> -> memref<1x128xi32, #tpu.memory_space<vmem>>
      %dma_wait3A_412 = tpu.memref_squeeze %dma_wait3A_411 : memref<1x128xi32, #tpu.memory_space<vmem>> -> memref<128xi32, #tpu.memory_space<vmem>>
      %dma_wait3A_413 = arith.constant 0 : i32
      %dma_wait3A_414 = arith.constant 0 : i32
      %dma_wait3A_415 = tpu.memref_slice %arg2[%dma_wait3A_413, %dma_wait3A_414] : memref<10000x128xf32, #tpu.memory_space<hbm>> -> memref<10000x128xf32, #tpu.memory_space<hbm>>
      tpu.wait_indirect_dma semaphore(%arg15 : memref<!tpu.dma_semaphore, #tpu.memory_space<semaphore_mem>>) src(%dma_wait3A_415 : memref<10000x128xf32, #tpu.memory_space<hbm>>) dst(%arg9 : memref<128x128xf32, #tpu.memory_space<vmem>>)
      %sub3A_416 = arith.constant 1 : i32
      %sub3A_417 = arith.subi %mul3A_408, %sub3A_416 : i32
      %dma_start3A_418 = arith.constant 0 : i32
      %dma_start3A_419 = tpu.memref_slice %arg7[%sub3A_417, %dma_start3A_418] : memref<40x128xi32, #tpu.memory_space<vmem>> -> memref<1x128xi32, #tpu.memory_space<vmem>>
      %dma_start3A_420 = tpu.memref_squeeze %dma_start3A_419 : memref<1x128xi32, #tpu.memory_space<vmem>> -> memref<128xi32, #tpu.memory_space<vmem>>
      %dma_start3A_421 = arith.constant 0 : i32
      %dma_start3A_422 = arith.constant 0 : i32
      %dma_start3A_423 = tpu.memref_slice %arg12[%dma_start3A_421, %dma_start3A_422] : memref<10112x128xf32, #tpu.memory_space<vmem_shared>> -> memref<10112x128xf32, #tpu.memory_space<vmem_shared>>
      tpu.enqueue_indirect_dma source(%arg9 : memref<128x128xf32, #tpu.memory_space<vmem>>) target(%dma_start3A_423 : memref<10112x128xf32, #tpu.memory_space<vmem_shared>>) offsets(%dma_start3A_420 : memref<128xi32, #tpu.memory_space<vmem>>) semaphore(%arg17 : memref<!tpu.dma_semaphore, #tpu.memory_space<semaphore_mem>>) {add = true}
      %sub3A_424 = arith.constant 2 : i32
      %sub3A_425 = arith.subi %mul3A_408, %sub3A_424 : i32
      %dma_wait3A_426 = arith.constant 0 : i32
      %dma_wait3A_427 = tpu.memref_slice %arg7[%sub3A_425, %dma_wait3A_426] : memref<40x128xi32, #tpu.memory_space<vmem>> -> memref<1x128xi32, #tpu.memory_space<vmem>>
      %dma_wait3A_428 = tpu.memref_squeeze %dma_wait3A_427 : memref<1x128xi32, #tpu.memory_space<vmem>> -> memref<128xi32, #tpu.memory_space<vmem>>
      %dma_wait3A_429 = arith.constant 0 : i32
      %dma_wait3A_430 = arith.constant 0 : i32
      %dma_wait3A_431 = tpu.memref_slice %arg12[%dma_wait3A_429, %dma_wait3A_430] : memref<10112x128xf32, #tpu.memory_space<vmem_shared>> -> memref<10112x128xf32, #tpu.memory_space<vmem_shared>>
      tpu.wait_indirect_dma semaphore(%arg16 : memref<!tpu.dma_semaphore, #tpu.memory_space<semaphore_mem>>) src(%arg8 : memref<128x128xf32, #tpu.memory_space<vmem>>) dst(%dma_wait3A_431 : memref<10112x128xf32, #tpu.memory_space<vmem_shared>>)
      %dma_start3A_432 = arith.constant 0 : i32
      %dma_start3A_433 = tpu.memref_slice %arg6[%mul3A_408, %dma_start3A_432] : memref<40x128xi32, #tpu.memory_space<vmem>> -> memref<1x128xi32, #tpu.memory_space<vmem>>
      %dma_start3A_434 = tpu.memref_squeeze %dma_start3A_433 : memref<1x128xi32, #tpu.memory_space<vmem>> -> memref<128xi32, #tpu.memory_space<vmem>>
      %dma_start3A_435 = arith.constant 0 : i32
      %dma_start3A_436 = arith.constant 0 : i32
      %dma_start3A_437 = tpu.memref_slice %arg2[%dma_start3A_435, %dma_start3A_436] : memref<10000x128xf32, #tpu.memory_space<hbm>> -> memref<10000x128xf32, #tpu.memory_space<hbm>>
      tpu.enqueue_indirect_dma source(%dma_start3A_437 : memref<10000x128xf32, #tpu.memory_space<hbm>>) target(%arg8 : memref<128x128xf32, #tpu.memory_space<vmem>>) offsets(%dma_start3A_434 : memref<128xi32, #tpu.memory_space<vmem>>) semaphore(%arg14 : memref<!tpu.dma_semaphore, #tpu.memory_space<semaphore_mem>>)
      %dma_wait3A_438 = arith.constant 0 : i32
      %dma_wait3A_439 = tpu.memref_slice %arg6[%mul3A_408, %dma_wait3A_438] : memref<40x128xi32, #tpu.memory_space<vmem>> -> memref<1x128xi32, #tpu.memory_space<vmem>>
      %dma_wait3A_440 = tpu.memref_squeeze %dma_wait3A_439 : memref<1x128xi32, #tpu.memory_space<vmem>> -> memref<128xi32, #tpu.memory_space<vmem>>
      %dma_wait3A_441 = arith.constant 0 : i32
      %dma_wait3A_442 = arith.constant 0 : i32
      %dma_wait3A_443 = tpu.memref_slice %arg2[%dma_wait3A_441, %dma_wait3A_442] : memref<10000x128xf32, #tpu.memory_space<hbm>> -> memref<10000x128xf32, #tpu.memory_space<hbm>>
      tpu.wait_indirect_dma semaphore(%arg14 : memref<!tpu.dma_semaphore, #tpu.memory_space<semaphore_mem>>) src(%dma_wait3A_443 : memref<10000x128xf32, #tpu.memory_space<hbm>>) dst(%arg8 : memref<128x128xf32, #tpu.memory_space<vmem>>)
      %dma_start3A_444 = arith.constant 0 : i32
      %dma_start3A_445 = tpu.memref_slice %arg7[%mul3A_408, %dma_start3A_444] : memref<40x128xi32, #tpu.memory_space<vmem>> -> memref<1x128xi32, #tpu.memory_space<vmem>>
      %dma_start3A_446 = tpu.memref_squeeze %dma_start3A_445 : memref<1x128xi32, #tpu.memory_space<vmem>> -> memref<128xi32, #tpu.memory_space<vmem>>
      %dma_start3A_447 = arith.constant 0 : i32
      %dma_start3A_448 = arith.constant 0 : i32
      %dma_start3A_449 = tpu.memref_slice %arg12[%dma_start3A_447, %dma_start3A_448] : memref<10112x128xf32, #tpu.memory_space<vmem_shared>> -> memref<10112x128xf32, #tpu.memory_space<vmem_shared>>
      tpu.enqueue_indirect_dma source(%arg8 : memref<128x128xf32, #tpu.memory_space<vmem>>) target(%dma_start3A_449 : memref<10112x128xf32, #tpu.memory_space<vmem_shared>>) offsets(%dma_start3A_446 : memref<128xi32, #tpu.memory_space<vmem>>) semaphore(%arg16 : memref<!tpu.dma_semaphore, #tpu.memory_space<semaphore_mem>>) {add = true}
      %sub3A_450 = arith.constant 1 : i32
      %sub3A_451 = arith.subi %mul3A_408, %sub3A_450 : i32
      %dma_wait3A_452 = arith.constant 0 : i32
      %dma_wait3A_453 = tpu.memref_slice %arg7[%sub3A_451, %dma_wait3A_452] : memref<40x128xi32, #tpu.memory_space<vmem>> -> memref<1x128xi32, #tpu.memory_space<vmem>>
      %dma_wait3A_454 = tpu.memref_squeeze %dma_wait3A_453 : memref<1x128xi32, #tpu.memory_space<vmem>> -> memref<128xi32, #tpu.memory_space<vmem>>
      %dma_wait3A_455 = arith.constant 0 : i32
      %dma_wait3A_456 = arith.constant 0 : i32
      %dma_wait3A_457 = tpu.memref_slice %arg12[%dma_wait3A_455, %dma_wait3A_456] : memref<10112x128xf32, #tpu.memory_space<vmem_shared>> -> memref<10112x128xf32, #tpu.memory_space<vmem_shared>>
      tpu.wait_indirect_dma semaphore(%arg17 : memref<!tpu.dma_semaphore, #tpu.memory_space<semaphore_mem>>) src(%arg9 : memref<128x128xf32, #tpu.memory_space<vmem>>) dst(%dma_wait3A_457 : memref<10112x128xf32, #tpu.memory_space<vmem_shared>>)
      %add3A_458 = arith.constant 1 : i32
      %add3A_459 = arith.addi %mul3A_408, %add3A_458 : i32
      %dma_start3A_460 = arith.constant 0 : i32
      %dma_start3A_461 = tpu.memref_slice %arg6[%add3A_459, %dma_start3A_460] : memref<40x128xi32, #tpu.memory_space<vmem>> -> memref<1x128xi32, #tpu.memory_space<vmem>>
      %dma_start3A_462 = tpu.memref_squeeze %dma_start3A_461 : memref<1x128xi32, #tpu.memory_space<vmem>> -> memref<128xi32, #tpu.memory_space<vmem>>
      %dma_start3A_463 = arith.constant 0 : i32
      %dma_start3A_464 = arith.constant 0 : i32
      %dma_start3A_465 = tpu.memref_slice %arg2[%dma_start3A_463, %dma_start3A_464] : memref<10000x128xf32, #tpu.memory_space<hbm>> -> memref<10000x128xf32, #tpu.memory_space<hbm>>
      tpu.enqueue_indirect_dma source(%dma_start3A_465 : memref<10000x128xf32, #tpu.memory_space<hbm>>) target(%arg9 : memref<128x128xf32, #tpu.memory_space<vmem>>) offsets(%dma_start3A_462 : memref<128xi32, #tpu.memory_space<vmem>>) semaphore(%arg15 : memref<!tpu.dma_semaphore, #tpu.memory_space<semaphore_mem>>)
    }
    %scan3A_297 = arith.constant 19 : i32
    %dma_wait3A_298 = arith.constant 39 : i32
    %dma_wait3A_299 = arith.constant 0 : i32
    %dma_wait3A_300 = tpu.memref_slice %arg6[%dma_wait3A_298, %dma_wait3A_299] : memref<40x128xi32, #tpu.memory_space<vmem>> -> memref<1x128xi32, #tpu.memory_space<vmem>>
    %dma_wait3A_301 = tpu.memref_squeeze %dma_wait3A_300 : memref<1x128xi32, #tpu.memory_space<vmem>> -> memref<128xi32, #tpu.memory_space<vmem>>
    %dma_wait3A_302 = arith.constant 0 : i32
    %dma_wait3A_303 = arith.constant 0 : i32
    %dma_wait3A_304 = tpu.memref_slice %arg2[%dma_wait3A_302, %dma_wait3A_303] : memref<10000x128xf32, #tpu.memory_space<hbm>> -> memref<10000x128xf32, #tpu.memory_space<hbm>>
    tpu.wait_indirect_dma semaphore(%arg15 : memref<!tpu.dma_semaphore, #tpu.memory_space<semaphore_mem>>) src(%dma_wait3A_304 : memref<10000x128xf32, #tpu.memory_space<hbm>>) dst(%arg9 : memref<128x128xf32, #tpu.memory_space<vmem>>)
    %dma_start3A_305 = arith.constant 39 : i32
    %dma_start3A_306 = arith.constant 0 : i32
    %dma_start3A_307 = tpu.memref_slice %arg7[%dma_start3A_305, %dma_start3A_306] : memref<40x128xi32, #tpu.memory_space<vmem>> -> memref<1x128xi32, #tpu.memory_space<vmem>>
    %dma_start3A_308 = tpu.memref_squeeze %dma_start3A_307 : memref<1x128xi32, #tpu.memory_space<vmem>> -> memref<128xi32, #tpu.memory_space<vmem>>
    %dma_start3A_309 = arith.constant 0 : i32
    %dma_start3A_310 = arith.constant 0 : i32
    %dma_start3A_311 = tpu.memref_slice %arg12[%dma_start3A_309, %dma_start3A_310] : memref<10112x128xf32, #tpu.memory_space<vmem_shared>> -> memref<10112x128xf32, #tpu.memory_space<vmem_shared>>
    tpu.enqueue_indirect_dma source(%arg9 : memref<128x128xf32, #tpu.memory_space<vmem>>) target(%dma_start3A_311 : memref<10112x128xf32, #tpu.memory_space<vmem_shared>>) offsets(%dma_start3A_308 : memref<128xi32, #tpu.memory_space<vmem>>) semaphore(%arg17 : memref<!tpu.dma_semaphore, #tpu.memory_space<semaphore_mem>>) {add = true}
    %dma_wait3A_312 = arith.constant 38 : i32
    %dma_wait3A_313 = arith.constant 0 : i32
    %dma_wait3A_314 = tpu.memref_slice %arg7[%dma_wait3A_312, %dma_wait3A_313] : memref<40x128xi32, #tpu.memory_space<vmem>> -> memref<1x128xi32, #tpu.memory_space<vmem>>
    %dma_wait3A_315 = tpu.memref_squeeze %dma_wait3A_314 : memref<1x128xi32, #tpu.memory_space<vmem>> -> memref<128xi32, #tpu.memory_space<vmem>>
    %dma_wait3A_316 = arith.constant 0 : i32
    %dma_wait3A_317 = arith.constant 0 : i32
    %dma_wait3A_318 = tpu.memref_slice %arg12[%dma_wait3A_316, %dma_wait3A_317] : memref<10112x128xf32, #tpu.memory_space<vmem_shared>> -> memref<10112x128xf32, #tpu.memory_space<vmem_shared>>
    tpu.wait_indirect_dma semaphore(%arg16 : memref<!tpu.dma_semaphore, #tpu.memory_space<semaphore_mem>>) src(%arg8 : memref<128x128xf32, #tpu.memory_space<vmem>>) dst(%dma_wait3A_318 : memref<10112x128xf32, #tpu.memory_space<vmem_shared>>)
    %dma_wait3A_319 = arith.constant 39 : i32
    %dma_wait3A_320 = arith.constant 0 : i32
    %dma_wait3A_321 = tpu.memref_slice %arg7[%dma_wait3A_319, %dma_wait3A_320] : memref<40x128xi32, #tpu.memory_space<vmem>> -> memref<1x128xi32, #tpu.memory_space<vmem>>
    %dma_wait3A_322 = tpu.memref_squeeze %dma_wait3A_321 : memref<1x128xi32, #tpu.memory_space<vmem>> -> memref<128xi32, #tpu.memory_space<vmem>>
    %dma_wait3A_323 = arith.constant 0 : i32
    %dma_wait3A_324 = arith.constant 0 : i32
    %dma_wait3A_325 = tpu.memref_slice %arg12[%dma_wait3A_323, %dma_wait3A_324] : memref<10112x128xf32, #tpu.memory_space<vmem_shared>> -> memref<10112x128xf32, #tpu.memory_space<vmem_shared>>
    tpu.wait_indirect_dma semaphore(%arg17 : memref<!tpu.dma_semaphore, #tpu.memory_space<semaphore_mem>>) src(%arg9 : memref<128x128xf32, #tpu.memory_space<vmem>>) dst(%dma_wait3A_325 : memref<10112x128xf32, #tpu.memory_space<vmem_shared>>)
    %mul3A_326 = arith.constant 80 : i32
    %mul3A_327 = arith.muli %add3A, %mul3A_326 : i32
    %add3A_328 = arith.constant 40 : i32
    %add3A_329 = arith.addi %mul3A_327, %add3A_328 : i32
    "tpu.region"() ({
      %run_scoped3A = tpu.sem_alloc : memref<!tpu.dma_semaphore, #tpu.memory_space<semaphore_mem>>
      %dma_start3A_402 = arith.constant 0 : i32
      %dma_start3A_403 = tpu.memref_slice %arg3[%add3A_329, %dma_start3A_402] : memref<2560x128xi32, #tpu.memory_space<hbm>> -> memref<40x128xi32, #tpu.memory_space<hbm>>
      %dma_start3A_404 = arith.constant 0 : i32
      %dma_start3A_405 = tpu.memref_slice %arg3[%add3A_329, %dma_start3A_404] : memref<2560x128xi32, #tpu.memory_space<hbm>> -> memref<40x128xi32, #tpu.memory_space<hbm>>
      tpu.enqueue_dma source(%dma_start3A_405 : memref<40x128xi32, #tpu.memory_space<hbm>>) target(%arg6 : memref<40x128xi32, #tpu.memory_space<vmem>>) target_semaphore(%run_scoped3A : memref<!tpu.dma_semaphore, #tpu.memory_space<semaphore_mem>>)
      %dma_wait3A_406 = arith.constant 0 : i32
      %dma_wait3A_407 = tpu.memref_slice %arg3[%add3A_329, %dma_wait3A_406] : memref<2560x128xi32, #tpu.memory_space<hbm>> -> memref<40x128xi32, #tpu.memory_space<hbm>>
      %dma_wait3A_408 = arith.constant 0 : i32
      %dma_wait3A_409 = tpu.memref_slice %arg3[%add3A_329, %dma_wait3A_408] : memref<2560x128xi32, #tpu.memory_space<hbm>> -> memref<40x128xi32, #tpu.memory_space<hbm>>
      tpu.wait_dma2 semaphore(%run_scoped3A : memref<!tpu.dma_semaphore, #tpu.memory_space<semaphore_mem>>) src(%dma_wait3A_409 : memref<40x128xi32, #tpu.memory_space<hbm>>) dst(%arg6 : memref<40x128xi32, #tpu.memory_space<vmem>>)
      tpu.yield
    }) : () -> ()
    %mul3A_330 = arith.constant 80 : i32
    %mul3A_331 = arith.muli %add3A, %mul3A_330 : i32
    %add3A_332 = arith.constant 40 : i32
    %add3A_333 = arith.addi %mul3A_331, %add3A_332 : i32
    "tpu.region"() ({
      %run_scoped3A = tpu.sem_alloc : memref<!tpu.dma_semaphore, #tpu.memory_space<semaphore_mem>>
      %dma_start3A_402 = arith.constant 0 : i32
      %dma_start3A_403 = tpu.memref_slice %arg4[%add3A_333, %dma_start3A_402] : memref<2560x128xi32, #tpu.memory_space<hbm>> -> memref<40x128xi32, #tpu.memory_space<hbm>>
      %dma_start3A_404 = arith.constant 0 : i32
      %dma_start3A_405 = tpu.memref_slice %arg4[%add3A_333, %dma_start3A_404] : memref<2560x128xi32, #tpu.memory_space<hbm>> -> memref<40x128xi32, #tpu.memory_space<hbm>>
      tpu.enqueue_dma source(%dma_start3A_405 : memref<40x128xi32, #tpu.memory_space<hbm>>) target(%arg7 : memref<40x128xi32, #tpu.memory_space<vmem>>) target_semaphore(%run_scoped3A : memref<!tpu.dma_semaphore, #tpu.memory_space<semaphore_mem>>)
      %dma_wait3A_406 = arith.constant 0 : i32
      %dma_wait3A_407 = tpu.memref_slice %arg4[%add3A_333, %dma_wait3A_406] : memref<2560x128xi32, #tpu.memory_space<hbm>> -> memref<40x128xi32, #tpu.memory_space<hbm>>
      %dma_wait3A_408 = arith.constant 0 : i32
      %dma_wait3A_409 = tpu.memref_slice %arg4[%add3A_333, %dma_wait3A_408] : memref<2560x128xi32, #tpu.memory_space<hbm>> -> memref<40x128xi32, #tpu.memory_space<hbm>>
      tpu.wait_dma2 semaphore(%run_scoped3A : memref<!tpu.dma_semaphore, #tpu.memory_space<semaphore_mem>>) src(%dma_wait3A_409 : memref<40x128xi32, #tpu.memory_space<hbm>>) dst(%arg7 : memref<40x128xi32, #tpu.memory_space<vmem>>)
      tpu.yield
    }) : () -> ()
    %dma_start3A_334 = arith.constant 0 : i32
    %dma_start3A_335 = arith.constant 0 : i32
    %dma_start3A_336 = tpu.memref_slice %arg6[%dma_start3A_334, %dma_start3A_335] : memref<40x128xi32, #tpu.memory_space<vmem>> -> memref<1x128xi32, #tpu.memory_space<vmem>>
    %dma_start3A_337 = tpu.memref_squeeze %dma_start3A_336 : memref<1x128xi32, #tpu.memory_space<vmem>> -> memref<128xi32, #tpu.memory_space<vmem>>
    %dma_start3A_338 = arith.constant 0 : i32
    %dma_start3A_339 = arith.constant 0 : i32
    %dma_start3A_340 = tpu.memref_slice %arg2[%dma_start3A_338, %dma_start3A_339] : memref<10000x128xf32, #tpu.memory_space<hbm>> -> memref<10000x128xf32, #tpu.memory_space<hbm>>
    tpu.enqueue_indirect_dma source(%dma_start3A_340 : memref<10000x128xf32, #tpu.memory_space<hbm>>) target(%arg8 : memref<128x128xf32, #tpu.memory_space<vmem>>) offsets(%dma_start3A_337 : memref<128xi32, #tpu.memory_space<vmem>>) semaphore(%arg14 : memref<!tpu.dma_semaphore, #tpu.memory_space<semaphore_mem>>)
    %dma_wait3A_341 = arith.constant 0 : i32
    %dma_wait3A_342 = arith.constant 0 : i32
    %dma_wait3A_343 = tpu.memref_slice %arg6[%dma_wait3A_341, %dma_wait3A_342] : memref<40x128xi32, #tpu.memory_space<vmem>> -> memref<1x128xi32, #tpu.memory_space<vmem>>
    %dma_wait3A_344 = tpu.memref_squeeze %dma_wait3A_343 : memref<1x128xi32, #tpu.memory_space<vmem>> -> memref<128xi32, #tpu.memory_space<vmem>>
    %dma_wait3A_345 = arith.constant 0 : i32
    %dma_wait3A_346 = arith.constant 0 : i32
    %dma_wait3A_347 = tpu.memref_slice %arg2[%dma_wait3A_345, %dma_wait3A_346] : memref<10000x128xf32, #tpu.memory_space<hbm>> -> memref<10000x128xf32, #tpu.memory_space<hbm>>
    tpu.wait_indirect_dma semaphore(%arg14 : memref<!tpu.dma_semaphore, #tpu.memory_space<semaphore_mem>>) src(%dma_wait3A_347 : memref<10000x128xf32, #tpu.memory_space<hbm>>) dst(%arg8 : memref<128x128xf32, #tpu.memory_space<vmem>>)
    %dma_start3A_348 = arith.constant 0 : i32
    %dma_start3A_349 = arith.constant 0 : i32
    %dma_start3A_350 = tpu.memref_slice %arg7[%dma_start3A_348, %dma_start3A_349] : memref<40x128xi32, #tpu.memory_space<vmem>> -> memref<1x128xi32, #tpu.memory_space<vmem>>
    %dma_start3A_351 = tpu.memref_squeeze %dma_start3A_350 : memref<1x128xi32, #tpu.memory_space<vmem>> -> memref<128xi32, #tpu.memory_space<vmem>>
    %dma_start3A_352 = arith.constant 0 : i32
    %dma_start3A_353 = arith.constant 0 : i32
    %dma_start3A_354 = tpu.memref_slice %arg12[%dma_start3A_352, %dma_start3A_353] : memref<10112x128xf32, #tpu.memory_space<vmem_shared>> -> memref<10112x128xf32, #tpu.memory_space<vmem_shared>>
    tpu.enqueue_indirect_dma source(%arg8 : memref<128x128xf32, #tpu.memory_space<vmem>>) target(%dma_start3A_354 : memref<10112x128xf32, #tpu.memory_space<vmem_shared>>) offsets(%dma_start3A_351 : memref<128xi32, #tpu.memory_space<vmem>>) semaphore(%arg16 : memref<!tpu.dma_semaphore, #tpu.memory_space<semaphore_mem>>) {add = true}
    %dma_start3A_355 = arith.constant 1 : i32
    %dma_start3A_356 = arith.constant 0 : i32
    %dma_start3A_357 = tpu.memref_slice %arg6[%dma_start3A_355, %dma_start3A_356] : memref<40x128xi32, #tpu.memory_space<vmem>> -> memref<1x128xi32, #tpu.memory_space<vmem>>
    %dma_start3A_358 = tpu.memref_squeeze %dma_start3A_357 : memref<1x128xi32, #tpu.memory_space<vmem>> -> memref<128xi32, #tpu.memory_space<vmem>>
    %dma_start3A_359 = arith.constant 0 : i32
    %dma_start3A_360 = arith.constant 0 : i32
    %dma_start3A_361 = tpu.memref_slice %arg2[%dma_start3A_359, %dma_start3A_360] : memref<10000x128xf32, #tpu.memory_space<hbm>> -> memref<10000x128xf32, #tpu.memory_space<hbm>>
    tpu.enqueue_indirect_dma source(%dma_start3A_361 : memref<10000x128xf32, #tpu.memory_space<hbm>>) target(%arg9 : memref<128x128xf32, #tpu.memory_space<vmem>>) offsets(%dma_start3A_358 : memref<128xi32, #tpu.memory_space<vmem>>) semaphore(%arg15 : memref<!tpu.dma_semaphore, #tpu.memory_space<semaphore_mem>>)
    %scan3A_362 = arith.constant 0 : i32
    %scan3A_363 = arith.constant 19 : i32
    %scan3A_364 = arith.addi %scan3A_362, %scan3A_363 : i32
    %scan3A_365 = arith.constant 1 : i32
    scf.for %scan3A_402 = %scan3A_362 to %scan3A_364 step %scan3A_365  : i32 {
      %mul3A_403 = arith.constant 1 : i32
      %mul3A_404 = arith.muli %scan3A_402, %mul3A_403 : i32
      %add3A_405 = arith.constant 1 : i32
      %add3A_406 = arith.addi %add3A_405, %mul3A_404 : i32
      %mul3A_407 = arith.constant 2 : i32
      %mul3A_408 = arith.muli %mul3A_407, %add3A_406 : i32
      %sub3A = arith.constant 1 : i32
      %sub3A_409 = arith.subi %mul3A_408, %sub3A : i32
      %dma_wait3A_410 = arith.constant 0 : i32
      %dma_wait3A_411 = tpu.memref_slice %arg6[%sub3A_409, %dma_wait3A_410] : memref<40x128xi32, #tpu.memory_space<vmem>> -> memref<1x128xi32, #tpu.memory_space<vmem>>
      %dma_wait3A_412 = tpu.memref_squeeze %dma_wait3A_411 : memref<1x128xi32, #tpu.memory_space<vmem>> -> memref<128xi32, #tpu.memory_space<vmem>>
      %dma_wait3A_413 = arith.constant 0 : i32
      %dma_wait3A_414 = arith.constant 0 : i32
      %dma_wait3A_415 = tpu.memref_slice %arg2[%dma_wait3A_413, %dma_wait3A_414] : memref<10000x128xf32, #tpu.memory_space<hbm>> -> memref<10000x128xf32, #tpu.memory_space<hbm>>
      tpu.wait_indirect_dma semaphore(%arg15 : memref<!tpu.dma_semaphore, #tpu.memory_space<semaphore_mem>>) src(%dma_wait3A_415 : memref<10000x128xf32, #tpu.memory_space<hbm>>) dst(%arg9 : memref<128x128xf32, #tpu.memory_space<vmem>>)
      %sub3A_416 = arith.constant 1 : i32
      %sub3A_417 = arith.subi %mul3A_408, %sub3A_416 : i32
      %dma_start3A_418 = arith.constant 0 : i32
      %dma_start3A_419 = tpu.memref_slice %arg7[%sub3A_417, %dma_start3A_418] : memref<40x128xi32, #tpu.memory_space<vmem>> -> memref<1x128xi32, #tpu.memory_space<vmem>>
      %dma_start3A_420 = tpu.memref_squeeze %dma_start3A_419 : memref<1x128xi32, #tpu.memory_space<vmem>> -> memref<128xi32, #tpu.memory_space<vmem>>
      %dma_start3A_421 = arith.constant 0 : i32
      %dma_start3A_422 = arith.constant 0 : i32
      %dma_start3A_423 = tpu.memref_slice %arg12[%dma_start3A_421, %dma_start3A_422] : memref<10112x128xf32, #tpu.memory_space<vmem_shared>> -> memref<10112x128xf32, #tpu.memory_space<vmem_shared>>
      tpu.enqueue_indirect_dma source(%arg9 : memref<128x128xf32, #tpu.memory_space<vmem>>) target(%dma_start3A_423 : memref<10112x128xf32, #tpu.memory_space<vmem_shared>>) offsets(%dma_start3A_420 : memref<128xi32, #tpu.memory_space<vmem>>) semaphore(%arg17 : memref<!tpu.dma_semaphore, #tpu.memory_space<semaphore_mem>>) {add = true}
      %sub3A_424 = arith.constant 2 : i32
      %sub3A_425 = arith.subi %mul3A_408, %sub3A_424 : i32
      %dma_wait3A_426 = arith.constant 0 : i32
      %dma_wait3A_427 = tpu.memref_slice %arg7[%sub3A_425, %dma_wait3A_426] : memref<40x128xi32, #tpu.memory_space<vmem>> -> memref<1x128xi32, #tpu.memory_space<vmem>>
      %dma_wait3A_428 = tpu.memref_squeeze %dma_wait3A_427 : memref<1x128xi32, #tpu.memory_space<vmem>> -> memref<128xi32, #tpu.memory_space<vmem>>
      %dma_wait3A_429 = arith.constant 0 : i32
      %dma_wait3A_430 = arith.constant 0 : i32
      %dma_wait3A_431 = tpu.memref_slice %arg12[%dma_wait3A_429, %dma_wait3A_430] : memref<10112x128xf32, #tpu.memory_space<vmem_shared>> -> memref<10112x128xf32, #tpu.memory_space<vmem_shared>>
      tpu.wait_indirect_dma semaphore(%arg16 : memref<!tpu.dma_semaphore, #tpu.memory_space<semaphore_mem>>) src(%arg8 : memref<128x128xf32, #tpu.memory_space<vmem>>) dst(%dma_wait3A_431 : memref<10112x128xf32, #tpu.memory_space<vmem_shared>>)
      %dma_start3A_432 = arith.constant 0 : i32
      %dma_start3A_433 = tpu.memref_slice %arg6[%mul3A_408, %dma_start3A_432] : memref<40x128xi32, #tpu.memory_space<vmem>> -> memref<1x128xi32, #tpu.memory_space<vmem>>
      %dma_start3A_434 = tpu.memref_squeeze %dma_start3A_433 : memref<1x128xi32, #tpu.memory_space<vmem>> -> memref<128xi32, #tpu.memory_space<vmem>>
      %dma_start3A_435 = arith.constant 0 : i32
      %dma_start3A_436 = arith.constant 0 : i32
      %dma_start3A_437 = tpu.memref_slice %arg2[%dma_start3A_435, %dma_start3A_436] : memref<10000x128xf32, #tpu.memory_space<hbm>> -> memref<10000x128xf32, #tpu.memory_space<hbm>>
      tpu.enqueue_indirect_dma source(%dma_start3A_437 : memref<10000x128xf32, #tpu.memory_space<hbm>>) target(%arg8 : memref<128x128xf32, #tpu.memory_space<vmem>>) offsets(%dma_start3A_434 : memref<128xi32, #tpu.memory_space<vmem>>) semaphore(%arg14 : memref<!tpu.dma_semaphore, #tpu.memory_space<semaphore_mem>>)
      %dma_wait3A_438 = arith.constant 0 : i32
      %dma_wait3A_439 = tpu.memref_slice %arg6[%mul3A_408, %dma_wait3A_438] : memref<40x128xi32, #tpu.memory_space<vmem>> -> memref<1x128xi32, #tpu.memory_space<vmem>>
      %dma_wait3A_440 = tpu.memref_squeeze %dma_wait3A_439 : memref<1x128xi32, #tpu.memory_space<vmem>> -> memref<128xi32, #tpu.memory_space<vmem>>
      %dma_wait3A_441 = arith.constant 0 : i32
      %dma_wait3A_442 = arith.constant 0 : i32
      %dma_wait3A_443 = tpu.memref_slice %arg2[%dma_wait3A_441, %dma_wait3A_442] : memref<10000x128xf32, #tpu.memory_space<hbm>> -> memref<10000x128xf32, #tpu.memory_space<hbm>>
      tpu.wait_indirect_dma semaphore(%arg14 : memref<!tpu.dma_semaphore, #tpu.memory_space<semaphore_mem>>) src(%dma_wait3A_443 : memref<10000x128xf32, #tpu.memory_space<hbm>>) dst(%arg8 : memref<128x128xf32, #tpu.memory_space<vmem>>)
      %dma_start3A_444 = arith.constant 0 : i32
      %dma_start3A_445 = tpu.memref_slice %arg7[%mul3A_408, %dma_start3A_444] : memref<40x128xi32, #tpu.memory_space<vmem>> -> memref<1x128xi32, #tpu.memory_space<vmem>>
      %dma_start3A_446 = tpu.memref_squeeze %dma_start3A_445 : memref<1x128xi32, #tpu.memory_space<vmem>> -> memref<128xi32, #tpu.memory_space<vmem>>
      %dma_start3A_447 = arith.constant 0 : i32
      %dma_start3A_448 = arith.constant 0 : i32
      %dma_start3A_449 = tpu.memref_slice %arg12[%dma_start3A_447, %dma_start3A_448] : memref<10112x128xf32, #tpu.memory_space<vmem_shared>> -> memref<10112x128xf32, #tpu.memory_space<vmem_shared>>
      tpu.enqueue_indirect_dma source(%arg8 : memref<128x128xf32, #tpu.memory_space<vmem>>) target(%dma_start3A_449 : memref<10112x128xf32, #tpu.memory_space<vmem_shared>>) offsets(%dma_start3A_446 : memref<128xi32, #tpu.memory_space<vmem>>) semaphore(%arg16 : memref<!tpu.dma_semaphore, #tpu.memory_space<semaphore_mem>>) {add = true}
      %sub3A_450 = arith.constant 1 : i32
      %sub3A_451 = arith.subi %mul3A_408, %sub3A_450 : i32
      %dma_wait3A_452 = arith.constant 0 : i32
      %dma_wait3A_453 = tpu.memref_slice %arg7[%sub3A_451, %dma_wait3A_452] : memref<40x128xi32, #tpu.memory_space<vmem>> -> memref<1x128xi32, #tpu.memory_space<vmem>>
      %dma_wait3A_454 = tpu.memref_squeeze %dma_wait3A_453 : memref<1x128xi32, #tpu.memory_space<vmem>> -> memref<128xi32, #tpu.memory_space<vmem>>
      %dma_wait3A_455 = arith.constant 0 : i32
      %dma_wait3A_456 = arith.constant 0 : i32
      %dma_wait3A_457 = tpu.memref_slice %arg12[%dma_wait3A_455, %dma_wait3A_456] : memref<10112x128xf32, #tpu.memory_space<vmem_shared>> -> memref<10112x128xf32, #tpu.memory_space<vmem_shared>>
      tpu.wait_indirect_dma semaphore(%arg17 : memref<!tpu.dma_semaphore, #tpu.memory_space<semaphore_mem>>) src(%arg9 : memref<128x128xf32, #tpu.memory_space<vmem>>) dst(%dma_wait3A_457 : memref<10112x128xf32, #tpu.memory_space<vmem_shared>>)
      %add3A_458 = arith.constant 1 : i32
      %add3A_459 = arith.addi %mul3A_408, %add3A_458 : i32
      %dma_start3A_460 = arith.constant 0 : i32
      %dma_start3A_461 = tpu.memref_slice %arg6[%add3A_459, %dma_start3A_460] : memref<40x128xi32, #tpu.memory_space<vmem>> -> memref<1x128xi32, #tpu.memory_space<vmem>>
      %dma_start3A_462 = tpu.memref_squeeze %dma_start3A_461 : memref<1x128xi32, #tpu.memory_space<vmem>> -> memref<128xi32, #tpu.memory_space<vmem>>
      %dma_start3A_463 = arith.constant 0 : i32
      %dma_start3A_464 = arith.constant 0 : i32
      %dma_start3A_465 = tpu.memref_slice %arg2[%dma_start3A_463, %dma_start3A_464] : memref<10000x128xf32, #tpu.memory_space<hbm>> -> memref<10000x128xf32, #tpu.memory_space<hbm>>
      tpu.enqueue_indirect_dma source(%dma_start3A_465 : memref<10000x128xf32, #tpu.memory_space<hbm>>) target(%arg9 : memref<128x128xf32, #tpu.memory_space<vmem>>) offsets(%dma_start3A_462 : memref<128xi32, #tpu.memory_space<vmem>>) semaphore(%arg15 : memref<!tpu.dma_semaphore, #tpu.memory_space<semaphore_mem>>)
    }
    %scan3A_366 = arith.constant 19 : i32
    %dma_wait3A_367 = arith.constant 39 : i32
    %dma_wait3A_368 = arith.constant 0 : i32
    %dma_wait3A_369 = tpu.memref_slice %arg6[%dma_wait3A_367, %dma_wait3A_368] : memref<40x128xi32, #tpu.memory_space<vmem>> -> memref<1x128xi32, #tpu.memory_space<vmem>>
    %dma_wait3A_370 = tpu.memref_squeeze %dma_wait3A_369 : memref<1x128xi32, #tpu.memory_space<vmem>> -> memref<128xi32, #tpu.memory_space<vmem>>
    %dma_wait3A_371 = arith.constant 0 : i32
    %dma_wait3A_372 = arith.constant 0 : i32
    %dma_wait3A_373 = tpu.memref_slice %arg2[%dma_wait3A_371, %dma_wait3A_372] : memref<10000x128xf32, #tpu.memory_space<hbm>> -> memref<10000x128xf32, #tpu.memory_space<hbm>>
    tpu.wait_indirect_dma semaphore(%arg15 : memref<!tpu.dma_semaphore, #tpu.memory_space<semaphore_mem>>) src(%dma_wait3A_373 : memref<10000x128xf32, #tpu.memory_space<hbm>>) dst(%arg9 : memref<128x128xf32, #tpu.memory_space<vmem>>)
    %dma_start3A_374 = arith.constant 39 : i32
    %dma_start3A_375 = arith.constant 0 : i32
    %dma_start3A_376 = tpu.memref_slice %arg7[%dma_start3A_374, %dma_start3A_375] : memref<40x128xi32, #tpu.memory_space<vmem>> -> memref<1x128xi32, #tpu.memory_space<vmem>>
    %dma_start3A_377 = tpu.memref_squeeze %dma_start3A_376 : memref<1x128xi32, #tpu.memory_space<vmem>> -> memref<128xi32, #tpu.memory_space<vmem>>
    %dma_start3A_378 = arith.constant 0 : i32
    %dma_start3A_379 = arith.constant 0 : i32
    %dma_start3A_380 = tpu.memref_slice %arg12[%dma_start3A_378, %dma_start3A_379] : memref<10112x128xf32, #tpu.memory_space<vmem_shared>> -> memref<10112x128xf32, #tpu.memory_space<vmem_shared>>
    tpu.enqueue_indirect_dma source(%arg9 : memref<128x128xf32, #tpu.memory_space<vmem>>) target(%dma_start3A_380 : memref<10112x128xf32, #tpu.memory_space<vmem_shared>>) offsets(%dma_start3A_377 : memref<128xi32, #tpu.memory_space<vmem>>) semaphore(%arg17 : memref<!tpu.dma_semaphore, #tpu.memory_space<semaphore_mem>>) {add = true}
    %dma_wait3A_381 = arith.constant 38 : i32
    %dma_wait3A_382 = arith.constant 0 : i32
    %dma_wait3A_383 = tpu.memref_slice %arg7[%dma_wait3A_381, %dma_wait3A_382] : memref<40x128xi32, #tpu.memory_space<vmem>> -> memref<1x128xi32, #tpu.memory_space<vmem>>
    %dma_wait3A_384 = tpu.memref_squeeze %dma_wait3A_383 : memref<1x128xi32, #tpu.memory_space<vmem>> -> memref<128xi32, #tpu.memory_space<vmem>>
    %dma_wait3A_385 = arith.constant 0 : i32
    %dma_wait3A_386 = arith.constant 0 : i32
    %dma_wait3A_387 = tpu.memref_slice %arg12[%dma_wait3A_385, %dma_wait3A_386] : memref<10112x128xf32, #tpu.memory_space<vmem_shared>> -> memref<10112x128xf32, #tpu.memory_space<vmem_shared>>
    tpu.wait_indirect_dma semaphore(%arg16 : memref<!tpu.dma_semaphore, #tpu.memory_space<semaphore_mem>>) src(%arg8 : memref<128x128xf32, #tpu.memory_space<vmem>>) dst(%dma_wait3A_387 : memref<10112x128xf32, #tpu.memory_space<vmem_shared>>)
    %dma_wait3A_388 = arith.constant 39 : i32
    %dma_wait3A_389 = arith.constant 0 : i32
    %dma_wait3A_390 = tpu.memref_slice %arg7[%dma_wait3A_388, %dma_wait3A_389] : memref<40x128xi32, #tpu.memory_space<vmem>> -> memref<1x128xi32, #tpu.memory_space<vmem>>
    %dma_wait3A_391 = tpu.memref_squeeze %dma_wait3A_390 : memref<1x128xi32, #tpu.memory_space<vmem>> -> memref<128xi32, #tpu.memory_space<vmem>>
    %dma_wait3A_392 = arith.constant 0 : i32
    %dma_wait3A_393 = arith.constant 0 : i32
    %dma_wait3A_394 = tpu.memref_slice %arg12[%dma_wait3A_392, %dma_wait3A_393] : memref<10112x128xf32, #tpu.memory_space<vmem_shared>> -> memref<10112x128xf32, #tpu.memory_space<vmem_shared>>
    tpu.wait_indirect_dma semaphore(%arg17 : memref<!tpu.dma_semaphore, #tpu.memory_space<semaphore_mem>>) src(%arg9 : memref<128x128xf32, #tpu.memory_space<vmem>>) dst(%dma_wait3A_394 : memref<10112x128xf32, #tpu.memory_space<vmem_shared>>)
    %barrier3A_395 = arith.constant 0 : index
    tpu.barrier barrier_id(%barrier3A_395)
    %mul3A_396 = arith.constant 624 : i32
    %mul3A_397 = arith.muli %arg1, %mul3A_396 : i32
    %mul3A_398 = arith.constant 624 : i32
    %mul3A_399 = arith.muli %arg1, %mul3A_398 : i32
    "tpu.region"() ({
      %run_scoped3A = tpu.sem_alloc : memref<!tpu.dma_semaphore, #tpu.memory_space<semaphore_mem>>
      %dma_start3A_402 = arith.constant 0 : i32
      %dma_start3A_403 = tpu.memref_slice %arg5[%arg0, %mul3A_399, %dma_start3A_402] : memref<2x10000x128xf32, #tpu.memory_space<hbm>> -> memref<1x624x128xf32, #tpu.memory_space<hbm>>
      %dma_start3A_404 = tpu.memref_squeeze %dma_start3A_403 : memref<1x624x128xf32, #tpu.memory_space<hbm>> -> memref<624x128xf32, #tpu.memory_space<hbm>>
      %dma_start3A_405 = arith.constant 0 : i32
      %dma_start3A_406 = tpu.memref_slice %arg12[%mul3A_397, %dma_start3A_405] : memref<10112x128xf32, #tpu.memory_space<vmem_shared>> -> memref<624x128xf32, #tpu.memory_space<vmem_shared>>
      tpu.enqueue_dma source(%dma_start3A_406 : memref<624x128xf32, #tpu.memory_space<vmem_shared>>) target(%dma_start3A_404 : memref<624x128xf32, #tpu.memory_space<hbm>>) target_semaphore(%run_scoped3A : memref<!tpu.dma_semaphore, #tpu.memory_space<semaphore_mem>>)
      %dma_wait3A_407 = arith.constant 0 : i32
      %dma_wait3A_408 = tpu.memref_slice %arg5[%arg0, %mul3A_399, %dma_wait3A_407] : memref<2x10000x128xf32, #tpu.memory_space<hbm>> -> memref<1x624x128xf32, #tpu.memory_space<hbm>>
      %dma_wait3A_409 = tpu.memref_squeeze %dma_wait3A_408 : memref<1x624x128xf32, #tpu.memory_space<hbm>> -> memref<624x128xf32, #tpu.memory_space<hbm>>
      %dma_wait3A_410 = arith.constant 0 : i32
      %dma_wait3A_411 = tpu.memref_slice %arg12[%mul3A_397, %dma_wait3A_410] : memref<10112x128xf32, #tpu.memory_space<vmem_shared>> -> memref<624x128xf32, #tpu.memory_space<vmem_shared>>
      tpu.wait_dma2 semaphore(%run_scoped3A : memref<!tpu.dma_semaphore, #tpu.memory_space<semaphore_mem>>) src(%dma_wait3A_411 : memref<624x128xf32, #tpu.memory_space<vmem_shared>>) dst(%dma_wait3A_409 : memref<624x128xf32, #tpu.memory_space<hbm>>)
      tpu.yield
    }) : () -> ()
    %eq3A = arith.constant 15 : i32
    %eq3A_400 = arith.cmpi eq, %arg1, %eq3A : i32
    %convert_element_type3A = arith.extui %eq3A_400 : i1 to i32
    %cond3A = arith.constant 0 : i32
    %cond3A_401 = arith.cmpi ne, %convert_element_type3A, %cond3A : i32
    scf.if %cond3A_401 {
      "tpu.region"() ({
        %run_scoped3A = tpu.sem_alloc : memref<!tpu.dma_semaphore, #tpu.memory_space<semaphore_mem>>
        %dma_start3A_402 = arith.constant 9984 : i32
        %dma_start3A_403 = arith.constant 0 : i32
        %dma_start3A_404 = tpu.memref_slice %arg5[%arg0, %dma_start3A_402, %dma_start3A_403] : memref<2x10000x128xf32, #tpu.memory_space<hbm>> -> memref<1x16x128xf32, #tpu.memory_space<hbm>>
        %dma_start3A_405 = tpu.memref_squeeze %dma_start3A_404 : memref<1x16x128xf32, #tpu.memory_space<hbm>> -> memref<16x128xf32, #tpu.memory_space<hbm>>
        %dma_start3A_406 = arith.constant 9984 : i32
        %dma_start3A_407 = arith.constant 0 : i32
        %dma_start3A_408 = tpu.memref_slice %arg12[%dma_start3A_406, %dma_start3A_407] : memref<10112x128xf32, #tpu.memory_space<vmem_shared>> -> memref<16x128xf32, #tpu.memory_space<vmem_shared>>
        tpu.enqueue_dma source(%dma_start3A_408 : memref<16x128xf32, #tpu.memory_space<vmem_shared>>) target(%dma_start3A_405 : memref<16x128xf32, #tpu.memory_space<hbm>>) target_semaphore(%run_scoped3A : memref<!tpu.dma_semaphore, #tpu.memory_space<semaphore_mem>>)
        %dma_wait3A_409 = arith.constant 9984 : i32
        %dma_wait3A_410 = arith.constant 0 : i32
        %dma_wait3A_411 = tpu.memref_slice %arg5[%arg0, %dma_wait3A_409, %dma_wait3A_410] : memref<2x10000x128xf32, #tpu.memory_space<hbm>> -> memref<1x16x128xf32, #tpu.memory_space<hbm>>
        %dma_wait3A_412 = tpu.memref_squeeze %dma_wait3A_411 : memref<1x16x128xf32, #tpu.memory_space<hbm>> -> memref<16x128xf32, #tpu.memory_space<hbm>>
        %dma_wait3A_413 = arith.constant 9984 : i32
        %dma_wait3A_414 = arith.constant 0 : i32
        %dma_wait3A_415 = tpu.memref_slice %arg12[%dma_wait3A_413, %dma_wait3A_414] : memref<10112x128xf32, #tpu.memory_space<vmem_shared>> -> memref<16x128xf32, #tpu.memory_space<vmem_shared>>
        tpu.wait_dma2 semaphore(%run_scoped3A : memref<!tpu.dma_semaphore, #tpu.memory_space<semaphore_mem>>) src(%dma_wait3A_415 : memref<16x128xf32, #tpu.memory_space<vmem_shared>>) dst(%dma_wait3A_412 : memref<16x128xf32, #tpu.memory_space<hbm>>)
        tpu.yield
      }) : () -> ()
    } else {
    }
    return
  }
}

module attributes {stable_mosaic.version = 14 : i64} {
  func.func @body(%arg0: i32, %arg1: memref<2x2000x128xf32, #tpu.memory_space<vmem>>, %arg2: memref<2x2000x1xf32, #tpu.memory_space<vmem>>, %arg3: memref<2000x128xf32, #tpu.memory_space<vmem>>, %arg4: memref<128x128xf32, #tpu.memory_space<vmem>>, %arg5: memref<1x128xf32, #tpu.memory_space<vmem>>, %arg6: memref<128x128xf32, #tpu.memory_space<vmem>>, %arg7: memref<2000x128xf32, #tpu.memory_space<vmem>>) attributes {dimension_semantics = [#tpu.dimension_semantics<arbitrary>], iteration_bounds = array<i64: 5>, scalar_prefetch = 0 : i64, scratch_operands = 0 : i64, tpu.core_type = #tpu.core_type<tc>, window_params = [{transform_indices = @transform_0, window_bounds = array<i64: 2, 2000, 128>}, {transform_indices = @transform_1, window_bounds = array<i64: 2, 2000, 1>}, {transform_indices = @transform_2, window_bounds = array<i64: 2000, 128>}, {pipeline_mode = #tpu.pipeline_mode<synchronous>, transform_indices = @transform_3, window_bounds = array<i64: 128, 128>}, {pipeline_mode = #tpu.pipeline_mode<synchronous>, transform_indices = @transform_4, window_bounds = array<i64: 1, 128>}, {pipeline_mode = #tpu.pipeline_mode<synchronous>, transform_indices = @transform_5, window_bounds = array<i64: 128, 128>}, {transform_indices = @transform_6, window_bounds = array<i64: 2000, 128>}]} {
    %get3A = arith.constant 0 : index
    %get3A_0 = arith.constant 0 : index
    %get3A_1 = arith.constant 0 : index
    %get3A_2 = vector.load %arg1[%get3A, %get3A_0, %get3A_1] : memref<2x2000x128xf32, #tpu.memory_space<vmem>>, vector<1x2000x128xf32>
    %get3A_3 = vector.shape_cast %get3A_2 : vector<1x2000x128xf32> to vector<2000x128xf32>
    %get3A_4 = arith.constant 1 : index
    %get3A_5 = arith.constant 0 : index
    %get3A_6 = arith.constant 0 : index
    %get3A_7 = vector.load %arg1[%get3A_4, %get3A_5, %get3A_6] : memref<2x2000x128xf32, #tpu.memory_space<vmem>>, vector<1x2000x128xf32>
    %get3A_8 = vector.shape_cast %get3A_7 : vector<1x2000x128xf32> to vector<2000x128xf32>
    %add3A = arith.addf %get3A_3, %get3A_8 : vector<2000x128xf32>
    %get3A_9 = arith.constant 0 : index
    %get3A_10 = arith.constant 0 : index
    %get3A_11 = arith.constant 0 : index
    %get3A_12 = vector.load %arg2[%get3A_9, %get3A_10, %get3A_11] : memref<2x2000x1xf32, #tpu.memory_space<vmem>>, vector<1x2000x1xf32>
    %get3A_13 = vector.shape_cast %get3A_12 : vector<1x2000x1xf32> to vector<2000x1xf32>
    %get3A_14 = arith.constant 1 : index
    %get3A_15 = arith.constant 0 : index
    %get3A_16 = arith.constant 0 : index
    %get3A_17 = vector.load %arg2[%get3A_14, %get3A_15, %get3A_16] : memref<2x2000x1xf32, #tpu.memory_space<vmem>>, vector<1x2000x1xf32>
    %get3A_18 = vector.shape_cast %get3A_17 : vector<1x2000x1xf32> to vector<2000x1xf32>
    %add3A_19 = arith.addf %get3A_13, %get3A_18 : vector<2000x1xf32>
    %max3A = arith.constant 1.000000e+00 : f32
    %max3A_20 = vector.broadcast %max3A : f32 to vector<2000x1xf32>
    %max3A_21 = arith.maximumf %add3A_19, %max3A_20 : vector<2000x1xf32>
    %div3A = vector.broadcast %max3A_21 : vector<2000x1xf32> to vector<2000x128xf32>
    %div3A_22 = arith.divf %add3A, %div3A : vector<2000x128xf32>
    %get3A_23 = arith.constant 0 : index
    %get3A_24 = arith.constant 0 : index
    %get3A_25 = vector.load %arg4[%get3A_23, %get3A_24] : memref<128x128xf32, #tpu.memory_space<vmem>>, vector<128x128xf32>
    %dot_general3A = arith.constant dense<0.000000e+00> : vector<2000x128xf32>
    %dot_general3A_26 = tpu.matmul %div3A_22, %get3A_25, %dot_general3A {dimension_numbers = #tpu.dot_dimension_numbers<[1], [0], [0], [1], [0, 0, 1, 1], [], []>, transpose_lhs_hint = false} : vector<2000x128xf32>, vector<128x128xf32>, vector<2000x128xf32> -> vector<2000x128xf32>
    %get3A_27 = arith.constant 0 : index
    %get3A_28 = arith.constant 0 : index
    %get3A_29 = vector.load %arg5[%get3A_27, %get3A_28] : memref<1x128xf32, #tpu.memory_space<vmem>>, vector<1x128xf32>
    %add3A_30 = vector.broadcast %get3A_29 : vector<1x128xf32> to vector<2000x128xf32>
    %add3A_31 = arith.addf %dot_general3A_26, %add3A_30 : vector<2000x128xf32>
    %get3A_32 = arith.constant 0 : index
    %get3A_33 = arith.constant 0 : index
    %get3A_34 = vector.load %arg3[%get3A_32, %get3A_33] : memref<2000x128xf32, #tpu.memory_space<vmem>>, vector<2000x128xf32>
    %get3A_35 = arith.constant 0 : index
    %get3A_36 = arith.constant 0 : index
    %get3A_37 = vector.load %arg6[%get3A_35, %get3A_36] : memref<128x128xf32, #tpu.memory_space<vmem>>, vector<128x128xf32>
    %dot_general3A_38 = arith.constant dense<0.000000e+00> : vector<2000x128xf32>
    %dot_general3A_39 = tpu.matmul %get3A_34, %get3A_37, %dot_general3A_38 {dimension_numbers = #tpu.dot_dimension_numbers<[1], [0], [0], [1], [0, 0, 1, 1], [], []>, transpose_lhs_hint = false} : vector<2000x128xf32>, vector<128x128xf32>, vector<2000x128xf32> -> vector<2000x128xf32>
    %add3A_40 = arith.addf %add3A_31, %dot_general3A_39 : vector<2000x128xf32>
    %max3A_41 = arith.constant 0.000000e+00 : f32
    %max3A_42 = vector.broadcast %max3A_41 : f32 to vector<2000x128xf32>
    %max3A_43 = arith.maximumf %add3A_40, %max3A_42 : vector<2000x128xf32>
    %swap3A = arith.constant 0 : index
    %swap3A_44 = arith.constant 0 : index
    %swap3A_45 = vector.load %arg7[%swap3A, %swap3A_44] : memref<2000x128xf32, #tpu.memory_space<vmem>>, vector<2000x128xf32>
    tpu.vector_store %arg7[%swap3A, %swap3A_44], %max3A_43 {strides = array<i32>} : memref<2000x128xf32, #tpu.memory_space<vmem>>, vector<2000x128xf32>,
    return
  }
  func.func @transform_0(%arg0: i32) -> (i32, i32, i32) {
    %c0_i32 = arith.constant 0 : i32
    %c0_i32_0 = arith.constant 0 : i32
    %c0_i32_1 = arith.constant 0 : i32
    return %c0_i32, %arg0, %c0_i32_0 : i32, i32, i32
  }
  func.func @transform_1(%arg0: i32) -> (i32, i32, i32) {
    %c0_i32 = arith.constant 0 : i32
    %c0_i32_0 = arith.constant 0 : i32
    %c0_i32_1 = arith.constant 0 : i32
    return %c0_i32, %arg0, %c0_i32_0 : i32, i32, i32
  }
  func.func @transform_2(%arg0: i32) -> (i32, i32) {
    %c0_i32 = arith.constant 0 : i32
    %c0_i32_0 = arith.constant 0 : i32
    return %arg0, %c0_i32 : i32, i32
  }
  func.func @transform_3(%arg0: i32) -> (i32, i32) {
    %c0_i32 = arith.constant 0 : i32
    %c0_i32_0 = arith.constant 0 : i32
    %c0_i32_1 = arith.constant 0 : i32
    return %c0_i32, %c0_i32_0 : i32, i32
  }
  func.func @transform_4(%arg0: i32) -> (i32, i32) {
    %c0_i32 = arith.constant 0 : i32
    %c0_i32_0 = arith.constant 0 : i32
    %c0_i32_1 = arith.constant 0 : i32
    return %c0_i32, %c0_i32_0 : i32, i32
  }
  func.func @transform_5(%arg0: i32) -> (i32, i32) {
    %c0_i32 = arith.constant 0 : i32
    %c0_i32_0 = arith.constant 0 : i32
    %c0_i32_1 = arith.constant 0 : i32
    return %c0_i32, %c0_i32_0 : i32, i32
  }
  func.func @transform_6(%arg0: i32) -> (i32, i32) {
    %c0_i32 = arith.constant 0 : i32
    %c0_i32_0 = arith.constant 0 : i32
    return %arg0, %c0_i32 : i32, i32
  }
}

module attributes {stable_mosaic.version = 14 : i64} {
  func.func @body(%arg0: i32, %arg1: memref<2x2000x128xf32, #tpu.memory_space<vmem>>, %arg2: memref<2x2000x1xf32, #tpu.memory_space<vmem>>, %arg3: memref<2000x128xf32, #tpu.memory_space<vmem>>, %arg4: memref<128x128xf32, #tpu.memory_space<vmem>>, %arg5: memref<1x128xf32, #tpu.memory_space<vmem>>, %arg6: memref<128x128xf32, #tpu.memory_space<vmem>>, %arg7: memref<128x1xf32, #tpu.memory_space<vmem>>, %arg8: memref<1x1xf32, #tpu.memory_space<vmem>>, %arg9: memref<2000x1xf32, #tpu.memory_space<vmem>>) attributes {dimension_semantics = [#tpu.dimension_semantics<arbitrary>], iteration_bounds = array<i64: 5>, scalar_prefetch = 0 : i64, scratch_operands = 0 : i64, tpu.core_type = #tpu.core_type<tc>, window_params = [{transform_indices = @transform_0, window_bounds = array<i64: 2, 2000, 128>}, {transform_indices = @transform_1, window_bounds = array<i64: 2, 2000, 1>}, {transform_indices = @transform_2, window_bounds = array<i64: 2000, 128>}, {pipeline_mode = #tpu.pipeline_mode<synchronous>, transform_indices = @transform_3, window_bounds = array<i64: 128, 128>}, {pipeline_mode = #tpu.pipeline_mode<synchronous>, transform_indices = @transform_4, window_bounds = array<i64: 1, 128>}, {pipeline_mode = #tpu.pipeline_mode<synchronous>, transform_indices = @transform_5, window_bounds = array<i64: 128, 128>}, {pipeline_mode = #tpu.pipeline_mode<synchronous>, transform_indices = @transform_6, window_bounds = array<i64: 128, 1>}, {pipeline_mode = #tpu.pipeline_mode<synchronous>, transform_indices = @transform_7, window_bounds = array<i64: 1, 1>}, {transform_indices = @transform_8, window_bounds = array<i64: 2000, 1>}]} {
    %get3A = arith.constant 0 : index
    %get3A_0 = arith.constant 0 : index
    %get3A_1 = arith.constant 0 : index
    %get3A_2 = vector.load %arg1[%get3A, %get3A_0, %get3A_1] : memref<2x2000x128xf32, #tpu.memory_space<vmem>>, vector<1x2000x128xf32>
    %get3A_3 = vector.shape_cast %get3A_2 : vector<1x2000x128xf32> to vector<2000x128xf32>
    %get3A_4 = arith.constant 1 : index
    %get3A_5 = arith.constant 0 : index
    %get3A_6 = arith.constant 0 : index
    %get3A_7 = vector.load %arg1[%get3A_4, %get3A_5, %get3A_6] : memref<2x2000x128xf32, #tpu.memory_space<vmem>>, vector<1x2000x128xf32>
    %get3A_8 = vector.shape_cast %get3A_7 : vector<1x2000x128xf32> to vector<2000x128xf32>
    %add3A = arith.addf %get3A_3, %get3A_8 : vector<2000x128xf32>
    %get3A_9 = arith.constant 0 : index
    %get3A_10 = arith.constant 0 : index
    %get3A_11 = arith.constant 0 : index
    %get3A_12 = vector.load %arg2[%get3A_9, %get3A_10, %get3A_11] : memref<2x2000x1xf32, #tpu.memory_space<vmem>>, vector<1x2000x1xf32>
    %get3A_13 = vector.shape_cast %get3A_12 : vector<1x2000x1xf32> to vector<2000x1xf32>
    %get3A_14 = arith.constant 1 : index
    %get3A_15 = arith.constant 0 : index
    %get3A_16 = arith.constant 0 : index
    %get3A_17 = vector.load %arg2[%get3A_14, %get3A_15, %get3A_16] : memref<2x2000x1xf32, #tpu.memory_space<vmem>>, vector<1x2000x1xf32>
    %get3A_18 = vector.shape_cast %get3A_17 : vector<1x2000x1xf32> to vector<2000x1xf32>
    %add3A_19 = arith.addf %get3A_13, %get3A_18 : vector<2000x1xf32>
    %max3A = arith.constant 1.000000e+00 : f32
    %max3A_20 = vector.broadcast %max3A : f32 to vector<2000x1xf32>
    %max3A_21 = arith.maximumf %add3A_19, %max3A_20 : vector<2000x1xf32>
    %div3A = vector.broadcast %max3A_21 : vector<2000x1xf32> to vector<2000x128xf32>
    %div3A_22 = arith.divf %add3A, %div3A : vector<2000x128xf32>
    %get3A_23 = arith.constant 0 : index
    %get3A_24 = arith.constant 0 : index
    %get3A_25 = vector.load %arg4[%get3A_23, %get3A_24] : memref<128x128xf32, #tpu.memory_space<vmem>>, vector<128x128xf32>
    %dot_general3A = arith.constant dense<0.000000e+00> : vector<2000x128xf32>
    %dot_general3A_26 = tpu.matmul %div3A_22, %get3A_25, %dot_general3A {dimension_numbers = #tpu.dot_dimension_numbers<[1], [0], [0], [1], [0, 0, 1, 1], [], []>, transpose_lhs_hint = false} : vector<2000x128xf32>, vector<128x128xf32>, vector<2000x128xf32> -> vector<2000x128xf32>
    %get3A_27 = arith.constant 0 : index
    %get3A_28 = arith.constant 0 : index
    %get3A_29 = vector.load %arg5[%get3A_27, %get3A_28] : memref<1x128xf32, #tpu.memory_space<vmem>>, vector<1x128xf32>
    %add3A_30 = vector.broadcast %get3A_29 : vector<1x128xf32> to vector<2000x128xf32>
    %add3A_31 = arith.addf %dot_general3A_26, %add3A_30 : vector<2000x128xf32>
    %get3A_32 = arith.constant 0 : index
    %get3A_33 = arith.constant 0 : index
    %get3A_34 = vector.load %arg3[%get3A_32, %get3A_33] : memref<2000x128xf32, #tpu.memory_space<vmem>>, vector<2000x128xf32>
    %get3A_35 = arith.constant 0 : index
    %get3A_36 = arith.constant 0 : index
    %get3A_37 = vector.load %arg6[%get3A_35, %get3A_36] : memref<128x128xf32, #tpu.memory_space<vmem>>, vector<128x128xf32>
    %dot_general3A_38 = arith.constant dense<0.000000e+00> : vector<2000x128xf32>
    %dot_general3A_39 = tpu.matmul %get3A_34, %get3A_37, %dot_general3A_38 {dimension_numbers = #tpu.dot_dimension_numbers<[1], [0], [0], [1], [0, 0, 1, 1], [], []>, transpose_lhs_hint = false} : vector<2000x128xf32>, vector<128x128xf32>, vector<2000x128xf32> -> vector<2000x128xf32>
    %add3A_40 = arith.addf %add3A_31, %dot_general3A_39 : vector<2000x128xf32>
    %max3A_41 = arith.constant 0.000000e+00 : f32
    %max3A_42 = vector.broadcast %max3A_41 : f32 to vector<2000x128xf32>
    %max3A_43 = arith.maximumf %add3A_40, %max3A_42 : vector<2000x128xf32>
    %get3A_44 = arith.constant 0 : index
    %get3A_45 = arith.constant 0 : index
    %get3A_46 = vector.load %arg7[%get3A_44, %get3A_45] : memref<128x1xf32, #tpu.memory_space<vmem>>, vector<128x1xf32>
    %dot_general3A_47 = arith.constant dense<0.000000e+00> : vector<2000x1xf32>
    %dot_general3A_48 = tpu.matmul %max3A_43, %get3A_46, %dot_general3A_47 {dimension_numbers = #tpu.dot_dimension_numbers<[1], [0], [0], [1], [0, 0, 1, 1], [], []>, transpose_lhs_hint = false} : vector<2000x128xf32>, vector<128x1xf32>, vector<2000x1xf32> -> vector<2000x1xf32>
    %get3A_49 = arith.constant 0 : index
    %get3A_50 = arith.constant 0 : index
    %get3A_51 = vector.load %arg8[%get3A_49, %get3A_50] : memref<1x1xf32, #tpu.memory_space<vmem>>, vector<1x1xf32>
    %get3A_52 = vector.extract %get3A_51[0, 0] : f32 from vector<1x1xf32>
    %add3A_53 = vector.broadcast %get3A_52 : f32 to vector<2000x1xf32>
    %add3A_54 = arith.addf %dot_general3A_48, %add3A_53 : vector<2000x1xf32>
    %swap3A = arith.constant 0 : index
    %swap3A_55 = arith.constant 0 : index
    %swap3A_56 = vector.load %arg9[%swap3A, %swap3A_55] : memref<2000x1xf32, #tpu.memory_space<vmem>>, vector<2000x1xf32>
    tpu.vector_store %arg9[%swap3A, %swap3A_55], %add3A_54 {strides = array<i32>} : memref<2000x1xf32, #tpu.memory_space<vmem>>, vector<2000x1xf32>,
    return
  }
  func.func @transform_0(%arg0: i32) -> (i32, i32, i32) {
    %c0_i32 = arith.constant 0 : i32
    %c0_i32_0 = arith.constant 0 : i32
    %c0_i32_1 = arith.constant 0 : i32
    return %c0_i32, %arg0, %c0_i32_0 : i32, i32, i32
  }
  func.func @transform_1(%arg0: i32) -> (i32, i32, i32) {
    %c0_i32 = arith.constant 0 : i32
    %c0_i32_0 = arith.constant 0 : i32
    %c0_i32_1 = arith.constant 0 : i32
    return %c0_i32, %arg0, %c0_i32_0 : i32, i32, i32
  }
  func.func @transform_2(%arg0: i32) -> (i32, i32) {
    %c0_i32 = arith.constant 0 : i32
    %c0_i32_0 = arith.constant 0 : i32
    return %arg0, %c0_i32 : i32, i32
  }
  func.func @transform_3(%arg0: i32) -> (i32, i32) {
    %c0_i32 = arith.constant 0 : i32
    %c0_i32_0 = arith.constant 0 : i32
    %c0_i32_1 = arith.constant 0 : i32
    return %c0_i32, %c0_i32_0 : i32, i32
  }
  func.func @transform_4(%arg0: i32) -> (i32, i32) {
    %c0_i32 = arith.constant 0 : i32
    %c0_i32_0 = arith.constant 0 : i32
    %c0_i32_1 = arith.constant 0 : i32
    return %c0_i32, %c0_i32_0 : i32, i32
  }
  func.func @transform_5(%arg0: i32) -> (i32, i32) {
    %c0_i32 = arith.constant 0 : i32
    %c0_i32_0 = arith.constant 0 : i32
    %c0_i32_1 = arith.constant 0 : i32
    return %c0_i32, %c0_i32_0 : i32, i32
  }
  func.func @transform_6(%arg0: i32) -> (i32, i32) {
    %c0_i32 = arith.constant 0 : i32
    %c0_i32_0 = arith.constant 0 : i32
    %c0_i32_1 = arith.constant 0 : i32
    return %c0_i32, %c0_i32_0 : i32, i32
  }
  func.func @transform_7(%arg0: i32) -> (i32, i32) {
    %c0_i32 = arith.constant 0 : i32
    %c0_i32_0 = arith.constant 0 : i32
    %c0_i32_1 = arith.constant 0 : i32
    return %c0_i32, %c0_i32_0 : i32, i32
  }
  func.func @transform_8(%arg0: i32) -> (i32, i32) {
    %c0_i32 = arith.constant 0 : i32
    %c0_i32_0 = arith.constant 0 : i32
    return %arg0, %c0_i32 : i32, i32
  }
}

</mosaic_0001>

<sc_bundles>
// kernel: kernel.6.cloned.1.call-start
scs
__scs_entry_jumppad:
0x0: {  	(pc) =	sbr.rel $0x88, $3  }
0x1: {  	(tag) =	ssettag $0x0;
	lr =	simm.s32 $0x1  }
0x2: {  	[smem:$0x3F97] =	sst lr;
	_ =	strace $0xD0000000  }
0x3: {  	_ = 	snop  }
0x4: {  	_ = 	snop  }
0x5: {  	_ = 	snop  }
0x6: {  	_ = 	snop  }
0x7: {  	_ = 	snop  }
__scs_overlays_trampoline_lowered:
0x8: {  	[smem:$0x3FA6] =	sst s0  }
0x9: {  	[smem:$0x3FA7] =	sst s1  }
0xa: {  	[smem:$0x3FA8] =	sst s2  }
0xb: {  	[smem:$0x3FA9] =	sst s3  }
0xc: {  	[smem:$0x3FAA] =	sst s4  }
0xd: {  	[smem:$0x3FAB] =	sst s5  }
0xe: {  	[smem:$0x3FAC] =	sst s6  }
0xf: {  	[smem:$0x3FAD] =	sst s7  }
0x10: {  	[smem:$0x3FAE] =	sst s8  }
0x11: {  	[smem:$0x3FAF] =	sst s9;
	s0 =	simm.s32 @!p0 $0x0  }
0x12: {  	s1 =	sld [smem:$0x3F95];
	s0 =	simm.s32 @p0 $0x1  }
0x13: {  	[smem:$0x3FB0] =	sst s0;
	s0 =	simm.s32 @!p1 $0x0  }
0x14: {  	s2 =	sld [smem:$0x3F94];
	s0 =	simm.s32 @p1 $0x1  }
0x15: {  	[smem:$0x3FB1] =	sst s0;
	s0 =	simm.s32 @!p2 $0x0  }
0x16: {  	s3 =	sld [smem:$0x3FDB];
	s0 =	simm.s32 @p2 $0x1  }
0x17: {  	s4 =	simm.s32 $0x1BF5;
	[smem:$0x3FB3] =	sst s0  }
0x18: {  	s0 =	sld [smem:$0x3F96];
	_ =	swait.ge [sflag:s4], $0x0  }
0x19: {  	s7 =	sld [smem:$0x3F97]  }
0x1a: {  	s8 =	sadd.s32 $0xFFFFE003, lr  }
0x1b: {  	s9 =	sadd.s32 $0xFFFFFEF7, lr;
	s5 =	simm.s32 $0xFFFFFFFF;
	p2 =	slt.u32 s8, $0xFFFFF086  }
0x1c: {  	p1 =	slt.u32 s9, $0xF7A;
	s5 =	simm.s32 @!p2 $0x0  }
0x1d: {  	s5 =	simm.s32 @p1 $0x1;
	p0 =	seq.s32 s7, s2  }
0x1e: {  	s7 =	smul.u32 @!p0 $0xF7A, s2;
	p2 =	seq.s32 @!p0 s5, $0x0  }
0x1f: {  	s9 =	smul.u32 $0xF7A, s1;
	s8 =	simm.s32 @!p0 $0x1BF5;
	p2 =	por !p2, p0  }
0x20: {  	[sflag:s8] =	ssyncset.s32 @!p0 $0xFFFFF086;
	s6 =	sadd.s32 @!p0 s3, s7;
	s7 =	simm.s32 @!p0 $0x108  }
0x21: {  	s3 =	sadd.s32 s3, s9;
	s6 =	sadd.s32 @!p0 $0x88, s6;
	s7 =	simm.s32 @p2 $0x1082  }
0x22: {  	[simem:s7], [sflag:s8] =	dma.local @!p0 [hbm:s6], $0xF7A  }
0x23: {  	s9 =	sor.u32 $0xD0000000, s2;
	s6 =	simm.s32 $0x108;
	_ =	swait.ge @!p0 [sflag:s8], $0x0  }
0x24: {  	s3 =	sadd.s32 $0x88, s3;
	s6 =	simm.s32 @!p1 $0x1082;
	[sflag:s4] =	ssyncset.s32 $0xFFFFF086  }
0x25: {  	[simem:s6], [sflag:s4] =	dma.local [hbm:s3], $0xF7A  }
0x26: {  	[smem:$0x3F97] =	sst s1;
	(tag) =	ssettag s2;
	_ =	strace s9  }
0x27: {  	s1 =	sld [smem:$0x3FA7]  }
0x28: {  	s2 =	sld [smem:$0x3FA8]  }
0x29: {  	s4 =	sld [smem:$0x3FAA]  }
0x2a: {  	p0 =	seq.s32 s5, $0x0;
	s5 =	sld [smem:$0x3FAB]  }
0x2b: {  	s6 =	sld [smem:$0x3FAC]  }
0x2c: {  	s7 =	sld [smem:$0x3FAD]  }
0x2d: {  	s3 =	simm.s32 $0x108;
	s8 =	sld [smem:$0x3FAE]  }
0x2e: {  	s3 =	simm.s32 @!p0 $0x1082;
	s9 =	sld [smem:$0x3FAF]  }
0x2f: {  	lr =	sadd.s32 s0, s3;
	s0 =	sld [smem:$0x3FA6]  }
0x30: {  	s3 =	sld [smem:$0x3FA9]  }
0x31: {  	[smem:$0x3FB2] =	sst s10  }
0x32: {  	s10 =	sld [smem:$0x3FB0];
	_ =	sdelay $0x3  }
0x33: {  	p0 =	seq.s32 s10, $0x1;
	s10 =	sld [smem:$0x3FB2];
	_ =	sdelay $0x3  }
0x34: {  	[smem:$0x3FB2] =	sst s10  }
0x35: {  	s10 =	sld [smem:$0x3FB1];
	_ =	sdelay $0x3  }
0x36: {  	p1 =	seq.s32 s10, $0x1;
	s10 =	sld [smem:$0x3FB2];
	_ =	sdelay $0x3  }
0x37: {  	[smem:$0x3FB2] =	sst s10  }
0x38: {  	s10 =	sld [smem:$0x3FB3]  }
0x39: {  	_ = 	snop;
	(pc) =	sbr.ind lr, $3  }
0x3a: {  	_ = 	snop  }
0x3b: {  	_ = 	snop  }
0x3c: {  	p2 =	seq.s32 s10, $0x1;
	s10 =	sld [smem:$0x3FB2]  }
0x3d: {  	_ =	shalt  }
0x3e: {  	_ =	shalt  }
0x3f: {  	_ =	shalt  }
0x40: {  	_ =	shalt  }
0x41: {  	_ =	shalt  }
0x42: {  	_ =	shalt  }
0x43: {  	_ =	shalt  }
0x44: {  	_ =	shalt  }
0x45: {  	_ =	shalt  }
0x46: {  	_ =	shalt  }
0x47: {  	_ =	shalt  }
0x48: {  	_ =	shalt  }
0x49: {  	_ =	shalt  }
0x4a: {  	_ =	shalt  }
0x4b: {  	_ =	shalt  }
0x4c: {  	_ =	shalt  }
0x4d: {  	_ =	shalt  }
0x4e: {  	_ =	shalt  }
0x4f: {  	_ =	shalt  }
0x50: {  	_ =	shalt  }
0x51: {  	_ =	shalt  }
0x52: {  	_ =	shalt  }
0x53: {  	_ =	shalt  }
0x54: {  	_ =	shalt  }
0x55: {  	_ =	shalt  }
0x56: {  	_ =	shalt  }
0x57: {  	_ =	shalt  }
0x58: {  	_ =	shalt  }
0x59: {  	_ =	shalt  }
0x5a: {  	_ =	shalt  }
0x5b: {  	_ =	shalt  }
0x5c: {  	_ =	shalt  }
0x5d: {  	_ =	shalt  }
0x5e: {  	_ =	shalt  }
0x5f: {  	_ =	shalt  }
0x60: {  	_ =	shalt  }
0x61: {  	_ =	shalt  }
0x62: {  	_ =	shalt  }
0x63: {  	_ =	shalt  }
0x64: {  	_ =	shalt  }
0x65: {  	_ =	shalt  }
0x66: {  	_ =	shalt  }
0x67: {  	_ =	shalt  }
0x68: {  	_ =	shalt  }
0x69: {  	_ =	shalt  }
0x6a: {  	_ =	shalt  }
0x6b: {  	_ =	shalt  }
0x6c: {  	_ =	shalt  }
0x6d: {  	_ =	shalt  }
0x6e: {  	_ =	shalt  }
0x6f: {  	_ =	shalt  }
0x70: {  	_ =	shalt  }
0x71: {  	_ =	shalt  }
0x72: {  	_ =	shalt  }
0x73: {  	_ =	shalt  }
0x74: {  	_ =	shalt  }
0x75: {  	_ =	shalt  }
0x76: {  	_ =	shalt  }
0x77: {  	_ =	shalt  }
0x78: {  	_ =	shalt  }
0x79: {  	_ =	shalt  }
0x7a: {  	_ =	shalt  }
0x7b: {  	_ =	shalt  }
0x7c: {  	_ =	shalt  }
0x7d: {  	_ =	shalt  }
0x7e: {  	_ =	shalt  }
0x7f: {  	_ =	shalt  }
0x80: {  	_ =	shalt  }
0x81: {  	_ =	shalt  }
0x82: {  	_ =	shalt  }
0x83: {  	_ =	shalt  }
0x84: {  	_ =	shalt  }
0x85: {  	_ =	shalt  }
0x86: {  	_ =	shalt  }
0x87: {  	_ =	shalt  }
.Lfunc_end0:
.L_simem_size_0:
called_computation_lowered:
.L_overlay_start_0:
0x88: {  	s2 =	sld [smem:$0x3FD9]  }
0x89: {  	s3 =	sld [smem:$0x3FFE];
	_ =	sdelay $0x1  }
0x8a: {  	s1 =	srdreg.scid  }
0x8b: {  	s0 =	sand.u32 $0x1, s1  }
0x8c: {  	s17 =	sshll.u32 s0, $0xA;
	s2 =	sadd.s32 s3, s2  }
0x8d: {  	s2 =	sadd.s32 s2, s17  }
0x8e: {  	[smem:$0x3FBE] =	sst s2  }
0x8f: {  	_ = 	snop  }
0x90: {  	s2 =	sld [smem:$0x3FC9];
	(tm) =	ssettm $0x1  }
0x91: {  	s18 =	sld [smem:$0x3FFB];
	_ =	sdelay $0x3  }
0x92: {  	_ =	strace s18  }
0x93: {  	s3 =	sld [smem:$0x3FFC];
	_ =	sdelay $0x3  }
0x94: {  	_ =	strace s3  }
0x95: {  	s3 =	sld [smem:$0x3FFD];
	_ =	sdelay $0x3  }
0x96: {  	_ =	strace s3  }
0x97: {  	_ =	strace $0x8FFFFFFF  }
0x98: {  	s19 =	sld [smem:$0x3FDB];
	_ =	sdelay $0x1  }
0x99: {  	s4 =	simm.s32 $_scs_section_size  }
0x9a: {  	s5 =	simm.s32 $_size__tile_overlayer_lowered;
	s6 =	simm.s32 $_tile_overlayer_lowered  }
0x9b: {  	s22 =	simm.s32 $0x1BFF;
	s21 =	sshll.u32 s6, $0x1;
	s3 =	sadd.s32 s4, s19  }
0x9c: {  	s7 =	simm.s32 $0x0;
	s20 =	sshll.u32 s5, $0x1;
	s5 =	sadd.s32 s21, s3  }
0x9d: {  	[timem:s7], [sflag:s22] =	dma.local [hbm:s5], s20  }
0x9e: {  	_ =	swait.ge [sflag:s22], s20  }
0x9f: {  	s4 =	ssub.s32 $0x0, s20;
	[sflag:s22] =	ssyncset.done $0x0  }
0xa0: {  	[sflag:s22] =	ssyncadd.s32 s4;
	_ =	sdelay $0x1  }
0xa1: {  	s23 =	simm.s32 $0x1B8B  }
0xa2: {  	_ =	swait.ge [sflag:s23], $0x1  }
0xa3: {  	[sflag:s23] =	ssyncset.done $0x0  }
0xa4: {  	s25 =	simm.s32 $0x1B8E;
	s24 =	sld [smem:$0x3FFE];
	[sflag:s23] =	ssyncadd.s32 $0xFFFFFFFF  }
0xa5: {  	s26 =	simm.s32 $execute0_lowered;
	[smem:$0x3FD2] =	sst s25  }
0xa6: {  	s5 =	sshll.u32 s26, $0x1;
	_ =	strace $0x80000046;
	[dreg:$0x1] =	wrdreg $0xFFFFFFFF  }
0xa7: {  	s28 =	simm.s32 $_size_execute0_lowered;
	s3 =	sadd.s32 s3, s5;
	[dreg:$0x0] =	wrdreg $0x0  }
0xa8: {  	s5 =	sshll.u32 s28, $0x1;
	[dreg:$0x2] =	wrdreg s3  }
0xa9: {  	[dreg:$0x3] =	wrdreg s5  }
0xaa: {  	[dreg:$0x4] =	wrdreg $0xC0  }
0xab: {  	_ =	task [dreg:s7], $0x5FFFF  }
0xac: {  	[dreg:$0x1] =	wrdreg $0xFFFFFFFF  }
0xad: {  	[dreg:$0x0] =	wrdreg $0x60  }
0xae: {  	[dreg:$0x2] =	wrdreg s2  }
0xaf: {  	[dreg:$0x3] =	wrdreg s24  }
0xb0: {  	[dreg:$0x4] =	wrdreg $0xAB000  }
0xb1: {  	[dreg:$0x5] =	wrdreg $0x1E7000  }
0xb2: {  	[dreg:$0x6] =	wrdreg $0x9  }
0xb3: {  	_ =	task.clear_ibuf [dreg:s7], $0x7FFFF;
	_ =	strace $0x90000046  }
0xb4: {  	s29 =	simm.s32 $0x9;
	_ =	strace $0x80000048  }
0xb5: {  	_ =	swait.ge [sflag:s29], $0x1  }
0xb6: {  	[sflag:s29] =	ssyncadd.s32 $0xFFFFFFFF  }
0xb7: {  	_ =	strace $0x90000048  }
0xb8: {  	_ =	sfence  }
0xb9: {  	s30 =	sld [smem:$0x0];
	_ =	sdelay $0x2  }
0xba: {  	s31 =	sshll.u32 s1, $0xD;
	s1 =	sshrl.u32 s1, $0x2  }
0xbb: {  	s3 =	sand.u32 $0x4000, s31;
	s1 =	sadd.s32 s1, s30  }
0xbc: {  	s0 =	sor.u32 s3, s0;
	s1 =	sshll.u32 s1, $0x11  }
0xbd: {  	s0 =	sor.u32 s1, s0  }
0xbe: {  	s0 =	sadd.s32 $0x8F2B, s0  }
0xbf: {  	[sflag:s0] =	ssyncadd.remote.s32 $0x1  }
0xc0: {  	_ =	sfence.sel $0xFFFF  }
0xc1: {  	[dreg:$0x0] =	wrdreg $0xFFFFFFFF;
	(pc) =	sbr.abs _section_cstart, $3  }
0xc2: {  	[dreg:$0x1] =	wrdreg $0xFFFFFFFF  }
0xc3: {  	_ =	task.clear_ibuf [dreg:s7], $0x2FFFF;
	_ =	strace $0x9FFFFFFF  }
0xc4: {  	(tm) =	ssettm $0x7FFFFFFF  }
0xc5: {  	_ =	shalt  }
tec
execute0_lowered:
.L_overlay_start_1:
0x0: {  	(tag) =	ssettag $0x1  }
0x1: {  	s1 =	rddreg [dreg:$0x0]  }
0x2: {  	s0 =	rddreg [dreg:$0x1]  }
0x3: {  	s2 =	rddreg [dreg:$0x2]  }
0x4: {  	s3 =	rddreg [dreg:$0x3]  }
0x5: {  	s4 =	simm.s32 $0x0;
	s5 =	srdreg.scid;
	s22 =	stileid.u32  }
0x6: {  	s28 =	simm.s32 $0x1;
	s29 =	simm.s32 $0xA800;
	s30 =	simm.s32 $0x6800  }
0x7: {  	s31 =	simm.s32 $0x2;
	[smem:$0x7FF] =	sst s4;
	s11 =	smul.u32 $0x4F000, s22  }
0x8: {  	s7 =	sadd.s32 $0x1E00, s0;
	s8 =	sadd.s32 $0xBE00, s0;
	s14 =	smul.u32 $0x9E0, s22  }
0x9: {  	s5 =	sand.u32 $0x1, s5;
	s9 =	sadd.s32 $0x16800, s0;
	s18 =	smul.u32 $0x13800, s22  }
0xa: {  	s20 =	smul.u32 $0x4E000, s22;
	p0 =	seq.s32 s22, $0x0;
	_ =	strace $0x80000047  }
0xb: {  	s6 =	sshll.u32 s5, $0x4;
	s10 =	ssub.s32 $0x2, s5;
	s5 =	smul.u32 $0x138800, s5  }
0xc: {  	p1 =	sne.s32 @!p0 s22, $0xF;
	s0 =	sadd.s32 s6, s0;
	s12 =	sshrl.u32 s10, $0x1  }
0xd: {  	s13 =	sor.u32 s22, s6;
	s24 =	sshrl.u32 s11, $0x2;
	s26 =	sshrl.u32 s14, $0x2  }
0xe: {  	p1 =	por p1, p0;
	s22 =	simm.s32 $0x5;
	s25 =	smul.u32 $0x500, s13  }
0xf: {  	s10 =	ssub.s32 s10, s12;
	s6 =	sadd.s32 s24, s2;
	s13 =	smul.u32 $0x2800, s13  }
0x10: {  	s12 =	sadd.s32 s26, s3;
	s23 =	sadd.s32 s18, s5;
	s24 =	sshrl.u32 s20, $0x2  }
0x11: {  	s5 =	sshrl.u32 s5, $0x3;
	s0 =	sadd.s32 $0x15E00, s0;
	s20 =	simm.s32 $0x2800  }
0x12: {  	s15 =	sadd.s32 $0x10000, s6;
	[dreg:$0x6] =	wrdreg s12;
	s5 =	sadd.s32 s9, s5  }
0x13: {  	[dreg:$0xc] =	wrdreg s0;
	s0 =	sadd.s32 $0x138000, s2;
	s18 =	sadd.s32 $0x8000, s6  }
0x14: {  	[dreg:$0x5] =	wrdreg s15;
	s16 =	sadd.s32 s7, s25;
	s17 =	sshrl.u32 s13, $0x3  }
0x15: {  	s11 =	sadd.s32 s8, s25;
	s25 =	sadd.s32 s24, s2;
	[dreg:$0x7] =	wrdreg s16  }
0x16: {  	s26 =	sadd.s32 $0x27000, s5;
	s5 =	simm.s32 $0x4;
	[dreg:$0x8] =	wrdreg s11  }
0x17: {  	s19 =	sadd.s32 $0x280, s17;
	[dreg:$0xd] =	wrdreg s26;
	s16 =	smax.u32 s10, $0x1  }
0x18: {  	s17 =	sadd.s32 $0x4000, s6;
	s24 =	sshrl.u32 s25, $0x3;
	s25 =	sshrl.u32 @!p1 s0, $0x3  }
0x19: {  	s26 =	simm.s32 $0x80;
	s0 =	simm.s32 $0x3;
	s7 =	sadd.s32 s7, s19  }
0x1a: {  	s21 =	sadd.s32 s8, s19;
	s19 =	sadd.s32 $0xC000, s6;
	[dreg:$0x9] =	wrdreg s7  }
0x1b: {  	s8 =	simm.s32 $0x2780;
	[dreg:$0xa] =	wrdreg s21;
	s7 =	sshrl.u32 s23, $0x3  }
0x1c: {  	s21 =	simm.s32 $0x7;
	s23 =	simm.s32 $0x1400;
	s7 =	sadd.s32 s9, s7  }
0x1d: {  	v0 =	vimm.f32 $0.0e+00;
	v1 =	vimm.f32 $1.000000000e+00;
	s9 =	simm.s32 $0x0;
	[dreg:$0xb] =	wrdreg s7;
	s7 =	simm.s32 $0x6  }
.LBB2_1:
0x1e: {  	s10 =	simm.s32 $0x2A00  }
0x1f: {  	[tilespmem:s10+$0xFFFFFE00] =	vst v0  }
0x20: {  	[tilespmem:s10+$0x180] =	vst v0  }
0x21: {  	[tilespmem:s10+$0x100] =	vst v0  }
0x22: {  	[tilespmem:s10+$0x80] =	vst v0  }
0x23: {  	[tilespmem:s10+$0x0] =	vst v0  }
0x24: {  	[tilespmem:s10+$0xFFFFFF80] =	vst v0  }
0x25: {  	s12 =	simm.s32 $0x0;
	[tilespmem:s10+$0xFFFFFF00] =	vst v0  }
.LBB2_2:
0x26: {  	s12 =	sadd.s32 $0x8, s12;
	[tilespmem:s10+$0xFFFFFE80] =	vst v0;
	s10 =	sadd.s32 $0x400, s10;
	s11 =	simm.s32 $0x2A10  }
0x27: {  	[tilespmem:s10+$0xFFFFFE00] =	vst v0;
	p2 =	slt.u32 s12, $0x78  }
0x28: {  	[tilespmem:s10+$0x180] =	vst v0  }
.Ltmp0:
0x29: {  	[tilespmem:s10+$0x100] =	vst v0;
	(pc) =	sbr.rel @p2 .LBB2_2-.Ltmp0, $4  }
0x2a: {  	[tilespmem:s10+$0x80] =	vst v0  }
0x2b: {  	[tilespmem:s10+$0x0] =	vst v0  }
0x2c: {  	[tilespmem:s10+$0xFFFFFF80] =	vst v0  }
0x2d: {  	[tilespmem:s10+$0xFFFFFF00] =	vst v0  }
0x2e: {  	[tilespmem:s10+$0xFFFFFE80] =	vst v0  }
0x2f: {  	[tilespmem:s11+$0xFFFFFE00] =	vst v0  }
0x30: {  	[tilespmem:s11+$0x180] =	vst v0  }
0x31: {  	[tilespmem:s11+$0x100] =	vst v0  }
0x32: {  	[tilespmem:s11+$0x80] =	vst v0  }
0x33: {  	[tilespmem:s11+$0x0] =	vst v0  }
0x34: {  	[tilespmem:s11+$0xFFFFFF80] =	vst v0  }
0x35: {  	s12 =	simm.s32 $0x0;
	s10 =	simm.s32 $0x2A20;
	[tilespmem:s11+$0xFFFFFF00] =	vst v0  }
.LBB2_4:
0x36: {  	s12 =	sadd.s32 $0x8, s12;
	[tilespmem:s11+$0xFFFFFE80] =	vst v0;
	s11 =	sadd.s32 $0x400, s11  }
0x37: {  	[tilespmem:s11+$0xFFFFFE00] =	vst v0;
	p2 =	slt.u32 s12, $0x78  }
0x38: {  	[tilespmem:s11+$0x180] =	vst v0  }
.Ltmp1:
0x39: {  	[tilespmem:s11+$0x100] =	vst v0;
	(pc) =	sbr.rel @p2 .LBB2_4-.Ltmp1, $4  }
0x3a: {  	[tilespmem:s11+$0x80] =	vst v0  }
0x3b: {  	[tilespmem:s11+$0x0] =	vst v0  }
0x3c: {  	[tilespmem:s11+$0xFFFFFF80] =	vst v0  }
0x3d: {  	[tilespmem:s11+$0xFFFFFF00] =	vst v0  }
0x3e: {  	[tilespmem:s11+$0xFFFFFE80] =	vst v0  }
0x3f: {  	[tilespmem:s10+$0xFFFFFE00] =	vst v0  }
0x40: {  	[tilespmem:s10+$0x180] =	vst v0  }
0x41: {  	[tilespmem:s10+$0x100] =	vst v0  }
0x42: {  	[tilespmem:s10+$0x80] =	vst v0  }
0x43: {  	[tilespmem:s10+$0x0] =	vst v0  }
0x44: {  	[tilespmem:s10+$0xFFFFFF80] =	vst v0  }
0x45: {  	s12 =	simm.s32 $0x0;
	[tilespmem:s10+$0xFFFFFF00] =	vst v0  }
.LBB2_6:
0x46: {  	s12 =	sadd.s32 $0x8, s12;
	[tilespmem:s10+$0xFFFFFE80] =	vst v0;
	s10 =	sadd.s32 $0x400, s10;
	s11 =	simm.s32 $0x2A30  }
0x47: {  	[tilespmem:s10+$0xFFFFFE00] =	vst v0;
	p2 =	slt.u32 s12, $0x78  }
0x48: {  	[tilespmem:s10+$0x180] =	vst v0  }
.Ltmp2:
0x49: {  	[tilespmem:s10+$0x100] =	vst v0;
	(pc) =	sbr.rel @p2 .LBB2_6-.Ltmp2, $4  }
0x4a: {  	[tilespmem:s10+$0x80] =	vst v0  }
0x4b: {  	[tilespmem:s10+$0x0] =	vst v0  }
0x4c: {  	[tilespmem:s10+$0xFFFFFF80] =	vst v0  }
0x4d: {  	[tilespmem:s10+$0xFFFFFF00] =	vst v0  }
0x4e: {  	[tilespmem:s10+$0xFFFFFE80] =	vst v0  }
0x4f: {  	[tilespmem:s11+$0xFFFFFE00] =	vst v0  }
0x50: {  	[tilespmem:s11+$0x180] =	vst v0  }
0x51: {  	[tilespmem:s11+$0x100] =	vst v0  }
0x52: {  	[tilespmem:s11+$0x80] =	vst v0  }
0x53: {  	[tilespmem:s11+$0x0] =	vst v0  }
0x54: {  	[tilespmem:s11+$0xFFFFFF80] =	vst v0  }
0x55: {  	s12 =	simm.s32 $0x0;
	s10 =	simm.s32 $0x2A40;
	[tilespmem:s11+$0xFFFFFF00] =	vst v0  }
.LBB2_8:
0x56: {  	s12 =	sadd.s32 $0x8, s12;
	[tilespmem:s11+$0xFFFFFE80] =	vst v0;
	s11 =	sadd.s32 $0x400, s11  }
0x57: {  	[tilespmem:s11+$0xFFFFFE00] =	vst v0;
	p2 =	slt.u32 s12, $0x78  }
0x58: {  	[tilespmem:s11+$0x180] =	vst v0  }
.Ltmp3:
0x59: {  	[tilespmem:s11+$0x100] =	vst v0;
	(pc) =	sbr.rel @p2 .LBB2_8-.Ltmp3, $4  }
0x5a: {  	[tilespmem:s11+$0x80] =	vst v0  }
0x5b: {  	[tilespmem:s11+$0x0] =	vst v0  }
0x5c: {  	[tilespmem:s11+$0xFFFFFF80] =	vst v0  }
0x5d: {  	[tilespmem:s11+$0xFFFFFF00] =	vst v0  }
0x5e: {  	[tilespmem:s11+$0xFFFFFE80] =	vst v0  }
0x5f: {  	[tilespmem:s10+$0xFFFFFE00] =	vst v0  }
0x60: {  	[tilespmem:s10+$0x180] =	vst v0  }
0x61: {  	[tilespmem:s10+$0x100] =	vst v0  }
0x62: {  	[tilespmem:s10+$0x80] =	vst v0  }
0x63: {  	[tilespmem:s10+$0x0] =	vst v0  }
0x64: {  	[tilespmem:s10+$0xFFFFFF80] =	vst v0  }
0x65: {  	s12 =	simm.s32 $0x0;
	[tilespmem:s10+$0xFFFFFF00] =	vst v0  }
.LBB2_10:
0x66: {  	s12 =	sadd.s32 $0x8, s12;
	[tilespmem:s10+$0xFFFFFE80] =	vst v0;
	s10 =	sadd.s32 $0x400, s10;
	s11 =	simm.s32 $0x2A50  }
0x67: {  	[tilespmem:s10+$0xFFFFFE00] =	vst v0;
	p2 =	slt.u32 s12, $0x78  }
0x68: {  	[tilespmem:s10+$0x180] =	vst v0  }
.Ltmp4:
0x69: {  	[tilespmem:s10+$0x100] =	vst v0;
	(pc) =	sbr.rel @p2 .LBB2_10-.Ltmp4, $4  }
0x6a: {  	[tilespmem:s10+$0x80] =	vst v0  }
0x6b: {  	[tilespmem:s10+$0x0] =	vst v0  }
0x6c: {  	[tilespmem:s10+$0xFFFFFF80] =	vst v0  }
0x6d: {  	[tilespmem:s10+$0xFFFFFF00] =	vst v0  }
0x6e: {  	[tilespmem:s10+$0xFFFFFE80] =	vst v0  }
0x6f: {  	[tilespmem:s11+$0xFFFFFE00] =	vst v0  }
0x70: {  	[tilespmem:s11+$0x180] =	vst v0  }
0x71: {  	[tilespmem:s11+$0x100] =	vst v0  }
0x72: {  	[tilespmem:s11+$0x80] =	vst v0  }
0x73: {  	[tilespmem:s11+$0x0] =	vst v0  }
0x74: {  	[tilespmem:s11+$0xFFFFFF80] =	vst v0  }
0x75: {  	s12 =	simm.s32 $0x0;
	s10 =	simm.s32 $0x2A60;
	[tilespmem:s11+$0xFFFFFF00] =	vst v0  }
.LBB2_12:
0x76: {  	s12 =	sadd.s32 $0x8, s12;
	[tilespmem:s11+$0xFFFFFE80] =	vst v0;
	s11 =	sadd.s32 $0x400, s11  }
0x77: {  	[tilespmem:s11+$0xFFFFFE00] =	vst v0;
	p2 =	slt.u32 s12, $0x78  }
0x78: {  	[tilespmem:s11+$0x180] =	vst v0  }
.Ltmp5:
0x79: {  	[tilespmem:s11+$0x100] =	vst v0;
	(pc) =	sbr.rel @p2 .LBB2_12-.Ltmp5, $4  }
0x7a: {  	[tilespmem:s11+$0x80] =	vst v0  }
0x7b: {  	[tilespmem:s11+$0x0] =	vst v0  }
0x7c: {  	[tilespmem:s11+$0xFFFFFF80] =	vst v0  }
0x7d: {  	[tilespmem:s11+$0xFFFFFF00] =	vst v0  }
0x7e: {  	[tilespmem:s11+$0xFFFFFE80] =	vst v0  }
0x7f: {  	[tilespmem:s10+$0xFFFFFE00] =	vst v0  }
0x80: {  	[tilespmem:s10+$0x180] =	vst v0  }
0x81: {  	[tilespmem:s10+$0x100] =	vst v0  }
0x82: {  	[tilespmem:s10+$0x80] =	vst v0  }
0x83: {  	[tilespmem:s10+$0x0] =	vst v0  }
0x84: {  	[tilespmem:s10+$0xFFFFFF80] =	vst v0  }
0x85: {  	s12 =	simm.s32 $0x0;
	[tilespmem:s10+$0xFFFFFF00] =	vst v0  }
.LBB2_14:
0x86: {  	s12 =	sadd.s32 $0x8, s12;
	[tilespmem:s10+$0xFFFFFE80] =	vst v0;
	s10 =	sadd.s32 $0x400, s10;
	s11 =	simm.s32 $0x2A70  }
0x87: {  	[tilespmem:s10+$0xFFFFFE00] =	vst v0;
	p2 =	slt.u32 s12, $0x78  }
0x88: {  	[tilespmem:s10+$0x180] =	vst v0  }
.Ltmp6:
0x89: {  	[tilespmem:s10+$0x100] =	vst v0;
	(pc) =	sbr.rel @p2 .LBB2_14-.Ltmp6, $4  }
0x8a: {  	[tilespmem:s10+$0x80] =	vst v0  }
0x8b: {  	[tilespmem:s10+$0x0] =	vst v0  }
0x8c: {  	[tilespmem:s10+$0xFFFFFF80] =	vst v0  }
0x8d: {  	[tilespmem:s10+$0xFFFFFF00] =	vst v0  }
0x8e: {  	[tilespmem:s10+$0xFFFFFE80] =	vst v0  }
0x8f: {  	[tilespmem:s11+$0xFFFFFE00] =	vst v0  }
0x90: {  	[tilespmem:s11+$0x180] =	vst v0  }
0x91: {  	[tilespmem:s11+$0x100] =	vst v0  }
0x92: {  	[tilespmem:s11+$0x80] =	vst v0  }
0x93: {  	[tilespmem:s11+$0x0] =	vst v0  }
0x94: {  	[tilespmem:s11+$0xFFFFFF80] =	vst v0  }
0x95: {  	s10 =	simm.s32 $0x0;
	[tilespmem:s11+$0xFFFFFF00] =	vst v0  }
.LBB2_16:
0x96: {  	s10 =	sadd.s32 $0x8, s10;
	[tilespmem:s11+$0xFFFFFE80] =	vst v0;
	s11 =	sadd.s32 $0x400, s11  }
0x97: {  	[tilespmem:s11+$0xFFFFFE00] =	vst v0;
	p2 =	slt.u32 s10, $0x78  }
0x98: {  	[tilespmem:s11+$0x180] =	vst v0  }
.Ltmp7:
0x99: {  	[tilespmem:s11+$0x100] =	vst v0;
	(pc) =	sbr.rel @p2 .LBB2_16-.Ltmp7, $4  }
0x9a: {  	[tilespmem:s11+$0x80] =	vst v0  }
0x9b: {  	[tilespmem:s11+$0x0] =	vst v0  }
0x9c: {  	[tilespmem:s11+$0xFFFFFF80] =	vst v0  }
0x9d: {  	[tilespmem:s11+$0xFFFFFF00] =	vst v0  }
0x9e: {  	[tilespmem:s11+$0xFFFFFE80] =	vst v0  }
0x9f: {  	[tilespmem:$0xA800] =	vst v1  }
0xa0: {  	[tilespmem:$0xA810] =	vst v1  }
0xa1: {  	[tilespmem:$0xA820] =	vst v1  }
0xa2: {  	[tilespmem:$0xA830] =	vst v1  }
0xa3: {  	[tilespmem:$0xA840] =	vst v1  }
0xa4: {  	[tilespmem:$0xA850] =	vst v1  }
0xa5: {  	[tilespmem:$0xA860] =	vst v1  }
0xa6: {  	[tilespmem:$0xA870] =	vst v1  }
0xa7: {  	[tilespmem:$0xA880] =	vst v0  }
0xa8: {  	[tilespmem:$0xA890] =	vst v0  }
0xa9: {  	[tilespmem:$0xA8A0] =	vst v0  }
0xaa: {  	[tilespmem:$0xA8B0] =	vst v0  }
0xab: {  	[tilespmem:$0xA8C0] =	vst v0  }
0xac: {  	[tilespmem:$0xA8D0] =	vst v0  }
0xad: {  	[tilespmem:$0xA8E0] =	vst v0  }
0xae: {  	[tilespmem:$0xA8F0] =	vst v0  }
0xaf: {  	[tilespmem:$0xA900] =	vst v0  }
0xb0: {  	[tilespmem:$0xA910] =	vst v0  }
0xb1: {  	[tilespmem:$0xA920] =	vst v0  }
0xb2: {  	[tilespmem:$0xA930] =	vst v0  }
0xb3: {  	[tilespmem:$0xA940] =	vst v0  }
0xb4: {  	[tilespmem:$0xA950] =	vst v0  }
0xb5: {  	[tilespmem:$0xA960] =	vst v0  }
0xb6: {  	[tilespmem:$0xA970] =	vst v0  }
0xb7: {  	[tilespmem:$0xA980] =	vst v0  }
0xb8: {  	[tilespmem:$0xA990] =	vst v0  }
0xb9: {  	[tilespmem:$0xA9A0] =	vst v0  }
0xba: {  	[tilespmem:$0xA9B0] =	vst v0  }
0xbb: {  	[tilespmem:$0xA9C0] =	vst v0  }
0xbc: {  	[tilespmem:$0xA9D0] =	vst v0  }
0xbd: {  	[tilespmem:$0xA9E0] =	vst v0  }
0xbe: {  	[tilespmem:$0xA9F0] =	vst v0  }
0xbf: {  	[tilespmem:$0xAA00] =	vst v0  }
0xc0: {  	[tilespmem:$0xAA10] =	vst v0  }
0xc1: {  	[tilespmem:$0xAA20] =	vst v0  }
0xc2: {  	[tilespmem:$0xAA30] =	vst v0  }
0xc3: {  	[tilespmem:$0xAA40] =	vst v0  }
0xc4: {  	[tilespmem:$0xAA50] =	vst v0  }
0xc5: {  	[tilespmem:$0xAA60] =	vst v0  }
0xc6: {  	[tilespmem:$0xAA70] =	vst v0  }
0xc7: {  	[tilespmem:$0xAA80] =	vst v0  }
0xc8: {  	[tilespmem:$0xAA90] =	vst v0  }
0xc9: {  	[tilespmem:$0xAAA0] =	vst v0  }
0xca: {  	[tilespmem:$0xAAB0] =	vst v0  }
0xcb: {  	[tilespmem:$0xAAC0] =	vst v0  }
0xcc: {  	[tilespmem:$0xAAD0] =	vst v0  }
0xcd: {  	[tilespmem:$0xAAE0] =	vst v0  }
0xce: {  	[tilespmem:$0xAAF0] =	vst v0  }
0xcf: {  	[spmem:s6] =	stream.linear.scatter [tilespmem:s20], [sflag:$0x7], $0x4000, $0x38;
	[tilespmem:$0x1E978] =	vst v63  }
0xd0: {  	_ =	swait.ge [sflag:s21], $0x4000  }
0xd1: {  	[sflag:s21] =	ssyncset.done $0x0  }
0xd2: {  	[sflag:s21] =	ssyncadd.s32 $0xFFFFC000  }
0xd3: {  	[spmem:s17] =	stream.linear.scatter [tilespmem:s20], [sflag:$0x7], $0x4000, $0x38;
	[tilespmem:$0x1E978] =	vst v63  }
0xd4: {  	_ =	swait.ge [sflag:s21], $0x4000  }
0xd5: {  	[sflag:s21] =	ssyncset.done $0x0  }
0xd6: {  	[sflag:s21] =	ssyncadd.s32 $0xFFFFC000  }
0xd7: {  	[spmem:s18] =	stream.linear.scatter [tilespmem:s20], [sflag:$0x7], $0x4000, $0x38;
	[tilespmem:$0x1E978] =	vst v63  }
0xd8: {  	_ =	swait.ge [sflag:s21], $0x4000  }
0xd9: {  	[sflag:s21] =	ssyncset.done $0x0  }
0xda: {  	[sflag:s21] =	ssyncadd.s32 $0xFFFFC000  }
0xdb: {  	[spmem:s19] =	stream.linear.scatter [tilespmem:s20], [sflag:$0x7], $0x4000, $0x38;
	[tilespmem:$0x1E978] =	vst v63  }
0xdc: {  	_ =	swait.ge [sflag:s21], $0x4000  }
0xdd: {  	[sflag:s21] =	ssyncset.done $0x0  }
0xde: {  	s10 =	rddreg [dreg:$0x5];
	[sflag:s21] =	ssyncadd.s32 $0xFFFFC000  }
0xdf: {  	[spmem:s10] =	stream.linear.scatter [tilespmem:s20], [sflag:$0x7], $0x3C00, $0x38;
	[tilespmem:$0x1E978] =	vst v63  }
0xe0: {  	_ =	swait.ge [sflag:s21], $0x3C00  }
0xe1: {  	[sflag:s21] =	ssyncset.done $0x0  }
0xe2: {  	s15 =	simm.s32 $0xA880;
	s14 =	rddreg [dreg:$0x6];
	[sflag:s21] =	ssyncadd.s32 $0xFFFFC400  }
0xe3: {  	[spmem:s14] =	stream.linear.scatter [tilespmem:s15], [sflag:$0x7], $0x278, $0x38;
	[tilespmem:$0x1E978] =	vst v63  }
0xe4: {  	_ =	swait.ge [sflag:s21], $0x278  }
0xe5: {  	[sflag:s21] =	ssyncset.done $0x0  }
0xe6: {  	[sflag:s21] =	ssyncadd.s32 $0xFFFFFD88  }
0xe7: {  	[bflag:$0x0] =	sbarrier.arrive $0xFFFF  }
0xe8: {  	s11 =	rddreg [dreg:$0x7]  }
0xe9: {  	[tilespmem:s4], [sflag:$0x7] =	stream.linear.gather [hbm4b:s11+s4], $0x1400, $0x38;
	[tilespmem:$0x1E978] =	vst v63  }
0xea: {  	_ =	swait.ge [sflag:s21], $0x1400  }
0xeb: {  	[sflag:s21] =	ssyncset.done $0x0  }
0xec: {  	s12 =	rddreg [dreg:$0x8];
	[sflag:s21] =	ssyncadd.s32 $0xFFFFEC00  }
0xed: {  	[tilespmem:s23], [sflag:$0x7] =	stream.linear.gather [hbm4b:s12+s4], $0x1400, $0x38;
	[tilespmem:$0x1E978] =	vst v63  }
0xee: {  	_ =	swait.ge [sflag:s21], $0x1400  }
0xef: {  	[sflag:s21] =	ssyncset.done $0x0  }
0xf0: {  	[sflag:s21] =	ssyncadd.s32 $0xFFFFEC00  }
0xf1: {  	[tilespmem:s20], [sflag:$0x1] =	stream.indirect.gather [hbm4b:s1+s26], $0x80, s4, s26, $0xb8;
	[tilespmem:$0x1E978] =	vst v63  }
0xf2: {  	_ =	swait.ge [sflag:s28], $0x4000  }
0xf3: {  	[sflag:s28] =	ssyncset.done $0x0  }
0xf4: {  	[sflag:s28] =	ssyncadd.s32 $0xFFFFC000  }
0xf5: {  	[spmem:s2] =	stream.indirect.scatter.add.f32 [tilespmem:s20], [sflag:$0x3], $0x80, s23, s26, $0xb8;
	[tilespmem:$0x1E978] =	vst v63  }
0xf6: {  	_ = 	snop  }
0xf7: {  	[spmem:s3] =	stream.indirect.scatter.add.f32 [tilespmem:s29], [sflag:$0x5], $0x1, s23, s26, $0xb8;
	[tilespmem:$0x1E978] =	vst v63  }
0xf8: {  	_ = 	snop  }
0xf9: {  	[tilespmem:s30], [sflag:$0x2] =	stream.indirect.gather [hbm4b:s1+s26], $0x80, s26, s26, $0xb8;
	[tilespmem:$0x1E978] =	vst v63  }
0xfa: {  	_ =	swait.ge [sflag:s31], $0x4000  }
0xfb: {  	[sflag:s31] =	ssyncset.done $0x0  }
0xfc: {  	s13 =	simm.s32 $0x1480;
	[sflag:s31] =	ssyncadd.s32 $0xFFFFC000  }
0xfd: {  	[spmem:s2] =	stream.indirect.scatter.add.f32 [tilespmem:s30], [sflag:$0x4], $0x80, s13, s26, $0xb8;
	[tilespmem:$0x1E978] =	vst v63  }
0xfe: {  	_ = 	snop  }
0xff: {  	[spmem:s3] =	stream.indirect.scatter.add.f32 [tilespmem:s29], [sflag:$0x6], $0x1, s13, s26, $0xb8;
	[tilespmem:$0x1E978] =	vst v63  }
0x100: {  	_ =	swait.ge [sflag:s0], $0x4000  }
0x101: {  	[sflag:s0] =	ssyncset.done $0x0  }
0x102: {  	[sflag:s0] =	ssyncadd.s32 $0xFFFFC000  }
0x103: {  	_ =	swait.ge [sflag:s22], $0x80  }
0x104: {  	[sflag:s22] =	ssyncset.done $0x0  }
0x105: {  	s14 =	simm.s32 $0x100;
	[sflag:s22] =	ssyncadd.s32 $0xFFFFFF80  }
0x106: {  	[tilespmem:s20], [sflag:$0x1] =	stream.indirect.gather [hbm4b:s1+s26], $0x80, s14, s26, $0xb8;
	[tilespmem:$0x1E978] =	vst v63  }
0x107: {  	_ =	swait.ge [sflag:s28], $0x4000  }
0x108: {  	[sflag:s28] =	ssyncset.done $0x0  }
0x109: {  	s15 =	simm.s32 $0x1500;
	[sflag:s28] =	ssyncadd.s32 $0xFFFFC000  }
0x10a: {  	[spmem:s2] =	stream.indirect.scatter.add.f32 [tilespmem:s20], [sflag:$0x3], $0x80, s15, s26, $0xb8;
	[tilespmem:$0x1E978] =	vst v63  }
0x10b: {  	_ = 	snop  }
0x10c: {  	[spmem:s3] =	stream.indirect.scatter.add.f32 [tilespmem:s29], [sflag:$0x5], $0x1, s15, s26, $0xb8;
	[tilespmem:$0x1E978] =	vst v63  }
0x10d: {  	_ =	swait.ge [sflag:s5], $0x4000  }
0x10e: {  	[sflag:s5] =	ssyncset.done $0x0  }
0x10f: {  	[sflag:s5] =	ssyncadd.s32 $0xFFFFC000  }
0x110: {  	_ =	swait.ge [sflag:s7], $0x80  }
0x111: {  	[sflag:s7] =	ssyncset.done $0x0  }
0x112: {  	s10 =	simm.s32 $0xFFFFB800;
	s11 =	simm.s32 $0x180;
	[sflag:s7] =	ssyncadd.s32 $0xFFFFFF80  }
.LBB2_18:
0x113: {  	[tilespmem:s30], [sflag:$0x2] =	stream.indirect.gather [hbm4b:s1+s26], $0x80, s11, s26, $0xb8;
	[tilespmem:$0x1E978] =	vst v63  }
0x114: {  	s11 =	smov.u32 s10  }
0x115: {  	p2 =	sne.s32 s10, $0xFFFFFC00;
	s10 =	sadd.s32 $0x400, s10;
	_ =	swait.ge [sflag:s31], $0x4000  }
0x116: {  	s11 =	sshra.s32 s11, $0x2;
	[sflag:s31] =	ssyncset.done $0x0  }
0x117: {  	s12 =	sadd.s32 $0x2780, s11;
	[sflag:s31] =	ssyncadd.s32 $0xFFFFC000  }
0x118: {  	[spmem:s2] =	stream.indirect.scatter.add.f32 [tilespmem:s30], [sflag:$0x4], $0x80, s12, s26, $0xb8;
	[tilespmem:$0x1E978] =	vst v63  }
0x119: {  	_ = 	snop  }
0x11a: {  	[spmem:s3] =	stream.indirect.scatter.add.f32 [tilespmem:s29], [sflag:$0x6], $0x1, s12, s26, $0xb8;
	[tilespmem:$0x1E978] =	vst v63  }
0x11b: {  	_ =	swait.ge [sflag:s0], $0x4000  }
0x11c: {  	[sflag:s0] =	ssyncset.done $0x0  }
0x11d: {  	[sflag:s0] =	ssyncadd.s32 $0xFFFFC000  }
0x11e: {  	_ =	swait.ge [sflag:s22], $0x80  }
0x11f: {  	[sflag:s22] =	ssyncset.done $0x0  }
0x120: {  	s12 =	sadd.s32 $0x1400, s11;
	[sflag:s22] =	ssyncadd.s32 $0xFFFFFF80  }
0x121: {  	[tilespmem:s20], [sflag:$0x1] =	stream.indirect.gather [hbm4b:s1+s26], $0x80, s12, s26, $0xb8;
	[tilespmem:$0x1E978] =	vst v63  }
0x122: {  	_ =	swait.ge [sflag:s28], $0x4000  }
0x123: {  	[sflag:s28] =	ssyncset.done $0x0  }
0x124: {  	s12 =	sadd.s32 $0x2800, s11;
	[sflag:s28] =	ssyncadd.s32 $0xFFFFC000  }
0x125: {  	[spmem:s2] =	stream.indirect.scatter.add.f32 [tilespmem:s20], [sflag:$0x3], $0x80, s12, s26, $0xb8;
	[tilespmem:$0x1E978] =	vst v63  }
0x126: {  	_ = 	snop  }
0x127: {  	[spmem:s3] =	stream.indirect.scatter.add.f32 [tilespmem:s29], [sflag:$0x5], $0x1, s12, s26, $0xb8;
	[tilespmem:$0x1E978] =	vst v63  }
0x128: {  	_ =	swait.ge [sflag:s5], $0x4000  }
.Ltmp8:
0x129: {  	[sflag:s5] =	ssyncset.done $0x0;
	(pc) =	sbr.rel @p2 .LBB2_18-.Ltmp8, $4  }
0x12a: {  	[sflag:s5] =	ssyncadd.s32 $0xFFFFC000  }
0x12b: {  	_ =	swait.ge [sflag:s7], $0x80  }
0x12c: {  	[sflag:s7] =	ssyncset.done $0x0  }
0x12d: {  	s11 =	sadd.s32 $0x1480, s11;
	[sflag:s7] =	ssyncadd.s32 $0xFFFFFF80  }
0x12e: {  	[tilespmem:s30], [sflag:$0x2] =	stream.indirect.gather [hbm4b:s1+s26], $0x80, s11, s26, $0xb8;
	[tilespmem:$0x1E978] =	vst v63  }
0x12f: {  	_ =	swait.ge [sflag:s31], $0x4000  }
0x130: {  	[sflag:s31] =	ssyncset.done $0x0  }
0x131: {  	[sflag:s31] =	ssyncadd.s32 $0xFFFFC000  }
0x132: {  	[spmem:s2] =	stream.indirect.scatter.add.f32 [tilespmem:s30], [sflag:$0x4], $0x80, s8, s26, $0xb8;
	[tilespmem:$0x1E978] =	vst v63  }
0x133: {  	_ = 	snop  }
0x134: {  	[spmem:s3] =	stream.indirect.scatter.add.f32 [tilespmem:s29], [sflag:$0x6], $0x1, s8, s26, $0xb8;
	[tilespmem:$0x1E978] =	vst v63  }
0x135: {  	_ =	swait.ge [sflag:s0], $0x4000  }
0x136: {  	[sflag:s0] =	ssyncset.done $0x0  }
0x137: {  	[sflag:s0] =	ssyncadd.s32 $0xFFFFC000  }
0x138: {  	_ =	swait.ge [sflag:s22], $0x80  }
0x139: {  	[sflag:s22] =	ssyncset.done $0x0  }
0x13a: {  	[sflag:s22] =	ssyncadd.s32 $0xFFFFFF80  }
0x13b: {  	_ =	swait.ge [sflag:s5], $0x4000  }
0x13c: {  	[sflag:s5] =	ssyncset.done $0x0  }
0x13d: {  	[sflag:s5] =	ssyncadd.s32 $0xFFFFC000  }
0x13e: {  	_ =	swait.ge [sflag:s7], $0x80  }
0x13f: {  	[sflag:s7] =	ssyncset.done $0x0  }
0x140: {  	s10 =	rddreg [dreg:$0x9];
	[sflag:s7] =	ssyncadd.s32 $0xFFFFFF80  }
0x141: {  	[tilespmem:s4], [sflag:$0x7] =	stream.linear.gather [hbm4b:s10+s4], $0x1400, $0x38;
	[tilespmem:$0x1E978] =	vst v63  }
0x142: {  	_ =	swait.ge [sflag:s21], $0x1400  }
0x143: {  	[sflag:s21] =	ssyncset.done $0x0  }
0x144: {  	s12 =	rddreg [dreg:$0xa];
	[sflag:s21] =	ssyncadd.s32 $0xFFFFEC00  }
0x145: {  	[tilespmem:s23], [sflag:$0x7] =	stream.linear.gather [hbm4b:s12+s4], $0x1400, $0x38;
	[tilespmem:$0x1E978] =	vst v63  }
0x146: {  	_ =	swait.ge [sflag:s21], $0x1400  }
0x147: {  	[sflag:s21] =	ssyncset.done $0x0  }
0x148: {  	[sflag:s21] =	ssyncadd.s32 $0xFFFFEC00  }
0x149: {  	[tilespmem:s20], [sflag:$0x1] =	stream.indirect.gather [hbm4b:s1+s26], $0x80, s4, s26, $0xb8;
	[tilespmem:$0x1E978] =	vst v63  }
0x14a: {  	_ =	swait.ge [sflag:s28], $0x4000  }
0x14b: {  	[sflag:s28] =	ssyncset.done $0x0  }
0x14c: {  	[sflag:s28] =	ssyncadd.s32 $0xFFFFC000  }
0x14d: {  	[spmem:s2] =	stream.indirect.scatter.add.f32 [tilespmem:s20], [sflag:$0x3], $0x80, s23, s26, $0xb8;
	[tilespmem:$0x1E978] =	vst v63  }
0x14e: {  	_ = 	snop  }
0x14f: {  	[spmem:s3] =	stream.indirect.scatter.add.f32 [tilespmem:s29], [sflag:$0x5], $0x1, s23, s26, $0xb8;
	[tilespmem:$0x1E978] =	vst v63  }
0x150: {  	_ = 	snop  }
0x151: {  	[tilespmem:s30], [sflag:$0x2] =	stream.indirect.gather [hbm4b:s1+s26], $0x80, s26, s26, $0xb8;
	[tilespmem:$0x1E978] =	vst v63  }
0x152: {  	_ =	swait.ge [sflag:s31], $0x4000  }
0x153: {  	[sflag:s31] =	ssyncset.done $0x0  }
0x154: {  	s13 =	simm.s32 $0x1480;
	[sflag:s31] =	ssyncadd.s32 $0xFFFFC000  }
0x155: {  	[spmem:s2] =	stream.indirect.scatter.add.f32 [tilespmem:s30], [sflag:$0x4], $0x80, s13, s26, $0xb8;
	[tilespmem:$0x1E978] =	vst v63  }
0x156: {  	_ = 	snop  }
0x157: {  	[spmem:s3] =	stream.indirect.scatter.add.f32 [tilespmem:s29], [sflag:$0x6], $0x1, s13, s26, $0xb8;
	[tilespmem:$0x1E978] =	vst v63  }
0x158: {  	_ =	swait.ge [sflag:s0], $0x4000  }
0x159: {  	[sflag:s0] =	ssyncset.done $0x0  }
0x15a: {  	[sflag:s0] =	ssyncadd.s32 $0xFFFFC000  }
0x15b: {  	_ =	swait.ge [sflag:s22], $0x80  }
0x15c: {  	[sflag:s22] =	ssyncset.done $0x0  }
0x15d: {  	s14 =	simm.s32 $0x100;
	[sflag:s22] =	ssyncadd.s32 $0xFFFFFF80  }
0x15e: {  	[tilespmem:s20], [sflag:$0x1] =	stream.indirect.gather [hbm4b:s1+s26], $0x80, s14, s26, $0xb8;
	[tilespmem:$0x1E978] =	vst v63  }
0x15f: {  	_ =	swait.ge [sflag:s28], $0x4000  }
0x160: {  	[sflag:s28] =	ssyncset.done $0x0  }
0x161: {  	s15 =	simm.s32 $0x1500;
	[sflag:s28] =	ssyncadd.s32 $0xFFFFC000  }
0x162: {  	[spmem:s2] =	stream.indirect.scatter.add.f32 [tilespmem:s20], [sflag:$0x3], $0x80, s15, s26, $0xb8;
	[tilespmem:$0x1E978] =	vst v63  }
0x163: {  	_ = 	snop  }
0x164: {  	[spmem:s3] =	stream.indirect.scatter.add.f32 [tilespmem:s29], [sflag:$0x5], $0x1, s15, s26, $0xb8;
	[tilespmem:$0x1E978] =	vst v63  }
0x165: {  	_ =	swait.ge [sflag:s5], $0x4000  }
0x166: {  	[sflag:s5] =	ssyncset.done $0x0  }
0x167: {  	[sflag:s5] =	ssyncadd.s32 $0xFFFFC000  }
0x168: {  	_ =	swait.ge [sflag:s7], $0x80  }
0x169: {  	[sflag:s7] =	ssyncset.done $0x0  }
0x16a: {  	s11 =	simm.s32 $0x180;
	s10 =	simm.s32 $0xFFFFB800;
	[sflag:s7] =	ssyncadd.s32 $0xFFFFFF80  }
.LBB2_20:
0x16b: {  	[tilespmem:s30], [sflag:$0x2] =	stream.indirect.gather [hbm4b:s1+s26], $0x80, s11, s26, $0xb8;
	[tilespmem:$0x1E978] =	vst v63  }
0x16c: {  	s11 =	smov.u32 s10  }
0x16d: {  	p2 =	sne.s32 s10, $0xFFFFFC00;
	s10 =	sadd.s32 $0x400, s10;
	_ =	swait.ge [sflag:s31], $0x4000  }
0x16e: {  	s11 =	sshra.s32 s11, $0x2;
	[sflag:s31] =	ssyncset.done $0x0  }
0x16f: {  	s12 =	sadd.s32 $0x2780, s11;
	[sflag:s31] =	ssyncadd.s32 $0xFFFFC000  }
0x170: {  	[spmem:s2] =	stream.indirect.scatter.add.f32 [tilespmem:s30], [sflag:$0x4], $0x80, s12, s26, $0xb8;
	[tilespmem:$0x1E978] =	vst v63  }
0x171: {  	_ = 	snop  }
0x172: {  	[spmem:s3] =	stream.indirect.scatter.add.f32 [tilespmem:s29], [sflag:$0x6], $0x1, s12, s26, $0xb8;
	[tilespmem:$0x1E978] =	vst v63  }
0x173: {  	_ =	swait.ge [sflag:s0], $0x4000  }
0x174: {  	[sflag:s0] =	ssyncset.done $0x0  }
0x175: {  	[sflag:s0] =	ssyncadd.s32 $0xFFFFC000  }
0x176: {  	_ =	swait.ge [sflag:s22], $0x80  }
0x177: {  	[sflag:s22] =	ssyncset.done $0x0  }
0x178: {  	s12 =	sadd.s32 $0x1400, s11;
	[sflag:s22] =	ssyncadd.s32 $0xFFFFFF80  }
0x179: {  	[tilespmem:s20], [sflag:$0x1] =	stream.indirect.gather [hbm4b:s1+s26], $0x80, s12, s26, $0xb8;
	[tilespmem:$0x1E978] =	vst v63  }
0x17a: {  	_ =	swait.ge [sflag:s28], $0x4000  }
0x17b: {  	[sflag:s28] =	ssyncset.done $0x0  }
0x17c: {  	s12 =	sadd.s32 $0x2800, s11;
	[sflag:s28] =	ssyncadd.s32 $0xFFFFC000  }
0x17d: {  	[spmem:s2] =	stream.indirect.scatter.add.f32 [tilespmem:s20], [sflag:$0x3], $0x80, s12, s26, $0xb8;
	[tilespmem:$0x1E978] =	vst v63  }
0x17e: {  	_ = 	snop  }
0x17f: {  	[spmem:s3] =	stream.indirect.scatter.add.f32 [tilespmem:s29], [sflag:$0x5], $0x1, s12, s26, $0xb8;
	[tilespmem:$0x1E978] =	vst v63  }
0x180: {  	_ =	swait.ge [sflag:s5], $0x4000  }
.Ltmp9:
0x181: {  	[sflag:s5] =	ssyncset.done $0x0;
	(pc) =	sbr.rel @p2 .LBB2_20-.Ltmp9, $4  }
0x182: {  	[sflag:s5] =	ssyncadd.s32 $0xFFFFC000  }
0x183: {  	_ =	swait.ge [sflag:s7], $0x80  }
0x184: {  	[sflag:s7] =	ssyncset.done $0x0  }
0x185: {  	s11 =	sadd.s32 $0x1480, s11;
	[sflag:s7] =	ssyncadd.s32 $0xFFFFFF80  }
0x186: {  	[tilespmem:s30], [sflag:$0x2] =	stream.indirect.gather [hbm4b:s1+s26], $0x80, s11, s26, $0xb8;
	[tilespmem:$0x1E978] =	vst v63  }
0x187: {  	_ =	swait.ge [sflag:s31], $0x4000  }
0x188: {  	[sflag:s31] =	ssyncset.done $0x0  }
0x189: {  	[sflag:s31] =	ssyncadd.s32 $0xFFFFC000  }
0x18a: {  	[spmem:s2] =	stream.indirect.scatter.add.f32 [tilespmem:s30], [sflag:$0x4], $0x80, s8, s26, $0xb8;
	[tilespmem:$0x1E978] =	vst v63  }
0x18b: {  	_ = 	snop  }
0x18c: {  	[spmem:s3] =	stream.indirect.scatter.add.f32 [tilespmem:s29], [sflag:$0x6], $0x1, s8, s26, $0xb8;
	[tilespmem:$0x1E978] =	vst v63  }
0x18d: {  	_ =	swait.ge [sflag:s0], $0x4000  }
0x18e: {  	[sflag:s0] =	ssyncset.done $0x0  }
0x18f: {  	[sflag:s0] =	ssyncadd.s32 $0xFFFFC000  }
0x190: {  	_ =	swait.ge [sflag:s22], $0x80  }
0x191: {  	[sflag:s22] =	ssyncset.done $0x0  }
0x192: {  	[sflag:s22] =	ssyncadd.s32 $0xFFFFFF80  }
0x193: {  	_ =	swait.ge [sflag:s5], $0x4000  }
0x194: {  	[sflag:s5] =	ssyncset.done $0x0  }
0x195: {  	[sflag:s5] =	ssyncadd.s32 $0xFFFFC000  }
0x196: {  	_ =	swait.ge [sflag:s7], $0x80  }
0x197: {  	[sflag:s7] =	ssyncset.done $0x0  }
0x198: {  	s10 =	stileid.u32;
	[sflag:s7] =	ssyncadd.s32 $0xFFFFFF80  }
0x199: {  	s10 =	sshll.u32 s10, $0x6;
	[bflag:$0x0] =	sbarrier.arrive $0xFFFF  }
0x19a: {  	s10 =	sor.u32 $0x1C07, s10;
	s15 =	rddreg [dreg:$0xb]  }
0x19b: {  	[hbm:s15], [sflag:s10] =	dma.local [spmem:s24], $0x2700  }
0x19c: {  	s11 =	sshrl.u32 @p0 s3, $0x3;
	_ =	swait.ge [sflag:s21], $0x2700  }
0x19d: {  	s12 =	simm.s32 @p0 $0x1;
	s13 =	simm.s32 @p0 $0x20;
	[sflag:s21] =	ssyncset.done $0x0  }
0x19e: {  	s14 =	simm.s32 @p0 $0x10;
	s15 =	rddreg [dreg:$0xc];
	[sflag:s21] =	ssyncadd.s32 $0xFFFFD900  }
0x19f: {  	[hbm:s15@s13], [sflag:s10] =	dma.strided @p0 [spmem:s11@s14], $0x4F0, s12, $0x10   }
0x1a0: {  	s11 =	simm.s32 @p0 $0x7  }
0x1a1: {  	_ =	swait.ge @p0 [sflag:s11], $0x4F0  }
0x1a2: {  	s9 =	sadd.s32 $0x1, s9;
	[sflag:s11] =	ssyncset.done @p0 $0x0  }
0x1a3: {  	p2 =	sne.s32 s9, s16;
	[sflag:s11] =	ssyncadd.s32 @p0 $0xFFFFFB10;
	s11 =	rddreg [dreg:$0xd]  }
0x1a4: {  	[hbm:s11], [sflag:s10] =	dma.local @!p1 [spmem:s25], $0x100  }
.Ltmp10:
0x1a5: {  	_ = 	snop;
	(pc) =	sbr.rel @p2 .LBB2_1-.Ltmp10, $4  }
0x1a6: {  	s10 =	simm.s32 @!p1 $0x7  }
0x1a7: {  	_ =	swait.ge @!p1 [sflag:s10], $0x100  }
0x1a8: {  	[sflag:s10] =	ssyncset.done @!p1 $0x0  }
0x1a9: {  	[sflag:s10] =	ssyncadd.s32 @!p1 $0xFFFFFF00  }
0x1aa: {  	_ =	sfence.sel $0x180000  }
0x1ab: {  	[bflag:$0x0] =	sbarrier.arrive $0xFFFF  }
0x1ac: {  	_ =	strace $0x90000047  }
0x1ad: {  	s0 =	stileid.u32;
	[bflag:$0x2] =	sbarrier.arrive $0xFFFF  }
0x1ae: {  	p0 =	sne.s32 s0, $0x0;
	s0 =	rddreg [dreg:$0x4]  }
0x1af: {  	s0 =	sadd.s32 @!p0 $0x100000, s0  }
0x1b0: {  	[sflag:s0] =	ssyncadd.tile.s32 @!p0 $0x1;
	_ =	shalt  }
.Lfunc_end2:
_tile_overlayer_lowered:
.L_overlay_start_2:
0x1b1: {  	(tag) =	ssettag $0x2  }
0x1b2: {  	s0 =	rddreg [dreg:$0x0];
	s2 =	stileid.u32  }
0x1b3: {  	s1 =	rddreg [dreg:$0x1];
	p0 =	sne.s32 s2, $0x0  }
0x1b4: {  	s3 =	rddreg [dreg:$0x2];
	[bflag:$0x3] =	sbarrier.arrive $0xFFFF;
	s2 =	simm.s32 @!p0 $0x1C07  }
0x1b5: {  	[timem:s3], [sflag:s2] =	dma.local @!p0 [hbm:s0], s1  }
0x1b6: {  	s0 =	simm.s32 @!p0 $0x7  }
0x1b7: {  	_ =	swait.ge @!p0 [sflag:s0], s1  }
0x1b8: {  	s1 =	ssub.s32 @!p0 $0x0, s1;
	[sflag:s0] =	ssyncset.done @!p0 $0x0  }
0x1b9: {  	[sflag:s0] =	ssyncadd.s32 @!p0 s1  }
0x1ba: {  	[bflag:$0x3] =	sbarrier.arrive $0xFFFF  }
0x1bb: {  	_ =	shalt  }

// kernel: kernel.9.cloned.1.call-start
scs
__scs_entry_jumppad:
0x0: {  	(pc) =	sbr.rel $0x88, $3  }
0x1: {  	(tag) =	ssettag $0x0;
	lr =	simm.s32 $0x1  }
0x2: {  	[smem:$0x3F97] =	sst lr;
	_ =	strace $0xD0000000  }
0x3: {  	_ = 	snop  }
0x4: {  	_ = 	snop  }
0x5: {  	_ = 	snop  }
0x6: {  	_ = 	snop  }
0x7: {  	_ = 	snop  }
__scs_overlays_trampoline_lowered:
0x8: {  	[smem:$0x3FA6] =	sst s0  }
0x9: {  	[smem:$0x3FA7] =	sst s1  }
0xa: {  	[smem:$0x3FA8] =	sst s2  }
0xb: {  	[smem:$0x3FA9] =	sst s3  }
0xc: {  	[smem:$0x3FAA] =	sst s4  }
0xd: {  	[smem:$0x3FAB] =	sst s5  }
0xe: {  	[smem:$0x3FAC] =	sst s6  }
0xf: {  	[smem:$0x3FAD] =	sst s7  }
0x10: {  	[smem:$0x3FAE] =	sst s8  }
0x11: {  	[smem:$0x3FAF] =	sst s9;
	s0 =	simm.s32 @!p0 $0x0  }
0x12: {  	s1 =	sld [smem:$0x3F95];
	s0 =	simm.s32 @p0 $0x1  }
0x13: {  	[smem:$0x3FB0] =	sst s0;
	s0 =	simm.s32 @!p1 $0x0  }
0x14: {  	s2 =	sld [smem:$0x3F94];
	s0 =	simm.s32 @p1 $0x1  }
0x15: {  	[smem:$0x3FB1] =	sst s0;
	s0 =	simm.s32 @!p2 $0x0  }
0x16: {  	s3 =	sld [smem:$0x3FDB];
	s0 =	simm.s32 @p2 $0x1  }
0x17: {  	s4 =	simm.s32 $0x1BF5;
	[smem:$0x3FB3] =	sst s0  }
0x18: {  	s0 =	sld [smem:$0x3F96];
	_ =	swait.ge [sflag:s4], $0x0  }
0x19: {  	s7 =	sld [smem:$0x3F97]  }
0x1a: {  	s8 =	sadd.s32 $0xFFFFE003, lr  }
0x1b: {  	s9 =	sadd.s32 $0xFFFFFEF7, lr;
	s5 =	simm.s32 $0xFFFFFFFF;
	p2 =	slt.u32 s8, $0xFFFFF086  }
0x1c: {  	p1 =	slt.u32 s9, $0xF7A;
	s5 =	simm.s32 @!p2 $0x0  }
0x1d: {  	s5 =	simm.s32 @p1 $0x1;
	p0 =	seq.s32 s7, s2  }
0x1e: {  	s7 =	smul.u32 @!p0 $0xF7A, s2;
	p2 =	seq.s32 @!p0 s5, $0x0  }
0x1f: {  	s9 =	smul.u32 $0xF7A, s1;
	s8 =	simm.s32 @!p0 $0x1BF5;
	p2 =	por !p2, p0  }
0x20: {  	[sflag:s8] =	ssyncset.s32 @!p0 $0xFFFFF086;
	s6 =	sadd.s32 @!p0 s3, s7;
	s7 =	simm.s32 @!p0 $0x108  }
0x21: {  	s3 =	sadd.s32 s3, s9;
	s6 =	sadd.s32 @!p0 $0x88, s6;
	s7 =	simm.s32 @p2 $0x1082  }
0x22: {  	[simem:s7], [sflag:s8] =	dma.local @!p0 [hbm:s6], $0xF7A  }
0x23: {  	s9 =	sor.u32 $0xD0000000, s2;
	s6 =	simm.s32 $0x108;
	_ =	swait.ge @!p0 [sflag:s8], $0x0  }
0x24: {  	s3 =	sadd.s32 $0x88, s3;
	s6 =	simm.s32 @!p1 $0x1082;
	[sflag:s4] =	ssyncset.s32 $0xFFFFF086  }
0x25: {  	[simem:s6], [sflag:s4] =	dma.local [hbm:s3], $0xF7A  }
0x26: {  	[smem:$0x3F97] =	sst s1;
	(tag) =	ssettag s2;
	_ =	strace s9  }
0x27: {  	s1 =	sld [smem:$0x3FA7]  }
0x28: {  	s2 =	sld [smem:$0x3FA8]  }
0x29: {  	s4 =	sld [smem:$0x3FAA]  }
0x2a: {  	p0 =	seq.s32 s5, $0x0;
	s5 =	sld [smem:$0x3FAB]  }
0x2b: {  	s6 =	sld [smem:$0x3FAC]  }
0x2c: {  	s7 =	sld [smem:$0x3FAD]  }
0x2d: {  	s3 =	simm.s32 $0x108;
	s8 =	sld [smem:$0x3FAE]  }
0x2e: {  	s3 =	simm.s32 @!p0 $0x1082;
	s9 =	sld [smem:$0x3FAF]  }
0x2f: {  	lr =	sadd.s32 s0, s3;
	s0 =	sld [smem:$0x3FA6]  }
0x30: {  	s3 =	sld [smem:$0x3FA9]  }
0x31: {  	[smem:$0x3FB2] =	sst s10  }
0x32: {  	s10 =	sld [smem:$0x3FB0];
	_ =	sdelay $0x3  }
0x33: {  	p0 =	seq.s32 s10, $0x1;
	s10 =	sld [smem:$0x3FB2];
	_ =	sdelay $0x3  }
0x34: {  	[smem:$0x3FB2] =	sst s10  }
0x35: {  	s10 =	sld [smem:$0x3FB1];
	_ =	sdelay $0x3  }
0x36: {  	p1 =	seq.s32 s10, $0x1;
	s10 =	sld [smem:$0x3FB2];
	_ =	sdelay $0x3  }
0x37: {  	[smem:$0x3FB2] =	sst s10  }
0x38: {  	s10 =	sld [smem:$0x3FB3]  }
0x39: {  	_ = 	snop;
	(pc) =	sbr.ind lr, $3  }
0x3a: {  	_ = 	snop  }
0x3b: {  	_ = 	snop  }
0x3c: {  	p2 =	seq.s32 s10, $0x1;
	s10 =	sld [smem:$0x3FB2]  }
0x3d: {  	_ =	shalt  }
0x3e: {  	_ =	shalt  }
0x3f: {  	_ =	shalt  }
0x40: {  	_ =	shalt  }
0x41: {  	_ =	shalt  }
0x42: {  	_ =	shalt  }
0x43: {  	_ =	shalt  }
0x44: {  	_ =	shalt  }
0x45: {  	_ =	shalt  }
0x46: {  	_ =	shalt  }
0x47: {  	_ =	shalt  }
0x48: {  	_ =	shalt  }
0x49: {  	_ =	shalt  }
0x4a: {  	_ =	shalt  }
0x4b: {  	_ =	shalt  }
0x4c: {  	_ =	shalt  }
0x4d: {  	_ =	shalt  }
0x4e: {  	_ =	shalt  }
0x4f: {  	_ =	shalt  }
0x50: {  	_ =	shalt  }
0x51: {  	_ =	shalt  }
0x52: {  	_ =	shalt  }
0x53: {  	_ =	shalt  }
0x54: {  	_ =	shalt  }
0x55: {  	_ =	shalt  }
0x56: {  	_ =	shalt  }
0x57: {  	_ =	shalt  }
0x58: {  	_ =	shalt  }
0x59: {  	_ =	shalt  }
0x5a: {  	_ =	shalt  }
0x5b: {  	_ =	shalt  }
0x5c: {  	_ =	shalt  }
0x5d: {  	_ =	shalt  }
0x5e: {  	_ =	shalt  }
0x5f: {  	_ =	shalt  }
0x60: {  	_ =	shalt  }
0x61: {  	_ =	shalt  }
0x62: {  	_ =	shalt  }
0x63: {  	_ =	shalt  }
0x64: {  	_ =	shalt  }
0x65: {  	_ =	shalt  }
0x66: {  	_ =	shalt  }
0x67: {  	_ =	shalt  }
0x68: {  	_ =	shalt  }
0x69: {  	_ =	shalt  }
0x6a: {  	_ =	shalt  }
0x6b: {  	_ =	shalt  }
0x6c: {  	_ =	shalt  }
0x6d: {  	_ =	shalt  }
0x6e: {  	_ =	shalt  }
0x6f: {  	_ =	shalt  }
0x70: {  	_ =	shalt  }
0x71: {  	_ =	shalt  }
0x72: {  	_ =	shalt  }
0x73: {  	_ =	shalt  }
0x74: {  	_ =	shalt  }
0x75: {  	_ =	shalt  }
0x76: {  	_ =	shalt  }
0x77: {  	_ =	shalt  }
0x78: {  	_ =	shalt  }
0x79: {  	_ =	shalt  }
0x7a: {  	_ =	shalt  }
0x7b: {  	_ =	shalt  }
0x7c: {  	_ =	shalt  }
0x7d: {  	_ =	shalt  }
0x7e: {  	_ =	shalt  }
0x7f: {  	_ =	shalt  }
0x80: {  	_ =	shalt  }
0x81: {  	_ =	shalt  }
0x82: {  	_ =	shalt  }
0x83: {  	_ =	shalt  }
0x84: {  	_ =	shalt  }
0x85: {  	_ =	shalt  }
0x86: {  	_ =	shalt  }
0x87: {  	_ =	shalt  }
.Lfunc_end0:
.L_simem_size_0:
called_computation.1_lowered:
.L_overlay_start_0:
0x88: {  	s2 =	sld [smem:$0x3FD9]  }
0x89: {  	s3 =	sld [smem:$0x3FFE];
	_ =	sdelay $0x1  }
0x8a: {  	s1 =	srdreg.scid  }
0x8b: {  	s0 =	sand.u32 $0x1, s1  }
0x8c: {  	s16 =	sshll.u32 s0, $0xA;
	s2 =	sadd.s32 s3, s2  }
0x8d: {  	s2 =	sadd.s32 s2, s16  }
0x8e: {  	[smem:$0x3FBE] =	sst s2  }
0x8f: {  	_ = 	snop  }
0x90: {  	(tm) =	ssettm $0x1  }
0x91: {  	s17 =	sld [smem:$0x3FFB];
	_ =	sdelay $0x3  }
0x92: {  	_ =	strace s17  }
0x93: {  	s2 =	sld [smem:$0x3FFC];
	_ =	sdelay $0x3  }
0x94: {  	_ =	strace s2  }
0x95: {  	s2 =	sld [smem:$0x3FFD];
	_ =	sdelay $0x3  }
0x96: {  	_ =	strace s2  }
0x97: {  	_ =	strace $0x8FFFFFFF  }
0x98: {  	s18 =	sld [smem:$0x3FDB];
	_ =	sdelay $0x1  }
0x99: {  	s19 =	simm.s32 $_scs_section_size  }
0x9a: {  	s4 =	simm.s32 $_size__tile_overlayer_lowered;
	s5 =	simm.s32 $_tile_overlayer_lowered  }
0x9b: {  	s22 =	simm.s32 $0x1BFF;
	s21 =	sshll.u32 s5, $0x1;
	s2 =	sadd.s32 s19, s18  }
0x9c: {  	s6 =	simm.s32 $0x0;
	s20 =	sshll.u32 s4, $0x1;
	s4 =	sadd.s32 s21, s2  }
0x9d: {  	[timem:s6], [sflag:s22] =	dma.local [hbm:s4], s20  }
0x9e: {  	_ =	swait.ge [sflag:s22], s20  }
0x9f: {  	s3 =	ssub.s32 $0x0, s20;
	[sflag:s22] =	ssyncset.done $0x0  }
0xa0: {  	[sflag:s22] =	ssyncadd.s32 s3;
	_ =	sdelay $0x1  }
0xa1: {  	s23 =	simm.s32 $0x1B8B  }
0xa2: {  	_ =	swait.ge [sflag:s23], $0x1  }
0xa3: {  	[sflag:s23] =	ssyncset.done $0x0  }
0xa4: {  	s25 =	simm.s32 $0x1B8E;
	s24 =	sld [smem:$0x3FFE];
	[sflag:s23] =	ssyncadd.s32 $0xFFFFFFFF  }
0xa5: {  	s26 =	simm.s32 $execute0_lowered;
	[smem:$0x3FD2] =	sst s25  }
0xa6: {  	s4 =	sshll.u32 s26, $0x1;
	_ =	strace $0x80000049;
	[dreg:$0x1] =	wrdreg $0xFFFFFFFF  }
0xa7: {  	s28 =	simm.s32 $_size_execute0_lowered;
	s2 =	sadd.s32 s2, s4;
	[dreg:$0x0] =	wrdreg $0x0  }
0xa8: {  	s4 =	sshll.u32 s28, $0x1;
	[dreg:$0x2] =	wrdreg s2  }
0xa9: {  	[dreg:$0x3] =	wrdreg s4  }
0xaa: {  	[dreg:$0x4] =	wrdreg $0xC0  }
0xab: {  	_ =	task [dreg:s6], $0x5FFFF  }
0xac: {  	[dreg:$0x1] =	wrdreg $0xFFFFFFFF  }
0xad: {  	[dreg:$0x0] =	wrdreg $0x60  }
0xae: {  	[dreg:$0x2] =	wrdreg s24  }
0xaf: {  	[dreg:$0x3] =	wrdreg $0xAB000  }
0xb0: {  	[dreg:$0x4] =	wrdreg $0x1E7000  }
0xb1: {  	[dreg:$0x5] =	wrdreg $0x9  }
0xb2: {  	_ =	task.clear_ibuf [dreg:s6], $0x6FFFF;
	_ =	strace $0x90000049  }
0xb3: {  	s29 =	simm.s32 $0x9;
	_ =	strace $0x8000004B  }
0xb4: {  	_ =	swait.ge [sflag:s29], $0x1  }
0xb5: {  	[sflag:s29] =	ssyncadd.s32 $0xFFFFFFFF  }
0xb6: {  	_ =	strace $0x9000004B  }
0xb7: {  	_ =	sfence  }
0xb8: {  	s30 =	sld [smem:$0x0];
	_ =	sdelay $0x2  }
0xb9: {  	s31 =	sshll.u32 s1, $0xD;
	s1 =	sshrl.u32 s1, $0x2  }
0xba: {  	s3 =	sand.u32 $0x4000, s31;
	s1 =	sadd.s32 s1, s30  }
0xbb: {  	s0 =	sor.u32 s3, s0;
	s1 =	sshll.u32 s1, $0x11  }
0xbc: {  	s0 =	sor.u32 s1, s0  }
0xbd: {  	s0 =	sadd.s32 $0x8F2B, s0  }
0xbe: {  	[sflag:s0] =	ssyncadd.remote.s32 $0x1  }
0xbf: {  	_ =	sfence.sel $0xFFFF  }
0xc0: {  	[dreg:$0x0] =	wrdreg $0xFFFFFFFF;
	(pc) =	sbr.abs _section_cstart, $3  }
0xc1: {  	[dreg:$0x1] =	wrdreg $0xFFFFFFFF  }
0xc2: {  	_ =	task.clear_ibuf [dreg:s6], $0x2FFFF;
	_ =	strace $0x9FFFFFFF  }
0xc3: {  	(tm) =	ssettm $0x7FFFFFFF  }
tec
execute0_lowered:
.L_overlay_start_1:
0x0: {  	(tag) =	ssettag $0x1  }
0x1: {  	s0 =	rddreg [dreg:$0x0]  }
0x2: {  	s1 =	rddreg [dreg:$0x1]  }
0x3: {  	s4 =	rddreg [dreg:$0x2];
	s2 =	simm.s32 $0x0  }
0x4: {  	s5 =	srdreg.scid;
	s20 =	stileid.u32;
	s28 =	simm.s32 $0x2  }
0x5: {  	s29 =	simm.s32 $0x3;
	s30 =	simm.s32 $0x4;
	s31 =	simm.s32 $0x2780  }
0x6: {  	[smem:$0x7FF] =	sst s2;
	s3 =	sadd.s32 $0x15E00, s0;
	s9 =	smul.u32 $0x4F000, s20  }
0x7: {  	s6 =	sadd.s32 $0x1E00, s0;
	s11 =	sadd.s32 $0xBE00, s0;
	s12 =	smul.u32 $0x9E0, s20  }
0x8: {  	s0 =	sadd.s32 $0xB3A00, s0;
	s8 =	sand.u32 $0x1, s5;
	s23 =	smul.u32 $0x13800, s20  }
0x9: {  	p0 =	sne.s32 s20, $0xF;
	_ =	strace $0x8000004A;
	s7 =	sshll.u32 s8, $0x4  }
0xa: {  	s5 =	ssub.s32 $0x2, s8;
	s21 =	smul.u32 $0x138800, s8;
	s7 =	sor.u32 s20, s7  }
0xb: {  	s10 =	sshrl.u32 s5, $0x1;
	s15 =	sshrl.u32 s9, $0x2;
	s16 =	smul.u32 $0x500, s7  }
0xc: {  	s17 =	sshrl.u32 s12, $0x2;
	s14 =	ssub.s32 s5, s10;
	s18 =	smul.u32 $0x2800, s7  }
0xd: {  	s5 =	sadd.s32 s15, s1;
	s7 =	sadd.s32 s17, s4;
	s15 =	smul.u32 $0x4E000, s20  }
0xe: {  	s24 =	sadd.s32 s23, s21;
	s4 =	sshrl.u32 s21, $0x3;
	s21 =	simm.s32 $0x1400  }
0xf: {  	s23 =	simm.s32 $0x1;
	s19 =	sadd.s32 $0x10000, s5;
	s14 =	smax.u32 s14, $0x1  }
0x10: {  	s17 =	sadd.s32 $0xC000, s5;
	[dreg:$0x4] =	wrdreg s19;
	s8 =	sadd.s32 s6, s16  }
0x11: {  	s22 =	sshrl.u32 s18, $0x3;
	s9 =	sadd.s32 s11, s16;
	s25 =	sshrl.u32 s15, $0x2  }
0x12: {  	s15 =	sadd.s32 $0x4000, s5;
	s16 =	sadd.s32 $0x8000, s5;
	s18 =	simm.s32 $0x2800  }
0x13: {  	s19 =	simm.s32 $0x5;
	s13 =	sadd.s32 $0x280, s22;
	s26 =	sadd.s32 s25, s1  }
0x14: {  	s22 =	simm.s32 $0x80;
	s10 =	sadd.s32 s6, s13;
	s6 =	sshrl.u32 s24, $0x3  }
0x15: {  	s11 =	sadd.s32 s11, s13;
	s12 =	sadd.s32 s0, s6;
	s0 =	sadd.s32 s0, s4  }
0x16: {  	s24 =	sshrl.u32 s26, $0x3;
	s13 =	sadd.s32 $0x27000, s0;
	s0 =	sadd.s32 $0x138000, s1  }
0x17: {  	v0 =	vimm.f32 $0.0e+00;
	v1 =	vimm.f32 $1.000000000e+00;
	s26 =	simm.s32 $0x6800;
	s25 =	sshrl.u32 @!p0 s0, $0x3;
	s0 =	simm.s32 $0x0  }
.LBB2_1:
0x18: {  	s20 =	simm.s32 $0x2A00  }
0x19: {  	[tilespmem:s20+$0xFFFFFE00] =	vst v0  }
0x1a: {  	[tilespmem:s20+$0x180] =	vst v0  }
0x1b: {  	[tilespmem:s20+$0x100] =	vst v0  }
0x1c: {  	[tilespmem:s20+$0x80] =	vst v0  }
0x1d: {  	[tilespmem:s20+$0x0] =	vst v0  }
0x1e: {  	[tilespmem:s20+$0xFFFFFF80] =	vst v0  }
0x1f: {  	s6 =	simm.s32 $0x0;
	[tilespmem:s20+$0xFFFFFF00] =	vst v0  }
.LBB2_2:
0x20: {  	s6 =	sadd.s32 $0x8, s6;
	[tilespmem:s20+$0xFFFFFE80] =	vst v0;
	s20 =	sadd.s32 $0x400, s20;
	s4 =	simm.s32 $0x2A10  }
0x21: {  	[tilespmem:s20+$0xFFFFFE00] =	vst v0;
	p1 =	slt.u32 s6, $0x78  }
0x22: {  	[tilespmem:s20+$0x180] =	vst v0  }
.Ltmp0:
0x23: {  	[tilespmem:s20+$0x100] =	vst v0;
	(pc) =	sbr.rel @p1 .LBB2_2-.Ltmp0, $4  }
0x24: {  	[tilespmem:s20+$0x80] =	vst v0  }
0x25: {  	[tilespmem:s20+$0x0] =	vst v0  }
0x26: {  	[tilespmem:s20+$0xFFFFFF80] =	vst v0  }
0x27: {  	[tilespmem:s20+$0xFFFFFF00] =	vst v0  }
0x28: {  	[tilespmem:s20+$0xFFFFFE80] =	vst v0  }
0x29: {  	[tilespmem:s4+$0xFFFFFE00] =	vst v0  }
0x2a: {  	[tilespmem:s4+$0x180] =	vst v0  }
0x2b: {  	[tilespmem:s4+$0x100] =	vst v0  }
0x2c: {  	[tilespmem:s4+$0x80] =	vst v0  }
0x2d: {  	[tilespmem:s4+$0x0] =	vst v0  }
0x2e: {  	[tilespmem:s4+$0xFFFFFF80] =	vst v0  }
0x2f: {  	s6 =	simm.s32 $0x0;
	s20 =	simm.s32 $0x2A20;
	[tilespmem:s4+$0xFFFFFF00] =	vst v0  }
.LBB2_4:
0x30: {  	s6 =	sadd.s32 $0x8, s6;
	[tilespmem:s4+$0xFFFFFE80] =	vst v0;
	s4 =	sadd.s32 $0x400, s4  }
0x31: {  	[tilespmem:s4+$0xFFFFFE00] =	vst v0;
	p1 =	slt.u32 s6, $0x78  }
0x32: {  	[tilespmem:s4+$0x180] =	vst v0  }
.Ltmp1:
0x33: {  	[tilespmem:s4+$0x100] =	vst v0;
	(pc) =	sbr.rel @p1 .LBB2_4-.Ltmp1, $4  }
0x34: {  	[tilespmem:s4+$0x80] =	vst v0  }
0x35: {  	[tilespmem:s4+$0x0] =	vst v0  }
0x36: {  	[tilespmem:s4+$0xFFFFFF80] =	vst v0  }
0x37: {  	[tilespmem:s4+$0xFFFFFF00] =	vst v0  }
0x38: {  	[tilespmem:s4+$0xFFFFFE80] =	vst v0  }
0x39: {  	[tilespmem:s20+$0xFFFFFE00] =	vst v0  }
0x3a: {  	[tilespmem:s20+$0x180] =	vst v0  }
0x3b: {  	[tilespmem:s20+$0x100] =	vst v0  }
0x3c: {  	[tilespmem:s20+$0x80] =	vst v0  }
0x3d: {  	[tilespmem:s20+$0x0] =	vst v0  }
0x3e: {  	[tilespmem:s20+$0xFFFFFF80] =	vst v0  }
0x3f: {  	s6 =	simm.s32 $0x0;
	[tilespmem:s20+$0xFFFFFF00] =	vst v0  }
.LBB2_6:
0x40: {  	s6 =	sadd.s32 $0x8, s6;
	[tilespmem:s20+$0xFFFFFE80] =	vst v0;
	s20 =	sadd.s32 $0x400, s20;
	s4 =	simm.s32 $0x2A30  }
0x41: {  	[tilespmem:s20+$0xFFFFFE00] =	vst v0;
	p1 =	slt.u32 s6, $0x78  }
0x42: {  	[tilespmem:s20+$0x180] =	vst v0  }
.Ltmp2:
0x43: {  	[tilespmem:s20+$0x100] =	vst v0;
	(pc) =	sbr.rel @p1 .LBB2_6-.Ltmp2, $4  }
0x44: {  	[tilespmem:s20+$0x80] =	vst v0  }
0x45: {  	[tilespmem:s20+$0x0] =	vst v0  }
0x46: {  	[tilespmem:s20+$0xFFFFFF80] =	vst v0  }
0x47: {  	[tilespmem:s20+$0xFFFFFF00] =	vst v0  }
0x48: {  	[tilespmem:s20+$0xFFFFFE80] =	vst v0  }
0x49: {  	[tilespmem:s4+$0xFFFFFE00] =	vst v0  }
0x4a: {  	[tilespmem:s4+$0x180] =	vst v0  }
0x4b: {  	[tilespmem:s4+$0x100] =	vst v0  }
0x4c: {  	[tilespmem:s4+$0x80] =	vst v0  }
0x4d: {  	[tilespmem:s4+$0x0] =	vst v0  }
0x4e: {  	[tilespmem:s4+$0xFFFFFF80] =	vst v0  }
0x4f: {  	s6 =	simm.s32 $0x0;
	s20 =	simm.s32 $0x2A40;
	[tilespmem:s4+$0xFFFFFF00] =	vst v0  }
.LBB2_8:
0x50: {  	s6 =	sadd.s32 $0x8, s6;
	[tilespmem:s4+$0xFFFFFE80] =	vst v0;
	s4 =	sadd.s32 $0x400, s4  }
0x51: {  	[tilespmem:s4+$0xFFFFFE00] =	vst v0;
	p1 =	slt.u32 s6, $0x78  }
0x52: {  	[tilespmem:s4+$0x180] =	vst v0  }
.Ltmp3:
0x53: {  	[tilespmem:s4+$0x100] =	vst v0;
	(pc) =	sbr.rel @p1 .LBB2_8-.Ltmp3, $4  }
0x54: {  	[tilespmem:s4+$0x80] =	vst v0  }
0x55: {  	[tilespmem:s4+$0x0] =	vst v0  }
0x56: {  	[tilespmem:s4+$0xFFFFFF80] =	vst v0  }
0x57: {  	[tilespmem:s4+$0xFFFFFF00] =	vst v0  }
0x58: {  	[tilespmem:s4+$0xFFFFFE80] =	vst v0  }
0x59: {  	[tilespmem:s20+$0xFFFFFE00] =	vst v0  }
0x5a: {  	[tilespmem:s20+$0x180] =	vst v0  }
0x5b: {  	[tilespmem:s20+$0x100] =	vst v0  }
0x5c: {  	[tilespmem:s20+$0x80] =	vst v0  }
0x5d: {  	[tilespmem:s20+$0x0] =	vst v0  }
0x5e: {  	[tilespmem:s20+$0xFFFFFF80] =	vst v0  }
0x5f: {  	s6 =	simm.s32 $0x0;
	[tilespmem:s20+$0xFFFFFF00] =	vst v0  }
.LBB2_10:
0x60: {  	s6 =	sadd.s32 $0x8, s6;
	[tilespmem:s20+$0xFFFFFE80] =	vst v0;
	s20 =	sadd.s32 $0x400, s20;
	s4 =	simm.s32 $0x2A50  }
0x61: {  	[tilespmem:s20+$0xFFFFFE00] =	vst v0;
	p1 =	slt.u32 s6, $0x78  }
0x62: {  	[tilespmem:s20+$0x180] =	vst v0  }
.Ltmp4:
0x63: {  	[tilespmem:s20+$0x100] =	vst v0;
	(pc) =	sbr.rel @p1 .LBB2_10-.Ltmp4, $4  }
0x64: {  	[tilespmem:s20+$0x80] =	vst v0  }
0x65: {  	[tilespmem:s20+$0x0] =	vst v0  }
0x66: {  	[tilespmem:s20+$0xFFFFFF80] =	vst v0  }
0x67: {  	[tilespmem:s20+$0xFFFFFF00] =	vst v0  }
0x68: {  	[tilespmem:s20+$0xFFFFFE80] =	vst v0  }
0x69: {  	[tilespmem:s4+$0xFFFFFE00] =	vst v0  }
0x6a: {  	[tilespmem:s4+$0x180] =	vst v0  }
0x6b: {  	[tilespmem:s4+$0x100] =	vst v0  }
0x6c: {  	[tilespmem:s4+$0x80] =	vst v0  }
0x6d: {  	[tilespmem:s4+$0x0] =	vst v0  }
0x6e: {  	[tilespmem:s4+$0xFFFFFF80] =	vst v0  }
0x6f: {  	s6 =	simm.s32 $0x0;
	s20 =	simm.s32 $0x2A60;
	[tilespmem:s4+$0xFFFFFF00] =	vst v0  }
.LBB2_12:
0x70: {  	s6 =	sadd.s32 $0x8, s6;
	[tilespmem:s4+$0xFFFFFE80] =	vst v0;
	s4 =	sadd.s32 $0x400, s4  }
0x71: {  	[tilespmem:s4+$0xFFFFFE00] =	vst v0;
	p1 =	slt.u32 s6, $0x78  }
0x72: {  	[tilespmem:s4+$0x180] =	vst v0  }
.Ltmp5:
0x73: {  	[tilespmem:s4+$0x100] =	vst v0;
	(pc) =	sbr.rel @p1 .LBB2_12-.Ltmp5, $4  }
0x74: {  	[tilespmem:s4+$0x80] =	vst v0  }
0x75: {  	[tilespmem:s4+$0x0] =	vst v0  }
0x76: {  	[tilespmem:s4+$0xFFFFFF80] =	vst v0  }
0x77: {  	[tilespmem:s4+$0xFFFFFF00] =	vst v0  }
0x78: {  	[tilespmem:s4+$0xFFFFFE80] =	vst v0  }
0x79: {  	[tilespmem:s20+$0xFFFFFE00] =	vst v0  }
0x7a: {  	[tilespmem:s20+$0x180] =	vst v0  }
0x7b: {  	[tilespmem:s20+$0x100] =	vst v0  }
0x7c: {  	[tilespmem:s20+$0x80] =	vst v0  }
0x7d: {  	[tilespmem:s20+$0x0] =	vst v0  }
0x7e: {  	[tilespmem:s20+$0xFFFFFF80] =	vst v0  }
0x7f: {  	s6 =	simm.s32 $0x0;
	[tilespmem:s20+$0xFFFFFF00] =	vst v0  }
.LBB2_14:
0x80: {  	s6 =	sadd.s32 $0x8, s6;
	[tilespmem:s20+$0xFFFFFE80] =	vst v0;
	s20 =	sadd.s32 $0x400, s20;
	s4 =	simm.s32 $0x2A70  }
0x81: {  	[tilespmem:s20+$0xFFFFFE00] =	vst v0;
	p1 =	slt.u32 s6, $0x78  }
0x82: {  	[tilespmem:s20+$0x180] =	vst v0  }
.Ltmp6:
0x83: {  	[tilespmem:s20+$0x100] =	vst v0;
	(pc) =	sbr.rel @p1 .LBB2_14-.Ltmp6, $4  }
0x84: {  	[tilespmem:s20+$0x80] =	vst v0  }
0x85: {  	[tilespmem:s20+$0x0] =	vst v0  }
0x86: {  	[tilespmem:s20+$0xFFFFFF80] =	vst v0  }
0x87: {  	[tilespmem:s20+$0xFFFFFF00] =	vst v0  }
0x88: {  	[tilespmem:s20+$0xFFFFFE80] =	vst v0  }
0x89: {  	[tilespmem:s4+$0xFFFFFE00] =	vst v0  }
0x8a: {  	[tilespmem:s4+$0x180] =	vst v0  }
0x8b: {  	[tilespmem:s4+$0x100] =	vst v0  }
0x8c: {  	[tilespmem:s4+$0x80] =	vst v0  }
0x8d: {  	[tilespmem:s4+$0x0] =	vst v0  }
0x8e: {  	[tilespmem:s4+$0xFFFFFF80] =	vst v0  }
0x8f: {  	s6 =	simm.s32 $0x0;
	[tilespmem:s4+$0xFFFFFF00] =	vst v0  }
.LBB2_16:
0x90: {  	s6 =	sadd.s32 $0x8, s6;
	[tilespmem:s4+$0xFFFFFE80] =	vst v0;
	s4 =	sadd.s32 $0x400, s4  }
0x91: {  	[tilespmem:s4+$0xFFFFFE00] =	vst v0;
	p1 =	slt.u32 s6, $0x78  }
0x92: {  	[tilespmem:s4+$0x180] =	vst v0  }
.Ltmp7:
0x93: {  	[tilespmem:s4+$0x100] =	vst v0;
	(pc) =	sbr.rel @p1 .LBB2_16-.Ltmp7, $4  }
0x94: {  	[tilespmem:s4+$0x80] =	vst v0  }
0x95: {  	[tilespmem:s4+$0x0] =	vst v0  }
0x96: {  	[tilespmem:s4+$0xFFFFFF80] =	vst v0  }
0x97: {  	[tilespmem:s4+$0xFFFFFF00] =	vst v0  }
0x98: {  	[tilespmem:s4+$0xFFFFFE80] =	vst v0  }
0x99: {  	[tilespmem:$0xA800] =	vst v1  }
0x9a: {  	[tilespmem:$0xA810] =	vst v1  }
0x9b: {  	[tilespmem:$0xA820] =	vst v1  }
0x9c: {  	[tilespmem:$0xA830] =	vst v1  }
0x9d: {  	[tilespmem:$0xA840] =	vst v1  }
0x9e: {  	[tilespmem:$0xA850] =	vst v1  }
0x9f: {  	[tilespmem:$0xA860] =	vst v1  }
0xa0: {  	[tilespmem:$0xA870] =	vst v1  }
0xa1: {  	[tilespmem:$0xA880] =	vst v0  }
0xa2: {  	[tilespmem:$0xA890] =	vst v0  }
0xa3: {  	[tilespmem:$0xA8A0] =	vst v0  }
0xa4: {  	[tilespmem:$0xA8B0] =	vst v0  }
0xa5: {  	[tilespmem:$0xA8C0] =	vst v0  }
0xa6: {  	[tilespmem:$0xA8D0] =	vst v0  }
0xa7: {  	[tilespmem:$0xA8E0] =	vst v0  }
0xa8: {  	[tilespmem:$0xA8F0] =	vst v0  }
0xa9: {  	[tilespmem:$0xA900] =	vst v0  }
0xaa: {  	[tilespmem:$0xA910] =	vst v0  }
0xab: {  	[tilespmem:$0xA920] =	vst v0  }
0xac: {  	[tilespmem:$0xA930] =	vst v0  }
0xad: {  	[tilespmem:$0xA940] =	vst v0  }
0xae: {  	[tilespmem:$0xA950] =	vst v0  }
0xaf: {  	[tilespmem:$0xA960] =	vst v0  }
0xb0: {  	[tilespmem:$0xA970] =	vst v0  }
0xb1: {  	[tilespmem:$0xA980] =	vst v0  }
0xb2: {  	[tilespmem:$0xA990] =	vst v0  }
0xb3: {  	[tilespmem:$0xA9A0] =	vst v0  }
0xb4: {  	[tilespmem:$0xA9B0] =	vst v0  }
0xb5: {  	[tilespmem:$0xA9C0] =	vst v0  }
0xb6: {  	[tilespmem:$0xA9D0] =	vst v0  }
0xb7: {  	[tilespmem:$0xA9E0] =	vst v0  }
0xb8: {  	[tilespmem:$0xA9F0] =	vst v0  }
0xb9: {  	[tilespmem:$0xAA00] =	vst v0  }
0xba: {  	[tilespmem:$0xAA10] =	vst v0  }
0xbb: {  	[tilespmem:$0xAA20] =	vst v0  }
0xbc: {  	[tilespmem:$0xAA30] =	vst v0  }
0xbd: {  	[tilespmem:$0xAA40] =	vst v0  }
0xbe: {  	[tilespmem:$0xAA50] =	vst v0  }
0xbf: {  	[tilespmem:$0xAA60] =	vst v0  }
0xc0: {  	[tilespmem:$0xAA70] =	vst v0  }
0xc1: {  	[tilespmem:$0xAA80] =	vst v0  }
0xc2: {  	[tilespmem:$0xAA90] =	vst v0  }
0xc3: {  	[tilespmem:$0xAAA0] =	vst v0  }
0xc4: {  	[tilespmem:$0xAAB0] =	vst v0  }
0xc5: {  	[tilespmem:$0xAAC0] =	vst v0  }
0xc6: {  	[tilespmem:$0xAAD0] =	vst v0  }
0xc7: {  	[tilespmem:$0xAAE0] =	vst v0  }
0xc8: {  	[tilespmem:$0xAAF0] =	vst v0  }
0xc9: {  	[spmem:s5] =	stream.linear.scatter [tilespmem:s18], [sflag:$0x5], $0x4000, $0x38;
	[tilespmem:$0x1E978] =	vst v63  }
0xca: {  	_ =	swait.ge [sflag:s19], $0x4000  }
0xcb: {  	[sflag:s19] =	ssyncset.done $0x0  }
0xcc: {  	[sflag:s19] =	ssyncadd.s32 $0xFFFFC000  }
0xcd: {  	[spmem:s15] =	stream.linear.scatter [tilespmem:s18], [sflag:$0x5], $0x4000, $0x38;
	[tilespmem:$0x1E978] =	vst v63  }
0xce: {  	_ =	swait.ge [sflag:s19], $0x4000  }
0xcf: {  	[sflag:s19] =	ssyncset.done $0x0  }
0xd0: {  	[sflag:s19] =	ssyncadd.s32 $0xFFFFC000  }
0xd1: {  	[spmem:s16] =	stream.linear.scatter [tilespmem:s18], [sflag:$0x5], $0x4000, $0x38;
	[tilespmem:$0x1E978] =	vst v63  }
0xd2: {  	_ =	swait.ge [sflag:s19], $0x4000  }
0xd3: {  	[sflag:s19] =	ssyncset.done $0x0  }
0xd4: {  	[sflag:s19] =	ssyncadd.s32 $0xFFFFC000  }
0xd5: {  	[spmem:s17] =	stream.linear.scatter [tilespmem:s18], [sflag:$0x5], $0x4000, $0x38;
	[tilespmem:$0x1E978] =	vst v63  }
0xd6: {  	_ =	swait.ge [sflag:s19], $0x4000  }
0xd7: {  	[sflag:s19] =	ssyncset.done $0x0  }
0xd8: {  	s20 =	rddreg [dreg:$0x4];
	[sflag:s19] =	ssyncadd.s32 $0xFFFFC000  }
0xd9: {  	[spmem:s20] =	stream.linear.scatter [tilespmem:s18], [sflag:$0x5], $0x3C00, $0x38;
	[tilespmem:$0x1E978] =	vst v63  }
0xda: {  	_ =	swait.ge [sflag:s19], $0x3C00  }
0xdb: {  	[sflag:s19] =	ssyncset.done $0x0  }
0xdc: {  	s6 =	simm.s32 $0xA880;
	[sflag:s19] =	ssyncadd.s32 $0xFFFFC400  }
0xdd: {  	[spmem:s7] =	stream.linear.scatter [tilespmem:s6], [sflag:$0x5], $0x278, $0x38;
	[tilespmem:$0x1E978] =	vst v63  }
0xde: {  	_ =	swait.ge [sflag:s19], $0x278  }
0xdf: {  	[sflag:s19] =	ssyncset.done $0x0  }
0xe0: {  	[sflag:s19] =	ssyncadd.s32 $0xFFFFFD88  }
0xe1: {  	[bflag:$0x0] =	sbarrier.arrive $0xFFFF  }
0xe2: {  	[tilespmem:s2], [sflag:$0x5] =	stream.linear.gather [hbm4b:s8+s2], $0x1400, $0x38;
	[tilespmem:$0x1E978] =	vst v63  }
0xe3: {  	_ =	swait.ge [sflag:s19], $0x1400  }
0xe4: {  	[sflag:s19] =	ssyncset.done $0x0  }
0xe5: {  	[sflag:s19] =	ssyncadd.s32 $0xFFFFEC00  }
0xe6: {  	[tilespmem:s21], [sflag:$0x5] =	stream.linear.gather [hbm4b:s9+s2], $0x1400, $0x38;
	[tilespmem:$0x1E978] =	vst v63  }
0xe7: {  	_ =	swait.ge [sflag:s19], $0x1400  }
0xe8: {  	[sflag:s19] =	ssyncset.done $0x0  }
0xe9: {  	[sflag:s19] =	ssyncadd.s32 $0xFFFFEC00  }
0xea: {  	[tilespmem:s18], [sflag:$0x1] =	stream.indirect.gather [hbm4b:s3+s22], $0x80, s2, s22, $0xb8;
	[tilespmem:$0x1E978] =	vst v63  }
0xeb: {  	_ =	swait.ge [sflag:s23], $0x4000  }
0xec: {  	[sflag:s23] =	ssyncset.done $0x0  }
0xed: {  	[sflag:s23] =	ssyncadd.s32 $0xFFFFC000  }
0xee: {  	[spmem:s1] =	stream.indirect.scatter.add.f32 [tilespmem:s18], [sflag:$0x3], $0x80, s21, s22, $0xb8;
	[tilespmem:$0x1E978] =	vst v63  }
0xef: {  	_ = 	snop  }
0xf0: {  	[tilespmem:s26], [sflag:$0x2] =	stream.indirect.gather [hbm4b:s3+s22], $0x80, s22, s22, $0xb8;
	[tilespmem:$0x1E978] =	vst v63  }
0xf1: {  	_ =	swait.ge [sflag:s28], $0x4000  }
0xf2: {  	[sflag:s28] =	ssyncset.done $0x0  }
0xf3: {  	s20 =	simm.s32 $0x1480;
	[sflag:s28] =	ssyncadd.s32 $0xFFFFC000  }
0xf4: {  	[spmem:s1] =	stream.indirect.scatter.add.f32 [tilespmem:s26], [sflag:$0x4], $0x80, s20, s22, $0xb8;
	[tilespmem:$0x1E978] =	vst v63  }
0xf5: {  	_ =	swait.ge [sflag:s29], $0x4000  }
0xf6: {  	[sflag:s29] =	ssyncset.done $0x0  }
0xf7: {  	s6 =	simm.s32 $0x100;
	[sflag:s29] =	ssyncadd.s32 $0xFFFFC000  }
0xf8: {  	[tilespmem:s18], [sflag:$0x1] =	stream.indirect.gather [hbm4b:s3+s22], $0x80, s6, s22, $0xb8;
	[tilespmem:$0x1E978] =	vst v63  }
0xf9: {  	_ =	swait.ge [sflag:s23], $0x4000  }
0xfa: {  	[sflag:s23] =	ssyncset.done $0x0  }
0xfb: {  	s20 =	simm.s32 $0x1500;
	[sflag:s23] =	ssyncadd.s32 $0xFFFFC000  }
0xfc: {  	[spmem:s1] =	stream.indirect.scatter.add.f32 [tilespmem:s18], [sflag:$0x3], $0x80, s20, s22, $0xb8;
	[tilespmem:$0x1E978] =	vst v63  }
0xfd: {  	_ =	swait.ge [sflag:s30], $0x4000  }
0xfe: {  	[sflag:s30] =	ssyncset.done $0x0  }
0xff: {  	s4 =	simm.s32 $0xFFFFB800;
	s6 =	simm.s32 $0x180;
	[sflag:s30] =	ssyncadd.s32 $0xFFFFC000  }
.LBB2_18:
0x100: {  	[tilespmem:s26], [sflag:$0x2] =	stream.indirect.gather [hbm4b:s3+s22], $0x80, s6, s22, $0xb8;
	[tilespmem:$0x1E978] =	vst v63  }
0x101: {  	s6 =	smov.u32 s4  }
0x102: {  	p1 =	sne.s32 s4, $0xFFFFFC00;
	s4 =	sadd.s32 $0x400, s4;
	_ =	swait.ge [sflag:s28], $0x4000  }
0x103: {  	s6 =	sshra.s32 s6, $0x2;
	[sflag:s28] =	ssyncset.done $0x0  }
0x104: {  	s20 =	sadd.s32 $0x2780, s6;
	[sflag:s28] =	ssyncadd.s32 $0xFFFFC000  }
0x105: {  	[spmem:s1] =	stream.indirect.scatter.add.f32 [tilespmem:s26], [sflag:$0x4], $0x80, s20, s22, $0xb8;
	[tilespmem:$0x1E978] =	vst v63  }
0x106: {  	_ =	swait.ge [sflag:s29], $0x4000  }
0x107: {  	[sflag:s29] =	ssyncset.done $0x0  }
0x108: {  	s20 =	sadd.s32 $0x1400, s6;
	[sflag:s29] =	ssyncadd.s32 $0xFFFFC000  }
0x109: {  	[tilespmem:s18], [sflag:$0x1] =	stream.indirect.gather [hbm4b:s3+s22], $0x80, s20, s22, $0xb8;
	[tilespmem:$0x1E978] =	vst v63  }
0x10a: {  	_ =	swait.ge [sflag:s23], $0x4000  }
0x10b: {  	[sflag:s23] =	ssyncset.done $0x0  }
.Ltmp8:
0x10c: {  	s20 =	sadd.s32 $0x2800, s6;
	[sflag:s23] =	ssyncadd.s32 $0xFFFFC000;
	(pc) =	sbr.rel @p1 .LBB2_18-.Ltmp8, $4  }
0x10d: {  	[spmem:s1] =	stream.indirect.scatter.add.f32 [tilespmem:s18], [sflag:$0x3], $0x80, s20, s22, $0xb8;
	[tilespmem:$0x1E978] =	vst v63  }
0x10e: {  	_ =	swait.ge [sflag:s30], $0x4000  }
0x10f: {  	[sflag:s30] =	ssyncset.done $0x0  }
0x110: {  	s6 =	sadd.s32 $0x1480, s6;
	[sflag:s30] =	ssyncadd.s32 $0xFFFFC000  }
0x111: {  	[tilespmem:s26], [sflag:$0x2] =	stream.indirect.gather [hbm4b:s3+s22], $0x80, s6, s22, $0xb8;
	[tilespmem:$0x1E978] =	vst v63  }
0x112: {  	_ =	swait.ge [sflag:s28], $0x4000  }
0x113: {  	[sflag:s28] =	ssyncset.done $0x0  }
0x114: {  	[sflag:s28] =	ssyncadd.s32 $0xFFFFC000  }
0x115: {  	[spmem:s1] =	stream.indirect.scatter.add.f32 [tilespmem:s26], [sflag:$0x4], $0x80, s31, s22, $0xb8;
	[tilespmem:$0x1E978] =	vst v63  }
0x116: {  	_ =	swait.ge [sflag:s29], $0x4000  }
0x117: {  	[sflag:s29] =	ssyncset.done $0x0  }
0x118: {  	[sflag:s29] =	ssyncadd.s32 $0xFFFFC000  }
0x119: {  	_ =	swait.ge [sflag:s30], $0x4000  }
0x11a: {  	[sflag:s30] =	ssyncset.done $0x0  }
0x11b: {  	[sflag:s30] =	ssyncadd.s32 $0xFFFFC000  }
0x11c: {  	[tilespmem:s2], [sflag:$0x5] =	stream.linear.gather [hbm4b:s10+s2], $0x1400, $0x38;
	[tilespmem:$0x1E978] =	vst v63  }
0x11d: {  	_ =	swait.ge [sflag:s19], $0x1400  }
0x11e: {  	[sflag:s19] =	ssyncset.done $0x0  }
0x11f: {  	[sflag:s19] =	ssyncadd.s32 $0xFFFFEC00  }
0x120: {  	[tilespmem:s21], [sflag:$0x5] =	stream.linear.gather [hbm4b:s11+s2], $0x1400, $0x38;
	[tilespmem:$0x1E978] =	vst v63  }
0x121: {  	_ =	swait.ge [sflag:s19], $0x1400  }
0x122: {  	[sflag:s19] =	ssyncset.done $0x0  }
0x123: {  	[sflag:s19] =	ssyncadd.s32 $0xFFFFEC00  }
0x124: {  	[tilespmem:s18], [sflag:$0x1] =	stream.indirect.gather [hbm4b:s3+s22], $0x80, s2, s22, $0xb8;
	[tilespmem:$0x1E978] =	vst v63  }
0x125: {  	_ =	swait.ge [sflag:s23], $0x4000  }
0x126: {  	[sflag:s23] =	ssyncset.done $0x0  }
0x127: {  	[sflag:s23] =	ssyncadd.s32 $0xFFFFC000  }
0x128: {  	[spmem:s1] =	stream.indirect.scatter.add.f32 [tilespmem:s18], [sflag:$0x3], $0x80, s21, s22, $0xb8;
	[tilespmem:$0x1E978] =	vst v63  }
0x129: {  	_ = 	snop  }
0x12a: {  	[tilespmem:s26], [sflag:$0x2] =	stream.indirect.gather [hbm4b:s3+s22], $0x80, s22, s22, $0xb8;
	[tilespmem:$0x1E978] =	vst v63  }
0x12b: {  	_ =	swait.ge [sflag:s28], $0x4000  }
0x12c: {  	[sflag:s28] =	ssyncset.done $0x0  }
0x12d: {  	s4 =	simm.s32 $0x1480;
	[sflag:s28] =	ssyncadd.s32 $0xFFFFC000  }
0x12e: {  	[spmem:s1] =	stream.indirect.scatter.add.f32 [tilespmem:s26], [sflag:$0x4], $0x80, s4, s22, $0xb8;
	[tilespmem:$0x1E978] =	vst v63  }
0x12f: {  	_ =	swait.ge [sflag:s29], $0x4000  }
0x130: {  	[sflag:s29] =	ssyncset.done $0x0  }
0x131: {  	s6 =	simm.s32 $0x100;
	[sflag:s29] =	ssyncadd.s32 $0xFFFFC000  }
0x132: {  	[tilespmem:s18], [sflag:$0x1] =	stream.indirect.gather [hbm4b:s3+s22], $0x80, s6, s22, $0xb8;
	[tilespmem:$0x1E978] =	vst v63  }
0x133: {  	_ =	swait.ge [sflag:s23], $0x4000  }
0x134: {  	[sflag:s23] =	ssyncset.done $0x0  }
0x135: {  	s20 =	simm.s32 $0x1500;
	[sflag:s23] =	ssyncadd.s32 $0xFFFFC000  }
0x136: {  	[spmem:s1] =	stream.indirect.scatter.add.f32 [tilespmem:s18], [sflag:$0x3], $0x80, s20, s22, $0xb8;
	[tilespmem:$0x1E978] =	vst v63  }
0x137: {  	_ =	swait.ge [sflag:s30], $0x4000  }
0x138: {  	[sflag:s30] =	ssyncset.done $0x0  }
0x139: {  	s4 =	simm.s32 $0xFFFFB800;
	s6 =	simm.s32 $0x180;
	[sflag:s30] =	ssyncadd.s32 $0xFFFFC000  }
.LBB2_20:
0x13a: {  	[tilespmem:s26], [sflag:$0x2] =	stream.indirect.gather [hbm4b:s3+s22], $0x80, s6, s22, $0xb8;
	[tilespmem:$0x1E978] =	vst v63  }
0x13b: {  	s6 =	smov.u32 s4  }
0x13c: {  	p1 =	sne.s32 s4, $0xFFFFFC00;
	s4 =	sadd.s32 $0x400, s4;
	_ =	swait.ge [sflag:s28], $0x4000  }
0x13d: {  	s6 =	sshra.s32 s6, $0x2;
	[sflag:s28] =	ssyncset.done $0x0  }
0x13e: {  	s20 =	sadd.s32 $0x2780, s6;
	[sflag:s28] =	ssyncadd.s32 $0xFFFFC000  }
0x13f: {  	[spmem:s1] =	stream.indirect.scatter.add.f32 [tilespmem:s26], [sflag:$0x4], $0x80, s20, s22, $0xb8;
	[tilespmem:$0x1E978] =	vst v63  }
0x140: {  	_ =	swait.ge [sflag:s29], $0x4000  }
0x141: {  	[sflag:s29] =	ssyncset.done $0x0  }
0x142: {  	s20 =	sadd.s32 $0x1400, s6;
	[sflag:s29] =	ssyncadd.s32 $0xFFFFC000  }
0x143: {  	[tilespmem:s18], [sflag:$0x1] =	stream.indirect.gather [hbm4b:s3+s22], $0x80, s20, s22, $0xb8;
	[tilespmem:$0x1E978] =	vst v63  }
0x144: {  	_ =	swait.ge [sflag:s23], $0x4000  }
0x145: {  	[sflag:s23] =	ssyncset.done $0x0  }
.Ltmp9:
0x146: {  	s20 =	sadd.s32 $0x2800, s6;
	[sflag:s23] =	ssyncadd.s32 $0xFFFFC000;
	(pc) =	sbr.rel @p1 .LBB2_20-.Ltmp9, $4  }
0x147: {  	[spmem:s1] =	stream.indirect.scatter.add.f32 [tilespmem:s18], [sflag:$0x3], $0x80, s20, s22, $0xb8;
	[tilespmem:$0x1E978] =	vst v63  }
0x148: {  	_ =	swait.ge [sflag:s30], $0x4000  }
0x149: {  	[sflag:s30] =	ssyncset.done $0x0  }
0x14a: {  	s6 =	sadd.s32 $0x1480, s6;
	[sflag:s30] =	ssyncadd.s32 $0xFFFFC000  }
0x14b: {  	[tilespmem:s26], [sflag:$0x2] =	stream.indirect.gather [hbm4b:s3+s22], $0x80, s6, s22, $0xb8;
	[tilespmem:$0x1E978] =	vst v63  }
0x14c: {  	_ =	swait.ge [sflag:s28], $0x4000  }
0x14d: {  	[sflag:s28] =	ssyncset.done $0x0  }
0x14e: {  	[sflag:s28] =	ssyncadd.s32 $0xFFFFC000  }
0x14f: {  	[spmem:s1] =	stream.indirect.scatter.add.f32 [tilespmem:s26], [sflag:$0x4], $0x80, s31, s22, $0xb8;
	[tilespmem:$0x1E978] =	vst v63  }
0x150: {  	_ =	swait.ge [sflag:s29], $0x4000  }
0x151: {  	[sflag:s29] =	ssyncset.done $0x0  }
0x152: {  	[sflag:s29] =	ssyncadd.s32 $0xFFFFC000  }
0x153: {  	_ =	swait.ge [sflag:s30], $0x4000  }
0x154: {  	s4 =	stileid.u32;
	[sflag:s30] =	ssyncset.done $0x0  }
0x155: {  	s4 =	sshll.u32 s4, $0x6;
	[sflag:s30] =	ssyncadd.s32 $0xFFFFC000  }
0x156: {  	s4 =	sor.u32 $0x1C05, s4;
	[bflag:$0x0] =	sbarrier.arrive $0xFFFF  }
0x157: {  	[hbm:s12], [sflag:s4] =	dma.local [spmem:s24], $0x2700  }
0x158: {  	_ =	swait.ge [sflag:s19], $0x2700  }
0x159: {  	s0 =	sadd.s32 $0x1, s0;
	[sflag:s19] =	ssyncset.done $0x0  }
0x15a: {  	p1 =	sne.s32 s0, s14;
	[sflag:s19] =	ssyncadd.s32 $0xFFFFD900  }
0x15b: {  	[hbm:s13], [sflag:s4] =	dma.local @!p0 [spmem:s25], $0x100  }
.Ltmp10:
0x15c: {  	_ = 	snop;
	(pc) =	sbr.rel @p1 .LBB2_1-.Ltmp10, $4  }
0x15d: {  	s4 =	simm.s32 @!p0 $0x5  }
0x15e: {  	_ =	swait.ge @!p0 [sflag:s4], $0x100  }
0x15f: {  	[sflag:s4] =	ssyncset.done @!p0 $0x0  }
0x160: {  	[sflag:s4] =	ssyncadd.s32 @!p0 $0xFFFFFF00  }
0x161: {  	_ =	sfence.sel $0x180000  }
0x162: {  	[bflag:$0x0] =	sbarrier.arrive $0xFFFF  }
0x163: {  	_ =	strace $0x9000004A  }
0x164: {  	s0 =	stileid.u32;
	[bflag:$0x2] =	sbarrier.arrive $0xFFFF  }
0x165: {  	p0 =	sne.s32 s0, $0x0;
	s0 =	rddreg [dreg:$0x3]  }
0x166: {  	s0 =	sadd.s32 @!p0 $0x100000, s0  }
0x167: {  	[sflag:s0] =	ssyncadd.tile.s32 @!p0 $0x1;
	_ =	shalt  }
.Lfunc_end2:
_tile_overlayer_lowered:
.L_overlay_start_2:
0x168: {  	(tag) =	ssettag $0x2  }
0x169: {  	s0 =	rddreg [dreg:$0x0];
	s2 =	stileid.u32  }
0x16a: {  	s1 =	rddreg [dreg:$0x1];
	p0 =	sne.s32 s2, $0x0  }
0x16b: {  	s3 =	rddreg [dreg:$0x2];
	[bflag:$0x3] =	sbarrier.arrive $0xFFFF;
	s2 =	simm.s32 @!p0 $0x1C05  }
0x16c: {  	[timem:s3], [sflag:s2] =	dma.local @!p0 [hbm:s0], s1  }
0x16d: {  	s0 =	simm.s32 @!p0 $0x5  }
0x16e: {  	_ =	swait.ge @!p0 [sflag:s0], s1  }
0x16f: {  	s1 =	ssub.s32 @!p0 $0x0, s1;
	[sflag:s0] =	ssyncset.done @!p0 $0x0  }
0x170: {  	[sflag:s0] =	ssyncadd.s32 @!p0 s1  }
0x171: {  	[bflag:$0x3] =	sbarrier.arrive $0xFFFF  }
0x172: {  	_ =	shalt  }

</sc_bundles>
